<compile_context>
chip_gen: v7x
topology: tpu7x:2x2x1
jax: 0.10.2.dev20260603
libtpu: 0.0.44.dev20260713+nightly
codegen_flags: <defaults>
</compile_context>

<pallas_src>
import functools
import jax
import jax.numpy as jnp
from jax import lax
from jax.experimental import pallas as pl
from jax.experimental.pallas import tpu as pltpu
from jax.experimental.pallas import tpu_sc as plsc

_G = 64
_NG = 26
_W = _G * _NG
_B = 16384
_NC, _NS = 2, 16
_NW = _NC * _NS
_RPW = _B // _NW
_CH = 32
_NCHUNK = _RPW // _CH
_L = 16

_mesh = plsc.VectorSubcoreMesh(core_axis_name="c", subcore_axis_name="s")


@functools.partial(
    pl.kernel,
    out_type=jax.ShapeDtypeStruct((_B, _W), jnp.float32),
    mesh=_mesh,
    scratch_types=[
        pltpu.VMEM((2, _CH, _W), jnp.float32),
        pltpu.SemaphoreType.DMA,
        pltpu.SemaphoreType.DMA,
        pltpu.SemaphoreType.DMA,
        pltpu.SemaphoreType.DMA,
    ],
    compiler_params=pltpu.CompilerParams(use_tc_tiling_on_sc=True),
)
def _sc_permute(in_hbm, out_hbm, buf, sem_in0, sem_in1, sem_out0, sem_out1):
    wid = lax.axis_index("s") * _NC + lax.axis_index("c")
    row0 = wid * _RPW
    sem_in = (sem_in0, sem_in1)
    sem_out = (sem_out0, sem_out1)

    def in_copy(c, b):
        r = row0 + c * _CH
        return pltpu.make_async_copy(in_hbm.at[pl.ds(r, _CH)], buf.at[b], sem_in[b])

    def out_copy(c, b):
        r = row0 + c * _CH
        return pltpu.make_async_copy(buf.at[b], out_hbm.at[pl.ds(r, _CH)], sem_out[b])

    def permute(b):
        @pl.loop(0, _CH)
        def _row(r):
            for g in range(_NG // 2):
                o1 = _G * g
                o2 = _G * (_NG - 1 - g)
                for i in range(_G // _L):
                    s1 = pl.ds(o1 + _L * i, _L)
                    s2 = pl.ds(o2 + _L * i, _L)
                    a = buf[b, r, s1]
                    z = buf[b, r, s2]
                    buf[b, r, s2] = a
                    buf[b, r, s1] = z

    in_copy(0, 0).start()
    in_copy(1, 1).start()

    @pl.loop(0, _NCHUNK, step=2)
    def _pair(k):
        for b in range(2):
            c = k + b
            in_copy(c, b).wait()
            permute(b)
            out_copy(c, b).start()

        @pl.when(k + 2 < _NCHUNK)
        def _():
            for b in range(2):
                out_copy(k + b, b).wait()
                in_copy(k + 2 + b, b).start()

    out_copy(_NCHUNK - 2, 0).wait()
    out_copy(_NCHUNK - 1, 1).wait()


def kernel(pooled_embs):
    return _sc_permute(pooled_embs)

# --- scband reference (transcript-rebuilt; emitter-appended) ---
"""Pipeline reference for scband-permute-pooled-embeddings-split-9775345565962 (READ-ONLY COPY).

The authoritative reference and input builder live on the scoring server;
editing this copy changes nothing except your own understanding.
"""

import jax, jax.numpy as jnp
import numpy as np

EMBS_DIMS = [64] * 26
PERMUTE = [25, 24, 23, 22, 21, 20, 19, 18, 17, 16, 15, 14, 13, 12, 11, 10, 9, 8, 7, 6, 5, 4, 3, 2, 1, 0]
BATCH = 16384

_OFFSETS = np.concatenate([[0], np.cumsum(EMBS_DIMS)]).astype(np.int64)


def setup_inputs(seed: int = 0) -> dict:
    key = jax.random.key(seed)
    pooled_embs = jax.random.normal(key, (BATCH, int(_OFFSETS[-1])), dtype=jnp.float32)
    return {"pooled_embs": pooled_embs}


def reference(pooled_embs):
    # permute_pooled_embs: reorder column groups (one group per embedding table)
    # output group j = input group PERMUTE[j]
    parts = [pooled_embs[:, int(_OFFSETS[p]):int(_OFFSETS[p + 1])] for p in PERMUTE]
    return jnp.concatenate(parts, axis=1)

if __name__ == "__main__":
    import jax
    _d = setup_inputs()
    print(jax.jit(kernel)(*tuple(_d.values())))

</pallas_src>

<mosaic_0001>
#map = affine_map<(d0, d1) -> (0, 0)>
module attributes {stable_mosaic.version = 14 : i64} {
  func.func @_sc_permute(%arg0: i32, %arg1: i32, %arg2: memref<16384x1664xf32, #tpu.memory_space<hbm>>, %arg3: memref<16384x1664xf32, #tpu.memory_space<hbm>>, %arg4: memref<2x32x1664xf32, #tpu.memory_space<vmem>>, %arg5: memref<!tpu.dma_semaphore, #tpu.memory_space<semaphore_mem>>, %arg6: memref<!tpu.dma_semaphore, #tpu.memory_space<semaphore_mem>>, %arg7: memref<!tpu.dma_semaphore, #tpu.memory_space<semaphore_mem>>, %arg8: memref<!tpu.dma_semaphore, #tpu.memory_space<semaphore_mem>>) attributes {dimension_semantics = [#tpu.dimension_semantics<core_parallel>, #tpu.dimension_semantics<subcore_parallel>], iteration_bounds = array<i64: 2, 16>, scalar_prefetch = 0 : i64, scratch_operands = 5 : i64, tpu.core_type = #tpu.core_type<sc_vector_subcore>, window_params = [{transform_indices = #map}, {transform_indices = #map}]} {
    %mul3A = arith.constant 2 : i32
    %mul3A_0 = arith.muli %arg1, %mul3A : i32
    %add3A = arith.addi %mul3A_0, %arg0 : i32
    %mul3A_1 = arith.constant 512 : i32
    %mul3A_2 = arith.muli %add3A, %mul3A_1 : i32
    %add3A_3 = arith.constant 0 : i32
    %add3A_4 = arith.addi %mul3A_2, %add3A_3 : i32
    %dma_start3A = arith.constant 0 : i32
    %dma_start3A_5 = arith.constant 0 : i32
    %dma_start3A_6 = arith.constant 0 : i32
    %dma_start3A_7 = tpu.memref_slice %arg4[%dma_start3A, %dma_start3A_5, %dma_start3A_6] : memref<2x32x1664xf32, #tpu.memory_space<vmem>> -> memref<1x32x1664xf32, #tpu.memory_space<vmem>>
    %dma_start3A_8 = tpu.memref_squeeze %dma_start3A_7 : memref<1x32x1664xf32, #tpu.memory_space<vmem>> -> memref<32x1664xf32, #tpu.memory_space<vmem>>
    %dma_start3A_9 = arith.constant 0 : i32
    %dma_start3A_10 = tpu.memref_slice %arg2[%add3A_4, %dma_start3A_9] : memref<16384x1664xf32, #tpu.memory_space<hbm>> -> memref<32x1664xf32, #tpu.memory_space<hbm>>
    %dma_start3A_11 = arith.constant 0 : i32
    %dma_start3A_12 = arith.constant 0 : i32
    %dma_start3A_13 = tpu.memref_slice %arg4[%dma_start3A, %dma_start3A_11, %dma_start3A_12] : memref<2x32x1664xf32, #tpu.memory_space<vmem>> -> memref<1x32x1664xf32, #tpu.memory_space<vmem>>
    %dma_start3A_14 = tpu.memref_squeeze %dma_start3A_13 : memref<1x32x1664xf32, #tpu.memory_space<vmem>> -> memref<32x1664xf32, #tpu.memory_space<vmem>>
    %dma_start3A_15 = arith.constant 0 : i32
    %dma_start3A_16 = tpu.memref_slice %arg2[%add3A_4, %dma_start3A_15] : memref<16384x1664xf32, #tpu.memory_space<hbm>> -> memref<32x1664xf32, #tpu.memory_space<hbm>>
    tpu.enqueue_dma source(%dma_start3A_16 : memref<32x1664xf32, #tpu.memory_space<hbm>>) target(%dma_start3A_14 : memref<32x1664xf32, #tpu.memory_space<vmem>>) target_semaphore(%arg5 : memref<!tpu.dma_semaphore, #tpu.memory_space<semaphore_mem>>)
    %add3A_17 = arith.constant 32 : i32
    %add3A_18 = arith.addi %mul3A_2, %add3A_17 : i32
    %dma_start3A_19 = arith.constant 1 : i32
    %dma_start3A_20 = arith.constant 0 : i32
    %dma_start3A_21 = arith.constant 0 : i32
    %dma_start3A_22 = tpu.memref_slice %arg4[%dma_start3A_19, %dma_start3A_20, %dma_start3A_21] : memref<2x32x1664xf32, #tpu.memory_space<vmem>> -> memref<1x32x1664xf32, #tpu.memory_space<vmem>>
    %dma_start3A_23 = tpu.memref_squeeze %dma_start3A_22 : memref<1x32x1664xf32, #tpu.memory_space<vmem>> -> memref<32x1664xf32, #tpu.memory_space<vmem>>
    %dma_start3A_24 = arith.constant 0 : i32
    %dma_start3A_25 = tpu.memref_slice %arg2[%add3A_18, %dma_start3A_24] : memref<16384x1664xf32, #tpu.memory_space<hbm>> -> memref<32x1664xf32, #tpu.memory_space<hbm>>
    %dma_start3A_26 = arith.constant 0 : i32
    %dma_start3A_27 = arith.constant 0 : i32
    %dma_start3A_28 = tpu.memref_slice %arg4[%dma_start3A_19, %dma_start3A_26, %dma_start3A_27] : memref<2x32x1664xf32, #tpu.memory_space<vmem>> -> memref<1x32x1664xf32, #tpu.memory_space<vmem>>
    %dma_start3A_29 = tpu.memref_squeeze %dma_start3A_28 : memref<1x32x1664xf32, #tpu.memory_space<vmem>> -> memref<32x1664xf32, #tpu.memory_space<vmem>>
    %dma_start3A_30 = arith.constant 0 : i32
    %dma_start3A_31 = tpu.memref_slice %arg2[%add3A_18, %dma_start3A_30] : memref<16384x1664xf32, #tpu.memory_space<hbm>> -> memref<32x1664xf32, #tpu.memory_space<hbm>>
    tpu.enqueue_dma source(%dma_start3A_31 : memref<32x1664xf32, #tpu.memory_space<hbm>>) target(%dma_start3A_29 : memref<32x1664xf32, #tpu.memory_space<vmem>>) target_semaphore(%arg6 : memref<!tpu.dma_semaphore, #tpu.memory_space<semaphore_mem>>)
    %scan3A = arith.constant 0 : i32
    %scan3A_32 = arith.constant 8 : i32
    %scan3A_33 = arith.addi %scan3A, %scan3A_32 : i32
    %scan3A_34 = arith.constant 1 : i32
    scf.for %scan3A_65 = %scan3A to %scan3A_33 step %scan3A_34  : i32 {
      %mul3A_66 = arith.constant 2 : i32
      %mul3A_67 = arith.muli %scan3A_65, %mul3A_66 : i32
      %add3A_68 = arith.constant 0 : i32
      %add3A_69 = arith.addi %add3A_68, %mul3A_67 : i32
      %add3A_70 = arith.constant 0 : i32
      %add3A_71 = arith.addi %add3A_69, %add3A_70 : i32
      %mul3A_72 = arith.constant 32 : i32
      %mul3A_73 = arith.muli %add3A_71, %mul3A_72 : i32
      %add3A_74 = arith.addi %mul3A_2, %mul3A_73 : i32
      %dma_wait3A_75 = arith.constant 0 : i32
      %dma_wait3A_76 = arith.constant 0 : i32
      %dma_wait3A_77 = arith.constant 0 : i32
      %dma_wait3A_78 = tpu.memref_slice %arg4[%dma_wait3A_75, %dma_wait3A_76, %dma_wait3A_77] : memref<2x32x1664xf32, #tpu.memory_space<vmem>> -> memref<1x32x1664xf32, #tpu.memory_space<vmem>>
      %dma_wait3A_79 = tpu.memref_squeeze %dma_wait3A_78 : memref<1x32x1664xf32, #tpu.memory_space<vmem>> -> memref<32x1664xf32, #tpu.memory_space<vmem>>
      %dma_wait3A_80 = arith.constant 0 : i32
      %dma_wait3A_81 = tpu.memref_slice %arg2[%add3A_74, %dma_wait3A_80] : memref<16384x1664xf32, #tpu.memory_space<hbm>> -> memref<32x1664xf32, #tpu.memory_space<hbm>>
      %dma_wait3A_82 = arith.constant 0 : i32
      %dma_wait3A_83 = arith.constant 0 : i32
      %dma_wait3A_84 = tpu.memref_slice %arg4[%dma_wait3A_75, %dma_wait3A_82, %dma_wait3A_83] : memref<2x32x1664xf32, #tpu.memory_space<vmem>> -> memref<1x32x1664xf32, #tpu.memory_space<vmem>>
      %dma_wait3A_85 = tpu.memref_squeeze %dma_wait3A_84 : memref<1x32x1664xf32, #tpu.memory_space<vmem>> -> memref<32x1664xf32, #tpu.memory_space<vmem>>
      %dma_wait3A_86 = arith.constant 0 : i32
      %dma_wait3A_87 = tpu.memref_slice %arg2[%add3A_74, %dma_wait3A_86] : memref<16384x1664xf32, #tpu.memory_space<hbm>> -> memref<32x1664xf32, #tpu.memory_space<hbm>>
      tpu.wait_dma2 semaphore(%arg5 : memref<!tpu.dma_semaphore, #tpu.memory_space<semaphore_mem>>) src(%dma_wait3A_87 : memref<32x1664xf32, #tpu.memory_space<hbm>>) dst(%dma_wait3A_85 : memref<32x1664xf32, #tpu.memory_space<vmem>>)
      %scan3A_88 = arith.constant 0 : i32
      %scan3A_89 = arith.constant 32 : i32
      %scan3A_90 = arith.addi %scan3A_88, %scan3A_89 : i32
      %scan3A_91 = arith.constant 1 : i32
      scf.for %scan3A_152 = %scan3A_88 to %scan3A_90 step %scan3A_91  : i32 {
        %mul3A_153 = arith.constant 1 : i32
        %mul3A_154 = arith.muli %scan3A_152, %mul3A_153 : i32
        %add3A_155 = arith.constant 0 : i32
        %add3A_156 = arith.addi %add3A_155, %mul3A_154 : i32
        %get3A = arith.constant 0 : i32
        %get3A_157 = arith.index_cast %get3A : i32 to index
        %get3A_158 = arith.index_cast %add3A_156 : i32 to index
        %get3A_159 = arith.constant 0 : index
        %get3A_160 = tpu.vector_load %arg4[%get3A_157, %get3A_158, %get3A_159] {strides = array<i32>} : memref<2x32x1664xf32, #tpu.memory_space<vmem>>, vector<1x1x16xf32>,
        %get3A_161 = vector.shape_cast %get3A_160 : vector<1x1x16xf32> to vector<16xf32>
        %get3A_162 = arith.constant 0 : i32
        %get3A_163 = arith.index_cast %get3A_162 : i32 to index
        %get3A_164 = arith.index_cast %add3A_156 : i32 to index
        %get3A_165 = arith.constant 1600 : index
        %get3A_166 = tpu.vector_load %arg4[%get3A_163, %get3A_164, %get3A_165] {strides = array<i32>} : memref<2x32x1664xf32, #tpu.memory_space<vmem>>, vector<1x1x16xf32>,
        %get3A_167 = vector.shape_cast %get3A_166 : vector<1x1x16xf32> to vector<16xf32>
        %swap3A = arith.constant 0 : i32
        %swap3A_168 = arith.index_cast %swap3A : i32 to index
        %swap3A_169 = arith.index_cast %add3A_156 : i32 to index
        %swap3A_170 = arith.constant 1600 : index
        %swap3A_171 = tpu.vector_load %arg4[%swap3A_168, %swap3A_169, %swap3A_170] {strides = array<i32>} : memref<2x32x1664xf32, #tpu.memory_space<vmem>>, vector<1x1x16xf32>,
        %swap3A_172 = vector.shape_cast %swap3A_171 : vector<1x1x16xf32> to vector<16xf32>
        %swap3A_173 = vector.shape_cast %get3A_161 : vector<16xf32> to vector<1x1x16xf32>
        tpu.vector_store %arg4[%swap3A_168, %swap3A_169, %swap3A_170], %swap3A_173 {strides = array<i32>} : memref<2x32x1664xf32, #tpu.memory_space<vmem>>, vector<1x1x16xf32>,
        %swap3A_174 = arith.constant 0 : i32
        %swap3A_175 = arith.index_cast %swap3A_174 : i32 to index
        %swap3A_176 = arith.index_cast %add3A_156 : i32 to index
        %swap3A_177 = arith.constant 0 : index
        %swap3A_178 = tpu.vector_load %arg4[%swap3A_175, %swap3A_176, %swap3A_177] {strides = array<i32>} : memref<2x32x1664xf32, #tpu.memory_space<vmem>>, vector<1x1x16xf32>,
        %swap3A_179 = vector.shape_cast %swap3A_178 : vector<1x1x16xf32> to vector<16xf32>
        %swap3A_180 = vector.shape_cast %get3A_167 : vector<16xf32> to vector<1x1x16xf32>
        tpu.vector_store %arg4[%swap3A_175, %swap3A_176, %swap3A_177], %swap3A_180 {strides = array<i32>} : memref<2x32x1664xf32, #tpu.memory_space<vmem>>, vector<1x1x16xf32>,
        %get3A_181 = arith.constant 0 : i32
        %get3A_182 = arith.index_cast %get3A_181 : i32 to index
        %get3A_183 = arith.index_cast %add3A_156 : i32 to index
        %get3A_184 = arith.constant 16 : index
        %get3A_185 = tpu.vector_load %arg4[%get3A_182, %get3A_183, %get3A_184] {strides = array<i32>} : memref<2x32x1664xf32, #tpu.memory_space<vmem>>, vector<1x1x16xf32>,
        %get3A_186 = vector.shape_cast %get3A_185 : vector<1x1x16xf32> to vector<16xf32>
        %get3A_187 = arith.constant 0 : i32
        %get3A_188 = arith.index_cast %get3A_187 : i32 to index
        %get3A_189 = arith.index_cast %add3A_156 : i32 to index
        %get3A_190 = arith.constant 1616 : index
        %get3A_191 = tpu.vector_load %arg4[%get3A_188, %get3A_189, %get3A_190] {strides = array<i32>} : memref<2x32x1664xf32, #tpu.memory_space<vmem>>, vector<1x1x16xf32>,
        %get3A_192 = vector.shape_cast %get3A_191 : vector<1x1x16xf32> to vector<16xf32>
        %swap3A_193 = arith.constant 0 : i32
        %swap3A_194 = arith.index_cast %swap3A_193 : i32 to index
        %swap3A_195 = arith.index_cast %add3A_156 : i32 to index
        %swap3A_196 = arith.constant 1616 : index
        %swap3A_197 = tpu.vector_load %arg4[%swap3A_194, %swap3A_195, %swap3A_196] {strides = array<i32>} : memref<2x32x1664xf32, #tpu.memory_space<vmem>>, vector<1x1x16xf32>,
        %swap3A_198 = vector.shape_cast %swap3A_197 : vector<1x1x16xf32> to vector<16xf32>
        %swap3A_199 = vector.shape_cast %get3A_186 : vector<16xf32> to vector<1x1x16xf32>
        tpu.vector_store %arg4[%swap3A_194, %swap3A_195, %swap3A_196], %swap3A_199 {strides = array<i32>} : memref<2x32x1664xf32, #tpu.memory_space<vmem>>, vector<1x1x16xf32>,
        %swap3A_200 = arith.constant 0 : i32
        %swap3A_201 = arith.index_cast %swap3A_200 : i32 to index
        %swap3A_202 = arith.index_cast %add3A_156 : i32 to index
        %swap3A_203 = arith.constant 16 : index
        %swap3A_204 = tpu.vector_load %arg4[%swap3A_201, %swap3A_202, %swap3A_203] {strides = array<i32>} : memref<2x32x1664xf32, #tpu.memory_space<vmem>>, vector<1x1x16xf32>,
        %swap3A_205 = vector.shape_cast %swap3A_204 : vector<1x1x16xf32> to vector<16xf32>
        %swap3A_206 = vector.shape_cast %get3A_192 : vector<16xf32> to vector<1x1x16xf32>
        tpu.vector_store %arg4[%swap3A_201, %swap3A_202, %swap3A_203], %swap3A_206 {strides = array<i32>} : memref<2x32x1664xf32, #tpu.memory_space<vmem>>, vector<1x1x16xf32>,
        %get3A_207 = arith.constant 0 : i32
        %get3A_208 = arith.index_cast %get3A_207 : i32 to index
        %get3A_209 = arith.index_cast %add3A_156 : i32 to index
        %get3A_210 = arith.constant 32 : index
        %get3A_211 = tpu.vector_load %arg4[%get3A_208, %get3A_209, %get3A_210] {strides = array<i32>} : memref<2x32x1664xf32, #tpu.memory_space<vmem>>, vector<1x1x16xf32>,
        %get3A_212 = vector.shape_cast %get3A_211 : vector<1x1x16xf32> to vector<16xf32>
        %get3A_213 = arith.constant 0 : i32
        %get3A_214 = arith.index_cast %get3A_213 : i32 to index
        %get3A_215 = arith.index_cast %add3A_156 : i32 to index
        %get3A_216 = arith.constant 1632 : index
        %get3A_217 = tpu.vector_load %arg4[%get3A_214, %get3A_215, %get3A_216] {strides = array<i32>} : memref<2x32x1664xf32, #tpu.memory_space<vmem>>, vector<1x1x16xf32>,
        %get3A_218 = vector.shape_cast %get3A_217 : vector<1x1x16xf32> to vector<16xf32>
        %swap3A_219 = arith.constant 0 : i32
        %swap3A_220 = arith.index_cast %swap3A_219 : i32 to index
        %swap3A_221 = arith.index_cast %add3A_156 : i32 to index
        %swap3A_222 = arith.constant 1632 : index
        %swap3A_223 = tpu.vector_load %arg4[%swap3A_220, %swap3A_221, %swap3A_222] {strides = array<i32>} : memref<2x32x1664xf32, #tpu.memory_space<vmem>>, vector<1x1x16xf32>,
        %swap3A_224 = vector.shape_cast %swap3A_223 : vector<1x1x16xf32> to vector<16xf32>
        %swap3A_225 = vector.shape_cast %get3A_212 : vector<16xf32> to vector<1x1x16xf32>
        tpu.vector_store %arg4[%swap3A_220, %swap3A_221, %swap3A_222], %swap3A_225 {strides = array<i32>} : memref<2x32x1664xf32, #tpu.memory_space<vmem>>, vector<1x1x16xf32>,
        %swap3A_226 = arith.constant 0 : i32
        %swap3A_227 = arith.index_cast %swap3A_226 : i32 to index
        %swap3A_228 = arith.index_cast %add3A_156 : i32 to index
        %swap3A_229 = arith.constant 32 : index
        %swap3A_230 = tpu.vector_load %arg4[%swap3A_227, %swap3A_228, %swap3A_229] {strides = array<i32>} : memref<2x32x1664xf32, #tpu.memory_space<vmem>>, vector<1x1x16xf32>,
        %swap3A_231 = vector.shape_cast %swap3A_230 : vector<1x1x16xf32> to vector<16xf32>
        %swap3A_232 = vector.shape_cast %get3A_218 : vector<16xf32> to vector<1x1x16xf32>
        tpu.vector_store %arg4[%swap3A_227, %swap3A_228, %swap3A_229], %swap3A_232 {strides = array<i32>} : memref<2x32x1664xf32, #tpu.memory_space<vmem>>, vector<1x1x16xf32>,
        %get3A_233 = arith.constant 0 : i32
        %get3A_234 = arith.index_cast %get3A_233 : i32 to index
        %get3A_235 = arith.index_cast %add3A_156 : i32 to index
        %get3A_236 = arith.constant 48 : index
        %get3A_237 = tpu.vector_load %arg4[%get3A_234, %get3A_235, %get3A_236] {strides = array<i32>} : memref<2x32x1664xf32, #tpu.memory_space<vmem>>, vector<1x1x16xf32>,
        %get3A_238 = vector.shape_cast %get3A_237 : vector<1x1x16xf32> to vector<16xf32>
        %get3A_239 = arith.constant 0 : i32
        %get3A_240 = arith.index_cast %get3A_239 : i32 to index
        %get3A_241 = arith.index_cast %add3A_156 : i32 to index
        %get3A_242 = arith.constant 1648 : index
        %get3A_243 = tpu.vector_load %arg4[%get3A_240, %get3A_241, %get3A_242] {strides = array<i32>} : memref<2x32x1664xf32, #tpu.memory_space<vmem>>, vector<1x1x16xf32>,
        %get3A_244 = vector.shape_cast %get3A_243 : vector<1x1x16xf32> to vector<16xf32>
        %swap3A_245 = arith.constant 0 : i32
        %swap3A_246 = arith.index_cast %swap3A_245 : i32 to index
        %swap3A_247 = arith.index_cast %add3A_156 : i32 to index
        %swap3A_248 = arith.constant 1648 : index
        %swap3A_249 = tpu.vector_load %arg4[%swap3A_246, %swap3A_247, %swap3A_248] {strides = array<i32>} : memref<2x32x1664xf32, #tpu.memory_space<vmem>>, vector<1x1x16xf32>,
        %swap3A_250 = vector.shape_cast %swap3A_249 : vector<1x1x16xf32> to vector<16xf32>
        %swap3A_251 = vector.shape_cast %get3A_238 : vector<16xf32> to vector<1x1x16xf32>
        tpu.vector_store %arg4[%swap3A_246, %swap3A_247, %swap3A_248], %swap3A_251 {strides = array<i32>} : memref<2x32x1664xf32, #tpu.memory_space<vmem>>, vector<1x1x16xf32>,
        %swap3A_252 = arith.constant 0 : i32
        %swap3A_253 = arith.index_cast %swap3A_252 : i32 to index
        %swap3A_254 = arith.index_cast %add3A_156 : i32 to index
        %swap3A_255 = arith.constant 48 : index
        %swap3A_256 = tpu.vector_load %arg4[%swap3A_253, %swap3A_254, %swap3A_255] {strides = array<i32>} : memref<2x32x1664xf32, #tpu.memory_space<vmem>>, vector<1x1x16xf32>,
        %swap3A_257 = vector.shape_cast %swap3A_256 : vector<1x1x16xf32> to vector<16xf32>
        %swap3A_258 = vector.shape_cast %get3A_244 : vector<16xf32> to vector<1x1x16xf32>
        tpu.vector_store %arg4[%swap3A_253, %swap3A_254, %swap3A_255], %swap3A_258 {strides = array<i32>} : memref<2x32x1664xf32, #tpu.memory_space<vmem>>, vector<1x1x16xf32>,
        %get3A_259 = arith.constant 0 : i32
        %get3A_260 = arith.index_cast %get3A_259 : i32 to index
        %get3A_261 = arith.index_cast %add3A_156 : i32 to index
        %get3A_262 = arith.constant 64 : index
        %get3A_263 = tpu.vector_load %arg4[%get3A_260, %get3A_261, %get3A_262] {strides = array<i32>} : memref<2x32x1664xf32, #tpu.memory_space<vmem>>, vector<1x1x16xf32>,
        %get3A_264 = vector.shape_cast %get3A_263 : vector<1x1x16xf32> to vector<16xf32>
        %get3A_265 = arith.constant 0 : i32
        %get3A_266 = arith.index_cast %get3A_265 : i32 to index
        %get3A_267 = arith.index_cast %add3A_156 : i32 to index
        %get3A_268 = arith.constant 1536 : index
        %get3A_269 = tpu.vector_load %arg4[%get3A_266, %get3A_267, %get3A_268] {strides = array<i32>} : memref<2x32x1664xf32, #tpu.memory_space<vmem>>, vector<1x1x16xf32>,
        %get3A_270 = vector.shape_cast %get3A_269 : vector<1x1x16xf32> to vector<16xf32>
        %swap3A_271 = arith.constant 0 : i32
        %swap3A_272 = arith.index_cast %swap3A_271 : i32 to index
        %swap3A_273 = arith.index_cast %add3A_156 : i32 to index
        %swap3A_274 = arith.constant 1536 : index
        %swap3A_275 = tpu.vector_load %arg4[%swap3A_272, %swap3A_273, %swap3A_274] {strides = array<i32>} : memref<2x32x1664xf32, #tpu.memory_space<vmem>>, vector<1x1x16xf32>,
        %swap3A_276 = vector.shape_cast %swap3A_275 : vector<1x1x16xf32> to vector<16xf32>
        %swap3A_277 = vector.shape_cast %get3A_264 : vector<16xf32> to vector<1x1x16xf32>
        tpu.vector_store %arg4[%swap3A_272, %swap3A_273, %swap3A_274], %swap3A_277 {strides = array<i32>} : memref<2x32x1664xf32, #tpu.memory_space<vmem>>, vector<1x1x16xf32>,
        %swap3A_278 = arith.constant 0 : i32
        %swap3A_279 = arith.index_cast %swap3A_278 : i32 to index
        %swap3A_280 = arith.index_cast %add3A_156 : i32 to index
        %swap3A_281 = arith.constant 64 : index
        %swap3A_282 = tpu.vector_load %arg4[%swap3A_279, %swap3A_280, %swap3A_281] {strides = array<i32>} : memref<2x32x1664xf32, #tpu.memory_space<vmem>>, vector<1x1x16xf32>,
        %swap3A_283 = vector.shape_cast %swap3A_282 : vector<1x1x16xf32> to vector<16xf32>
        %swap3A_284 = vector.shape_cast %get3A_270 : vector<16xf32> to vector<1x1x16xf32>
        tpu.vector_store %arg4[%swap3A_279, %swap3A_280, %swap3A_281], %swap3A_284 {strides = array<i32>} : memref<2x32x1664xf32, #tpu.memory_space<vmem>>, vector<1x1x16xf32>,
        %get3A_285 = arith.constant 0 : i32
        %get3A_286 = arith.index_cast %get3A_285 : i32 to index
        %get3A_287 = arith.index_cast %add3A_156 : i32 to index
        %get3A_288 = arith.constant 80 : index
        %get3A_289 = tpu.vector_load %arg4[%get3A_286, %get3A_287, %get3A_288] {strides = array<i32>} : memref<2x32x1664xf32, #tpu.memory_space<vmem>>, vector<1x1x16xf32>,
        %get3A_290 = vector.shape_cast %get3A_289 : vector<1x1x16xf32> to vector<16xf32>
        %get3A_291 = arith.constant 0 : i32
        %get3A_292 = arith.index_cast %get3A_291 : i32 to index
        %get3A_293 = arith.index_cast %add3A_156 : i32 to index
        %get3A_294 = arith.constant 1552 : index
        %get3A_295 = tpu.vector_load %arg4[%get3A_292, %get3A_293, %get3A_294] {strides = array<i32>} : memref<2x32x1664xf32, #tpu.memory_space<vmem>>, vector<1x1x16xf32>,
        %get3A_296 = vector.shape_cast %get3A_295 : vector<1x1x16xf32> to vector<16xf32>
        %swap3A_297 = arith.constant 0 : i32
        %swap3A_298 = arith.index_cast %swap3A_297 : i32 to index
        %swap3A_299 = arith.index_cast %add3A_156 : i32 to index
        %swap3A_300 = arith.constant 1552 : index
        %swap3A_301 = tpu.vector_load %arg4[%swap3A_298, %swap3A_299, %swap3A_300] {strides = array<i32>} : memref<2x32x1664xf32, #tpu.memory_space<vmem>>, vector<1x1x16xf32>,
        %swap3A_302 = vector.shape_cast %swap3A_301 : vector<1x1x16xf32> to vector<16xf32>
        %swap3A_303 = vector.shape_cast %get3A_290 : vector<16xf32> to vector<1x1x16xf32>
        tpu.vector_store %arg4[%swap3A_298, %swap3A_299, %swap3A_300], %swap3A_303 {strides = array<i32>} : memref<2x32x1664xf32, #tpu.memory_space<vmem>>, vector<1x1x16xf32>,
        %swap3A_304 = arith.constant 0 : i32
        %swap3A_305 = arith.index_cast %swap3A_304 : i32 to index
        %swap3A_306 = arith.index_cast %add3A_156 : i32 to index
        %swap3A_307 = arith.constant 80 : index
        %swap3A_308 = tpu.vector_load %arg4[%swap3A_305, %swap3A_306, %swap3A_307] {strides = array<i32>} : memref<2x32x1664xf32, #tpu.memory_space<vmem>>, vector<1x1x16xf32>,
        %swap3A_309 = vector.shape_cast %swap3A_308 : vector<1x1x16xf32> to vector<16xf32>
        %swap3A_310 = vector.shape_cast %get3A_296 : vector<16xf32> to vector<1x1x16xf32>
        tpu.vector_store %arg4[%swap3A_305, %swap3A_306, %swap3A_307], %swap3A_310 {strides = array<i32>} : memref<2x32x1664xf32, #tpu.memory_space<vmem>>, vector<1x1x16xf32>,
        %get3A_311 = arith.constant 0 : i32
        %get3A_312 = arith.index_cast %get3A_311 : i32 to index
        %get3A_313 = arith.index_cast %add3A_156 : i32 to index
        %get3A_314 = arith.constant 96 : index
        %get3A_315 = tpu.vector_load %arg4[%get3A_312, %get3A_313, %get3A_314] {strides = array<i32>} : memref<2x32x1664xf32, #tpu.memory_space<vmem>>, vector<1x1x16xf32>,
        %get3A_316 = vector.shape_cast %get3A_315 : vector<1x1x16xf32> to vector<16xf32>
        %get3A_317 = arith.constant 0 : i32
        %get3A_318 = arith.index_cast %get3A_317 : i32 to index
        %get3A_319 = arith.index_cast %add3A_156 : i32 to index
        %get3A_320 = arith.constant 1568 : index
        %get3A_321 = tpu.vector_load %arg4[%get3A_318, %get3A_319, %get3A_320] {strides = array<i32>} : memref<2x32x1664xf32, #tpu.memory_space<vmem>>, vector<1x1x16xf32>,
        %get3A_322 = vector.shape_cast %get3A_321 : vector<1x1x16xf32> to vector<16xf32>
        %swap3A_323 = arith.constant 0 : i32
        %swap3A_324 = arith.index_cast %swap3A_323 : i32 to index
        %swap3A_325 = arith.index_cast %add3A_156 : i32 to index
        %swap3A_326 = arith.constant 1568 : index
        %swap3A_327 = tpu.vector_load %arg4[%swap3A_324, %swap3A_325, %swap3A_326] {strides = array<i32>} : memref<2x32x1664xf32, #tpu.memory_space<vmem>>, vector<1x1x16xf32>,
        %swap3A_328 = vector.shape_cast %swap3A_327 : vector<1x1x16xf32> to vector<16xf32>
        %swap3A_329 = vector.shape_cast %get3A_316 : vector<16xf32> to vector<1x1x16xf32>
        tpu.vector_store %arg4[%swap3A_324, %swap3A_325, %swap3A_326], %swap3A_329 {strides = array<i32>} : memref<2x32x1664xf32, #tpu.memory_space<vmem>>, vector<1x1x16xf32>,
        %swap3A_330 = arith.constant 0 : i32
        %swap3A_331 = arith.index_cast %swap3A_330 : i32 to index
        %swap3A_332 = arith.index_cast %add3A_156 : i32 to index
        %swap3A_333 = arith.constant 96 : index
        %swap3A_334 = tpu.vector_load %arg4[%swap3A_331, %swap3A_332, %swap3A_333] {strides = array<i32>} : memref<2x32x1664xf32, #tpu.memory_space<vmem>>, vector<1x1x16xf32>,
        %swap3A_335 = vector.shape_cast %swap3A_334 : vector<1x1x16xf32> to vector<16xf32>
        %swap3A_336 = vector.shape_cast %get3A_322 : vector<16xf32> to vector<1x1x16xf32>
        tpu.vector_store %arg4[%swap3A_331, %swap3A_332, %swap3A_333], %swap3A_336 {strides = array<i32>} : memref<2x32x1664xf32, #tpu.memory_space<vmem>>, vector<1x1x16xf32>,
        %get3A_337 = arith.constant 0 : i32
        %get3A_338 = arith.index_cast %get3A_337 : i32 to index
        %get3A_339 = arith.index_cast %add3A_156 : i32 to index
        %get3A_340 = arith.constant 112 : index
        %get3A_341 = tpu.vector_load %arg4[%get3A_338, %get3A_339, %get3A_340] {strides = array<i32>} : memref<2x32x1664xf32, #tpu.memory_space<vmem>>, vector<1x1x16xf32>,
        %get3A_342 = vector.shape_cast %get3A_341 : vector<1x1x16xf32> to vector<16xf32>
        %get3A_343 = arith.constant 0 : i32
        %get3A_344 = arith.index_cast %get3A_343 : i32 to index
        %get3A_345 = arith.index_cast %add3A_156 : i32 to index
        %get3A_346 = arith.constant 1584 : index
        %get3A_347 = tpu.vector_load %arg4[%get3A_344, %get3A_345, %get3A_346] {strides = array<i32>} : memref<2x32x1664xf32, #tpu.memory_space<vmem>>, vector<1x1x16xf32>,
        %get3A_348 = vector.shape_cast %get3A_347 : vector<1x1x16xf32> to vector<16xf32>
        %swap3A_349 = arith.constant 0 : i32
        %swap3A_350 = arith.index_cast %swap3A_349 : i32 to index
        %swap3A_351 = arith.index_cast %add3A_156 : i32 to index
        %swap3A_352 = arith.constant 1584 : index
        %swap3A_353 = tpu.vector_load %arg4[%swap3A_350, %swap3A_351, %swap3A_352] {strides = array<i32>} : memref<2x32x1664xf32, #tpu.memory_space<vmem>>, vector<1x1x16xf32>,
        %swap3A_354 = vector.shape_cast %swap3A_353 : vector<1x1x16xf32> to vector<16xf32>
        %swap3A_355 = vector.shape_cast %get3A_342 : vector<16xf32> to vector<1x1x16xf32>
        tpu.vector_store %arg4[%swap3A_350, %swap3A_351, %swap3A_352], %swap3A_355 {strides = array<i32>} : memref<2x32x1664xf32, #tpu.memory_space<vmem>>, vector<1x1x16xf32>,
        %swap3A_356 = arith.constant 0 : i32
        %swap3A_357 = arith.index_cast %swap3A_356 : i32 to index
        %swap3A_358 = arith.index_cast %add3A_156 : i32 to index
        %swap3A_359 = arith.constant 112 : index
        %swap3A_360 = tpu.vector_load %arg4[%swap3A_357, %swap3A_358, %swap3A_359] {strides = array<i32>} : memref<2x32x1664xf32, #tpu.memory_space<vmem>>, vector<1x1x16xf32>,
        %swap3A_361 = vector.shape_cast %swap3A_360 : vector<1x1x16xf32> to vector<16xf32>
        %swap3A_362 = vector.shape_cast %get3A_348 : vector<16xf32> to vector<1x1x16xf32>
        tpu.vector_store %arg4[%swap3A_357, %swap3A_358, %swap3A_359], %swap3A_362 {strides = array<i32>} : memref<2x32x1664xf32, #tpu.memory_space<vmem>>, vector<1x1x16xf32>,
        %get3A_363 = arith.constant 0 : i32
        %get3A_364 = arith.index_cast %get3A_363 : i32 to index
        %get3A_365 = arith.index_cast %add3A_156 : i32 to index
        %get3A_366 = arith.constant 128 : index
        %get3A_367 = tpu.vector_load %arg4[%get3A_364, %get3A_365, %get3A_366] {strides = array<i32>} : memref<2x32x1664xf32, #tpu.memory_space<vmem>>, vector<1x1x16xf32>,
        %get3A_368 = vector.shape_cast %get3A_367 : vector<1x1x16xf32> to vector<16xf32>
        %get3A_369 = arith.constant 0 : i32
        %get3A_370 = arith.index_cast %get3A_369 : i32 to index
        %get3A_371 = arith.index_cast %add3A_156 : i32 to index
        %get3A_372 = arith.constant 1472 : index
        %get3A_373 = tpu.vector_load %arg4[%get3A_370, %get3A_371, %get3A_372] {strides = array<i32>} : memref<2x32x1664xf32, #tpu.memory_space<vmem>>, vector<1x1x16xf32>,
        %get3A_374 = vector.shape_cast %get3A_373 : vector<1x1x16xf32> to vector<16xf32>
        %swap3A_375 = arith.constant 0 : i32
        %swap3A_376 = arith.index_cast %swap3A_375 : i32 to index
        %swap3A_377 = arith.index_cast %add3A_156 : i32 to index
        %swap3A_378 = arith.constant 1472 : index
        %swap3A_379 = tpu.vector_load %arg4[%swap3A_376, %swap3A_377, %swap3A_378] {strides = array<i32>} : memref<2x32x1664xf32, #tpu.memory_space<vmem>>, vector<1x1x16xf32>,
        %swap3A_380 = vector.shape_cast %swap3A_379 : vector<1x1x16xf32> to vector<16xf32>
        %swap3A_381 = vector.shape_cast %get3A_368 : vector<16xf32> to vector<1x1x16xf32>
        tpu.vector_store %arg4[%swap3A_376, %swap3A_377, %swap3A_378], %swap3A_381 {strides = array<i32>} : memref<2x32x1664xf32, #tpu.memory_space<vmem>>, vector<1x1x16xf32>,
        %swap3A_382 = arith.constant 0 : i32
        %swap3A_383 = arith.index_cast %swap3A_382 : i32 to index
        %swap3A_384 = arith.index_cast %add3A_156 : i32 to index
        %swap3A_385 = arith.constant 128 : index
        %swap3A_386 = tpu.vector_load %arg4[%swap3A_383, %swap3A_384, %swap3A_385] {strides = array<i32>} : memref<2x32x1664xf32, #tpu.memory_space<vmem>>, vector<1x1x16xf32>,
        %swap3A_387 = vector.shape_cast %swap3A_386 : vector<1x1x16xf32> to vector<16xf32>
        %swap3A_388 = vector.shape_cast %get3A_374 : vector<16xf32> to vector<1x1x16xf32>
        tpu.vector_store %arg4[%swap3A_383, %swap3A_384, %swap3A_385], %swap3A_388 {strides = array<i32>} : memref<2x32x1664xf32, #tpu.memory_space<vmem>>, vector<1x1x16xf32>,
        %get3A_389 = arith.constant 0 : i32
        %get3A_390 = arith.index_cast %get3A_389 : i32 to index
        %get3A_391 = arith.index_cast %add3A_156 : i32 to index
        %get3A_392 = arith.constant 144 : index
        %get3A_393 = tpu.vector_load %arg4[%get3A_390, %get3A_391, %get3A_392] {strides = array<i32>} : memref<2x32x1664xf32, #tpu.memory_space<vmem>>, vector<1x1x16xf32>,
        %get3A_394 = vector.shape_cast %get3A_393 : vector<1x1x16xf32> to vector<16xf32>
        %get3A_395 = arith.constant 0 : i32
        %get3A_396 = arith.index_cast %get3A_395 : i32 to index
        %get3A_397 = arith.index_cast %add3A_156 : i32 to index
        %get3A_398 = arith.constant 1488 : index
        %get3A_399 = tpu.vector_load %arg4[%get3A_396, %get3A_397, %get3A_398] {strides = array<i32>} : memref<2x32x1664xf32, #tpu.memory_space<vmem>>, vector<1x1x16xf32>,
        %get3A_400 = vector.shape_cast %get3A_399 : vector<1x1x16xf32> to vector<16xf32>
        %swap3A_401 = arith.constant 0 : i32
        %swap3A_402 = arith.index_cast %swap3A_401 : i32 to index
        %swap3A_403 = arith.index_cast %add3A_156 : i32 to index
        %swap3A_404 = arith.constant 1488 : index
        %swap3A_405 = tpu.vector_load %arg4[%swap3A_402, %swap3A_403, %swap3A_404] {strides = array<i32>} : memref<2x32x1664xf32, #tpu.memory_space<vmem>>, vector<1x1x16xf32>,
        %swap3A_406 = vector.shape_cast %swap3A_405 : vector<1x1x16xf32> to vector<16xf32>
        %swap3A_407 = vector.shape_cast %get3A_394 : vector<16xf32> to vector<1x1x16xf32>
        tpu.vector_store %arg4[%swap3A_402, %swap3A_403, %swap3A_404], %swap3A_407 {strides = array<i32>} : memref<2x32x1664xf32, #tpu.memory_space<vmem>>, vector<1x1x16xf32>,
        %swap3A_408 = arith.constant 0 : i32
        %swap3A_409 = arith.index_cast %swap3A_408 : i32 to index
        %swap3A_410 = arith.index_cast %add3A_156 : i32 to index
        %swap3A_411 = arith.constant 144 : index
        %swap3A_412 = tpu.vector_load %arg4[%swap3A_409, %swap3A_410, %swap3A_411] {strides = array<i32>} : memref<2x32x1664xf32, #tpu.memory_space<vmem>>, vector<1x1x16xf32>,
        %swap3A_413 = vector.shape_cast %swap3A_412 : vector<1x1x16xf32> to vector<16xf32>
        %swap3A_414 = vector.shape_cast %get3A_400 : vector<16xf32> to vector<1x1x16xf32>
        tpu.vector_store %arg4[%swap3A_409, %swap3A_410, %swap3A_411], %swap3A_414 {strides = array<i32>} : memref<2x32x1664xf32, #tpu.memory_space<vmem>>, vector<1x1x16xf32>,
        %get3A_415 = arith.constant 0 : i32
        %get3A_416 = arith.index_cast %get3A_415 : i32 to index
        %get3A_417 = arith.index_cast %add3A_156 : i32 to index
        %get3A_418 = arith.constant 160 : index
        %get3A_419 = tpu.vector_load %arg4[%get3A_416, %get3A_417, %get3A_418] {strides = array<i32>} : memref<2x32x1664xf32, #tpu.memory_space<vmem>>, vector<1x1x16xf32>,
        %get3A_420 = vector.shape_cast %get3A_419 : vector<1x1x16xf32> to vector<16xf32>
        %get3A_421 = arith.constant 0 : i32
        %get3A_422 = arith.index_cast %get3A_421 : i32 to index
        %get3A_423 = arith.index_cast %add3A_156 : i32 to index
        %get3A_424 = arith.constant 1504 : index
        %get3A_425 = tpu.vector_load %arg4[%get3A_422, %get3A_423, %get3A_424] {strides = array<i32>} : memref<2x32x1664xf32, #tpu.memory_space<vmem>>, vector<1x1x16xf32>,
        %get3A_426 = vector.shape_cast %get3A_425 : vector<1x1x16xf32> to vector<16xf32>
        %swap3A_427 = arith.constant 0 : i32
        %swap3A_428 = arith.index_cast %swap3A_427 : i32 to index
        %swap3A_429 = arith.index_cast %add3A_156 : i32 to index
        %swap3A_430 = arith.constant 1504 : index
        %swap3A_431 = tpu.vector_load %arg4[%swap3A_428, %swap3A_429, %swap3A_430] {strides = array<i32>} : memref<2x32x1664xf32, #tpu.memory_space<vmem>>, vector<1x1x16xf32>,
        %swap3A_432 = vector.shape_cast %swap3A_431 : vector<1x1x16xf32> to vector<16xf32>
        %swap3A_433 = vector.shape_cast %get3A_420 : vector<16xf32> to vector<1x1x16xf32>
        tpu.vector_store %arg4[%swap3A_428, %swap3A_429, %swap3A_430], %swap3A_433 {strides = array<i32>} : memref<2x32x1664xf32, #tpu.memory_space<vmem>>, vector<1x1x16xf32>,
        %swap3A_434 = arith.constant 0 : i32
        %swap3A_435 = arith.index_cast %swap3A_434 : i32 to index
        %swap3A_436 = arith.index_cast %add3A_156 : i32 to index
        %swap3A_437 = arith.constant 160 : index
        %swap3A_438 = tpu.vector_load %arg4[%swap3A_435, %swap3A_436, %swap3A_437] {strides = array<i32>} : memref<2x32x1664xf32, #tpu.memory_space<vmem>>, vector<1x1x16xf32>,
        %swap3A_439 = vector.shape_cast %swap3A_438 : vector<1x1x16xf32> to vector<16xf32>
        %swap3A_440 = vector.shape_cast %get3A_426 : vector<16xf32> to vector<1x1x16xf32>
        tpu.vector_store %arg4[%swap3A_435, %swap3A_436, %swap3A_437], %swap3A_440 {strides = array<i32>} : memref<2x32x1664xf32, #tpu.memory_space<vmem>>, vector<1x1x16xf32>,
        %get3A_441 = arith.constant 0 : i32
        %get3A_442 = arith.index_cast %get3A_441 : i32 to index
        %get3A_443 = arith.index_cast %add3A_156 : i32 to index
        %get3A_444 = arith.constant 176 : index
        %get3A_445 = tpu.vector_load %arg4[%get3A_442, %get3A_443, %get3A_444] {strides = array<i32>} : memref<2x32x1664xf32, #tpu.memory_space<vmem>>, vector<1x1x16xf32>,
        %get3A_446 = vector.shape_cast %get3A_445 : vector<1x1x16xf32> to vector<16xf32>
        %get3A_447 = arith.constant 0 : i32
        %get3A_448 = arith.index_cast %get3A_447 : i32 to index
        %get3A_449 = arith.index_cast %add3A_156 : i32 to index
        %get3A_450 = arith.constant 1520 : index
        %get3A_451 = tpu.vector_load %arg4[%get3A_448, %get3A_449, %get3A_450] {strides = array<i32>} : memref<2x32x1664xf32, #tpu.memory_space<vmem>>, vector<1x1x16xf32>,
        %get3A_452 = vector.shape_cast %get3A_451 : vector<1x1x16xf32> to vector<16xf32>
        %swap3A_453 = arith.constant 0 : i32
        %swap3A_454 = arith.index_cast %swap3A_453 : i32 to index
        %swap3A_455 = arith.index_cast %add3A_156 : i32 to index
        %swap3A_456 = arith.constant 1520 : index
        %swap3A_457 = tpu.vector_load %arg4[%swap3A_454, %swap3A_455, %swap3A_456] {strides = array<i32>} : memref<2x32x1664xf32, #tpu.memory_space<vmem>>, vector<1x1x16xf32>,
        %swap3A_458 = vector.shape_cast %swap3A_457 : vector<1x1x16xf32> to vector<16xf32>
        %swap3A_459 = vector.shape_cast %get3A_446 : vector<16xf32> to vector<1x1x16xf32>
        tpu.vector_store %arg4[%swap3A_454, %swap3A_455, %swap3A_456], %swap3A_459 {strides = array<i32>} : memref<2x32x1664xf32, #tpu.memory_space<vmem>>, vector<1x1x16xf32>,
        %swap3A_460 = arith.constant 0 : i32
        %swap3A_461 = arith.index_cast %swap3A_460 : i32 to index
        %swap3A_462 = arith.index_cast %add3A_156 : i32 to index
        %swap3A_463 = arith.constant 176 : index
        %swap3A_464 = tpu.vector_load %arg4[%swap3A_461, %swap3A_462, %swap3A_463] {strides = array<i32>} : memref<2x32x1664xf32, #tpu.memory_space<vmem>>, vector<1x1x16xf32>,
        %swap3A_465 = vector.shape_cast %swap3A_464 : vector<1x1x16xf32> to vector<16xf32>
        %swap3A_466 = vector.shape_cast %get3A_452 : vector<16xf32> to vector<1x1x16xf32>
        tpu.vector_store %arg4[%swap3A_461, %swap3A_462, %swap3A_463], %swap3A_466 {strides = array<i32>} : memref<2x32x1664xf32, #tpu.memory_space<vmem>>, vector<1x1x16xf32>,
        %get3A_467 = arith.constant 0 : i32
        %get3A_468 = arith.index_cast %get3A_467 : i32 to index
        %get3A_469 = arith.index_cast %add3A_156 : i32 to index
        %get3A_470 = arith.constant 192 : index
        %get3A_471 = tpu.vector_load %arg4[%get3A_468, %get3A_469, %get3A_470] {strides = array<i32>} : memref<2x32x1664xf32, #tpu.memory_space<vmem>>, vector<1x1x16xf32>,
        %get3A_472 = vector.shape_cast %get3A_471 : vector<1x1x16xf32> to vector<16xf32>
        %get3A_473 = arith.constant 0 : i32
        %get3A_474 = arith.index_cast %get3A_473 : i32 to index
        %get3A_475 = arith.index_cast %add3A_156 : i32 to index
        %get3A_476 = arith.constant 1408 : index
        %get3A_477 = tpu.vector_load %arg4[%get3A_474, %get3A_475, %get3A_476] {strides = array<i32>} : memref<2x32x1664xf32, #tpu.memory_space<vmem>>, vector<1x1x16xf32>,
        %get3A_478 = vector.shape_cast %get3A_477 : vector<1x1x16xf32> to vector<16xf32>
        %swap3A_479 = arith.constant 0 : i32
        %swap3A_480 = arith.index_cast %swap3A_479 : i32 to index
        %swap3A_481 = arith.index_cast %add3A_156 : i32 to index
        %swap3A_482 = arith.constant 1408 : index
        %swap3A_483 = tpu.vector_load %arg4[%swap3A_480, %swap3A_481, %swap3A_482] {strides = array<i32>} : memref<2x32x1664xf32, #tpu.memory_space<vmem>>, vector<1x1x16xf32>,
        %swap3A_484 = vector.shape_cast %swap3A_483 : vector<1x1x16xf32> to vector<16xf32>
        %swap3A_485 = vector.shape_cast %get3A_472 : vector<16xf32> to vector<1x1x16xf32>
        tpu.vector_store %arg4[%swap3A_480, %swap3A_481, %swap3A_482], %swap3A_485 {strides = array<i32>} : memref<2x32x1664xf32, #tpu.memory_space<vmem>>, vector<1x1x16xf32>,
        %swap3A_486 = arith.constant 0 : i32
        %swap3A_487 = arith.index_cast %swap3A_486 : i32 to index
        %swap3A_488 = arith.index_cast %add3A_156 : i32 to index
        %swap3A_489 = arith.constant 192 : index
        %swap3A_490 = tpu.vector_load %arg4[%swap3A_487, %swap3A_488, %swap3A_489] {strides = array<i32>} : memref<2x32x1664xf32, #tpu.memory_space<vmem>>, vector<1x1x16xf32>,
        %swap3A_491 = vector.shape_cast %swap3A_490 : vector<1x1x16xf32> to vector<16xf32>
        %swap3A_492 = vector.shape_cast %get3A_478 : vector<16xf32> to vector<1x1x16xf32>
        tpu.vector_store %arg4[%swap3A_487, %swap3A_488, %swap3A_489], %swap3A_492 {strides = array<i32>} : memref<2x32x1664xf32, #tpu.memory_space<vmem>>, vector<1x1x16xf32>,
        %get3A_493 = arith.constant 0 : i32
        %get3A_494 = arith.index_cast %get3A_493 : i32 to index
        %get3A_495 = arith.index_cast %add3A_156 : i32 to index
        %get3A_496 = arith.constant 208 : index
        %get3A_497 = tpu.vector_load %arg4[%get3A_494, %get3A_495, %get3A_496] {strides = array<i32>} : memref<2x32x1664xf32, #tpu.memory_space<vmem>>, vector<1x1x16xf32>,
        %get3A_498 = vector.shape_cast %get3A_497 : vector<1x1x16xf32> to vector<16xf32>
        %get3A_499 = arith.constant 0 : i32
        %get3A_500 = arith.index_cast %get3A_499 : i32 to index
        %get3A_501 = arith.index_cast %add3A_156 : i32 to index
        %get3A_502 = arith.constant 1424 : index
        %get3A_503 = tpu.vector_load %arg4[%get3A_500, %get3A_501, %get3A_502] {strides = array<i32>} : memref<2x32x1664xf32, #tpu.memory_space<vmem>>, vector<1x1x16xf32>,
        %get3A_504 = vector.shape_cast %get3A_503 : vector<1x1x16xf32> to vector<16xf32>
        %swap3A_505 = arith.constant 0 : i32
        %swap3A_506 = arith.index_cast %swap3A_505 : i32 to index
        %swap3A_507 = arith.index_cast %add3A_156 : i32 to index
        %swap3A_508 = arith.constant 1424 : index
        %swap3A_509 = tpu.vector_load %arg4[%swap3A_506, %swap3A_507, %swap3A_508] {strides = array<i32>} : memref<2x32x1664xf32, #tpu.memory_space<vmem>>, vector<1x1x16xf32>,
        %swap3A_510 = vector.shape_cast %swap3A_509 : vector<1x1x16xf32> to vector<16xf32>
        %swap3A_511 = vector.shape_cast %get3A_498 : vector<16xf32> to vector<1x1x16xf32>
        tpu.vector_store %arg4[%swap3A_506, %swap3A_507, %swap3A_508], %swap3A_511 {strides = array<i32>} : memref<2x32x1664xf32, #tpu.memory_space<vmem>>, vector<1x1x16xf32>,
        %swap3A_512 = arith.constant 0 : i32
        %swap3A_513 = arith.index_cast %swap3A_512 : i32 to index
        %swap3A_514 = arith.index_cast %add3A_156 : i32 to index
        %swap3A_515 = arith.constant 208 : index
        %swap3A_516 = tpu.vector_load %arg4[%swap3A_513, %swap3A_514, %swap3A_515] {strides = array<i32>} : memref<2x32x1664xf32, #tpu.memory_space<vmem>>, vector<1x1x16xf32>,
        %swap3A_517 = vector.shape_cast %swap3A_516 : vector<1x1x16xf32> to vector<16xf32>
        %swap3A_518 = vector.shape_cast %get3A_504 : vector<16xf32> to vector<1x1x16xf32>
        tpu.vector_store %arg4[%swap3A_513, %swap3A_514, %swap3A_515], %swap3A_518 {strides = array<i32>} : memref<2x32x1664xf32, #tpu.memory_space<vmem>>, vector<1x1x16xf32>,
        %get3A_519 = arith.constant 0 : i32
        %get3A_520 = arith.index_cast %get3A_519 : i32 to index
        %get3A_521 = arith.index_cast %add3A_156 : i32 to index
        %get3A_522 = arith.constant 224 : index
        %get3A_523 = tpu.vector_load %arg4[%get3A_520, %get3A_521, %get3A_522] {strides = array<i32>} : memref<2x32x1664xf32, #tpu.memory_space<vmem>>, vector<1x1x16xf32>,
        %get3A_524 = vector.shape_cast %get3A_523 : vector<1x1x16xf32> to vector<16xf32>
        %get3A_525 = arith.constant 0 : i32
        %get3A_526 = arith.index_cast %get3A_525 : i32 to index
        %get3A_527 = arith.index_cast %add3A_156 : i32 to index
        %get3A_528 = arith.constant 1440 : index
        %get3A_529 = tpu.vector_load %arg4[%get3A_526, %get3A_527, %get3A_528] {strides = array<i32>} : memref<2x32x1664xf32, #tpu.memory_space<vmem>>, vector<1x1x16xf32>,
        %get3A_530 = vector.shape_cast %get3A_529 : vector<1x1x16xf32> to vector<16xf32>
        %swap3A_531 = arith.constant 0 : i32
        %swap3A_532 = arith.index_cast %swap3A_531 : i32 to index
        %swap3A_533 = arith.index_cast %add3A_156 : i32 to index
        %swap3A_534 = arith.constant 1440 : index
        %swap3A_535 = tpu.vector_load %arg4[%swap3A_532, %swap3A_533, %swap3A_534] {strides = array<i32>} : memref<2x32x1664xf32, #tpu.memory_space<vmem>>, vector<1x1x16xf32>,
        %swap3A_536 = vector.shape_cast %swap3A_535 : vector<1x1x16xf32> to vector<16xf32>
        %swap3A_537 = vector.shape_cast %get3A_524 : vector<16xf32> to vector<1x1x16xf32>
        tpu.vector_store %arg4[%swap3A_532, %swap3A_533, %swap3A_534], %swap3A_537 {strides = array<i32>} : memref<2x32x1664xf32, #tpu.memory_space<vmem>>, vector<1x1x16xf32>,
        %swap3A_538 = arith.constant 0 : i32
        %swap3A_539 = arith.index_cast %swap3A_538 : i32 to index
        %swap3A_540 = arith.index_cast %add3A_156 : i32 to index
        %swap3A_541 = arith.constant 224 : index
        %swap3A_542 = tpu.vector_load %arg4[%swap3A_539, %swap3A_540, %swap3A_541] {strides = array<i32>} : memref<2x32x1664xf32, #tpu.memory_space<vmem>>, vector<1x1x16xf32>,
        %swap3A_543 = vector.shape_cast %swap3A_542 : vector<1x1x16xf32> to vector<16xf32>
        %swap3A_544 = vector.shape_cast %get3A_530 : vector<16xf32> to vector<1x1x16xf32>
        tpu.vector_store %arg4[%swap3A_539, %swap3A_540, %swap3A_541], %swap3A_544 {strides = array<i32>} : memref<2x32x1664xf32, #tpu.memory_space<vmem>>, vector<1x1x16xf32>,
        %get3A_545 = arith.constant 0 : i32
        %get3A_546 = arith.index_cast %get3A_545 : i32 to index
        %get3A_547 = arith.index_cast %add3A_156 : i32 to index
        %get3A_548 = arith.constant 240 : index
        %get3A_549 = tpu.vector_load %arg4[%get3A_546, %get3A_547, %get3A_548] {strides = array<i32>} : memref<2x32x1664xf32, #tpu.memory_space<vmem>>, vector<1x1x16xf32>,
        %get3A_550 = vector.shape_cast %get3A_549 : vector<1x1x16xf32> to vector<16xf32>
        %get3A_551 = arith.constant 0 : i32
        %get3A_552 = arith.index_cast %get3A_551 : i32 to index
        %get3A_553 = arith.index_cast %add3A_156 : i32 to index
        %get3A_554 = arith.constant 1456 : index
        %get3A_555 = tpu.vector_load %arg4[%get3A_552, %get3A_553, %get3A_554] {strides = array<i32>} : memref<2x32x1664xf32, #tpu.memory_space<vmem>>, vector<1x1x16xf32>,
        %get3A_556 = vector.shape_cast %get3A_555 : vector<1x1x16xf32> to vector<16xf32>
        %swap3A_557 = arith.constant 0 : i32
        %swap3A_558 = arith.index_cast %swap3A_557 : i32 to index
        %swap3A_559 = arith.index_cast %add3A_156 : i32 to index
        %swap3A_560 = arith.constant 1456 : index
        %swap3A_561 = tpu.vector_load %arg4[%swap3A_558, %swap3A_559, %swap3A_560] {strides = array<i32>} : memref<2x32x1664xf32, #tpu.memory_space<vmem>>, vector<1x1x16xf32>,
        %swap3A_562 = vector.shape_cast %swap3A_561 : vector<1x1x16xf32> to vector<16xf32>
        %swap3A_563 = vector.shape_cast %get3A_550 : vector<16xf32> to vector<1x1x16xf32>
        tpu.vector_store %arg4[%swap3A_558, %swap3A_559, %swap3A_560], %swap3A_563 {strides = array<i32>} : memref<2x32x1664xf32, #tpu.memory_space<vmem>>, vector<1x1x16xf32>,
        %swap3A_564 = arith.constant 0 : i32
        %swap3A_565 = arith.index_cast %swap3A_564 : i32 to index
        %swap3A_566 = arith.index_cast %add3A_156 : i32 to index
        %swap3A_567 = arith.constant 240 : index
        %swap3A_568 = tpu.vector_load %arg4[%swap3A_565, %swap3A_566, %swap3A_567] {strides = array<i32>} : memref<2x32x1664xf32, #tpu.memory_space<vmem>>, vector<1x1x16xf32>,
        %swap3A_569 = vector.shape_cast %swap3A_568 : vector<1x1x16xf32> to vector<16xf32>
        %swap3A_570 = vector.shape_cast %get3A_556 : vector<16xf32> to vector<1x1x16xf32>
        tpu.vector_store %arg4[%swap3A_565, %swap3A_566, %swap3A_567], %swap3A_570 {strides = array<i32>} : memref<2x32x1664xf32, #tpu.memory_space<vmem>>, vector<1x1x16xf32>,
        %get3A_571 = arith.constant 0 : i32
        %get3A_572 = arith.index_cast %get3A_571 : i32 to index
        %get3A_573 = arith.index_cast %add3A_156 : i32 to index
        %get3A_574 = arith.constant 256 : index
        %get3A_575 = tpu.vector_load %arg4[%get3A_572, %get3A_573, %get3A_574] {strides = array<i32>} : memref<2x32x1664xf32, #tpu.memory_space<vmem>>, vector<1x1x16xf32>,
        %get3A_576 = vector.shape_cast %get3A_575 : vector<1x1x16xf32> to vector<16xf32>
        %get3A_577 = arith.constant 0 : i32
        %get3A_578 = arith.index_cast %get3A_577 : i32 to index
        %get3A_579 = arith.index_cast %add3A_156 : i32 to index
        %get3A_580 = arith.constant 1344 : index
        %get3A_581 = tpu.vector_load %arg4[%get3A_578, %get3A_579, %get3A_580] {strides = array<i32>} : memref<2x32x1664xf32, #tpu.memory_space<vmem>>, vector<1x1x16xf32>,
        %get3A_582 = vector.shape_cast %get3A_581 : vector<1x1x16xf32> to vector<16xf32>
        %swap3A_583 = arith.constant 0 : i32
        %swap3A_584 = arith.index_cast %swap3A_583 : i32 to index
        %swap3A_585 = arith.index_cast %add3A_156 : i32 to index
        %swap3A_586 = arith.constant 1344 : index
        %swap3A_587 = tpu.vector_load %arg4[%swap3A_584, %swap3A_585, %swap3A_586] {strides = array<i32>} : memref<2x32x1664xf32, #tpu.memory_space<vmem>>, vector<1x1x16xf32>,
        %swap3A_588 = vector.shape_cast %swap3A_587 : vector<1x1x16xf32> to vector<16xf32>
        %swap3A_589 = vector.shape_cast %get3A_576 : vector<16xf32> to vector<1x1x16xf32>
        tpu.vector_store %arg4[%swap3A_584, %swap3A_585, %swap3A_586], %swap3A_589 {strides = array<i32>} : memref<2x32x1664xf32, #tpu.memory_space<vmem>>, vector<1x1x16xf32>,
        %swap3A_590 = arith.constant 0 : i32
        %swap3A_591 = arith.index_cast %swap3A_590 : i32 to index
        %swap3A_592 = arith.index_cast %add3A_156 : i32 to index
        %swap3A_593 = arith.constant 256 : index
        %swap3A_594 = tpu.vector_load %arg4[%swap3A_591, %swap3A_592, %swap3A_593] {strides = array<i32>} : memref<2x32x1664xf32, #tpu.memory_space<vmem>>, vector<1x1x16xf32>,
        %swap3A_595 = vector.shape_cast %swap3A_594 : vector<1x1x16xf32> to vector<16xf32>
        %swap3A_596 = vector.shape_cast %get3A_582 : vector<16xf32> to vector<1x1x16xf32>
        tpu.vector_store %arg4[%swap3A_591, %swap3A_592, %swap3A_593], %swap3A_596 {strides = array<i32>} : memref<2x32x1664xf32, #tpu.memory_space<vmem>>, vector<1x1x16xf32>,
        %get3A_597 = arith.constant 0 : i32
        %get3A_598 = arith.index_cast %get3A_597 : i32 to index
        %get3A_599 = arith.index_cast %add3A_156 : i32 to index
        %get3A_600 = arith.constant 272 : index
        %get3A_601 = tpu.vector_load %arg4[%get3A_598, %get3A_599, %get3A_600] {strides = array<i32>} : memref<2x32x1664xf32, #tpu.memory_space<vmem>>, vector<1x1x16xf32>,
        %get3A_602 = vector.shape_cast %get3A_601 : vector<1x1x16xf32> to vector<16xf32>
        %get3A_603 = arith.constant 0 : i32
        %get3A_604 = arith.index_cast %get3A_603 : i32 to index
        %get3A_605 = arith.index_cast %add3A_156 : i32 to index
        %get3A_606 = arith.constant 1360 : index
        %get3A_607 = tpu.vector_load %arg4[%get3A_604, %get3A_605, %get3A_606] {strides = array<i32>} : memref<2x32x1664xf32, #tpu.memory_space<vmem>>, vector<1x1x16xf32>,
        %get3A_608 = vector.shape_cast %get3A_607 : vector<1x1x16xf32> to vector<16xf32>
        %swap3A_609 = arith.constant 0 : i32
        %swap3A_610 = arith.index_cast %swap3A_609 : i32 to index
        %swap3A_611 = arith.index_cast %add3A_156 : i32 to index
        %swap3A_612 = arith.constant 1360 : index
        %swap3A_613 = tpu.vector_load %arg4[%swap3A_610, %swap3A_611, %swap3A_612] {strides = array<i32>} : memref<2x32x1664xf32, #tpu.memory_space<vmem>>, vector<1x1x16xf32>,
        %swap3A_614 = vector.shape_cast %swap3A_613 : vector<1x1x16xf32> to vector<16xf32>
        %swap3A_615 = vector.shape_cast %get3A_602 : vector<16xf32> to vector<1x1x16xf32>
        tpu.vector_store %arg4[%swap3A_610, %swap3A_611, %swap3A_612], %swap3A_615 {strides = array<i32>} : memref<2x32x1664xf32, #tpu.memory_space<vmem>>, vector<1x1x16xf32>,
        %swap3A_616 = arith.constant 0 : i32
        %swap3A_617 = arith.index_cast %swap3A_616 : i32 to index
        %swap3A_618 = arith.index_cast %add3A_156 : i32 to index
        %swap3A_619 = arith.constant 272 : index
        %swap3A_620 = tpu.vector_load %arg4[%swap3A_617, %swap3A_618, %swap3A_619] {strides = array<i32>} : memref<2x32x1664xf32, #tpu.memory_space<vmem>>, vector<1x1x16xf32>,
        %swap3A_621 = vector.shape_cast %swap3A_620 : vector<1x1x16xf32> to vector<16xf32>
        %swap3A_622 = vector.shape_cast %get3A_608 : vector<16xf32> to vector<1x1x16xf32>
        tpu.vector_store %arg4[%swap3A_617, %swap3A_618, %swap3A_619], %swap3A_622 {strides = array<i32>} : memref<2x32x1664xf32, #tpu.memory_space<vmem>>, vector<1x1x16xf32>,
        %get3A_623 = arith.constant 0 : i32
        %get3A_624 = arith.index_cast %get3A_623 : i32 to index
        %get3A_625 = arith.index_cast %add3A_156 : i32 to index
        %get3A_626 = arith.constant 288 : index
        %get3A_627 = tpu.vector_load %arg4[%get3A_624, %get3A_625, %get3A_626] {strides = array<i32>} : memref<2x32x1664xf32, #tpu.memory_space<vmem>>, vector<1x1x16xf32>,
        %get3A_628 = vector.shape_cast %get3A_627 : vector<1x1x16xf32> to vector<16xf32>
        %get3A_629 = arith.constant 0 : i32
        %get3A_630 = arith.index_cast %get3A_629 : i32 to index
        %get3A_631 = arith.index_cast %add3A_156 : i32 to index
        %get3A_632 = arith.constant 1376 : index
        %get3A_633 = tpu.vector_load %arg4[%get3A_630, %get3A_631, %get3A_632] {strides = array<i32>} : memref<2x32x1664xf32, #tpu.memory_space<vmem>>, vector<1x1x16xf32>,
        %get3A_634 = vector.shape_cast %get3A_633 : vector<1x1x16xf32> to vector<16xf32>
        %swap3A_635 = arith.constant 0 : i32
        %swap3A_636 = arith.index_cast %swap3A_635 : i32 to index
        %swap3A_637 = arith.index_cast %add3A_156 : i32 to index
        %swap3A_638 = arith.constant 1376 : index
        %swap3A_639 = tpu.vector_load %arg4[%swap3A_636, %swap3A_637, %swap3A_638] {strides = array<i32>} : memref<2x32x1664xf32, #tpu.memory_space<vmem>>, vector<1x1x16xf32>,
        %swap3A_640 = vector.shape_cast %swap3A_639 : vector<1x1x16xf32> to vector<16xf32>
        %swap3A_641 = vector.shape_cast %get3A_628 : vector<16xf32> to vector<1x1x16xf32>
        tpu.vector_store %arg4[%swap3A_636, %swap3A_637, %swap3A_638], %swap3A_641 {strides = array<i32>} : memref<2x32x1664xf32, #tpu.memory_space<vmem>>, vector<1x1x16xf32>,
        %swap3A_642 = arith.constant 0 : i32
        %swap3A_643 = arith.index_cast %swap3A_642 : i32 to index
        %swap3A_644 = arith.index_cast %add3A_156 : i32 to index
        %swap3A_645 = arith.constant 288 : index
        %swap3A_646 = tpu.vector_load %arg4[%swap3A_643, %swap3A_644, %swap3A_645] {strides = array<i32>} : memref<2x32x1664xf32, #tpu.memory_space<vmem>>, vector<1x1x16xf32>,
        %swap3A_647 = vector.shape_cast %swap3A_646 : vector<1x1x16xf32> to vector<16xf32>
        %swap3A_648 = vector.shape_cast %get3A_634 : vector<16xf32> to vector<1x1x16xf32>
        tpu.vector_store %arg4[%swap3A_643, %swap3A_644, %swap3A_645], %swap3A_648 {strides = array<i32>} : memref<2x32x1664xf32, #tpu.memory_space<vmem>>, vector<1x1x16xf32>,
        %get3A_649 = arith.constant 0 : i32
        %get3A_650 = arith.index_cast %get3A_649 : i32 to index
        %get3A_651 = arith.index_cast %add3A_156 : i32 to index
        %get3A_652 = arith.constant 304 : index
        %get3A_653 = tpu.vector_load %arg4[%get3A_650, %get3A_651, %get3A_652] {strides = array<i32>} : memref<2x32x1664xf32, #tpu.memory_space<vmem>>, vector<1x1x16xf32>,
        %get3A_654 = vector.shape_cast %get3A_653 : vector<1x1x16xf32> to vector<16xf32>
        %get3A_655 = arith.constant 0 : i32
        %get3A_656 = arith.index_cast %get3A_655 : i32 to index
        %get3A_657 = arith.index_cast %add3A_156 : i32 to index
        %get3A_658 = arith.constant 1392 : index
        %get3A_659 = tpu.vector_load %arg4[%get3A_656, %get3A_657, %get3A_658] {strides = array<i32>} : memref<2x32x1664xf32, #tpu.memory_space<vmem>>, vector<1x1x16xf32>,
        %get3A_660 = vector.shape_cast %get3A_659 : vector<1x1x16xf32> to vector<16xf32>
        %swap3A_661 = arith.constant 0 : i32
        %swap3A_662 = arith.index_cast %swap3A_661 : i32 to index
        %swap3A_663 = arith.index_cast %add3A_156 : i32 to index
        %swap3A_664 = arith.constant 1392 : index
        %swap3A_665 = tpu.vector_load %arg4[%swap3A_662, %swap3A_663, %swap3A_664] {strides = array<i32>} : memref<2x32x1664xf32, #tpu.memory_space<vmem>>, vector<1x1x16xf32>,
        %swap3A_666 = vector.shape_cast %swap3A_665 : vector<1x1x16xf32> to vector<16xf32>
        %swap3A_667 = vector.shape_cast %get3A_654 : vector<16xf32> to vector<1x1x16xf32>
        tpu.vector_store %arg4[%swap3A_662, %swap3A_663, %swap3A_664], %swap3A_667 {strides = array<i32>} : memref<2x32x1664xf32, #tpu.memory_space<vmem>>, vector<1x1x16xf32>,
        %swap3A_668 = arith.constant 0 : i32
        %swap3A_669 = arith.index_cast %swap3A_668 : i32 to index
        %swap3A_670 = arith.index_cast %add3A_156 : i32 to index
        %swap3A_671 = arith.constant 304 : index
        %swap3A_672 = tpu.vector_load %arg4[%swap3A_669, %swap3A_670, %swap3A_671] {strides = array<i32>} : memref<2x32x1664xf32, #tpu.memory_space<vmem>>, vector<1x1x16xf32>,
        %swap3A_673 = vector.shape_cast %swap3A_672 : vector<1x1x16xf32> to vector<16xf32>
        %swap3A_674 = vector.shape_cast %get3A_660 : vector<16xf32> to vector<1x1x16xf32>
        tpu.vector_store %arg4[%swap3A_669, %swap3A_670, %swap3A_671], %swap3A_674 {strides = array<i32>} : memref<2x32x1664xf32, #tpu.memory_space<vmem>>, vector<1x1x16xf32>,
        %get3A_675 = arith.constant 0 : i32
        %get3A_676 = arith.index_cast %get3A_675 : i32 to index
        %get3A_677 = arith.index_cast %add3A_156 : i32 to index
        %get3A_678 = arith.constant 320 : index
        %get3A_679 = tpu.vector_load %arg4[%get3A_676, %get3A_677, %get3A_678] {strides = array<i32>} : memref<2x32x1664xf32, #tpu.memory_space<vmem>>, vector<1x1x16xf32>,
        %get3A_680 = vector.shape_cast %get3A_679 : vector<1x1x16xf32> to vector<16xf32>
        %get3A_681 = arith.constant 0 : i32
        %get3A_682 = arith.index_cast %get3A_681 : i32 to index
        %get3A_683 = arith.index_cast %add3A_156 : i32 to index
        %get3A_684 = arith.constant 1280 : index
        %get3A_685 = tpu.vector_load %arg4[%get3A_682, %get3A_683, %get3A_684] {strides = array<i32>} : memref<2x32x1664xf32, #tpu.memory_space<vmem>>, vector<1x1x16xf32>,
        %get3A_686 = vector.shape_cast %get3A_685 : vector<1x1x16xf32> to vector<16xf32>
        %swap3A_687 = arith.constant 0 : i32
        %swap3A_688 = arith.index_cast %swap3A_687 : i32 to index
        %swap3A_689 = arith.index_cast %add3A_156 : i32 to index
        %swap3A_690 = arith.constant 1280 : index
        %swap3A_691 = tpu.vector_load %arg4[%swap3A_688, %swap3A_689, %swap3A_690] {strides = array<i32>} : memref<2x32x1664xf32, #tpu.memory_space<vmem>>, vector<1x1x16xf32>,
        %swap3A_692 = vector.shape_cast %swap3A_691 : vector<1x1x16xf32> to vector<16xf32>
        %swap3A_693 = vector.shape_cast %get3A_680 : vector<16xf32> to vector<1x1x16xf32>
        tpu.vector_store %arg4[%swap3A_688, %swap3A_689, %swap3A_690], %swap3A_693 {strides = array<i32>} : memref<2x32x1664xf32, #tpu.memory_space<vmem>>, vector<1x1x16xf32>,
        %swap3A_694 = arith.constant 0 : i32
        %swap3A_695 = arith.index_cast %swap3A_694 : i32 to index
        %swap3A_696 = arith.index_cast %add3A_156 : i32 to index
        %swap3A_697 = arith.constant 320 : index
        %swap3A_698 = tpu.vector_load %arg4[%swap3A_695, %swap3A_696, %swap3A_697] {strides = array<i32>} : memref<2x32x1664xf32, #tpu.memory_space<vmem>>, vector<1x1x16xf32>,
        %swap3A_699 = vector.shape_cast %swap3A_698 : vector<1x1x16xf32> to vector<16xf32>
        %swap3A_700 = vector.shape_cast %get3A_686 : vector<16xf32> to vector<1x1x16xf32>
        tpu.vector_store %arg4[%swap3A_695, %swap3A_696, %swap3A_697], %swap3A_700 {strides = array<i32>} : memref<2x32x1664xf32, #tpu.memory_space<vmem>>, vector<1x1x16xf32>,
        %get3A_701 = arith.constant 0 : i32
        %get3A_702 = arith.index_cast %get3A_701 : i32 to index
        %get3A_703 = arith.index_cast %add3A_156 : i32 to index
        %get3A_704 = arith.constant 336 : index
        %get3A_705 = tpu.vector_load %arg4[%get3A_702, %get3A_703, %get3A_704] {strides = array<i32>} : memref<2x32x1664xf32, #tpu.memory_space<vmem>>, vector<1x1x16xf32>,
        %get3A_706 = vector.shape_cast %get3A_705 : vector<1x1x16xf32> to vector<16xf32>
        %get3A_707 = arith.constant 0 : i32
        %get3A_708 = arith.index_cast %get3A_707 : i32 to index
        %get3A_709 = arith.index_cast %add3A_156 : i32 to index
        %get3A_710 = arith.constant 1296 : index
        %get3A_711 = tpu.vector_load %arg4[%get3A_708, %get3A_709, %get3A_710] {strides = array<i32>} : memref<2x32x1664xf32, #tpu.memory_space<vmem>>, vector<1x1x16xf32>,
        %get3A_712 = vector.shape_cast %get3A_711 : vector<1x1x16xf32> to vector<16xf32>
        %swap3A_713 = arith.constant 0 : i32
        %swap3A_714 = arith.index_cast %swap3A_713 : i32 to index
        %swap3A_715 = arith.index_cast %add3A_156 : i32 to index
        %swap3A_716 = arith.constant 1296 : index
        %swap3A_717 = tpu.vector_load %arg4[%swap3A_714, %swap3A_715, %swap3A_716] {strides = array<i32>} : memref<2x32x1664xf32, #tpu.memory_space<vmem>>, vector<1x1x16xf32>,
        %swap3A_718 = vector.shape_cast %swap3A_717 : vector<1x1x16xf32> to vector<16xf32>
        %swap3A_719 = vector.shape_cast %get3A_706 : vector<16xf32> to vector<1x1x16xf32>
        tpu.vector_store %arg4[%swap3A_714, %swap3A_715, %swap3A_716], %swap3A_719 {strides = array<i32>} : memref<2x32x1664xf32, #tpu.memory_space<vmem>>, vector<1x1x16xf32>,
        %swap3A_720 = arith.constant 0 : i32
        %swap3A_721 = arith.index_cast %swap3A_720 : i32 to index
        %swap3A_722 = arith.index_cast %add3A_156 : i32 to index
        %swap3A_723 = arith.constant 336 : index
        %swap3A_724 = tpu.vector_load %arg4[%swap3A_721, %swap3A_722, %swap3A_723] {strides = array<i32>} : memref<2x32x1664xf32, #tpu.memory_space<vmem>>, vector<1x1x16xf32>,
        %swap3A_725 = vector.shape_cast %swap3A_724 : vector<1x1x16xf32> to vector<16xf32>
        %swap3A_726 = vector.shape_cast %get3A_712 : vector<16xf32> to vector<1x1x16xf32>
        tpu.vector_store %arg4[%swap3A_721, %swap3A_722, %swap3A_723], %swap3A_726 {strides = array<i32>} : memref<2x32x1664xf32, #tpu.memory_space<vmem>>, vector<1x1x16xf32>,
        %get3A_727 = arith.constant 0 : i32
        %get3A_728 = arith.index_cast %get3A_727 : i32 to index
        %get3A_729 = arith.index_cast %add3A_156 : i32 to index
        %get3A_730 = arith.constant 352 : index
        %get3A_731 = tpu.vector_load %arg4[%get3A_728, %get3A_729, %get3A_730] {strides = array<i32>} : memref<2x32x1664xf32, #tpu.memory_space<vmem>>, vector<1x1x16xf32>,
        %get3A_732 = vector.shape_cast %get3A_731 : vector<1x1x16xf32> to vector<16xf32>
        %get3A_733 = arith.constant 0 : i32
        %get3A_734 = arith.index_cast %get3A_733 : i32 to index
        %get3A_735 = arith.index_cast %add3A_156 : i32 to index
        %get3A_736 = arith.constant 1312 : index
        %get3A_737 = tpu.vector_load %arg4[%get3A_734, %get3A_735, %get3A_736] {strides = array<i32>} : memref<2x32x1664xf32, #tpu.memory_space<vmem>>, vector<1x1x16xf32>,
        %get3A_738 = vector.shape_cast %get3A_737 : vector<1x1x16xf32> to vector<16xf32>
        %swap3A_739 = arith.constant 0 : i32
        %swap3A_740 = arith.index_cast %swap3A_739 : i32 to index
        %swap3A_741 = arith.index_cast %add3A_156 : i32 to index
        %swap3A_742 = arith.constant 1312 : index
        %swap3A_743 = tpu.vector_load %arg4[%swap3A_740, %swap3A_741, %swap3A_742] {strides = array<i32>} : memref<2x32x1664xf32, #tpu.memory_space<vmem>>, vector<1x1x16xf32>,
        %swap3A_744 = vector.shape_cast %swap3A_743 : vector<1x1x16xf32> to vector<16xf32>
        %swap3A_745 = vector.shape_cast %get3A_732 : vector<16xf32> to vector<1x1x16xf32>
        tpu.vector_store %arg4[%swap3A_740, %swap3A_741, %swap3A_742], %swap3A_745 {strides = array<i32>} : memref<2x32x1664xf32, #tpu.memory_space<vmem>>, vector<1x1x16xf32>,
        %swap3A_746 = arith.constant 0 : i32
        %swap3A_747 = arith.index_cast %swap3A_746 : i32 to index
        %swap3A_748 = arith.index_cast %add3A_156 : i32 to index
        %swap3A_749 = arith.constant 352 : index
        %swap3A_750 = tpu.vector_load %arg4[%swap3A_747, %swap3A_748, %swap3A_749] {strides = array<i32>} : memref<2x32x1664xf32, #tpu.memory_space<vmem>>, vector<1x1x16xf32>,
        %swap3A_751 = vector.shape_cast %swap3A_750 : vector<1x1x16xf32> to vector<16xf32>
        %swap3A_752 = vector.shape_cast %get3A_738 : vector<16xf32> to vector<1x1x16xf32>
        tpu.vector_store %arg4[%swap3A_747, %swap3A_748, %swap3A_749], %swap3A_752 {strides = array<i32>} : memref<2x32x1664xf32, #tpu.memory_space<vmem>>, vector<1x1x16xf32>,
        %get3A_753 = arith.constant 0 : i32
        %get3A_754 = arith.index_cast %get3A_753 : i32 to index
        %get3A_755 = arith.index_cast %add3A_156 : i32 to index
        %get3A_756 = arith.constant 368 : index
        %get3A_757 = tpu.vector_load %arg4[%get3A_754, %get3A_755, %get3A_756] {strides = array<i32>} : memref<2x32x1664xf32, #tpu.memory_space<vmem>>, vector<1x1x16xf32>,
        %get3A_758 = vector.shape_cast %get3A_757 : vector<1x1x16xf32> to vector<16xf32>
        %get3A_759 = arith.constant 0 : i32
        %get3A_760 = arith.index_cast %get3A_759 : i32 to index
        %get3A_761 = arith.index_cast %add3A_156 : i32 to index
        %get3A_762 = arith.constant 1328 : index
        %get3A_763 = tpu.vector_load %arg4[%get3A_760, %get3A_761, %get3A_762] {strides = array<i32>} : memref<2x32x1664xf32, #tpu.memory_space<vmem>>, vector<1x1x16xf32>,
        %get3A_764 = vector.shape_cast %get3A_763 : vector<1x1x16xf32> to vector<16xf32>
        %swap3A_765 = arith.constant 0 : i32
        %swap3A_766 = arith.index_cast %swap3A_765 : i32 to index
        %swap3A_767 = arith.index_cast %add3A_156 : i32 to index
        %swap3A_768 = arith.constant 1328 : index
        %swap3A_769 = tpu.vector_load %arg4[%swap3A_766, %swap3A_767, %swap3A_768] {strides = array<i32>} : memref<2x32x1664xf32, #tpu.memory_space<vmem>>, vector<1x1x16xf32>,
        %swap3A_770 = vector.shape_cast %swap3A_769 : vector<1x1x16xf32> to vector<16xf32>
        %swap3A_771 = vector.shape_cast %get3A_758 : vector<16xf32> to vector<1x1x16xf32>
        tpu.vector_store %arg4[%swap3A_766, %swap3A_767, %swap3A_768], %swap3A_771 {strides = array<i32>} : memref<2x32x1664xf32, #tpu.memory_space<vmem>>, vector<1x1x16xf32>,
        %swap3A_772 = arith.constant 0 : i32
        %swap3A_773 = arith.index_cast %swap3A_772 : i32 to index
        %swap3A_774 = arith.index_cast %add3A_156 : i32 to index
        %swap3A_775 = arith.constant 368 : index
        %swap3A_776 = tpu.vector_load %arg4[%swap3A_773, %swap3A_774, %swap3A_775] {strides = array<i32>} : memref<2x32x1664xf32, #tpu.memory_space<vmem>>, vector<1x1x16xf32>,
        %swap3A_777 = vector.shape_cast %swap3A_776 : vector<1x1x16xf32> to vector<16xf32>
        %swap3A_778 = vector.shape_cast %get3A_764 : vector<16xf32> to vector<1x1x16xf32>
        tpu.vector_store %arg4[%swap3A_773, %swap3A_774, %swap3A_775], %swap3A_778 {strides = array<i32>} : memref<2x32x1664xf32, #tpu.memory_space<vmem>>, vector<1x1x16xf32>,
        %get3A_779 = arith.constant 0 : i32
        %get3A_780 = arith.index_cast %get3A_779 : i32 to index
        %get3A_781 = arith.index_cast %add3A_156 : i32 to index
        %get3A_782 = arith.constant 384 : index
        %get3A_783 = tpu.vector_load %arg4[%get3A_780, %get3A_781, %get3A_782] {strides = array<i32>} : memref<2x32x1664xf32, #tpu.memory_space<vmem>>, vector<1x1x16xf32>,
        %get3A_784 = vector.shape_cast %get3A_783 : vector<1x1x16xf32> to vector<16xf32>
        %get3A_785 = arith.constant 0 : i32
        %get3A_786 = arith.index_cast %get3A_785 : i32 to index
        %get3A_787 = arith.index_cast %add3A_156 : i32 to index
        %get3A_788 = arith.constant 1216 : index
        %get3A_789 = tpu.vector_load %arg4[%get3A_786, %get3A_787, %get3A_788] {strides = array<i32>} : memref<2x32x1664xf32, #tpu.memory_space<vmem>>, vector<1x1x16xf32>,
        %get3A_790 = vector.shape_cast %get3A_789 : vector<1x1x16xf32> to vector<16xf32>
        %swap3A_791 = arith.constant 0 : i32
        %swap3A_792 = arith.index_cast %swap3A_791 : i32 to index
        %swap3A_793 = arith.index_cast %add3A_156 : i32 to index
        %swap3A_794 = arith.constant 1216 : index
        %swap3A_795 = tpu.vector_load %arg4[%swap3A_792, %swap3A_793, %swap3A_794] {strides = array<i32>} : memref<2x32x1664xf32, #tpu.memory_space<vmem>>, vector<1x1x16xf32>,
        %swap3A_796 = vector.shape_cast %swap3A_795 : vector<1x1x16xf32> to vector<16xf32>
        %swap3A_797 = vector.shape_cast %get3A_784 : vector<16xf32> to vector<1x1x16xf32>
        tpu.vector_store %arg4[%swap3A_792, %swap3A_793, %swap3A_794], %swap3A_797 {strides = array<i32>} : memref<2x32x1664xf32, #tpu.memory_space<vmem>>, vector<1x1x16xf32>,
        %swap3A_798 = arith.constant 0 : i32
        %swap3A_799 = arith.index_cast %swap3A_798 : i32 to index
        %swap3A_800 = arith.index_cast %add3A_156 : i32 to index
        %swap3A_801 = arith.constant 384 : index
        %swap3A_802 = tpu.vector_load %arg4[%swap3A_799, %swap3A_800, %swap3A_801] {strides = array<i32>} : memref<2x32x1664xf32, #tpu.memory_space<vmem>>, vector<1x1x16xf32>,
        %swap3A_803 = vector.shape_cast %swap3A_802 : vector<1x1x16xf32> to vector<16xf32>
        %swap3A_804 = vector.shape_cast %get3A_790 : vector<16xf32> to vector<1x1x16xf32>
        tpu.vector_store %arg4[%swap3A_799, %swap3A_800, %swap3A_801], %swap3A_804 {strides = array<i32>} : memref<2x32x1664xf32, #tpu.memory_space<vmem>>, vector<1x1x16xf32>,
        %get3A_805 = arith.constant 0 : i32
        %get3A_806 = arith.index_cast %get3A_805 : i32 to index
        %get3A_807 = arith.index_cast %add3A_156 : i32 to index
        %get3A_808 = arith.constant 400 : index
        %get3A_809 = tpu.vector_load %arg4[%get3A_806, %get3A_807, %get3A_808] {strides = array<i32>} : memref<2x32x1664xf32, #tpu.memory_space<vmem>>, vector<1x1x16xf32>,
        %get3A_810 = vector.shape_cast %get3A_809 : vector<1x1x16xf32> to vector<16xf32>
        %get3A_811 = arith.constant 0 : i32
        %get3A_812 = arith.index_cast %get3A_811 : i32 to index
        %get3A_813 = arith.index_cast %add3A_156 : i32 to index
        %get3A_814 = arith.constant 1232 : index
        %get3A_815 = tpu.vector_load %arg4[%get3A_812, %get3A_813, %get3A_814] {strides = array<i32>} : memref<2x32x1664xf32, #tpu.memory_space<vmem>>, vector<1x1x16xf32>,
        %get3A_816 = vector.shape_cast %get3A_815 : vector<1x1x16xf32> to vector<16xf32>
        %swap3A_817 = arith.constant 0 : i32
        %swap3A_818 = arith.index_cast %swap3A_817 : i32 to index
        %swap3A_819 = arith.index_cast %add3A_156 : i32 to index
        %swap3A_820 = arith.constant 1232 : index
        %swap3A_821 = tpu.vector_load %arg4[%swap3A_818, %swap3A_819, %swap3A_820] {strides = array<i32>} : memref<2x32x1664xf32, #tpu.memory_space<vmem>>, vector<1x1x16xf32>,
        %swap3A_822 = vector.shape_cast %swap3A_821 : vector<1x1x16xf32> to vector<16xf32>
        %swap3A_823 = vector.shape_cast %get3A_810 : vector<16xf32> to vector<1x1x16xf32>
        tpu.vector_store %arg4[%swap3A_818, %swap3A_819, %swap3A_820], %swap3A_823 {strides = array<i32>} : memref<2x32x1664xf32, #tpu.memory_space<vmem>>, vector<1x1x16xf32>,
        %swap3A_824 = arith.constant 0 : i32
        %swap3A_825 = arith.index_cast %swap3A_824 : i32 to index
        %swap3A_826 = arith.index_cast %add3A_156 : i32 to index
        %swap3A_827 = arith.constant 400 : index
        %swap3A_828 = tpu.vector_load %arg4[%swap3A_825, %swap3A_826, %swap3A_827] {strides = array<i32>} : memref<2x32x1664xf32, #tpu.memory_space<vmem>>, vector<1x1x16xf32>,
        %swap3A_829 = vector.shape_cast %swap3A_828 : vector<1x1x16xf32> to vector<16xf32>
        %swap3A_830 = vector.shape_cast %get3A_816 : vector<16xf32> to vector<1x1x16xf32>
        tpu.vector_store %arg4[%swap3A_825, %swap3A_826, %swap3A_827], %swap3A_830 {strides = array<i32>} : memref<2x32x1664xf32, #tpu.memory_space<vmem>>, vector<1x1x16xf32>,
        %get3A_831 = arith.constant 0 : i32
        %get3A_832 = arith.index_cast %get3A_831 : i32 to index
        %get3A_833 = arith.index_cast %add3A_156 : i32 to index
        %get3A_834 = arith.constant 416 : index
        %get3A_835 = tpu.vector_load %arg4[%get3A_832, %get3A_833, %get3A_834] {strides = array<i32>} : memref<2x32x1664xf32, #tpu.memory_space<vmem>>, vector<1x1x16xf32>,
        %get3A_836 = vector.shape_cast %get3A_835 : vector<1x1x16xf32> to vector<16xf32>
        %get3A_837 = arith.constant 0 : i32
        %get3A_838 = arith.index_cast %get3A_837 : i32 to index
        %get3A_839 = arith.index_cast %add3A_156 : i32 to index
        %get3A_840 = arith.constant 1248 : index
        %get3A_841 = tpu.vector_load %arg4[%get3A_838, %get3A_839, %get3A_840] {strides = array<i32>} : memref<2x32x1664xf32, #tpu.memory_space<vmem>>, vector<1x1x16xf32>,
        %get3A_842 = vector.shape_cast %get3A_841 : vector<1x1x16xf32> to vector<16xf32>
        %swap3A_843 = arith.constant 0 : i32
        %swap3A_844 = arith.index_cast %swap3A_843 : i32 to index
        %swap3A_845 = arith.index_cast %add3A_156 : i32 to index
        %swap3A_846 = arith.constant 1248 : index
        %swap3A_847 = tpu.vector_load %arg4[%swap3A_844, %swap3A_845, %swap3A_846] {strides = array<i32>} : memref<2x32x1664xf32, #tpu.memory_space<vmem>>, vector<1x1x16xf32>,
        %swap3A_848 = vector.shape_cast %swap3A_847 : vector<1x1x16xf32> to vector<16xf32>
        %swap3A_849 = vector.shape_cast %get3A_836 : vector<16xf32> to vector<1x1x16xf32>
        tpu.vector_store %arg4[%swap3A_844, %swap3A_845, %swap3A_846], %swap3A_849 {strides = array<i32>} : memref<2x32x1664xf32, #tpu.memory_space<vmem>>, vector<1x1x16xf32>,
        %swap3A_850 = arith.constant 0 : i32
        %swap3A_851 = arith.index_cast %swap3A_850 : i32 to index
        %swap3A_852 = arith.index_cast %add3A_156 : i32 to index
        %swap3A_853 = arith.constant 416 : index
        %swap3A_854 = tpu.vector_load %arg4[%swap3A_851, %swap3A_852, %swap3A_853] {strides = array<i32>} : memref<2x32x1664xf32, #tpu.memory_space<vmem>>, vector<1x1x16xf32>,
        %swap3A_855 = vector.shape_cast %swap3A_854 : vector<1x1x16xf32> to vector<16xf32>
        %swap3A_856 = vector.shape_cast %get3A_842 : vector<16xf32> to vector<1x1x16xf32>
        tpu.vector_store %arg4[%swap3A_851, %swap3A_852, %swap3A_853], %swap3A_856 {strides = array<i32>} : memref<2x32x1664xf32, #tpu.memory_space<vmem>>, vector<1x1x16xf32>,
        %get3A_857 = arith.constant 0 : i32
        %get3A_858 = arith.index_cast %get3A_857 : i32 to index
        %get3A_859 = arith.index_cast %add3A_156 : i32 to index
        %get3A_860 = arith.constant 432 : index
        %get3A_861 = tpu.vector_load %arg4[%get3A_858, %get3A_859, %get3A_860] {strides = array<i32>} : memref<2x32x1664xf32, #tpu.memory_space<vmem>>, vector<1x1x16xf32>,
        %get3A_862 = vector.shape_cast %get3A_861 : vector<1x1x16xf32> to vector<16xf32>
        %get3A_863 = arith.constant 0 : i32
        %get3A_864 = arith.index_cast %get3A_863 : i32 to index
        %get3A_865 = arith.index_cast %add3A_156 : i32 to index
        %get3A_866 = arith.constant 1264 : index
        %get3A_867 = tpu.vector_load %arg4[%get3A_864, %get3A_865, %get3A_866] {strides = array<i32>} : memref<2x32x1664xf32, #tpu.memory_space<vmem>>, vector<1x1x16xf32>,
        %get3A_868 = vector.shape_cast %get3A_867 : vector<1x1x16xf32> to vector<16xf32>
        %swap3A_869 = arith.constant 0 : i32
        %swap3A_870 = arith.index_cast %swap3A_869 : i32 to index
        %swap3A_871 = arith.index_cast %add3A_156 : i32 to index
        %swap3A_872 = arith.constant 1264 : index
        %swap3A_873 = tpu.vector_load %arg4[%swap3A_870, %swap3A_871, %swap3A_872] {strides = array<i32>} : memref<2x32x1664xf32, #tpu.memory_space<vmem>>, vector<1x1x16xf32>,
        %swap3A_874 = vector.shape_cast %swap3A_873 : vector<1x1x16xf32> to vector<16xf32>
        %swap3A_875 = vector.shape_cast %get3A_862 : vector<16xf32> to vector<1x1x16xf32>
        tpu.vector_store %arg4[%swap3A_870, %swap3A_871, %swap3A_872], %swap3A_875 {strides = array<i32>} : memref<2x32x1664xf32, #tpu.memory_space<vmem>>, vector<1x1x16xf32>,
        %swap3A_876 = arith.constant 0 : i32
        %swap3A_877 = arith.index_cast %swap3A_876 : i32 to index
        %swap3A_878 = arith.index_cast %add3A_156 : i32 to index
        %swap3A_879 = arith.constant 432 : index
        %swap3A_880 = tpu.vector_load %arg4[%swap3A_877, %swap3A_878, %swap3A_879] {strides = array<i32>} : memref<2x32x1664xf32, #tpu.memory_space<vmem>>, vector<1x1x16xf32>,
        %swap3A_881 = vector.shape_cast %swap3A_880 : vector<1x1x16xf32> to vector<16xf32>
        %swap3A_882 = vector.shape_cast %get3A_868 : vector<16xf32> to vector<1x1x16xf32>
        tpu.vector_store %arg4[%swap3A_877, %swap3A_878, %swap3A_879], %swap3A_882 {strides = array<i32>} : memref<2x32x1664xf32, #tpu.memory_space<vmem>>, vector<1x1x16xf32>,
        %get3A_883 = arith.constant 0 : i32
        %get3A_884 = arith.index_cast %get3A_883 : i32 to index
        %get3A_885 = arith.index_cast %add3A_156 : i32 to index
        %get3A_886 = arith.constant 448 : index
        %get3A_887 = tpu.vector_load %arg4[%get3A_884, %get3A_885, %get3A_886] {strides = array<i32>} : memref<2x32x1664xf32, #tpu.memory_space<vmem>>, vector<1x1x16xf32>,
        %get3A_888 = vector.shape_cast %get3A_887 : vector<1x1x16xf32> to vector<16xf32>
        %get3A_889 = arith.constant 0 : i32
        %get3A_890 = arith.index_cast %get3A_889 : i32 to index
        %get3A_891 = arith.index_cast %add3A_156 : i32 to index
        %get3A_892 = arith.constant 1152 : index
        %get3A_893 = tpu.vector_load %arg4[%get3A_890, %get3A_891, %get3A_892] {strides = array<i32>} : memref<2x32x1664xf32, #tpu.memory_space<vmem>>, vector<1x1x16xf32>,
        %get3A_894 = vector.shape_cast %get3A_893 : vector<1x1x16xf32> to vector<16xf32>
        %swap3A_895 = arith.constant 0 : i32
        %swap3A_896 = arith.index_cast %swap3A_895 : i32 to index
        %swap3A_897 = arith.index_cast %add3A_156 : i32 to index
        %swap3A_898 = arith.constant 1152 : index
        %swap3A_899 = tpu.vector_load %arg4[%swap3A_896, %swap3A_897, %swap3A_898] {strides = array<i32>} : memref<2x32x1664xf32, #tpu.memory_space<vmem>>, vector<1x1x16xf32>,
        %swap3A_900 = vector.shape_cast %swap3A_899 : vector<1x1x16xf32> to vector<16xf32>
        %swap3A_901 = vector.shape_cast %get3A_888 : vector<16xf32> to vector<1x1x16xf32>
        tpu.vector_store %arg4[%swap3A_896, %swap3A_897, %swap3A_898], %swap3A_901 {strides = array<i32>} : memref<2x32x1664xf32, #tpu.memory_space<vmem>>, vector<1x1x16xf32>,
        %swap3A_902 = arith.constant 0 : i32
        %swap3A_903 = arith.index_cast %swap3A_902 : i32 to index
        %swap3A_904 = arith.index_cast %add3A_156 : i32 to index
        %swap3A_905 = arith.constant 448 : index
        %swap3A_906 = tpu.vector_load %arg4[%swap3A_903, %swap3A_904, %swap3A_905] {strides = array<i32>} : memref<2x32x1664xf32, #tpu.memory_space<vmem>>, vector<1x1x16xf32>,
        %swap3A_907 = vector.shape_cast %swap3A_906 : vector<1x1x16xf32> to vector<16xf32>
        %swap3A_908 = vector.shape_cast %get3A_894 : vector<16xf32> to vector<1x1x16xf32>
        tpu.vector_store %arg4[%swap3A_903, %swap3A_904, %swap3A_905], %swap3A_908 {strides = array<i32>} : memref<2x32x1664xf32, #tpu.memory_space<vmem>>, vector<1x1x16xf32>,
        %get3A_909 = arith.constant 0 : i32
        %get3A_910 = arith.index_cast %get3A_909 : i32 to index
        %get3A_911 = arith.index_cast %add3A_156 : i32 to index
        %get3A_912 = arith.constant 464 : index
        %get3A_913 = tpu.vector_load %arg4[%get3A_910, %get3A_911, %get3A_912] {strides = array<i32>} : memref<2x32x1664xf32, #tpu.memory_space<vmem>>, vector<1x1x16xf32>,
        %get3A_914 = vector.shape_cast %get3A_913 : vector<1x1x16xf32> to vector<16xf32>
        %get3A_915 = arith.constant 0 : i32
        %get3A_916 = arith.index_cast %get3A_915 : i32 to index
        %get3A_917 = arith.index_cast %add3A_156 : i32 to index
        %get3A_918 = arith.constant 1168 : index
        %get3A_919 = tpu.vector_load %arg4[%get3A_916, %get3A_917, %get3A_918] {strides = array<i32>} : memref<2x32x1664xf32, #tpu.memory_space<vmem>>, vector<1x1x16xf32>,
        %get3A_920 = vector.shape_cast %get3A_919 : vector<1x1x16xf32> to vector<16xf32>
        %swap3A_921 = arith.constant 0 : i32
        %swap3A_922 = arith.index_cast %swap3A_921 : i32 to index
        %swap3A_923 = arith.index_cast %add3A_156 : i32 to index
        %swap3A_924 = arith.constant 1168 : index
        %swap3A_925 = tpu.vector_load %arg4[%swap3A_922, %swap3A_923, %swap3A_924] {strides = array<i32>} : memref<2x32x1664xf32, #tpu.memory_space<vmem>>, vector<1x1x16xf32>,
        %swap3A_926 = vector.shape_cast %swap3A_925 : vector<1x1x16xf32> to vector<16xf32>
        %swap3A_927 = vector.shape_cast %get3A_914 : vector<16xf32> to vector<1x1x16xf32>
        tpu.vector_store %arg4[%swap3A_922, %swap3A_923, %swap3A_924], %swap3A_927 {strides = array<i32>} : memref<2x32x1664xf32, #tpu.memory_space<vmem>>, vector<1x1x16xf32>,
        %swap3A_928 = arith.constant 0 : i32
        %swap3A_929 = arith.index_cast %swap3A_928 : i32 to index
        %swap3A_930 = arith.index_cast %add3A_156 : i32 to index
        %swap3A_931 = arith.constant 464 : index
        %swap3A_932 = tpu.vector_load %arg4[%swap3A_929, %swap3A_930, %swap3A_931] {strides = array<i32>} : memref<2x32x1664xf32, #tpu.memory_space<vmem>>, vector<1x1x16xf32>,
        %swap3A_933 = vector.shape_cast %swap3A_932 : vector<1x1x16xf32> to vector<16xf32>
        %swap3A_934 = vector.shape_cast %get3A_920 : vector<16xf32> to vector<1x1x16xf32>
        tpu.vector_store %arg4[%swap3A_929, %swap3A_930, %swap3A_931], %swap3A_934 {strides = array<i32>} : memref<2x32x1664xf32, #tpu.memory_space<vmem>>, vector<1x1x16xf32>,
        %get3A_935 = arith.constant 0 : i32
        %get3A_936 = arith.index_cast %get3A_935 : i32 to index
        %get3A_937 = arith.index_cast %add3A_156 : i32 to index
        %get3A_938 = arith.constant 480 : index
        %get3A_939 = tpu.vector_load %arg4[%get3A_936, %get3A_937, %get3A_938] {strides = array<i32>} : memref<2x32x1664xf32, #tpu.memory_space<vmem>>, vector<1x1x16xf32>,
        %get3A_940 = vector.shape_cast %get3A_939 : vector<1x1x16xf32> to vector<16xf32>
        %get3A_941 = arith.constant 0 : i32
        %get3A_942 = arith.index_cast %get3A_941 : i32 to index
        %get3A_943 = arith.index_cast %add3A_156 : i32 to index
        %get3A_944 = arith.constant 1184 : index
        %get3A_945 = tpu.vector_load %arg4[%get3A_942, %get3A_943, %get3A_944] {strides = array<i32>} : memref<2x32x1664xf32, #tpu.memory_space<vmem>>, vector<1x1x16xf32>,
        %get3A_946 = vector.shape_cast %get3A_945 : vector<1x1x16xf32> to vector<16xf32>
        %swap3A_947 = arith.constant 0 : i32
        %swap3A_948 = arith.index_cast %swap3A_947 : i32 to index
        %swap3A_949 = arith.index_cast %add3A_156 : i32 to index
        %swap3A_950 = arith.constant 1184 : index
        %swap3A_951 = tpu.vector_load %arg4[%swap3A_948, %swap3A_949, %swap3A_950] {strides = array<i32>} : memref<2x32x1664xf32, #tpu.memory_space<vmem>>, vector<1x1x16xf32>,
        %swap3A_952 = vector.shape_cast %swap3A_951 : vector<1x1x16xf32> to vector<16xf32>
        %swap3A_953 = vector.shape_cast %get3A_940 : vector<16xf32> to vector<1x1x16xf32>
        tpu.vector_store %arg4[%swap3A_948, %swap3A_949, %swap3A_950], %swap3A_953 {strides = array<i32>} : memref<2x32x1664xf32, #tpu.memory_space<vmem>>, vector<1x1x16xf32>,
        %swap3A_954 = arith.constant 0 : i32
        %swap3A_955 = arith.index_cast %swap3A_954 : i32 to index
        %swap3A_956 = arith.index_cast %add3A_156 : i32 to index
        %swap3A_957 = arith.constant 480 : index
        %swap3A_958 = tpu.vector_load %arg4[%swap3A_955, %swap3A_956, %swap3A_957] {strides = array<i32>} : memref<2x32x1664xf32, #tpu.memory_space<vmem>>, vector<1x1x16xf32>,
        %swap3A_959 = vector.shape_cast %swap3A_958 : vector<1x1x16xf32> to vector<16xf32>
        %swap3A_960 = vector.shape_cast %get3A_946 : vector<16xf32> to vector<1x1x16xf32>
        tpu.vector_store %arg4[%swap3A_955, %swap3A_956, %swap3A_957], %swap3A_960 {strides = array<i32>} : memref<2x32x1664xf32, #tpu.memory_space<vmem>>, vector<1x1x16xf32>,
        %get3A_961 = arith.constant 0 : i32
        %get3A_962 = arith.index_cast %get3A_961 : i32 to index
        %get3A_963 = arith.index_cast %add3A_156 : i32 to index
        %get3A_964 = arith.constant 496 : index
        %get3A_965 = tpu.vector_load %arg4[%get3A_962, %get3A_963, %get3A_964] {strides = array<i32>} : memref<2x32x1664xf32, #tpu.memory_space<vmem>>, vector<1x1x16xf32>,
        %get3A_966 = vector.shape_cast %get3A_965 : vector<1x1x16xf32> to vector<16xf32>
        %get3A_967 = arith.constant 0 : i32
        %get3A_968 = arith.index_cast %get3A_967 : i32 to index
        %get3A_969 = arith.index_cast %add3A_156 : i32 to index
        %get3A_970 = arith.constant 1200 : index
        %get3A_971 = tpu.vector_load %arg4[%get3A_968, %get3A_969, %get3A_970] {strides = array<i32>} : memref<2x32x1664xf32, #tpu.memory_space<vmem>>, vector<1x1x16xf32>,
        %get3A_972 = vector.shape_cast %get3A_971 : vector<1x1x16xf32> to vector<16xf32>
        %swap3A_973 = arith.constant 0 : i32
        %swap3A_974 = arith.index_cast %swap3A_973 : i32 to index
        %swap3A_975 = arith.index_cast %add3A_156 : i32 to index
        %swap3A_976 = arith.constant 1200 : index
        %swap3A_977 = tpu.vector_load %arg4[%swap3A_974, %swap3A_975, %swap3A_976] {strides = array<i32>} : memref<2x32x1664xf32, #tpu.memory_space<vmem>>, vector<1x1x16xf32>,
        %swap3A_978 = vector.shape_cast %swap3A_977 : vector<1x1x16xf32> to vector<16xf32>
        %swap3A_979 = vector.shape_cast %get3A_966 : vector<16xf32> to vector<1x1x16xf32>
        tpu.vector_store %arg4[%swap3A_974, %swap3A_975, %swap3A_976], %swap3A_979 {strides = array<i32>} : memref<2x32x1664xf32, #tpu.memory_space<vmem>>, vector<1x1x16xf32>,
        %swap3A_980 = arith.constant 0 : i32
        %swap3A_981 = arith.index_cast %swap3A_980 : i32 to index
        %swap3A_982 = arith.index_cast %add3A_156 : i32 to index
        %swap3A_983 = arith.constant 496 : index
        %swap3A_984 = tpu.vector_load %arg4[%swap3A_981, %swap3A_982, %swap3A_983] {strides = array<i32>} : memref<2x32x1664xf32, #tpu.memory_space<vmem>>, vector<1x1x16xf32>,
        %swap3A_985 = vector.shape_cast %swap3A_984 : vector<1x1x16xf32> to vector<16xf32>
        %swap3A_986 = vector.shape_cast %get3A_972 : vector<16xf32> to vector<1x1x16xf32>
        tpu.vector_store %arg4[%swap3A_981, %swap3A_982, %swap3A_983], %swap3A_986 {strides = array<i32>} : memref<2x32x1664xf32, #tpu.memory_space<vmem>>, vector<1x1x16xf32>,
        %get3A_987 = arith.constant 0 : i32
        %get3A_988 = arith.index_cast %get3A_987 : i32 to index
        %get3A_989 = arith.index_cast %add3A_156 : i32 to index
        %get3A_990 = arith.constant 512 : index
        %get3A_991 = tpu.vector_load %arg4[%get3A_988, %get3A_989, %get3A_990] {strides = array<i32>} : memref<2x32x1664xf32, #tpu.memory_space<vmem>>, vector<1x1x16xf32>,
        %get3A_992 = vector.shape_cast %get3A_991 : vector<1x1x16xf32> to vector<16xf32>
        %get3A_993 = arith.constant 0 : i32
        %get3A_994 = arith.index_cast %get3A_993 : i32 to index
        %get3A_995 = arith.index_cast %add3A_156 : i32 to index
        %get3A_996 = arith.constant 1088 : index
        %get3A_997 = tpu.vector_load %arg4[%get3A_994, %get3A_995, %get3A_996] {strides = array<i32>} : memref<2x32x1664xf32, #tpu.memory_space<vmem>>, vector<1x1x16xf32>,
        %get3A_998 = vector.shape_cast %get3A_997 : vector<1x1x16xf32> to vector<16xf32>
        %swap3A_999 = arith.constant 0 : i32
        %swap3A_1000 = arith.index_cast %swap3A_999 : i32 to index
        %swap3A_1001 = arith.index_cast %add3A_156 : i32 to index
        %swap3A_1002 = arith.constant 1088 : index
        %swap3A_1003 = tpu.vector_load %arg4[%swap3A_1000, %swap3A_1001, %swap3A_1002] {strides = array<i32>} : memref<2x32x1664xf32, #tpu.memory_space<vmem>>, vector<1x1x16xf32>,
        %swap3A_1004 = vector.shape_cast %swap3A_1003 : vector<1x1x16xf32> to vector<16xf32>
        %swap3A_1005 = vector.shape_cast %get3A_992 : vector<16xf32> to vector<1x1x16xf32>
        tpu.vector_store %arg4[%swap3A_1000, %swap3A_1001, %swap3A_1002], %swap3A_1005 {strides = array<i32>} : memref<2x32x1664xf32, #tpu.memory_space<vmem>>, vector<1x1x16xf32>,
        %swap3A_1006 = arith.constant 0 : i32
        %swap3A_1007 = arith.index_cast %swap3A_1006 : i32 to index
        %swap3A_1008 = arith.index_cast %add3A_156 : i32 to index
        %swap3A_1009 = arith.constant 512 : index
        %swap3A_1010 = tpu.vector_load %arg4[%swap3A_1007, %swap3A_1008, %swap3A_1009] {strides = array<i32>} : memref<2x32x1664xf32, #tpu.memory_space<vmem>>, vector<1x1x16xf32>,
        %swap3A_1011 = vector.shape_cast %swap3A_1010 : vector<1x1x16xf32> to vector<16xf32>
        %swap3A_1012 = vector.shape_cast %get3A_998 : vector<16xf32> to vector<1x1x16xf32>
        tpu.vector_store %arg4[%swap3A_1007, %swap3A_1008, %swap3A_1009], %swap3A_1012 {strides = array<i32>} : memref<2x32x1664xf32, #tpu.memory_space<vmem>>, vector<1x1x16xf32>,
        %get3A_1013 = arith.constant 0 : i32
        %get3A_1014 = arith.index_cast %get3A_1013 : i32 to index
        %get3A_1015 = arith.index_cast %add3A_156 : i32 to index
        %get3A_1016 = arith.constant 528 : index
        %get3A_1017 = tpu.vector_load %arg4[%get3A_1014, %get3A_1015, %get3A_1016] {strides = array<i32>} : memref<2x32x1664xf32, #tpu.memory_space<vmem>>, vector<1x1x16xf32>,
        %get3A_1018 = vector.shape_cast %get3A_1017 : vector<1x1x16xf32> to vector<16xf32>
        %get3A_1019 = arith.constant 0 : i32
        %get3A_1020 = arith.index_cast %get3A_1019 : i32 to index
        %get3A_1021 = arith.index_cast %add3A_156 : i32 to index
        %get3A_1022 = arith.constant 1104 : index
        %get3A_1023 = tpu.vector_load %arg4[%get3A_1020, %get3A_1021, %get3A_1022] {strides = array<i32>} : memref<2x32x1664xf32, #tpu.memory_space<vmem>>, vector<1x1x16xf32>,
        %get3A_1024 = vector.shape_cast %get3A_1023 : vector<1x1x16xf32> to vector<16xf32>
        %swap3A_1025 = arith.constant 0 : i32
        %swap3A_1026 = arith.index_cast %swap3A_1025 : i32 to index
        %swap3A_1027 = arith.index_cast %add3A_156 : i32 to index
        %swap3A_1028 = arith.constant 1104 : index
        %swap3A_1029 = tpu.vector_load %arg4[%swap3A_1026, %swap3A_1027, %swap3A_1028] {strides = array<i32>} : memref<2x32x1664xf32, #tpu.memory_space<vmem>>, vector<1x1x16xf32>,
        %swap3A_1030 = vector.shape_cast %swap3A_1029 : vector<1x1x16xf32> to vector<16xf32>
        %swap3A_1031 = vector.shape_cast %get3A_1018 : vector<16xf32> to vector<1x1x16xf32>
        tpu.vector_store %arg4[%swap3A_1026, %swap3A_1027, %swap3A_1028], %swap3A_1031 {strides = array<i32>} : memref<2x32x1664xf32, #tpu.memory_space<vmem>>, vector<1x1x16xf32>,
        %swap3A_1032 = arith.constant 0 : i32
        %swap3A_1033 = arith.index_cast %swap3A_1032 : i32 to index
        %swap3A_1034 = arith.index_cast %add3A_156 : i32 to index
        %swap3A_1035 = arith.constant 528 : index
        %swap3A_1036 = tpu.vector_load %arg4[%swap3A_1033, %swap3A_1034, %swap3A_1035] {strides = array<i32>} : memref<2x32x1664xf32, #tpu.memory_space<vmem>>, vector<1x1x16xf32>,
        %swap3A_1037 = vector.shape_cast %swap3A_1036 : vector<1x1x16xf32> to vector<16xf32>
        %swap3A_1038 = vector.shape_cast %get3A_1024 : vector<16xf32> to vector<1x1x16xf32>
        tpu.vector_store %arg4[%swap3A_1033, %swap3A_1034, %swap3A_1035], %swap3A_1038 {strides = array<i32>} : memref<2x32x1664xf32, #tpu.memory_space<vmem>>, vector<1x1x16xf32>,
        %get3A_1039 = arith.constant 0 : i32
        %get3A_1040 = arith.index_cast %get3A_1039 : i32 to index
        %get3A_1041 = arith.index_cast %add3A_156 : i32 to index
        %get3A_1042 = arith.constant 544 : index
        %get3A_1043 = tpu.vector_load %arg4[%get3A_1040, %get3A_1041, %get3A_1042] {strides = array<i32>} : memref<2x32x1664xf32, #tpu.memory_space<vmem>>, vector<1x1x16xf32>,
        %get3A_1044 = vector.shape_cast %get3A_1043 : vector<1x1x16xf32> to vector<16xf32>
        %get3A_1045 = arith.constant 0 : i32
        %get3A_1046 = arith.index_cast %get3A_1045 : i32 to index
        %get3A_1047 = arith.index_cast %add3A_156 : i32 to index
        %get3A_1048 = arith.constant 1120 : index
        %get3A_1049 = tpu.vector_load %arg4[%get3A_1046, %get3A_1047, %get3A_1048] {strides = array<i32>} : memref<2x32x1664xf32, #tpu.memory_space<vmem>>, vector<1x1x16xf32>,
        %get3A_1050 = vector.shape_cast %get3A_1049 : vector<1x1x16xf32> to vector<16xf32>
        %swap3A_1051 = arith.constant 0 : i32
        %swap3A_1052 = arith.index_cast %swap3A_1051 : i32 to index
        %swap3A_1053 = arith.index_cast %add3A_156 : i32 to index
        %swap3A_1054 = arith.constant 1120 : index
        %swap3A_1055 = tpu.vector_load %arg4[%swap3A_1052, %swap3A_1053, %swap3A_1054] {strides = array<i32>} : memref<2x32x1664xf32, #tpu.memory_space<vmem>>, vector<1x1x16xf32>,
        %swap3A_1056 = vector.shape_cast %swap3A_1055 : vector<1x1x16xf32> to vector<16xf32>
        %swap3A_1057 = vector.shape_cast %get3A_1044 : vector<16xf32> to vector<1x1x16xf32>
        tpu.vector_store %arg4[%swap3A_1052, %swap3A_1053, %swap3A_1054], %swap3A_1057 {strides = array<i32>} : memref<2x32x1664xf32, #tpu.memory_space<vmem>>, vector<1x1x16xf32>,
        %swap3A_1058 = arith.constant 0 : i32
        %swap3A_1059 = arith.index_cast %swap3A_1058 : i32 to index
        %swap3A_1060 = arith.index_cast %add3A_156 : i32 to index
        %swap3A_1061 = arith.constant 544 : index
        %swap3A_1062 = tpu.vector_load %arg4[%swap3A_1059, %swap3A_1060, %swap3A_1061] {strides = array<i32>} : memref<2x32x1664xf32, #tpu.memory_space<vmem>>, vector<1x1x16xf32>,
        %swap3A_1063 = vector.shape_cast %swap3A_1062 : vector<1x1x16xf32> to vector<16xf32>
        %swap3A_1064 = vector.shape_cast %get3A_1050 : vector<16xf32> to vector<1x1x16xf32>
        tpu.vector_store %arg4[%swap3A_1059, %swap3A_1060, %swap3A_1061], %swap3A_1064 {strides = array<i32>} : memref<2x32x1664xf32, #tpu.memory_space<vmem>>, vector<1x1x16xf32>,
        %get3A_1065 = arith.constant 0 : i32
        %get3A_1066 = arith.index_cast %get3A_1065 : i32 to index
        %get3A_1067 = arith.index_cast %add3A_156 : i32 to index
        %get3A_1068 = arith.constant 560 : index
        %get3A_1069 = tpu.vector_load %arg4[%get3A_1066, %get3A_1067, %get3A_1068] {strides = array<i32>} : memref<2x32x1664xf32, #tpu.memory_space<vmem>>, vector<1x1x16xf32>,
        %get3A_1070 = vector.shape_cast %get3A_1069 : vector<1x1x16xf32> to vector<16xf32>
        %get3A_1071 = arith.constant 0 : i32
        %get3A_1072 = arith.index_cast %get3A_1071 : i32 to index
        %get3A_1073 = arith.index_cast %add3A_156 : i32 to index
        %get3A_1074 = arith.constant 1136 : index
        %get3A_1075 = tpu.vector_load %arg4[%get3A_1072, %get3A_1073, %get3A_1074] {strides = array<i32>} : memref<2x32x1664xf32, #tpu.memory_space<vmem>>, vector<1x1x16xf32>,
        %get3A_1076 = vector.shape_cast %get3A_1075 : vector<1x1x16xf32> to vector<16xf32>
        %swap3A_1077 = arith.constant 0 : i32
        %swap3A_1078 = arith.index_cast %swap3A_1077 : i32 to index
        %swap3A_1079 = arith.index_cast %add3A_156 : i32 to index
        %swap3A_1080 = arith.constant 1136 : index
        %swap3A_1081 = tpu.vector_load %arg4[%swap3A_1078, %swap3A_1079, %swap3A_1080] {strides = array<i32>} : memref<2x32x1664xf32, #tpu.memory_space<vmem>>, vector<1x1x16xf32>,
        %swap3A_1082 = vector.shape_cast %swap3A_1081 : vector<1x1x16xf32> to vector<16xf32>
        %swap3A_1083 = vector.shape_cast %get3A_1070 : vector<16xf32> to vector<1x1x16xf32>
        tpu.vector_store %arg4[%swap3A_1078, %swap3A_1079, %swap3A_1080], %swap3A_1083 {strides = array<i32>} : memref<2x32x1664xf32, #tpu.memory_space<vmem>>, vector<1x1x16xf32>,
        %swap3A_1084 = arith.constant 0 : i32
        %swap3A_1085 = arith.index_cast %swap3A_1084 : i32 to index
        %swap3A_1086 = arith.index_cast %add3A_156 : i32 to index
        %swap3A_1087 = arith.constant 560 : index
        %swap3A_1088 = tpu.vector_load %arg4[%swap3A_1085, %swap3A_1086, %swap3A_1087] {strides = array<i32>} : memref<2x32x1664xf32, #tpu.memory_space<vmem>>, vector<1x1x16xf32>,
        %swap3A_1089 = vector.shape_cast %swap3A_1088 : vector<1x1x16xf32> to vector<16xf32>
        %swap3A_1090 = vector.shape_cast %get3A_1076 : vector<16xf32> to vector<1x1x16xf32>
        tpu.vector_store %arg4[%swap3A_1085, %swap3A_1086, %swap3A_1087], %swap3A_1090 {strides = array<i32>} : memref<2x32x1664xf32, #tpu.memory_space<vmem>>, vector<1x1x16xf32>,
        %get3A_1091 = arith.constant 0 : i32
        %get3A_1092 = arith.index_cast %get3A_1091 : i32 to index
        %get3A_1093 = arith.index_cast %add3A_156 : i32 to index
        %get3A_1094 = arith.constant 576 : index
        %get3A_1095 = tpu.vector_load %arg4[%get3A_1092, %get3A_1093, %get3A_1094] {strides = array<i32>} : memref<2x32x1664xf32, #tpu.memory_space<vmem>>, vector<1x1x16xf32>,
        %get3A_1096 = vector.shape_cast %get3A_1095 : vector<1x1x16xf32> to vector<16xf32>
        %get3A_1097 = arith.constant 0 : i32
        %get3A_1098 = arith.index_cast %get3A_1097 : i32 to index
        %get3A_1099 = arith.index_cast %add3A_156 : i32 to index
        %get3A_1100 = arith.constant 1024 : index
        %get3A_1101 = tpu.vector_load %arg4[%get3A_1098, %get3A_1099, %get3A_1100] {strides = array<i32>} : memref<2x32x1664xf32, #tpu.memory_space<vmem>>, vector<1x1x16xf32>,
        %get3A_1102 = vector.shape_cast %get3A_1101 : vector<1x1x16xf32> to vector<16xf32>
        %swap3A_1103 = arith.constant 0 : i32
        %swap3A_1104 = arith.index_cast %swap3A_1103 : i32 to index
        %swap3A_1105 = arith.index_cast %add3A_156 : i32 to index
        %swap3A_1106 = arith.constant 1024 : index
        %swap3A_1107 = tpu.vector_load %arg4[%swap3A_1104, %swap3A_1105, %swap3A_1106] {strides = array<i32>} : memref<2x32x1664xf32, #tpu.memory_space<vmem>>, vector<1x1x16xf32>,
        %swap3A_1108 = vector.shape_cast %swap3A_1107 : vector<1x1x16xf32> to vector<16xf32>
        %swap3A_1109 = vector.shape_cast %get3A_1096 : vector<16xf32> to vector<1x1x16xf32>
        tpu.vector_store %arg4[%swap3A_1104, %swap3A_1105, %swap3A_1106], %swap3A_1109 {strides = array<i32>} : memref<2x32x1664xf32, #tpu.memory_space<vmem>>, vector<1x1x16xf32>,
        %swap3A_1110 = arith.constant 0 : i32
        %swap3A_1111 = arith.index_cast %swap3A_1110 : i32 to index
        %swap3A_1112 = arith.index_cast %add3A_156 : i32 to index
        %swap3A_1113 = arith.constant 576 : index
        %swap3A_1114 = tpu.vector_load %arg4[%swap3A_1111, %swap3A_1112, %swap3A_1113] {strides = array<i32>} : memref<2x32x1664xf32, #tpu.memory_space<vmem>>, vector<1x1x16xf32>,
        %swap3A_1115 = vector.shape_cast %swap3A_1114 : vector<1x1x16xf32> to vector<16xf32>
        %swap3A_1116 = vector.shape_cast %get3A_1102 : vector<16xf32> to vector<1x1x16xf32>
        tpu.vector_store %arg4[%swap3A_1111, %swap3A_1112, %swap3A_1113], %swap3A_1116 {strides = array<i32>} : memref<2x32x1664xf32, #tpu.memory_space<vmem>>, vector<1x1x16xf32>,
        %get3A_1117 = arith.constant 0 : i32
        %get3A_1118 = arith.index_cast %get3A_1117 : i32 to index
        %get3A_1119 = arith.index_cast %add3A_156 : i32 to index
        %get3A_1120 = arith.constant 592 : index
        %get3A_1121 = tpu.vector_load %arg4[%get3A_1118, %get3A_1119, %get3A_1120] {strides = array<i32>} : memref<2x32x1664xf32, #tpu.memory_space<vmem>>, vector<1x1x16xf32>,
        %get3A_1122 = vector.shape_cast %get3A_1121 : vector<1x1x16xf32> to vector<16xf32>
        %get3A_1123 = arith.constant 0 : i32
        %get3A_1124 = arith.index_cast %get3A_1123 : i32 to index
        %get3A_1125 = arith.index_cast %add3A_156 : i32 to index
        %get3A_1126 = arith.constant 1040 : index
        %get3A_1127 = tpu.vector_load %arg4[%get3A_1124, %get3A_1125, %get3A_1126] {strides = array<i32>} : memref<2x32x1664xf32, #tpu.memory_space<vmem>>, vector<1x1x16xf32>,
        %get3A_1128 = vector.shape_cast %get3A_1127 : vector<1x1x16xf32> to vector<16xf32>
        %swap3A_1129 = arith.constant 0 : i32
        %swap3A_1130 = arith.index_cast %swap3A_1129 : i32 to index
        %swap3A_1131 = arith.index_cast %add3A_156 : i32 to index
        %swap3A_1132 = arith.constant 1040 : index
        %swap3A_1133 = tpu.vector_load %arg4[%swap3A_1130, %swap3A_1131, %swap3A_1132] {strides = array<i32>} : memref<2x32x1664xf32, #tpu.memory_space<vmem>>, vector<1x1x16xf32>,
        %swap3A_1134 = vector.shape_cast %swap3A_1133 : vector<1x1x16xf32> to vector<16xf32>
        %swap3A_1135 = vector.shape_cast %get3A_1122 : vector<16xf32> to vector<1x1x16xf32>
        tpu.vector_store %arg4[%swap3A_1130, %swap3A_1131, %swap3A_1132], %swap3A_1135 {strides = array<i32>} : memref<2x32x1664xf32, #tpu.memory_space<vmem>>, vector<1x1x16xf32>,
        %swap3A_1136 = arith.constant 0 : i32
        %swap3A_1137 = arith.index_cast %swap3A_1136 : i32 to index
        %swap3A_1138 = arith.index_cast %add3A_156 : i32 to index
        %swap3A_1139 = arith.constant 592 : index
        %swap3A_1140 = tpu.vector_load %arg4[%swap3A_1137, %swap3A_1138, %swap3A_1139] {strides = array<i32>} : memref<2x32x1664xf32, #tpu.memory_space<vmem>>, vector<1x1x16xf32>,
        %swap3A_1141 = vector.shape_cast %swap3A_1140 : vector<1x1x16xf32> to vector<16xf32>
        %swap3A_1142 = vector.shape_cast %get3A_1128 : vector<16xf32> to vector<1x1x16xf32>
        tpu.vector_store %arg4[%swap3A_1137, %swap3A_1138, %swap3A_1139], %swap3A_1142 {strides = array<i32>} : memref<2x32x1664xf32, #tpu.memory_space<vmem>>, vector<1x1x16xf32>,
        %get3A_1143 = arith.constant 0 : i32
        %get3A_1144 = arith.index_cast %get3A_1143 : i32 to index
        %get3A_1145 = arith.index_cast %add3A_156 : i32 to index
        %get3A_1146 = arith.constant 608 : index
        %get3A_1147 = tpu.vector_load %arg4[%get3A_1144, %get3A_1145, %get3A_1146] {strides = array<i32>} : memref<2x32x1664xf32, #tpu.memory_space<vmem>>, vector<1x1x16xf32>,
        %get3A_1148 = vector.shape_cast %get3A_1147 : vector<1x1x16xf32> to vector<16xf32>
        %get3A_1149 = arith.constant 0 : i32
        %get3A_1150 = arith.index_cast %get3A_1149 : i32 to index
        %get3A_1151 = arith.index_cast %add3A_156 : i32 to index
        %get3A_1152 = arith.constant 1056 : index
        %get3A_1153 = tpu.vector_load %arg4[%get3A_1150, %get3A_1151, %get3A_1152] {strides = array<i32>} : memref<2x32x1664xf32, #tpu.memory_space<vmem>>, vector<1x1x16xf32>,
        %get3A_1154 = vector.shape_cast %get3A_1153 : vector<1x1x16xf32> to vector<16xf32>
        %swap3A_1155 = arith.constant 0 : i32
        %swap3A_1156 = arith.index_cast %swap3A_1155 : i32 to index
        %swap3A_1157 = arith.index_cast %add3A_156 : i32 to index
        %swap3A_1158 = arith.constant 1056 : index
        %swap3A_1159 = tpu.vector_load %arg4[%swap3A_1156, %swap3A_1157, %swap3A_1158] {strides = array<i32>} : memref<2x32x1664xf32, #tpu.memory_space<vmem>>, vector<1x1x16xf32>,
        %swap3A_1160 = vector.shape_cast %swap3A_1159 : vector<1x1x16xf32> to vector<16xf32>
        %swap3A_1161 = vector.shape_cast %get3A_1148 : vector<16xf32> to vector<1x1x16xf32>
        tpu.vector_store %arg4[%swap3A_1156, %swap3A_1157, %swap3A_1158], %swap3A_1161 {strides = array<i32>} : memref<2x32x1664xf32, #tpu.memory_space<vmem>>, vector<1x1x16xf32>,
        %swap3A_1162 = arith.constant 0 : i32
        %swap3A_1163 = arith.index_cast %swap3A_1162 : i32 to index
        %swap3A_1164 = arith.index_cast %add3A_156 : i32 to index
        %swap3A_1165 = arith.constant 608 : index
        %swap3A_1166 = tpu.vector_load %arg4[%swap3A_1163, %swap3A_1164, %swap3A_1165] {strides = array<i32>} : memref<2x32x1664xf32, #tpu.memory_space<vmem>>, vector<1x1x16xf32>,
        %swap3A_1167 = vector.shape_cast %swap3A_1166 : vector<1x1x16xf32> to vector<16xf32>
        %swap3A_1168 = vector.shape_cast %get3A_1154 : vector<16xf32> to vector<1x1x16xf32>
        tpu.vector_store %arg4[%swap3A_1163, %swap3A_1164, %swap3A_1165], %swap3A_1168 {strides = array<i32>} : memref<2x32x1664xf32, #tpu.memory_space<vmem>>, vector<1x1x16xf32>,
        %get3A_1169 = arith.constant 0 : i32
        %get3A_1170 = arith.index_cast %get3A_1169 : i32 to index
        %get3A_1171 = arith.index_cast %add3A_156 : i32 to index
        %get3A_1172 = arith.constant 624 : index
        %get3A_1173 = tpu.vector_load %arg4[%get3A_1170, %get3A_1171, %get3A_1172] {strides = array<i32>} : memref<2x32x1664xf32, #tpu.memory_space<vmem>>, vector<1x1x16xf32>,
        %get3A_1174 = vector.shape_cast %get3A_1173 : vector<1x1x16xf32> to vector<16xf32>
        %get3A_1175 = arith.constant 0 : i32
        %get3A_1176 = arith.index_cast %get3A_1175 : i32 to index
        %get3A_1177 = arith.index_cast %add3A_156 : i32 to index
        %get3A_1178 = arith.constant 1072 : index
        %get3A_1179 = tpu.vector_load %arg4[%get3A_1176, %get3A_1177, %get3A_1178] {strides = array<i32>} : memref<2x32x1664xf32, #tpu.memory_space<vmem>>, vector<1x1x16xf32>,
        %get3A_1180 = vector.shape_cast %get3A_1179 : vector<1x1x16xf32> to vector<16xf32>
        %swap3A_1181 = arith.constant 0 : i32
        %swap3A_1182 = arith.index_cast %swap3A_1181 : i32 to index
        %swap3A_1183 = arith.index_cast %add3A_156 : i32 to index
        %swap3A_1184 = arith.constant 1072 : index
        %swap3A_1185 = tpu.vector_load %arg4[%swap3A_1182, %swap3A_1183, %swap3A_1184] {strides = array<i32>} : memref<2x32x1664xf32, #tpu.memory_space<vmem>>, vector<1x1x16xf32>,
        %swap3A_1186 = vector.shape_cast %swap3A_1185 : vector<1x1x16xf32> to vector<16xf32>
        %swap3A_1187 = vector.shape_cast %get3A_1174 : vector<16xf32> to vector<1x1x16xf32>
        tpu.vector_store %arg4[%swap3A_1182, %swap3A_1183, %swap3A_1184], %swap3A_1187 {strides = array<i32>} : memref<2x32x1664xf32, #tpu.memory_space<vmem>>, vector<1x1x16xf32>,
        %swap3A_1188 = arith.constant 0 : i32
        %swap3A_1189 = arith.index_cast %swap3A_1188 : i32 to index
        %swap3A_1190 = arith.index_cast %add3A_156 : i32 to index
        %swap3A_1191 = arith.constant 624 : index
        %swap3A_1192 = tpu.vector_load %arg4[%swap3A_1189, %swap3A_1190, %swap3A_1191] {strides = array<i32>} : memref<2x32x1664xf32, #tpu.memory_space<vmem>>, vector<1x1x16xf32>,
        %swap3A_1193 = vector.shape_cast %swap3A_1192 : vector<1x1x16xf32> to vector<16xf32>
        %swap3A_1194 = vector.shape_cast %get3A_1180 : vector<16xf32> to vector<1x1x16xf32>
        tpu.vector_store %arg4[%swap3A_1189, %swap3A_1190, %swap3A_1191], %swap3A_1194 {strides = array<i32>} : memref<2x32x1664xf32, #tpu.memory_space<vmem>>, vector<1x1x16xf32>,
        %get3A_1195 = arith.constant 0 : i32
        %get3A_1196 = arith.index_cast %get3A_1195 : i32 to index
        %get3A_1197 = arith.index_cast %add3A_156 : i32 to index
        %get3A_1198 = arith.constant 640 : index
        %get3A_1199 = tpu.vector_load %arg4[%get3A_1196, %get3A_1197, %get3A_1198] {strides = array<i32>} : memref<2x32x1664xf32, #tpu.memory_space<vmem>>, vector<1x1x16xf32>,
        %get3A_1200 = vector.shape_cast %get3A_1199 : vector<1x1x16xf32> to vector<16xf32>
        %get3A_1201 = arith.constant 0 : i32
        %get3A_1202 = arith.index_cast %get3A_1201 : i32 to index
        %get3A_1203 = arith.index_cast %add3A_156 : i32 to index
        %get3A_1204 = arith.constant 960 : index
        %get3A_1205 = tpu.vector_load %arg4[%get3A_1202, %get3A_1203, %get3A_1204] {strides = array<i32>} : memref<2x32x1664xf32, #tpu.memory_space<vmem>>, vector<1x1x16xf32>,
        %get3A_1206 = vector.shape_cast %get3A_1205 : vector<1x1x16xf32> to vector<16xf32>
        %swap3A_1207 = arith.constant 0 : i32
        %swap3A_1208 = arith.index_cast %swap3A_1207 : i32 to index
        %swap3A_1209 = arith.index_cast %add3A_156 : i32 to index
        %swap3A_1210 = arith.constant 960 : index
        %swap3A_1211 = tpu.vector_load %arg4[%swap3A_1208, %swap3A_1209, %swap3A_1210] {strides = array<i32>} : memref<2x32x1664xf32, #tpu.memory_space<vmem>>, vector<1x1x16xf32>,
        %swap3A_1212 = vector.shape_cast %swap3A_1211 : vector<1x1x16xf32> to vector<16xf32>
        %swap3A_1213 = vector.shape_cast %get3A_1200 : vector<16xf32> to vector<1x1x16xf32>
        tpu.vector_store %arg4[%swap3A_1208, %swap3A_1209, %swap3A_1210], %swap3A_1213 {strides = array<i32>} : memref<2x32x1664xf32, #tpu.memory_space<vmem>>, vector<1x1x16xf32>,
        %swap3A_1214 = arith.constant 0 : i32
        %swap3A_1215 = arith.index_cast %swap3A_1214 : i32 to index
        %swap3A_1216 = arith.index_cast %add3A_156 : i32 to index
        %swap3A_1217 = arith.constant 640 : index
        %swap3A_1218 = tpu.vector_load %arg4[%swap3A_1215, %swap3A_1216, %swap3A_1217] {strides = array<i32>} : memref<2x32x1664xf32, #tpu.memory_space<vmem>>, vector<1x1x16xf32>,
        %swap3A_1219 = vector.shape_cast %swap3A_1218 : vector<1x1x16xf32> to vector<16xf32>
        %swap3A_1220 = vector.shape_cast %get3A_1206 : vector<16xf32> to vector<1x1x16xf32>
        tpu.vector_store %arg4[%swap3A_1215, %swap3A_1216, %swap3A_1217], %swap3A_1220 {strides = array<i32>} : memref<2x32x1664xf32, #tpu.memory_space<vmem>>, vector<1x1x16xf32>,
        %get3A_1221 = arith.constant 0 : i32
        %get3A_1222 = arith.index_cast %get3A_1221 : i32 to index
        %get3A_1223 = arith.index_cast %add3A_156 : i32 to index
        %get3A_1224 = arith.constant 656 : index
        %get3A_1225 = tpu.vector_load %arg4[%get3A_1222, %get3A_1223, %get3A_1224] {strides = array<i32>} : memref<2x32x1664xf32, #tpu.memory_space<vmem>>, vector<1x1x16xf32>,
        %get3A_1226 = vector.shape_cast %get3A_1225 : vector<1x1x16xf32> to vector<16xf32>
        %get3A_1227 = arith.constant 0 : i32
        %get3A_1228 = arith.index_cast %get3A_1227 : i32 to index
        %get3A_1229 = arith.index_cast %add3A_156 : i32 to index
        %get3A_1230 = arith.constant 976 : index
        %get3A_1231 = tpu.vector_load %arg4[%get3A_1228, %get3A_1229, %get3A_1230] {strides = array<i32>} : memref<2x32x1664xf32, #tpu.memory_space<vmem>>, vector<1x1x16xf32>,
        %get3A_1232 = vector.shape_cast %get3A_1231 : vector<1x1x16xf32> to vector<16xf32>
        %swap3A_1233 = arith.constant 0 : i32
        %swap3A_1234 = arith.index_cast %swap3A_1233 : i32 to index
        %swap3A_1235 = arith.index_cast %add3A_156 : i32 to index
        %swap3A_1236 = arith.constant 976 : index
        %swap3A_1237 = tpu.vector_load %arg4[%swap3A_1234, %swap3A_1235, %swap3A_1236] {strides = array<i32>} : memref<2x32x1664xf32, #tpu.memory_space<vmem>>, vector<1x1x16xf32>,
        %swap3A_1238 = vector.shape_cast %swap3A_1237 : vector<1x1x16xf32> to vector<16xf32>
        %swap3A_1239 = vector.shape_cast %get3A_1226 : vector<16xf32> to vector<1x1x16xf32>
        tpu.vector_store %arg4[%swap3A_1234, %swap3A_1235, %swap3A_1236], %swap3A_1239 {strides = array<i32>} : memref<2x32x1664xf32, #tpu.memory_space<vmem>>, vector<1x1x16xf32>,
        %swap3A_1240 = arith.constant 0 : i32
        %swap3A_1241 = arith.index_cast %swap3A_1240 : i32 to index
        %swap3A_1242 = arith.index_cast %add3A_156 : i32 to index
        %swap3A_1243 = arith.constant 656 : index
        %swap3A_1244 = tpu.vector_load %arg4[%swap3A_1241, %swap3A_1242, %swap3A_1243] {strides = array<i32>} : memref<2x32x1664xf32, #tpu.memory_space<vmem>>, vector<1x1x16xf32>,
        %swap3A_1245 = vector.shape_cast %swap3A_1244 : vector<1x1x16xf32> to vector<16xf32>
        %swap3A_1246 = vector.shape_cast %get3A_1232 : vector<16xf32> to vector<1x1x16xf32>
        tpu.vector_store %arg4[%swap3A_1241, %swap3A_1242, %swap3A_1243], %swap3A_1246 {strides = array<i32>} : memref<2x32x1664xf32, #tpu.memory_space<vmem>>, vector<1x1x16xf32>,
        %get3A_1247 = arith.constant 0 : i32
        %get3A_1248 = arith.index_cast %get3A_1247 : i32 to index
        %get3A_1249 = arith.index_cast %add3A_156 : i32 to index
        %get3A_1250 = arith.constant 672 : index
        %get3A_1251 = tpu.vector_load %arg4[%get3A_1248, %get3A_1249, %get3A_1250] {strides = array<i32>} : memref<2x32x1664xf32, #tpu.memory_space<vmem>>, vector<1x1x16xf32>,
        %get3A_1252 = vector.shape_cast %get3A_1251 : vector<1x1x16xf32> to vector<16xf32>
        %get3A_1253 = arith.constant 0 : i32
        %get3A_1254 = arith.index_cast %get3A_1253 : i32 to index
        %get3A_1255 = arith.index_cast %add3A_156 : i32 to index
        %get3A_1256 = arith.constant 992 : index
        %get3A_1257 = tpu.vector_load %arg4[%get3A_1254, %get3A_1255, %get3A_1256] {strides = array<i32>} : memref<2x32x1664xf32, #tpu.memory_space<vmem>>, vector<1x1x16xf32>,
        %get3A_1258 = vector.shape_cast %get3A_1257 : vector<1x1x16xf32> to vector<16xf32>
        %swap3A_1259 = arith.constant 0 : i32
        %swap3A_1260 = arith.index_cast %swap3A_1259 : i32 to index
        %swap3A_1261 = arith.index_cast %add3A_156 : i32 to index
        %swap3A_1262 = arith.constant 992 : index
        %swap3A_1263 = tpu.vector_load %arg4[%swap3A_1260, %swap3A_1261, %swap3A_1262] {strides = array<i32>} : memref<2x32x1664xf32, #tpu.memory_space<vmem>>, vector<1x1x16xf32>,
        %swap3A_1264 = vector.shape_cast %swap3A_1263 : vector<1x1x16xf32> to vector<16xf32>
        %swap3A_1265 = vector.shape_cast %get3A_1252 : vector<16xf32> to vector<1x1x16xf32>
        tpu.vector_store %arg4[%swap3A_1260, %swap3A_1261, %swap3A_1262], %swap3A_1265 {strides = array<i32>} : memref<2x32x1664xf32, #tpu.memory_space<vmem>>, vector<1x1x16xf32>,
        %swap3A_1266 = arith.constant 0 : i32
        %swap3A_1267 = arith.index_cast %swap3A_1266 : i32 to index
        %swap3A_1268 = arith.index_cast %add3A_156 : i32 to index
        %swap3A_1269 = arith.constant 672 : index
        %swap3A_1270 = tpu.vector_load %arg4[%swap3A_1267, %swap3A_1268, %swap3A_1269] {strides = array<i32>} : memref<2x32x1664xf32, #tpu.memory_space<vmem>>, vector<1x1x16xf32>,
        %swap3A_1271 = vector.shape_cast %swap3A_1270 : vector<1x1x16xf32> to vector<16xf32>
        %swap3A_1272 = vector.shape_cast %get3A_1258 : vector<16xf32> to vector<1x1x16xf32>
        tpu.vector_store %arg4[%swap3A_1267, %swap3A_1268, %swap3A_1269], %swap3A_1272 {strides = array<i32>} : memref<2x32x1664xf32, #tpu.memory_space<vmem>>, vector<1x1x16xf32>,
        %get3A_1273 = arith.constant 0 : i32
        %get3A_1274 = arith.index_cast %get3A_1273 : i32 to index
        %get3A_1275 = arith.index_cast %add3A_156 : i32 to index
        %get3A_1276 = arith.constant 688 : index
        %get3A_1277 = tpu.vector_load %arg4[%get3A_1274, %get3A_1275, %get3A_1276] {strides = array<i32>} : memref<2x32x1664xf32, #tpu.memory_space<vmem>>, vector<1x1x16xf32>,
        %get3A_1278 = vector.shape_cast %get3A_1277 : vector<1x1x16xf32> to vector<16xf32>
        %get3A_1279 = arith.constant 0 : i32
        %get3A_1280 = arith.index_cast %get3A_1279 : i32 to index
        %get3A_1281 = arith.index_cast %add3A_156 : i32 to index
        %get3A_1282 = arith.constant 1008 : index
        %get3A_1283 = tpu.vector_load %arg4[%get3A_1280, %get3A_1281, %get3A_1282] {strides = array<i32>} : memref<2x32x1664xf32, #tpu.memory_space<vmem>>, vector<1x1x16xf32>,
        %get3A_1284 = vector.shape_cast %get3A_1283 : vector<1x1x16xf32> to vector<16xf32>
        %swap3A_1285 = arith.constant 0 : i32
        %swap3A_1286 = arith.index_cast %swap3A_1285 : i32 to index
        %swap3A_1287 = arith.index_cast %add3A_156 : i32 to index
        %swap3A_1288 = arith.constant 1008 : index
        %swap3A_1289 = tpu.vector_load %arg4[%swap3A_1286, %swap3A_1287, %swap3A_1288] {strides = array<i32>} : memref<2x32x1664xf32, #tpu.memory_space<vmem>>, vector<1x1x16xf32>,
        %swap3A_1290 = vector.shape_cast %swap3A_1289 : vector<1x1x16xf32> to vector<16xf32>
        %swap3A_1291 = vector.shape_cast %get3A_1278 : vector<16xf32> to vector<1x1x16xf32>
        tpu.vector_store %arg4[%swap3A_1286, %swap3A_1287, %swap3A_1288], %swap3A_1291 {strides = array<i32>} : memref<2x32x1664xf32, #tpu.memory_space<vmem>>, vector<1x1x16xf32>,
        %swap3A_1292 = arith.constant 0 : i32
        %swap3A_1293 = arith.index_cast %swap3A_1292 : i32 to index
        %swap3A_1294 = arith.index_cast %add3A_156 : i32 to index
        %swap3A_1295 = arith.constant 688 : index
        %swap3A_1296 = tpu.vector_load %arg4[%swap3A_1293, %swap3A_1294, %swap3A_1295] {strides = array<i32>} : memref<2x32x1664xf32, #tpu.memory_space<vmem>>, vector<1x1x16xf32>,
        %swap3A_1297 = vector.shape_cast %swap3A_1296 : vector<1x1x16xf32> to vector<16xf32>
        %swap3A_1298 = vector.shape_cast %get3A_1284 : vector<16xf32> to vector<1x1x16xf32>
        tpu.vector_store %arg4[%swap3A_1293, %swap3A_1294, %swap3A_1295], %swap3A_1298 {strides = array<i32>} : memref<2x32x1664xf32, #tpu.memory_space<vmem>>, vector<1x1x16xf32>,
        %get3A_1299 = arith.constant 0 : i32
        %get3A_1300 = arith.index_cast %get3A_1299 : i32 to index
        %get3A_1301 = arith.index_cast %add3A_156 : i32 to index
        %get3A_1302 = arith.constant 704 : index
        %get3A_1303 = tpu.vector_load %arg4[%get3A_1300, %get3A_1301, %get3A_1302] {strides = array<i32>} : memref<2x32x1664xf32, #tpu.memory_space<vmem>>, vector<1x1x16xf32>,
        %get3A_1304 = vector.shape_cast %get3A_1303 : vector<1x1x16xf32> to vector<16xf32>
        %get3A_1305 = arith.constant 0 : i32
        %get3A_1306 = arith.index_cast %get3A_1305 : i32 to index
        %get3A_1307 = arith.index_cast %add3A_156 : i32 to index
        %get3A_1308 = arith.constant 896 : index
        %get3A_1309 = tpu.vector_load %arg4[%get3A_1306, %get3A_1307, %get3A_1308] {strides = array<i32>} : memref<2x32x1664xf32, #tpu.memory_space<vmem>>, vector<1x1x16xf32>,
        %get3A_1310 = vector.shape_cast %get3A_1309 : vector<1x1x16xf32> to vector<16xf32>
        %swap3A_1311 = arith.constant 0 : i32
        %swap3A_1312 = arith.index_cast %swap3A_1311 : i32 to index
        %swap3A_1313 = arith.index_cast %add3A_156 : i32 to index
        %swap3A_1314 = arith.constant 896 : index
        %swap3A_1315 = tpu.vector_load %arg4[%swap3A_1312, %swap3A_1313, %swap3A_1314] {strides = array<i32>} : memref<2x32x1664xf32, #tpu.memory_space<vmem>>, vector<1x1x16xf32>,
        %swap3A_1316 = vector.shape_cast %swap3A_1315 : vector<1x1x16xf32> to vector<16xf32>
        %swap3A_1317 = vector.shape_cast %get3A_1304 : vector<16xf32> to vector<1x1x16xf32>
        tpu.vector_store %arg4[%swap3A_1312, %swap3A_1313, %swap3A_1314], %swap3A_1317 {strides = array<i32>} : memref<2x32x1664xf32, #tpu.memory_space<vmem>>, vector<1x1x16xf32>,
        %swap3A_1318 = arith.constant 0 : i32
        %swap3A_1319 = arith.index_cast %swap3A_1318 : i32 to index
        %swap3A_1320 = arith.index_cast %add3A_156 : i32 to index
        %swap3A_1321 = arith.constant 704 : index
        %swap3A_1322 = tpu.vector_load %arg4[%swap3A_1319, %swap3A_1320, %swap3A_1321] {strides = array<i32>} : memref<2x32x1664xf32, #tpu.memory_space<vmem>>, vector<1x1x16xf32>,
        %swap3A_1323 = vector.shape_cast %swap3A_1322 : vector<1x1x16xf32> to vector<16xf32>
        %swap3A_1324 = vector.shape_cast %get3A_1310 : vector<16xf32> to vector<1x1x16xf32>
        tpu.vector_store %arg4[%swap3A_1319, %swap3A_1320, %swap3A_1321], %swap3A_1324 {strides = array<i32>} : memref<2x32x1664xf32, #tpu.memory_space<vmem>>, vector<1x1x16xf32>,
        %get3A_1325 = arith.constant 0 : i32
        %get3A_1326 = arith.index_cast %get3A_1325 : i32 to index
        %get3A_1327 = arith.index_cast %add3A_156 : i32 to index
        %get3A_1328 = arith.constant 720 : index
        %get3A_1329 = tpu.vector_load %arg4[%get3A_1326, %get3A_1327, %get3A_1328] {strides = array<i32>} : memref<2x32x1664xf32, #tpu.memory_space<vmem>>, vector<1x1x16xf32>,
        %get3A_1330 = vector.shape_cast %get3A_1329 : vector<1x1x16xf32> to vector<16xf32>
        %get3A_1331 = arith.constant 0 : i32
        %get3A_1332 = arith.index_cast %get3A_1331 : i32 to index
        %get3A_1333 = arith.index_cast %add3A_156 : i32 to index
        %get3A_1334 = arith.constant 912 : index
        %get3A_1335 = tpu.vector_load %arg4[%get3A_1332, %get3A_1333, %get3A_1334] {strides = array<i32>} : memref<2x32x1664xf32, #tpu.memory_space<vmem>>, vector<1x1x16xf32>,
        %get3A_1336 = vector.shape_cast %get3A_1335 : vector<1x1x16xf32> to vector<16xf32>
        %swap3A_1337 = arith.constant 0 : i32
        %swap3A_1338 = arith.index_cast %swap3A_1337 : i32 to index
        %swap3A_1339 = arith.index_cast %add3A_156 : i32 to index
        %swap3A_1340 = arith.constant 912 : index
        %swap3A_1341 = tpu.vector_load %arg4[%swap3A_1338, %swap3A_1339, %swap3A_1340] {strides = array<i32>} : memref<2x32x1664xf32, #tpu.memory_space<vmem>>, vector<1x1x16xf32>,
        %swap3A_1342 = vector.shape_cast %swap3A_1341 : vector<1x1x16xf32> to vector<16xf32>
        %swap3A_1343 = vector.shape_cast %get3A_1330 : vector<16xf32> to vector<1x1x16xf32>
        tpu.vector_store %arg4[%swap3A_1338, %swap3A_1339, %swap3A_1340], %swap3A_1343 {strides = array<i32>} : memref<2x32x1664xf32, #tpu.memory_space<vmem>>, vector<1x1x16xf32>,
        %swap3A_1344 = arith.constant 0 : i32
        %swap3A_1345 = arith.index_cast %swap3A_1344 : i32 to index
        %swap3A_1346 = arith.index_cast %add3A_156 : i32 to index
        %swap3A_1347 = arith.constant 720 : index
        %swap3A_1348 = tpu.vector_load %arg4[%swap3A_1345, %swap3A_1346, %swap3A_1347] {strides = array<i32>} : memref<2x32x1664xf32, #tpu.memory_space<vmem>>, vector<1x1x16xf32>,
        %swap3A_1349 = vector.shape_cast %swap3A_1348 : vector<1x1x16xf32> to vector<16xf32>
        %swap3A_1350 = vector.shape_cast %get3A_1336 : vector<16xf32> to vector<1x1x16xf32>
        tpu.vector_store %arg4[%swap3A_1345, %swap3A_1346, %swap3A_1347], %swap3A_1350 {strides = array<i32>} : memref<2x32x1664xf32, #tpu.memory_space<vmem>>, vector<1x1x16xf32>,
        %get3A_1351 = arith.constant 0 : i32
        %get3A_1352 = arith.index_cast %get3A_1351 : i32 to index
        %get3A_1353 = arith.index_cast %add3A_156 : i32 to index
        %get3A_1354 = arith.constant 736 : index
        %get3A_1355 = tpu.vector_load %arg4[%get3A_1352, %get3A_1353, %get3A_1354] {strides = array<i32>} : memref<2x32x1664xf32, #tpu.memory_space<vmem>>, vector<1x1x16xf32>,
        %get3A_1356 = vector.shape_cast %get3A_1355 : vector<1x1x16xf32> to vector<16xf32>
        %get3A_1357 = arith.constant 0 : i32
        %get3A_1358 = arith.index_cast %get3A_1357 : i32 to index
        %get3A_1359 = arith.index_cast %add3A_156 : i32 to index
        %get3A_1360 = arith.constant 928 : index
        %get3A_1361 = tpu.vector_load %arg4[%get3A_1358, %get3A_1359, %get3A_1360] {strides = array<i32>} : memref<2x32x1664xf32, #tpu.memory_space<vmem>>, vector<1x1x16xf32>,
        %get3A_1362 = vector.shape_cast %get3A_1361 : vector<1x1x16xf32> to vector<16xf32>
        %swap3A_1363 = arith.constant 0 : i32
        %swap3A_1364 = arith.index_cast %swap3A_1363 : i32 to index
        %swap3A_1365 = arith.index_cast %add3A_156 : i32 to index
        %swap3A_1366 = arith.constant 928 : index
        %swap3A_1367 = tpu.vector_load %arg4[%swap3A_1364, %swap3A_1365, %swap3A_1366] {strides = array<i32>} : memref<2x32x1664xf32, #tpu.memory_space<vmem>>, vector<1x1x16xf32>,
        %swap3A_1368 = vector.shape_cast %swap3A_1367 : vector<1x1x16xf32> to vector<16xf32>
        %swap3A_1369 = vector.shape_cast %get3A_1356 : vector<16xf32> to vector<1x1x16xf32>
        tpu.vector_store %arg4[%swap3A_1364, %swap3A_1365, %swap3A_1366], %swap3A_1369 {strides = array<i32>} : memref<2x32x1664xf32, #tpu.memory_space<vmem>>, vector<1x1x16xf32>,
        %swap3A_1370 = arith.constant 0 : i32
        %swap3A_1371 = arith.index_cast %swap3A_1370 : i32 to index
        %swap3A_1372 = arith.index_cast %add3A_156 : i32 to index
        %swap3A_1373 = arith.constant 736 : index
        %swap3A_1374 = tpu.vector_load %arg4[%swap3A_1371, %swap3A_1372, %swap3A_1373] {strides = array<i32>} : memref<2x32x1664xf32, #tpu.memory_space<vmem>>, vector<1x1x16xf32>,
        %swap3A_1375 = vector.shape_cast %swap3A_1374 : vector<1x1x16xf32> to vector<16xf32>
        %swap3A_1376 = vector.shape_cast %get3A_1362 : vector<16xf32> to vector<1x1x16xf32>
        tpu.vector_store %arg4[%swap3A_1371, %swap3A_1372, %swap3A_1373], %swap3A_1376 {strides = array<i32>} : memref<2x32x1664xf32, #tpu.memory_space<vmem>>, vector<1x1x16xf32>,
        %get3A_1377 = arith.constant 0 : i32
        %get3A_1378 = arith.index_cast %get3A_1377 : i32 to index
        %get3A_1379 = arith.index_cast %add3A_156 : i32 to index
        %get3A_1380 = arith.constant 752 : index
        %get3A_1381 = tpu.vector_load %arg4[%get3A_1378, %get3A_1379, %get3A_1380] {strides = array<i32>} : memref<2x32x1664xf32, #tpu.memory_space<vmem>>, vector<1x1x16xf32>,
        %get3A_1382 = vector.shape_cast %get3A_1381 : vector<1x1x16xf32> to vector<16xf32>
        %get3A_1383 = arith.constant 0 : i32
        %get3A_1384 = arith.index_cast %get3A_1383 : i32 to index
        %get3A_1385 = arith.index_cast %add3A_156 : i32 to index
        %get3A_1386 = arith.constant 944 : index
        %get3A_1387 = tpu.vector_load %arg4[%get3A_1384, %get3A_1385, %get3A_1386] {strides = array<i32>} : memref<2x32x1664xf32, #tpu.memory_space<vmem>>, vector<1x1x16xf32>,
        %get3A_1388 = vector.shape_cast %get3A_1387 : vector<1x1x16xf32> to vector<16xf32>
        %swap3A_1389 = arith.constant 0 : i32
        %swap3A_1390 = arith.index_cast %swap3A_1389 : i32 to index
        %swap3A_1391 = arith.index_cast %add3A_156 : i32 to index
        %swap3A_1392 = arith.constant 944 : index
        %swap3A_1393 = tpu.vector_load %arg4[%swap3A_1390, %swap3A_1391, %swap3A_1392] {strides = array<i32>} : memref<2x32x1664xf32, #tpu.memory_space<vmem>>, vector<1x1x16xf32>,
        %swap3A_1394 = vector.shape_cast %swap3A_1393 : vector<1x1x16xf32> to vector<16xf32>
        %swap3A_1395 = vector.shape_cast %get3A_1382 : vector<16xf32> to vector<1x1x16xf32>
        tpu.vector_store %arg4[%swap3A_1390, %swap3A_1391, %swap3A_1392], %swap3A_1395 {strides = array<i32>} : memref<2x32x1664xf32, #tpu.memory_space<vmem>>, vector<1x1x16xf32>,
        %swap3A_1396 = arith.constant 0 : i32
        %swap3A_1397 = arith.index_cast %swap3A_1396 : i32 to index
        %swap3A_1398 = arith.index_cast %add3A_156 : i32 to index
        %swap3A_1399 = arith.constant 752 : index
        %swap3A_1400 = tpu.vector_load %arg4[%swap3A_1397, %swap3A_1398, %swap3A_1399] {strides = array<i32>} : memref<2x32x1664xf32, #tpu.memory_space<vmem>>, vector<1x1x16xf32>,
        %swap3A_1401 = vector.shape_cast %swap3A_1400 : vector<1x1x16xf32> to vector<16xf32>
        %swap3A_1402 = vector.shape_cast %get3A_1388 : vector<16xf32> to vector<1x1x16xf32>
        tpu.vector_store %arg4[%swap3A_1397, %swap3A_1398, %swap3A_1399], %swap3A_1402 {strides = array<i32>} : memref<2x32x1664xf32, #tpu.memory_space<vmem>>, vector<1x1x16xf32>,
        %get3A_1403 = arith.constant 0 : i32
        %get3A_1404 = arith.index_cast %get3A_1403 : i32 to index
        %get3A_1405 = arith.index_cast %add3A_156 : i32 to index
        %get3A_1406 = arith.constant 768 : index
        %get3A_1407 = tpu.vector_load %arg4[%get3A_1404, %get3A_1405, %get3A_1406] {strides = array<i32>} : memref<2x32x1664xf32, #tpu.memory_space<vmem>>, vector<1x1x16xf32>,
        %get3A_1408 = vector.shape_cast %get3A_1407 : vector<1x1x16xf32> to vector<16xf32>
        %get3A_1409 = arith.constant 0 : i32
        %get3A_1410 = arith.index_cast %get3A_1409 : i32 to index
        %get3A_1411 = arith.index_cast %add3A_156 : i32 to index
        %get3A_1412 = arith.constant 832 : index
        %get3A_1413 = tpu.vector_load %arg4[%get3A_1410, %get3A_1411, %get3A_1412] {strides = array<i32>} : memref<2x32x1664xf32, #tpu.memory_space<vmem>>, vector<1x1x16xf32>,
        %get3A_1414 = vector.shape_cast %get3A_1413 : vector<1x1x16xf32> to vector<16xf32>
        %swap3A_1415 = arith.constant 0 : i32
        %swap3A_1416 = arith.index_cast %swap3A_1415 : i32 to index
        %swap3A_1417 = arith.index_cast %add3A_156 : i32 to index
        %swap3A_1418 = arith.constant 832 : index
        %swap3A_1419 = tpu.vector_load %arg4[%swap3A_1416, %swap3A_1417, %swap3A_1418] {strides = array<i32>} : memref<2x32x1664xf32, #tpu.memory_space<vmem>>, vector<1x1x16xf32>,
        %swap3A_1420 = vector.shape_cast %swap3A_1419 : vector<1x1x16xf32> to vector<16xf32>
        %swap3A_1421 = vector.shape_cast %get3A_1408 : vector<16xf32> to vector<1x1x16xf32>
        tpu.vector_store %arg4[%swap3A_1416, %swap3A_1417, %swap3A_1418], %swap3A_1421 {strides = array<i32>} : memref<2x32x1664xf32, #tpu.memory_space<vmem>>, vector<1x1x16xf32>,
        %swap3A_1422 = arith.constant 0 : i32
        %swap3A_1423 = arith.index_cast %swap3A_1422 : i32 to index
        %swap3A_1424 = arith.index_cast %add3A_156 : i32 to index
        %swap3A_1425 = arith.constant 768 : index
        %swap3A_1426 = tpu.vector_load %arg4[%swap3A_1423, %swap3A_1424, %swap3A_1425] {strides = array<i32>} : memref<2x32x1664xf32, #tpu.memory_space<vmem>>, vector<1x1x16xf32>,
        %swap3A_1427 = vector.shape_cast %swap3A_1426 : vector<1x1x16xf32> to vector<16xf32>
        %swap3A_1428 = vector.shape_cast %get3A_1414 : vector<16xf32> to vector<1x1x16xf32>
        tpu.vector_store %arg4[%swap3A_1423, %swap3A_1424, %swap3A_1425], %swap3A_1428 {strides = array<i32>} : memref<2x32x1664xf32, #tpu.memory_space<vmem>>, vector<1x1x16xf32>,
        %get3A_1429 = arith.constant 0 : i32
        %get3A_1430 = arith.index_cast %get3A_1429 : i32 to index
        %get3A_1431 = arith.index_cast %add3A_156 : i32 to index
        %get3A_1432 = arith.constant 784 : index
        %get3A_1433 = tpu.vector_load %arg4[%get3A_1430, %get3A_1431, %get3A_1432] {strides = array<i32>} : memref<2x32x1664xf32, #tpu.memory_space<vmem>>, vector<1x1x16xf32>,
        %get3A_1434 = vector.shape_cast %get3A_1433 : vector<1x1x16xf32> to vector<16xf32>
        %get3A_1435 = arith.constant 0 : i32
        %get3A_1436 = arith.index_cast %get3A_1435 : i32 to index
        %get3A_1437 = arith.index_cast %add3A_156 : i32 to index
        %get3A_1438 = arith.constant 848 : index
        %get3A_1439 = tpu.vector_load %arg4[%get3A_1436, %get3A_1437, %get3A_1438] {strides = array<i32>} : memref<2x32x1664xf32, #tpu.memory_space<vmem>>, vector<1x1x16xf32>,
        %get3A_1440 = vector.shape_cast %get3A_1439 : vector<1x1x16xf32> to vector<16xf32>
        %swap3A_1441 = arith.constant 0 : i32
        %swap3A_1442 = arith.index_cast %swap3A_1441 : i32 to index
        %swap3A_1443 = arith.index_cast %add3A_156 : i32 to index
        %swap3A_1444 = arith.constant 848 : index
        %swap3A_1445 = tpu.vector_load %arg4[%swap3A_1442, %swap3A_1443, %swap3A_1444] {strides = array<i32>} : memref<2x32x1664xf32, #tpu.memory_space<vmem>>, vector<1x1x16xf32>,
        %swap3A_1446 = vector.shape_cast %swap3A_1445 : vector<1x1x16xf32> to vector<16xf32>
        %swap3A_1447 = vector.shape_cast %get3A_1434 : vector<16xf32> to vector<1x1x16xf32>
        tpu.vector_store %arg4[%swap3A_1442, %swap3A_1443, %swap3A_1444], %swap3A_1447 {strides = array<i32>} : memref<2x32x1664xf32, #tpu.memory_space<vmem>>, vector<1x1x16xf32>,
        %swap3A_1448 = arith.constant 0 : i32
        %swap3A_1449 = arith.index_cast %swap3A_1448 : i32 to index
        %swap3A_1450 = arith.index_cast %add3A_156 : i32 to index
        %swap3A_1451 = arith.constant 784 : index
        %swap3A_1452 = tpu.vector_load %arg4[%swap3A_1449, %swap3A_1450, %swap3A_1451] {strides = array<i32>} : memref<2x32x1664xf32, #tpu.memory_space<vmem>>, vector<1x1x16xf32>,
        %swap3A_1453 = vector.shape_cast %swap3A_1452 : vector<1x1x16xf32> to vector<16xf32>
        %swap3A_1454 = vector.shape_cast %get3A_1440 : vector<16xf32> to vector<1x1x16xf32>
        tpu.vector_store %arg4[%swap3A_1449, %swap3A_1450, %swap3A_1451], %swap3A_1454 {strides = array<i32>} : memref<2x32x1664xf32, #tpu.memory_space<vmem>>, vector<1x1x16xf32>,
        %get3A_1455 = arith.constant 0 : i32
        %get3A_1456 = arith.index_cast %get3A_1455 : i32 to index
        %get3A_1457 = arith.index_cast %add3A_156 : i32 to index
        %get3A_1458 = arith.constant 800 : index
        %get3A_1459 = tpu.vector_load %arg4[%get3A_1456, %get3A_1457, %get3A_1458] {strides = array<i32>} : memref<2x32x1664xf32, #tpu.memory_space<vmem>>, vector<1x1x16xf32>,
        %get3A_1460 = vector.shape_cast %get3A_1459 : vector<1x1x16xf32> to vector<16xf32>
        %get3A_1461 = arith.constant 0 : i32
        %get3A_1462 = arith.index_cast %get3A_1461 : i32 to index
        %get3A_1463 = arith.index_cast %add3A_156 : i32 to index
        %get3A_1464 = arith.constant 864 : index
        %get3A_1465 = tpu.vector_load %arg4[%get3A_1462, %get3A_1463, %get3A_1464] {strides = array<i32>} : memref<2x32x1664xf32, #tpu.memory_space<vmem>>, vector<1x1x16xf32>,
        %get3A_1466 = vector.shape_cast %get3A_1465 : vector<1x1x16xf32> to vector<16xf32>
        %swap3A_1467 = arith.constant 0 : i32
        %swap3A_1468 = arith.index_cast %swap3A_1467 : i32 to index
        %swap3A_1469 = arith.index_cast %add3A_156 : i32 to index
        %swap3A_1470 = arith.constant 864 : index
        %swap3A_1471 = tpu.vector_load %arg4[%swap3A_1468, %swap3A_1469, %swap3A_1470] {strides = array<i32>} : memref<2x32x1664xf32, #tpu.memory_space<vmem>>, vector<1x1x16xf32>,
        %swap3A_1472 = vector.shape_cast %swap3A_1471 : vector<1x1x16xf32> to vector<16xf32>
        %swap3A_1473 = vector.shape_cast %get3A_1460 : vector<16xf32> to vector<1x1x16xf32>
        tpu.vector_store %arg4[%swap3A_1468, %swap3A_1469, %swap3A_1470], %swap3A_1473 {strides = array<i32>} : memref<2x32x1664xf32, #tpu.memory_space<vmem>>, vector<1x1x16xf32>,
        %swap3A_1474 = arith.constant 0 : i32
        %swap3A_1475 = arith.index_cast %swap3A_1474 : i32 to index
        %swap3A_1476 = arith.index_cast %add3A_156 : i32 to index
        %swap3A_1477 = arith.constant 800 : index
        %swap3A_1478 = tpu.vector_load %arg4[%swap3A_1475, %swap3A_1476, %swap3A_1477] {strides = array<i32>} : memref<2x32x1664xf32, #tpu.memory_space<vmem>>, vector<1x1x16xf32>,
        %swap3A_1479 = vector.shape_cast %swap3A_1478 : vector<1x1x16xf32> to vector<16xf32>
        %swap3A_1480 = vector.shape_cast %get3A_1466 : vector<16xf32> to vector<1x1x16xf32>
        tpu.vector_store %arg4[%swap3A_1475, %swap3A_1476, %swap3A_1477], %swap3A_1480 {strides = array<i32>} : memref<2x32x1664xf32, #tpu.memory_space<vmem>>, vector<1x1x16xf32>,
        %get3A_1481 = arith.constant 0 : i32
        %get3A_1482 = arith.index_cast %get3A_1481 : i32 to index
        %get3A_1483 = arith.index_cast %add3A_156 : i32 to index
        %get3A_1484 = arith.constant 816 : index
        %get3A_1485 = tpu.vector_load %arg4[%get3A_1482, %get3A_1483, %get3A_1484] {strides = array<i32>} : memref<2x32x1664xf32, #tpu.memory_space<vmem>>, vector<1x1x16xf32>,
        %get3A_1486 = vector.shape_cast %get3A_1485 : vector<1x1x16xf32> to vector<16xf32>
        %get3A_1487 = arith.constant 0 : i32
        %get3A_1488 = arith.index_cast %get3A_1487 : i32 to index
        %get3A_1489 = arith.index_cast %add3A_156 : i32 to index
        %get3A_1490 = arith.constant 880 : index
        %get3A_1491 = tpu.vector_load %arg4[%get3A_1488, %get3A_1489, %get3A_1490] {strides = array<i32>} : memref<2x32x1664xf32, #tpu.memory_space<vmem>>, vector<1x1x16xf32>,
        %get3A_1492 = vector.shape_cast %get3A_1491 : vector<1x1x16xf32> to vector<16xf32>
        %swap3A_1493 = arith.constant 0 : i32
        %swap3A_1494 = arith.index_cast %swap3A_1493 : i32 to index
        %swap3A_1495 = arith.index_cast %add3A_156 : i32 to index
        %swap3A_1496 = arith.constant 880 : index
        %swap3A_1497 = tpu.vector_load %arg4[%swap3A_1494, %swap3A_1495, %swap3A_1496] {strides = array<i32>} : memref<2x32x1664xf32, #tpu.memory_space<vmem>>, vector<1x1x16xf32>,
        %swap3A_1498 = vector.shape_cast %swap3A_1497 : vector<1x1x16xf32> to vector<16xf32>
        %swap3A_1499 = vector.shape_cast %get3A_1486 : vector<16xf32> to vector<1x1x16xf32>
        tpu.vector_store %arg4[%swap3A_1494, %swap3A_1495, %swap3A_1496], %swap3A_1499 {strides = array<i32>} : memref<2x32x1664xf32, #tpu.memory_space<vmem>>, vector<1x1x16xf32>,
        %swap3A_1500 = arith.constant 0 : i32
        %swap3A_1501 = arith.index_cast %swap3A_1500 : i32 to index
        %swap3A_1502 = arith.index_cast %add3A_156 : i32 to index
        %swap3A_1503 = arith.constant 816 : index
        %swap3A_1504 = tpu.vector_load %arg4[%swap3A_1501, %swap3A_1502, %swap3A_1503] {strides = array<i32>} : memref<2x32x1664xf32, #tpu.memory_space<vmem>>, vector<1x1x16xf32>,
        %swap3A_1505 = vector.shape_cast %swap3A_1504 : vector<1x1x16xf32> to vector<16xf32>
        %swap3A_1506 = vector.shape_cast %get3A_1492 : vector<16xf32> to vector<1x1x16xf32>
        tpu.vector_store %arg4[%swap3A_1501, %swap3A_1502, %swap3A_1503], %swap3A_1506 {strides = array<i32>} : memref<2x32x1664xf32, #tpu.memory_space<vmem>>, vector<1x1x16xf32>,
      }
      %scan3A_92 = arith.constant 32 : i32
      %mul3A_93 = arith.constant 32 : i32
      %mul3A_94 = arith.muli %add3A_71, %mul3A_93 : i32
      %add3A_95 = arith.addi %mul3A_2, %mul3A_94 : i32
      %dma_start3A_96 = arith.constant 0 : i32
      %dma_start3A_97 = arith.constant 0 : i32
      %dma_start3A_98 = arith.constant 0 : i32
      %dma_start3A_99 = tpu.memref_slice %arg4[%dma_start3A_96, %dma_start3A_97, %dma_start3A_98] : memref<2x32x1664xf32, #tpu.memory_space<vmem>> -> memref<1x32x1664xf32, #tpu.memory_space<vmem>>
      %dma_start3A_100 = tpu.memref_squeeze %dma_start3A_99 : memref<1x32x1664xf32, #tpu.memory_space<vmem>> -> memref<32x1664xf32, #tpu.memory_space<vmem>>
      %dma_start3A_101 = arith.constant 0 : i32
      %dma_start3A_102 = tpu.memref_slice %arg3[%add3A_95, %dma_start3A_101] : memref<16384x1664xf32, #tpu.memory_space<hbm>> -> memref<32x1664xf32, #tpu.memory_space<hbm>>
      %dma_start3A_103 = arith.constant 0 : i32
      %dma_start3A_104 = tpu.memref_slice %arg3[%add3A_95, %dma_start3A_103] : memref<16384x1664xf32, #tpu.memory_space<hbm>> -> memref<32x1664xf32, #tpu.memory_space<hbm>>
      %dma_start3A_105 = arith.constant 0 : i32
      %dma_start3A_106 = arith.constant 0 : i32
      %dma_start3A_107 = tpu.memref_slice %arg4[%dma_start3A_96, %dma_start3A_105, %dma_start3A_106] : memref<2x32x1664xf32, #tpu.memory_space<vmem>> -> memref<1x32x1664xf32, #tpu.memory_space<vmem>>
      %dma_start3A_108 = tpu.memref_squeeze %dma_start3A_107 : memref<1x32x1664xf32, #tpu.memory_space<vmem>> -> memref<32x1664xf32, #tpu.memory_space<vmem>>
      tpu.enqueue_dma source(%dma_start3A_108 : memref<32x1664xf32, #tpu.memory_space<vmem>>) target(%dma_start3A_104 : memref<32x1664xf32, #tpu.memory_space<hbm>>) target_semaphore(%arg7 : memref<!tpu.dma_semaphore, #tpu.memory_space<semaphore_mem>>)
      %add3A_109 = arith.constant 1 : i32
      %add3A_110 = arith.addi %add3A_69, %add3A_109 : i32
      %mul3A_111 = arith.constant 32 : i32
      %mul3A_112 = arith.muli %add3A_110, %mul3A_111 : i32
      %add3A_113 = arith.addi %mul3A_2, %mul3A_112 : i32
      %dma_wait3A_114 = arith.constant 1 : i32
      %dma_wait3A_115 = arith.constant 0 : i32
      %dma_wait3A_116 = arith.constant 0 : i32
      %dma_wait3A_117 = tpu.memref_slice %arg4[%dma_wait3A_114, %dma_wait3A_115, %dma_wait3A_116] : memref<2x32x1664xf32, #tpu.memory_space<vmem>> -> memref<1x32x1664xf32, #tpu.memory_space<vmem>>
      %dma_wait3A_118 = tpu.memref_squeeze %dma_wait3A_117 : memref<1x32x1664xf32, #tpu.memory_space<vmem>> -> memref<32x1664xf32, #tpu.memory_space<vmem>>
      %dma_wait3A_119 = arith.constant 0 : i32
      %dma_wait3A_120 = tpu.memref_slice %arg2[%add3A_113, %dma_wait3A_119] : memref<16384x1664xf32, #tpu.memory_space<hbm>> -> memref<32x1664xf32, #tpu.memory_space<hbm>>
      %dma_wait3A_121 = arith.constant 0 : i32
      %dma_wait3A_122 = arith.constant 0 : i32
      %dma_wait3A_123 = tpu.memref_slice %arg4[%dma_wait3A_114, %dma_wait3A_121, %dma_wait3A_122] : memref<2x32x1664xf32, #tpu.memory_space<vmem>> -> memref<1x32x1664xf32, #tpu.memory_space<vmem>>
      %dma_wait3A_124 = tpu.memref_squeeze %dma_wait3A_123 : memref<1x32x1664xf32, #tpu.memory_space<vmem>> -> memref<32x1664xf32, #tpu.memory_space<vmem>>
      %dma_wait3A_125 = arith.constant 0 : i32
      %dma_wait3A_126 = tpu.memref_slice %arg2[%add3A_113, %dma_wait3A_125] : memref<16384x1664xf32, #tpu.memory_space<hbm>> -> memref<32x1664xf32, #tpu.memory_space<hbm>>
      tpu.wait_dma2 semaphore(%arg6 : memref<!tpu.dma_semaphore, #tpu.memory_space<semaphore_mem>>) src(%dma_wait3A_126 : memref<32x1664xf32, #tpu.memory_space<hbm>>) dst(%dma_wait3A_124 : memref<32x1664xf32, #tpu.memory_space<vmem>>)
      %scan3A_127 = arith.constant 0 : i32
      %scan3A_128 = arith.constant 32 : i32
      %scan3A_129 = arith.addi %scan3A_127, %scan3A_128 : i32
      %scan3A_130 = arith.constant 1 : i32
      scf.for %scan3A_152 = %scan3A_127 to %scan3A_129 step %scan3A_130  : i32 {
        %mul3A_153 = arith.constant 1 : i32
        %mul3A_154 = arith.muli %scan3A_152, %mul3A_153 : i32
        %add3A_155 = arith.constant 0 : i32
        %add3A_156 = arith.addi %add3A_155, %mul3A_154 : i32
        %get3A = arith.constant 1 : i32
        %get3A_157 = arith.index_cast %get3A : i32 to index
        %get3A_158 = arith.index_cast %add3A_156 : i32 to index
        %get3A_159 = arith.constant 0 : index
        %get3A_160 = tpu.vector_load %arg4[%get3A_157, %get3A_158, %get3A_159] {strides = array<i32>} : memref<2x32x1664xf32, #tpu.memory_space<vmem>>, vector<1x1x16xf32>,
        %get3A_161 = vector.shape_cast %get3A_160 : vector<1x1x16xf32> to vector<16xf32>
        %get3A_162 = arith.constant 1 : i32
        %get3A_163 = arith.index_cast %get3A_162 : i32 to index
        %get3A_164 = arith.index_cast %add3A_156 : i32 to index
        %get3A_165 = arith.constant 1600 : index
        %get3A_166 = tpu.vector_load %arg4[%get3A_163, %get3A_164, %get3A_165] {strides = array<i32>} : memref<2x32x1664xf32, #tpu.memory_space<vmem>>, vector<1x1x16xf32>,
        %get3A_167 = vector.shape_cast %get3A_166 : vector<1x1x16xf32> to vector<16xf32>
        %swap3A = arith.constant 1 : i32
        %swap3A_168 = arith.index_cast %swap3A : i32 to index
        %swap3A_169 = arith.index_cast %add3A_156 : i32 to index
        %swap3A_170 = arith.constant 1600 : index
        %swap3A_171 = tpu.vector_load %arg4[%swap3A_168, %swap3A_169, %swap3A_170] {strides = array<i32>} : memref<2x32x1664xf32, #tpu.memory_space<vmem>>, vector<1x1x16xf32>,
        %swap3A_172 = vector.shape_cast %swap3A_171 : vector<1x1x16xf32> to vector<16xf32>
        %swap3A_173 = vector.shape_cast %get3A_161 : vector<16xf32> to vector<1x1x16xf32>
        tpu.vector_store %arg4[%swap3A_168, %swap3A_169, %swap3A_170], %swap3A_173 {strides = array<i32>} : memref<2x32x1664xf32, #tpu.memory_space<vmem>>, vector<1x1x16xf32>,
        %swap3A_174 = arith.constant 1 : i32
        %swap3A_175 = arith.index_cast %swap3A_174 : i32 to index
        %swap3A_176 = arith.index_cast %add3A_156 : i32 to index
        %swap3A_177 = arith.constant 0 : index
        %swap3A_178 = tpu.vector_load %arg4[%swap3A_175, %swap3A_176, %swap3A_177] {strides = array<i32>} : memref<2x32x1664xf32, #tpu.memory_space<vmem>>, vector<1x1x16xf32>,
        %swap3A_179 = vector.shape_cast %swap3A_178 : vector<1x1x16xf32> to vector<16xf32>
        %swap3A_180 = vector.shape_cast %get3A_167 : vector<16xf32> to vector<1x1x16xf32>
        tpu.vector_store %arg4[%swap3A_175, %swap3A_176, %swap3A_177], %swap3A_180 {strides = array<i32>} : memref<2x32x1664xf32, #tpu.memory_space<vmem>>, vector<1x1x16xf32>,
        %get3A_181 = arith.constant 1 : i32
        %get3A_182 = arith.index_cast %get3A_181 : i32 to index
        %get3A_183 = arith.index_cast %add3A_156 : i32 to index
        %get3A_184 = arith.constant 16 : index
        %get3A_185 = tpu.vector_load %arg4[%get3A_182, %get3A_183, %get3A_184] {strides = array<i32>} : memref<2x32x1664xf32, #tpu.memory_space<vmem>>, vector<1x1x16xf32>,
        %get3A_186 = vector.shape_cast %get3A_185 : vector<1x1x16xf32> to vector<16xf32>
        %get3A_187 = arith.constant 1 : i32
        %get3A_188 = arith.index_cast %get3A_187 : i32 to index
        %get3A_189 = arith.index_cast %add3A_156 : i32 to index
        %get3A_190 = arith.constant 1616 : index
        %get3A_191 = tpu.vector_load %arg4[%get3A_188, %get3A_189, %get3A_190] {strides = array<i32>} : memref<2x32x1664xf32, #tpu.memory_space<vmem>>, vector<1x1x16xf32>,
        %get3A_192 = vector.shape_cast %get3A_191 : vector<1x1x16xf32> to vector<16xf32>
        %swap3A_193 = arith.constant 1 : i32
        %swap3A_194 = arith.index_cast %swap3A_193 : i32 to index
        %swap3A_195 = arith.index_cast %add3A_156 : i32 to index
        %swap3A_196 = arith.constant 1616 : index
        %swap3A_197 = tpu.vector_load %arg4[%swap3A_194, %swap3A_195, %swap3A_196] {strides = array<i32>} : memref<2x32x1664xf32, #tpu.memory_space<vmem>>, vector<1x1x16xf32>,
        %swap3A_198 = vector.shape_cast %swap3A_197 : vector<1x1x16xf32> to vector<16xf32>
        %swap3A_199 = vector.shape_cast %get3A_186 : vector<16xf32> to vector<1x1x16xf32>
        tpu.vector_store %arg4[%swap3A_194, %swap3A_195, %swap3A_196], %swap3A_199 {strides = array<i32>} : memref<2x32x1664xf32, #tpu.memory_space<vmem>>, vector<1x1x16xf32>,
        %swap3A_200 = arith.constant 1 : i32
        %swap3A_201 = arith.index_cast %swap3A_200 : i32 to index
        %swap3A_202 = arith.index_cast %add3A_156 : i32 to index
        %swap3A_203 = arith.constant 16 : index
        %swap3A_204 = tpu.vector_load %arg4[%swap3A_201, %swap3A_202, %swap3A_203] {strides = array<i32>} : memref<2x32x1664xf32, #tpu.memory_space<vmem>>, vector<1x1x16xf32>,
        %swap3A_205 = vector.shape_cast %swap3A_204 : vector<1x1x16xf32> to vector<16xf32>
        %swap3A_206 = vector.shape_cast %get3A_192 : vector<16xf32> to vector<1x1x16xf32>
        tpu.vector_store %arg4[%swap3A_201, %swap3A_202, %swap3A_203], %swap3A_206 {strides = array<i32>} : memref<2x32x1664xf32, #tpu.memory_space<vmem>>, vector<1x1x16xf32>,
        %get3A_207 = arith.constant 1 : i32
        %get3A_208 = arith.index_cast %get3A_207 : i32 to index
        %get3A_209 = arith.index_cast %add3A_156 : i32 to index
        %get3A_210 = arith.constant 32 : index
        %get3A_211 = tpu.vector_load %arg4[%get3A_208, %get3A_209, %get3A_210] {strides = array<i32>} : memref<2x32x1664xf32, #tpu.memory_space<vmem>>, vector<1x1x16xf32>,
        %get3A_212 = vector.shape_cast %get3A_211 : vector<1x1x16xf32> to vector<16xf32>
        %get3A_213 = arith.constant 1 : i32
        %get3A_214 = arith.index_cast %get3A_213 : i32 to index
        %get3A_215 = arith.index_cast %add3A_156 : i32 to index
        %get3A_216 = arith.constant 1632 : index
        %get3A_217 = tpu.vector_load %arg4[%get3A_214, %get3A_215, %get3A_216] {strides = array<i32>} : memref<2x32x1664xf32, #tpu.memory_space<vmem>>, vector<1x1x16xf32>,
        %get3A_218 = vector.shape_cast %get3A_217 : vector<1x1x16xf32> to vector<16xf32>
        %swap3A_219 = arith.constant 1 : i32
        %swap3A_220 = arith.index_cast %swap3A_219 : i32 to index
        %swap3A_221 = arith.index_cast %add3A_156 : i32 to index
        %swap3A_222 = arith.constant 1632 : index
        %swap3A_223 = tpu.vector_load %arg4[%swap3A_220, %swap3A_221, %swap3A_222] {strides = array<i32>} : memref<2x32x1664xf32, #tpu.memory_space<vmem>>, vector<1x1x16xf32>,
        %swap3A_224 = vector.shape_cast %swap3A_223 : vector<1x1x16xf32> to vector<16xf32>
        %swap3A_225 = vector.shape_cast %get3A_212 : vector<16xf32> to vector<1x1x16xf32>
        tpu.vector_store %arg4[%swap3A_220, %swap3A_221, %swap3A_222], %swap3A_225 {strides = array<i32>} : memref<2x32x1664xf32, #tpu.memory_space<vmem>>, vector<1x1x16xf32>,
        %swap3A_226 = arith.constant 1 : i32
        %swap3A_227 = arith.index_cast %swap3A_226 : i32 to index
        %swap3A_228 = arith.index_cast %add3A_156 : i32 to index
        %swap3A_229 = arith.constant 32 : index
        %swap3A_230 = tpu.vector_load %arg4[%swap3A_227, %swap3A_228, %swap3A_229] {strides = array<i32>} : memref<2x32x1664xf32, #tpu.memory_space<vmem>>, vector<1x1x16xf32>,
        %swap3A_231 = vector.shape_cast %swap3A_230 : vector<1x1x16xf32> to vector<16xf32>
        %swap3A_232 = vector.shape_cast %get3A_218 : vector<16xf32> to vector<1x1x16xf32>
        tpu.vector_store %arg4[%swap3A_227, %swap3A_228, %swap3A_229], %swap3A_232 {strides = array<i32>} : memref<2x32x1664xf32, #tpu.memory_space<vmem>>, vector<1x1x16xf32>,
        %get3A_233 = arith.constant 1 : i32
        %get3A_234 = arith.index_cast %get3A_233 : i32 to index
        %get3A_235 = arith.index_cast %add3A_156 : i32 to index
        %get3A_236 = arith.constant 48 : index
        %get3A_237 = tpu.vector_load %arg4[%get3A_234, %get3A_235, %get3A_236] {strides = array<i32>} : memref<2x32x1664xf32, #tpu.memory_space<vmem>>, vector<1x1x16xf32>,
        %get3A_238 = vector.shape_cast %get3A_237 : vector<1x1x16xf32> to vector<16xf32>
        %get3A_239 = arith.constant 1 : i32
        %get3A_240 = arith.index_cast %get3A_239 : i32 to index
        %get3A_241 = arith.index_cast %add3A_156 : i32 to index
        %get3A_242 = arith.constant 1648 : index
        %get3A_243 = tpu.vector_load %arg4[%get3A_240, %get3A_241, %get3A_242] {strides = array<i32>} : memref<2x32x1664xf32, #tpu.memory_space<vmem>>, vector<1x1x16xf32>,
        %get3A_244 = vector.shape_cast %get3A_243 : vector<1x1x16xf32> to vector<16xf32>
        %swap3A_245 = arith.constant 1 : i32
        %swap3A_246 = arith.index_cast %swap3A_245 : i32 to index
        %swap3A_247 = arith.index_cast %add3A_156 : i32 to index
        %swap3A_248 = arith.constant 1648 : index
        %swap3A_249 = tpu.vector_load %arg4[%swap3A_246, %swap3A_247, %swap3A_248] {strides = array<i32>} : memref<2x32x1664xf32, #tpu.memory_space<vmem>>, vector<1x1x16xf32>,
        %swap3A_250 = vector.shape_cast %swap3A_249 : vector<1x1x16xf32> to vector<16xf32>
        %swap3A_251 = vector.shape_cast %get3A_238 : vector<16xf32> to vector<1x1x16xf32>
        tpu.vector_store %arg4[%swap3A_246, %swap3A_247, %swap3A_248], %swap3A_251 {strides = array<i32>} : memref<2x32x1664xf32, #tpu.memory_space<vmem>>, vector<1x1x16xf32>,
        %swap3A_252 = arith.constant 1 : i32
        %swap3A_253 = arith.index_cast %swap3A_252 : i32 to index
        %swap3A_254 = arith.index_cast %add3A_156 : i32 to index
        %swap3A_255 = arith.constant 48 : index
        %swap3A_256 = tpu.vector_load %arg4[%swap3A_253, %swap3A_254, %swap3A_255] {strides = array<i32>} : memref<2x32x1664xf32, #tpu.memory_space<vmem>>, vector<1x1x16xf32>,
        %swap3A_257 = vector.shape_cast %swap3A_256 : vector<1x1x16xf32> to vector<16xf32>
        %swap3A_258 = vector.shape_cast %get3A_244 : vector<16xf32> to vector<1x1x16xf32>
        tpu.vector_store %arg4[%swap3A_253, %swap3A_254, %swap3A_255], %swap3A_258 {strides = array<i32>} : memref<2x32x1664xf32, #tpu.memory_space<vmem>>, vector<1x1x16xf32>,
        %get3A_259 = arith.constant 1 : i32
        %get3A_260 = arith.index_cast %get3A_259 : i32 to index
        %get3A_261 = arith.index_cast %add3A_156 : i32 to index
        %get3A_262 = arith.constant 64 : index
        %get3A_263 = tpu.vector_load %arg4[%get3A_260, %get3A_261, %get3A_262] {strides = array<i32>} : memref<2x32x1664xf32, #tpu.memory_space<vmem>>, vector<1x1x16xf32>,
        %get3A_264 = vector.shape_cast %get3A_263 : vector<1x1x16xf32> to vector<16xf32>
        %get3A_265 = arith.constant 1 : i32
        %get3A_266 = arith.index_cast %get3A_265 : i32 to index
        %get3A_267 = arith.index_cast %add3A_156 : i32 to index
        %get3A_268 = arith.constant 1536 : index
        %get3A_269 = tpu.vector_load %arg4[%get3A_266, %get3A_267, %get3A_268] {strides = array<i32>} : memref<2x32x1664xf32, #tpu.memory_space<vmem>>, vector<1x1x16xf32>,
        %get3A_270 = vector.shape_cast %get3A_269 : vector<1x1x16xf32> to vector<16xf32>
        %swap3A_271 = arith.constant 1 : i32
        %swap3A_272 = arith.index_cast %swap3A_271 : i32 to index
        %swap3A_273 = arith.index_cast %add3A_156 : i32 to index
        %swap3A_274 = arith.constant 1536 : index
        %swap3A_275 = tpu.vector_load %arg4[%swap3A_272, %swap3A_273, %swap3A_274] {strides = array<i32>} : memref<2x32x1664xf32, #tpu.memory_space<vmem>>, vector<1x1x16xf32>,
        %swap3A_276 = vector.shape_cast %swap3A_275 : vector<1x1x16xf32> to vector<16xf32>
        %swap3A_277 = vector.shape_cast %get3A_264 : vector<16xf32> to vector<1x1x16xf32>
        tpu.vector_store %arg4[%swap3A_272, %swap3A_273, %swap3A_274], %swap3A_277 {strides = array<i32>} : memref<2x32x1664xf32, #tpu.memory_space<vmem>>, vector<1x1x16xf32>,
        %swap3A_278 = arith.constant 1 : i32
        %swap3A_279 = arith.index_cast %swap3A_278 : i32 to index
        %swap3A_280 = arith.index_cast %add3A_156 : i32 to index
        %swap3A_281 = arith.constant 64 : index
        %swap3A_282 = tpu.vector_load %arg4[%swap3A_279, %swap3A_280, %swap3A_281] {strides = array<i32>} : memref<2x32x1664xf32, #tpu.memory_space<vmem>>, vector<1x1x16xf32>,
        %swap3A_283 = vector.shape_cast %swap3A_282 : vector<1x1x16xf32> to vector<16xf32>
        %swap3A_284 = vector.shape_cast %get3A_270 : vector<16xf32> to vector<1x1x16xf32>
        tpu.vector_store %arg4[%swap3A_279, %swap3A_280, %swap3A_281], %swap3A_284 {strides = array<i32>} : memref<2x32x1664xf32, #tpu.memory_space<vmem>>, vector<1x1x16xf32>,
        %get3A_285 = arith.constant 1 : i32
        %get3A_286 = arith.index_cast %get3A_285 : i32 to index
        %get3A_287 = arith.index_cast %add3A_156 : i32 to index
        %get3A_288 = arith.constant 80 : index
        %get3A_289 = tpu.vector_load %arg4[%get3A_286, %get3A_287, %get3A_288] {strides = array<i32>} : memref<2x32x1664xf32, #tpu.memory_space<vmem>>, vector<1x1x16xf32>,
        %get3A_290 = vector.shape_cast %get3A_289 : vector<1x1x16xf32> to vector<16xf32>
        %get3A_291 = arith.constant 1 : i32
        %get3A_292 = arith.index_cast %get3A_291 : i32 to index
        %get3A_293 = arith.index_cast %add3A_156 : i32 to index
        %get3A_294 = arith.constant 1552 : index
        %get3A_295 = tpu.vector_load %arg4[%get3A_292, %get3A_293, %get3A_294] {strides = array<i32>} : memref<2x32x1664xf32, #tpu.memory_space<vmem>>, vector<1x1x16xf32>,
        %get3A_296 = vector.shape_cast %get3A_295 : vector<1x1x16xf32> to vector<16xf32>
        %swap3A_297 = arith.constant 1 : i32
        %swap3A_298 = arith.index_cast %swap3A_297 : i32 to index
        %swap3A_299 = arith.index_cast %add3A_156 : i32 to index
        %swap3A_300 = arith.constant 1552 : index
        %swap3A_301 = tpu.vector_load %arg4[%swap3A_298, %swap3A_299, %swap3A_300] {strides = array<i32>} : memref<2x32x1664xf32, #tpu.memory_space<vmem>>, vector<1x1x16xf32>,
        %swap3A_302 = vector.shape_cast %swap3A_301 : vector<1x1x16xf32> to vector<16xf32>
        %swap3A_303 = vector.shape_cast %get3A_290 : vector<16xf32> to vector<1x1x16xf32>
        tpu.vector_store %arg4[%swap3A_298, %swap3A_299, %swap3A_300], %swap3A_303 {strides = array<i32>} : memref<2x32x1664xf32, #tpu.memory_space<vmem>>, vector<1x1x16xf32>,
        %swap3A_304 = arith.constant 1 : i32
        %swap3A_305 = arith.index_cast %swap3A_304 : i32 to index
        %swap3A_306 = arith.index_cast %add3A_156 : i32 to index
        %swap3A_307 = arith.constant 80 : index
        %swap3A_308 = tpu.vector_load %arg4[%swap3A_305, %swap3A_306, %swap3A_307] {strides = array<i32>} : memref<2x32x1664xf32, #tpu.memory_space<vmem>>, vector<1x1x16xf32>,
        %swap3A_309 = vector.shape_cast %swap3A_308 : vector<1x1x16xf32> to vector<16xf32>
        %swap3A_310 = vector.shape_cast %get3A_296 : vector<16xf32> to vector<1x1x16xf32>
        tpu.vector_store %arg4[%swap3A_305, %swap3A_306, %swap3A_307], %swap3A_310 {strides = array<i32>} : memref<2x32x1664xf32, #tpu.memory_space<vmem>>, vector<1x1x16xf32>,
        %get3A_311 = arith.constant 1 : i32
        %get3A_312 = arith.index_cast %get3A_311 : i32 to index
        %get3A_313 = arith.index_cast %add3A_156 : i32 to index
        %get3A_314 = arith.constant 96 : index
        %get3A_315 = tpu.vector_load %arg4[%get3A_312, %get3A_313, %get3A_314] {strides = array<i32>} : memref<2x32x1664xf32, #tpu.memory_space<vmem>>, vector<1x1x16xf32>,
        %get3A_316 = vector.shape_cast %get3A_315 : vector<1x1x16xf32> to vector<16xf32>
        %get3A_317 = arith.constant 1 : i32
        %get3A_318 = arith.index_cast %get3A_317 : i32 to index
        %get3A_319 = arith.index_cast %add3A_156 : i32 to index
        %get3A_320 = arith.constant 1568 : index
        %get3A_321 = tpu.vector_load %arg4[%get3A_318, %get3A_319, %get3A_320] {strides = array<i32>} : memref<2x32x1664xf32, #tpu.memory_space<vmem>>, vector<1x1x16xf32>,
        %get3A_322 = vector.shape_cast %get3A_321 : vector<1x1x16xf32> to vector<16xf32>
        %swap3A_323 = arith.constant 1 : i32
        %swap3A_324 = arith.index_cast %swap3A_323 : i32 to index
        %swap3A_325 = arith.index_cast %add3A_156 : i32 to index
        %swap3A_326 = arith.constant 1568 : index
        %swap3A_327 = tpu.vector_load %arg4[%swap3A_324, %swap3A_325, %swap3A_326] {strides = array<i32>} : memref<2x32x1664xf32, #tpu.memory_space<vmem>>, vector<1x1x16xf32>,
        %swap3A_328 = vector.shape_cast %swap3A_327 : vector<1x1x16xf32> to vector<16xf32>
        %swap3A_329 = vector.shape_cast %get3A_316 : vector<16xf32> to vector<1x1x16xf32>
        tpu.vector_store %arg4[%swap3A_324, %swap3A_325, %swap3A_326], %swap3A_329 {strides = array<i32>} : memref<2x32x1664xf32, #tpu.memory_space<vmem>>, vector<1x1x16xf32>,
        %swap3A_330 = arith.constant 1 : i32
        %swap3A_331 = arith.index_cast %swap3A_330 : i32 to index
        %swap3A_332 = arith.index_cast %add3A_156 : i32 to index
        %swap3A_333 = arith.constant 96 : index
        %swap3A_334 = tpu.vector_load %arg4[%swap3A_331, %swap3A_332, %swap3A_333] {strides = array<i32>} : memref<2x32x1664xf32, #tpu.memory_space<vmem>>, vector<1x1x16xf32>,
        %swap3A_335 = vector.shape_cast %swap3A_334 : vector<1x1x16xf32> to vector<16xf32>
        %swap3A_336 = vector.shape_cast %get3A_322 : vector<16xf32> to vector<1x1x16xf32>
        tpu.vector_store %arg4[%swap3A_331, %swap3A_332, %swap3A_333], %swap3A_336 {strides = array<i32>} : memref<2x32x1664xf32, #tpu.memory_space<vmem>>, vector<1x1x16xf32>,
        %get3A_337 = arith.constant 1 : i32
        %get3A_338 = arith.index_cast %get3A_337 : i32 to index
        %get3A_339 = arith.index_cast %add3A_156 : i32 to index
        %get3A_340 = arith.constant 112 : index
        %get3A_341 = tpu.vector_load %arg4[%get3A_338, %get3A_339, %get3A_340] {strides = array<i32>} : memref<2x32x1664xf32, #tpu.memory_space<vmem>>, vector<1x1x16xf32>,
        %get3A_342 = vector.shape_cast %get3A_341 : vector<1x1x16xf32> to vector<16xf32>
        %get3A_343 = arith.constant 1 : i32
        %get3A_344 = arith.index_cast %get3A_343 : i32 to index
        %get3A_345 = arith.index_cast %add3A_156 : i32 to index
        %get3A_346 = arith.constant 1584 : index
        %get3A_347 = tpu.vector_load %arg4[%get3A_344, %get3A_345, %get3A_346] {strides = array<i32>} : memref<2x32x1664xf32, #tpu.memory_space<vmem>>, vector<1x1x16xf32>,
        %get3A_348 = vector.shape_cast %get3A_347 : vector<1x1x16xf32> to vector<16xf32>
        %swap3A_349 = arith.constant 1 : i32
        %swap3A_350 = arith.index_cast %swap3A_349 : i32 to index
        %swap3A_351 = arith.index_cast %add3A_156 : i32 to index
        %swap3A_352 = arith.constant 1584 : index
        %swap3A_353 = tpu.vector_load %arg4[%swap3A_350, %swap3A_351, %swap3A_352] {strides = array<i32>} : memref<2x32x1664xf32, #tpu.memory_space<vmem>>, vector<1x1x16xf32>,
        %swap3A_354 = vector.shape_cast %swap3A_353 : vector<1x1x16xf32> to vector<16xf32>
        %swap3A_355 = vector.shape_cast %get3A_342 : vector<16xf32> to vector<1x1x16xf32>
        tpu.vector_store %arg4[%swap3A_350, %swap3A_351, %swap3A_352], %swap3A_355 {strides = array<i32>} : memref<2x32x1664xf32, #tpu.memory_space<vmem>>, vector<1x1x16xf32>,
        %swap3A_356 = arith.constant 1 : i32
        %swap3A_357 = arith.index_cast %swap3A_356 : i32 to index
        %swap3A_358 = arith.index_cast %add3A_156 : i32 to index
        %swap3A_359 = arith.constant 112 : index
        %swap3A_360 = tpu.vector_load %arg4[%swap3A_357, %swap3A_358, %swap3A_359] {strides = array<i32>} : memref<2x32x1664xf32, #tpu.memory_space<vmem>>, vector<1x1x16xf32>,
        %swap3A_361 = vector.shape_cast %swap3A_360 : vector<1x1x16xf32> to vector<16xf32>
        %swap3A_362 = vector.shape_cast %get3A_348 : vector<16xf32> to vector<1x1x16xf32>
        tpu.vector_store %arg4[%swap3A_357, %swap3A_358, %swap3A_359], %swap3A_362 {strides = array<i32>} : memref<2x32x1664xf32, #tpu.memory_space<vmem>>, vector<1x1x16xf32>,
        %get3A_363 = arith.constant 1 : i32
        %get3A_364 = arith.index_cast %get3A_363 : i32 to index
        %get3A_365 = arith.index_cast %add3A_156 : i32 to index
        %get3A_366 = arith.constant 128 : index
        %get3A_367 = tpu.vector_load %arg4[%get3A_364, %get3A_365, %get3A_366] {strides = array<i32>} : memref<2x32x1664xf32, #tpu.memory_space<vmem>>, vector<1x1x16xf32>,
        %get3A_368 = vector.shape_cast %get3A_367 : vector<1x1x16xf32> to vector<16xf32>
        %get3A_369 = arith.constant 1 : i32
        %get3A_370 = arith.index_cast %get3A_369 : i32 to index
        %get3A_371 = arith.index_cast %add3A_156 : i32 to index
        %get3A_372 = arith.constant 1472 : index
        %get3A_373 = tpu.vector_load %arg4[%get3A_370, %get3A_371, %get3A_372] {strides = array<i32>} : memref<2x32x1664xf32, #tpu.memory_space<vmem>>, vector<1x1x16xf32>,
        %get3A_374 = vector.shape_cast %get3A_373 : vector<1x1x16xf32> to vector<16xf32>
        %swap3A_375 = arith.constant 1 : i32
        %swap3A_376 = arith.index_cast %swap3A_375 : i32 to index
        %swap3A_377 = arith.index_cast %add3A_156 : i32 to index
        %swap3A_378 = arith.constant 1472 : index
        %swap3A_379 = tpu.vector_load %arg4[%swap3A_376, %swap3A_377, %swap3A_378] {strides = array<i32>} : memref<2x32x1664xf32, #tpu.memory_space<vmem>>, vector<1x1x16xf32>,
        %swap3A_380 = vector.shape_cast %swap3A_379 : vector<1x1x16xf32> to vector<16xf32>
        %swap3A_381 = vector.shape_cast %get3A_368 : vector<16xf32> to vector<1x1x16xf32>
        tpu.vector_store %arg4[%swap3A_376, %swap3A_377, %swap3A_378], %swap3A_381 {strides = array<i32>} : memref<2x32x1664xf32, #tpu.memory_space<vmem>>, vector<1x1x16xf32>,
        %swap3A_382 = arith.constant 1 : i32
        %swap3A_383 = arith.index_cast %swap3A_382 : i32 to index
        %swap3A_384 = arith.index_cast %add3A_156 : i32 to index
        %swap3A_385 = arith.constant 128 : index
        %swap3A_386 = tpu.vector_load %arg4[%swap3A_383, %swap3A_384, %swap3A_385] {strides = array<i32>} : memref<2x32x1664xf32, #tpu.memory_space<vmem>>, vector<1x1x16xf32>,
        %swap3A_387 = vector.shape_cast %swap3A_386 : vector<1x1x16xf32> to vector<16xf32>
        %swap3A_388 = vector.shape_cast %get3A_374 : vector<16xf32> to vector<1x1x16xf32>
        tpu.vector_store %arg4[%swap3A_383, %swap3A_384, %swap3A_385], %swap3A_388 {strides = array<i32>} : memref<2x32x1664xf32, #tpu.memory_space<vmem>>, vector<1x1x16xf32>,
        %get3A_389 = arith.constant 1 : i32
        %get3A_390 = arith.index_cast %get3A_389 : i32 to index
        %get3A_391 = arith.index_cast %add3A_156 : i32 to index
        %get3A_392 = arith.constant 144 : index
        %get3A_393 = tpu.vector_load %arg4[%get3A_390, %get3A_391, %get3A_392] {strides = array<i32>} : memref<2x32x1664xf32, #tpu.memory_space<vmem>>, vector<1x1x16xf32>,
        %get3A_394 = vector.shape_cast %get3A_393 : vector<1x1x16xf32> to vector<16xf32>
        %get3A_395 = arith.constant 1 : i32
        %get3A_396 = arith.index_cast %get3A_395 : i32 to index
        %get3A_397 = arith.index_cast %add3A_156 : i32 to index
        %get3A_398 = arith.constant 1488 : index
        %get3A_399 = tpu.vector_load %arg4[%get3A_396, %get3A_397, %get3A_398] {strides = array<i32>} : memref<2x32x1664xf32, #tpu.memory_space<vmem>>, vector<1x1x16xf32>,
        %get3A_400 = vector.shape_cast %get3A_399 : vector<1x1x16xf32> to vector<16xf32>
        %swap3A_401 = arith.constant 1 : i32
        %swap3A_402 = arith.index_cast %swap3A_401 : i32 to index
        %swap3A_403 = arith.index_cast %add3A_156 : i32 to index
        %swap3A_404 = arith.constant 1488 : index
        %swap3A_405 = tpu.vector_load %arg4[%swap3A_402, %swap3A_403, %swap3A_404] {strides = array<i32>} : memref<2x32x1664xf32, #tpu.memory_space<vmem>>, vector<1x1x16xf32>,
        %swap3A_406 = vector.shape_cast %swap3A_405 : vector<1x1x16xf32> to vector<16xf32>
        %swap3A_407 = vector.shape_cast %get3A_394 : vector<16xf32> to vector<1x1x16xf32>
        tpu.vector_store %arg4[%swap3A_402, %swap3A_403, %swap3A_404], %swap3A_407 {strides = array<i32>} : memref<2x32x1664xf32, #tpu.memory_space<vmem>>, vector<1x1x16xf32>,
        %swap3A_408 = arith.constant 1 : i32
        %swap3A_409 = arith.index_cast %swap3A_408 : i32 to index
        %swap3A_410 = arith.index_cast %add3A_156 : i32 to index
        %swap3A_411 = arith.constant 144 : index
        %swap3A_412 = tpu.vector_load %arg4[%swap3A_409, %swap3A_410, %swap3A_411] {strides = array<i32>} : memref<2x32x1664xf32, #tpu.memory_space<vmem>>, vector<1x1x16xf32>,
        %swap3A_413 = vector.shape_cast %swap3A_412 : vector<1x1x16xf32> to vector<16xf32>
        %swap3A_414 = vector.shape_cast %get3A_400 : vector<16xf32> to vector<1x1x16xf32>
        tpu.vector_store %arg4[%swap3A_409, %swap3A_410, %swap3A_411], %swap3A_414 {strides = array<i32>} : memref<2x32x1664xf32, #tpu.memory_space<vmem>>, vector<1x1x16xf32>,
        %get3A_415 = arith.constant 1 : i32
        %get3A_416 = arith.index_cast %get3A_415 : i32 to index
        %get3A_417 = arith.index_cast %add3A_156 : i32 to index
        %get3A_418 = arith.constant 160 : index
        %get3A_419 = tpu.vector_load %arg4[%get3A_416, %get3A_417, %get3A_418] {strides = array<i32>} : memref<2x32x1664xf32, #tpu.memory_space<vmem>>, vector<1x1x16xf32>,
        %get3A_420 = vector.shape_cast %get3A_419 : vector<1x1x16xf32> to vector<16xf32>
        %get3A_421 = arith.constant 1 : i32
        %get3A_422 = arith.index_cast %get3A_421 : i32 to index
        %get3A_423 = arith.index_cast %add3A_156 : i32 to index
        %get3A_424 = arith.constant 1504 : index
        %get3A_425 = tpu.vector_load %arg4[%get3A_422, %get3A_423, %get3A_424] {strides = array<i32>} : memref<2x32x1664xf32, #tpu.memory_space<vmem>>, vector<1x1x16xf32>,
        %get3A_426 = vector.shape_cast %get3A_425 : vector<1x1x16xf32> to vector<16xf32>
        %swap3A_427 = arith.constant 1 : i32
        %swap3A_428 = arith.index_cast %swap3A_427 : i32 to index
        %swap3A_429 = arith.index_cast %add3A_156 : i32 to index
        %swap3A_430 = arith.constant 1504 : index
        %swap3A_431 = tpu.vector_load %arg4[%swap3A_428, %swap3A_429, %swap3A_430] {strides = array<i32>} : memref<2x32x1664xf32, #tpu.memory_space<vmem>>, vector<1x1x16xf32>,
        %swap3A_432 = vector.shape_cast %swap3A_431 : vector<1x1x16xf32> to vector<16xf32>
        %swap3A_433 = vector.shape_cast %get3A_420 : vector<16xf32> to vector<1x1x16xf32>
        tpu.vector_store %arg4[%swap3A_428, %swap3A_429, %swap3A_430], %swap3A_433 {strides = array<i32>} : memref<2x32x1664xf32, #tpu.memory_space<vmem>>, vector<1x1x16xf32>,
        %swap3A_434 = arith.constant 1 : i32
        %swap3A_435 = arith.index_cast %swap3A_434 : i32 to index
        %swap3A_436 = arith.index_cast %add3A_156 : i32 to index
        %swap3A_437 = arith.constant 160 : index
        %swap3A_438 = tpu.vector_load %arg4[%swap3A_435, %swap3A_436, %swap3A_437] {strides = array<i32>} : memref<2x32x1664xf32, #tpu.memory_space<vmem>>, vector<1x1x16xf32>,
        %swap3A_439 = vector.shape_cast %swap3A_438 : vector<1x1x16xf32> to vector<16xf32>
        %swap3A_440 = vector.shape_cast %get3A_426 : vector<16xf32> to vector<1x1x16xf32>
        tpu.vector_store %arg4[%swap3A_435, %swap3A_436, %swap3A_437], %swap3A_440 {strides = array<i32>} : memref<2x32x1664xf32, #tpu.memory_space<vmem>>, vector<1x1x16xf32>,
        %get3A_441 = arith.constant 1 : i32
        %get3A_442 = arith.index_cast %get3A_441 : i32 to index
        %get3A_443 = arith.index_cast %add3A_156 : i32 to index
        %get3A_444 = arith.constant 176 : index
        %get3A_445 = tpu.vector_load %arg4[%get3A_442, %get3A_443, %get3A_444] {strides = array<i32>} : memref<2x32x1664xf32, #tpu.memory_space<vmem>>, vector<1x1x16xf32>,
        %get3A_446 = vector.shape_cast %get3A_445 : vector<1x1x16xf32> to vector<16xf32>
        %get3A_447 = arith.constant 1 : i32
        %get3A_448 = arith.index_cast %get3A_447 : i32 to index
        %get3A_449 = arith.index_cast %add3A_156 : i32 to index
        %get3A_450 = arith.constant 1520 : index
        %get3A_451 = tpu.vector_load %arg4[%get3A_448, %get3A_449, %get3A_450] {strides = array<i32>} : memref<2x32x1664xf32, #tpu.memory_space<vmem>>, vector<1x1x16xf32>,
        %get3A_452 = vector.shape_cast %get3A_451 : vector<1x1x16xf32> to vector<16xf32>
        %swap3A_453 = arith.constant 1 : i32
        %swap3A_454 = arith.index_cast %swap3A_453 : i32 to index
        %swap3A_455 = arith.index_cast %add3A_156 : i32 to index
        %swap3A_456 = arith.constant 1520 : index
        %swap3A_457 = tpu.vector_load %arg4[%swap3A_454, %swap3A_455, %swap3A_456] {strides = array<i32>} : memref<2x32x1664xf32, #tpu.memory_space<vmem>>, vector<1x1x16xf32>,
        %swap3A_458 = vector.shape_cast %swap3A_457 : vector<1x1x16xf32> to vector<16xf32>
        %swap3A_459 = vector.shape_cast %get3A_446 : vector<16xf32> to vector<1x1x16xf32>
        tpu.vector_store %arg4[%swap3A_454, %swap3A_455, %swap3A_456], %swap3A_459 {strides = array<i32>} : memref<2x32x1664xf32, #tpu.memory_space<vmem>>, vector<1x1x16xf32>,
        %swap3A_460 = arith.constant 1 : i32
        %swap3A_461 = arith.index_cast %swap3A_460 : i32 to index
        %swap3A_462 = arith.index_cast %add3A_156 : i32 to index
        %swap3A_463 = arith.constant 176 : index
        %swap3A_464 = tpu.vector_load %arg4[%swap3A_461, %swap3A_462, %swap3A_463] {strides = array<i32>} : memref<2x32x1664xf32, #tpu.memory_space<vmem>>, vector<1x1x16xf32>,
        %swap3A_465 = vector.shape_cast %swap3A_464 : vector<1x1x16xf32> to vector<16xf32>
        %swap3A_466 = vector.shape_cast %get3A_452 : vector<16xf32> to vector<1x1x16xf32>
        tpu.vector_store %arg4[%swap3A_461, %swap3A_462, %swap3A_463], %swap3A_466 {strides = array<i32>} : memref<2x32x1664xf32, #tpu.memory_space<vmem>>, vector<1x1x16xf32>,
        %get3A_467 = arith.constant 1 : i32
        %get3A_468 = arith.index_cast %get3A_467 : i32 to index
        %get3A_469 = arith.index_cast %add3A_156 : i32 to index
        %get3A_470 = arith.constant 192 : index
        %get3A_471 = tpu.vector_load %arg4[%get3A_468, %get3A_469, %get3A_470] {strides = array<i32>} : memref<2x32x1664xf32, #tpu.memory_space<vmem>>, vector<1x1x16xf32>,
        %get3A_472 = vector.shape_cast %get3A_471 : vector<1x1x16xf32> to vector<16xf32>
        %get3A_473 = arith.constant 1 : i32
        %get3A_474 = arith.index_cast %get3A_473 : i32 to index
        %get3A_475 = arith.index_cast %add3A_156 : i32 to index
        %get3A_476 = arith.constant 1408 : index
        %get3A_477 = tpu.vector_load %arg4[%get3A_474, %get3A_475, %get3A_476] {strides = array<i32>} : memref<2x32x1664xf32, #tpu.memory_space<vmem>>, vector<1x1x16xf32>,
        %get3A_478 = vector.shape_cast %get3A_477 : vector<1x1x16xf32> to vector<16xf32>
        %swap3A_479 = arith.constant 1 : i32
        %swap3A_480 = arith.index_cast %swap3A_479 : i32 to index
        %swap3A_481 = arith.index_cast %add3A_156 : i32 to index
        %swap3A_482 = arith.constant 1408 : index
        %swap3A_483 = tpu.vector_load %arg4[%swap3A_480, %swap3A_481, %swap3A_482] {strides = array<i32>} : memref<2x32x1664xf32, #tpu.memory_space<vmem>>, vector<1x1x16xf32>,
        %swap3A_484 = vector.shape_cast %swap3A_483 : vector<1x1x16xf32> to vector<16xf32>
        %swap3A_485 = vector.shape_cast %get3A_472 : vector<16xf32> to vector<1x1x16xf32>
        tpu.vector_store %arg4[%swap3A_480, %swap3A_481, %swap3A_482], %swap3A_485 {strides = array<i32>} : memref<2x32x1664xf32, #tpu.memory_space<vmem>>, vector<1x1x16xf32>,
        %swap3A_486 = arith.constant 1 : i32
        %swap3A_487 = arith.index_cast %swap3A_486 : i32 to index
        %swap3A_488 = arith.index_cast %add3A_156 : i32 to index
        %swap3A_489 = arith.constant 192 : index
        %swap3A_490 = tpu.vector_load %arg4[%swap3A_487, %swap3A_488, %swap3A_489] {strides = array<i32>} : memref<2x32x1664xf32, #tpu.memory_space<vmem>>, vector<1x1x16xf32>,
        %swap3A_491 = vector.shape_cast %swap3A_490 : vector<1x1x16xf32> to vector<16xf32>
        %swap3A_492 = vector.shape_cast %get3A_478 : vector<16xf32> to vector<1x1x16xf32>
        tpu.vector_store %arg4[%swap3A_487, %swap3A_488, %swap3A_489], %swap3A_492 {strides = array<i32>} : memref<2x32x1664xf32, #tpu.memory_space<vmem>>, vector<1x1x16xf32>,
        %get3A_493 = arith.constant 1 : i32
        %get3A_494 = arith.index_cast %get3A_493 : i32 to index
        %get3A_495 = arith.index_cast %add3A_156 : i32 to index
        %get3A_496 = arith.constant 208 : index
        %get3A_497 = tpu.vector_load %arg4[%get3A_494, %get3A_495, %get3A_496] {strides = array<i32>} : memref<2x32x1664xf32, #tpu.memory_space<vmem>>, vector<1x1x16xf32>,
        %get3A_498 = vector.shape_cast %get3A_497 : vector<1x1x16xf32> to vector<16xf32>
        %get3A_499 = arith.constant 1 : i32
        %get3A_500 = arith.index_cast %get3A_499 : i32 to index
        %get3A_501 = arith.index_cast %add3A_156 : i32 to index
        %get3A_502 = arith.constant 1424 : index
        %get3A_503 = tpu.vector_load %arg4[%get3A_500, %get3A_501, %get3A_502] {strides = array<i32>} : memref<2x32x1664xf32, #tpu.memory_space<vmem>>, vector<1x1x16xf32>,
        %get3A_504 = vector.shape_cast %get3A_503 : vector<1x1x16xf32> to vector<16xf32>
        %swap3A_505 = arith.constant 1 : i32
        %swap3A_506 = arith.index_cast %swap3A_505 : i32 to index
        %swap3A_507 = arith.index_cast %add3A_156 : i32 to index
        %swap3A_508 = arith.constant 1424 : index
        %swap3A_509 = tpu.vector_load %arg4[%swap3A_506, %swap3A_507, %swap3A_508] {strides = array<i32>} : memref<2x32x1664xf32, #tpu.memory_space<vmem>>, vector<1x1x16xf32>,
        %swap3A_510 = vector.shape_cast %swap3A_509 : vector<1x1x16xf32> to vector<16xf32>
        %swap3A_511 = vector.shape_cast %get3A_498 : vector<16xf32> to vector<1x1x16xf32>
        tpu.vector_store %arg4[%swap3A_506, %swap3A_507, %swap3A_508], %swap3A_511 {strides = array<i32>} : memref<2x32x1664xf32, #tpu.memory_space<vmem>>, vector<1x1x16xf32>,
        %swap3A_512 = arith.constant 1 : i32
        %swap3A_513 = arith.index_cast %swap3A_512 : i32 to index
        %swap3A_514 = arith.index_cast %add3A_156 : i32 to index
        %swap3A_515 = arith.constant 208 : index
        %swap3A_516 = tpu.vector_load %arg4[%swap3A_513, %swap3A_514, %swap3A_515] {strides = array<i32>} : memref<2x32x1664xf32, #tpu.memory_space<vmem>>, vector<1x1x16xf32>,
        %swap3A_517 = vector.shape_cast %swap3A_516 : vector<1x1x16xf32> to vector<16xf32>
        %swap3A_518 = vector.shape_cast %get3A_504 : vector<16xf32> to vector<1x1x16xf32>
        tpu.vector_store %arg4[%swap3A_513, %swap3A_514, %swap3A_515], %swap3A_518 {strides = array<i32>} : memref<2x32x1664xf32, #tpu.memory_space<vmem>>, vector<1x1x16xf32>,
        %get3A_519 = arith.constant 1 : i32
        %get3A_520 = arith.index_cast %get3A_519 : i32 to index
        %get3A_521 = arith.index_cast %add3A_156 : i32 to index
        %get3A_522 = arith.constant 224 : index
        %get3A_523 = tpu.vector_load %arg4[%get3A_520, %get3A_521, %get3A_522] {strides = array<i32>} : memref<2x32x1664xf32, #tpu.memory_space<vmem>>, vector<1x1x16xf32>,
        %get3A_524 = vector.shape_cast %get3A_523 : vector<1x1x16xf32> to vector<16xf32>
        %get3A_525 = arith.constant 1 : i32
        %get3A_526 = arith.index_cast %get3A_525 : i32 to index
        %get3A_527 = arith.index_cast %add3A_156 : i32 to index
        %get3A_528 = arith.constant 1440 : index
        %get3A_529 = tpu.vector_load %arg4[%get3A_526, %get3A_527, %get3A_528] {strides = array<i32>} : memref<2x32x1664xf32, #tpu.memory_space<vmem>>, vector<1x1x16xf32>,
        %get3A_530 = vector.shape_cast %get3A_529 : vector<1x1x16xf32> to vector<16xf32>
        %swap3A_531 = arith.constant 1 : i32
        %swap3A_532 = arith.index_cast %swap3A_531 : i32 to index
        %swap3A_533 = arith.index_cast %add3A_156 : i32 to index
        %swap3A_534 = arith.constant 1440 : index
        %swap3A_535 = tpu.vector_load %arg4[%swap3A_532, %swap3A_533, %swap3A_534] {strides = array<i32>} : memref<2x32x1664xf32, #tpu.memory_space<vmem>>, vector<1x1x16xf32>,
        %swap3A_536 = vector.shape_cast %swap3A_535 : vector<1x1x16xf32> to vector<16xf32>
        %swap3A_537 = vector.shape_cast %get3A_524 : vector<16xf32> to vector<1x1x16xf32>
        tpu.vector_store %arg4[%swap3A_532, %swap3A_533, %swap3A_534], %swap3A_537 {strides = array<i32>} : memref<2x32x1664xf32, #tpu.memory_space<vmem>>, vector<1x1x16xf32>,
        %swap3A_538 = arith.constant 1 : i32
        %swap3A_539 = arith.index_cast %swap3A_538 : i32 to index
        %swap3A_540 = arith.index_cast %add3A_156 : i32 to index
        %swap3A_541 = arith.constant 224 : index
        %swap3A_542 = tpu.vector_load %arg4[%swap3A_539, %swap3A_540, %swap3A_541] {strides = array<i32>} : memref<2x32x1664xf32, #tpu.memory_space<vmem>>, vector<1x1x16xf32>,
        %swap3A_543 = vector.shape_cast %swap3A_542 : vector<1x1x16xf32> to vector<16xf32>
        %swap3A_544 = vector.shape_cast %get3A_530 : vector<16xf32> to vector<1x1x16xf32>
        tpu.vector_store %arg4[%swap3A_539, %swap3A_540, %swap3A_541], %swap3A_544 {strides = array<i32>} : memref<2x32x1664xf32, #tpu.memory_space<vmem>>, vector<1x1x16xf32>,
        %get3A_545 = arith.constant 1 : i32
        %get3A_546 = arith.index_cast %get3A_545 : i32 to index
        %get3A_547 = arith.index_cast %add3A_156 : i32 to index
        %get3A_548 = arith.constant 240 : index
        %get3A_549 = tpu.vector_load %arg4[%get3A_546, %get3A_547, %get3A_548] {strides = array<i32>} : memref<2x32x1664xf32, #tpu.memory_space<vmem>>, vector<1x1x16xf32>,
        %get3A_550 = vector.shape_cast %get3A_549 : vector<1x1x16xf32> to vector<16xf32>
        %get3A_551 = arith.constant 1 : i32
        %get3A_552 = arith.index_cast %get3A_551 : i32 to index
        %get3A_553 = arith.index_cast %add3A_156 : i32 to index
        %get3A_554 = arith.constant 1456 : index
        %get3A_555 = tpu.vector_load %arg4[%get3A_552, %get3A_553, %get3A_554] {strides = array<i32>} : memref<2x32x1664xf32, #tpu.memory_space<vmem>>, vector<1x1x16xf32>,
        %get3A_556 = vector.shape_cast %get3A_555 : vector<1x1x16xf32> to vector<16xf32>
        %swap3A_557 = arith.constant 1 : i32
        %swap3A_558 = arith.index_cast %swap3A_557 : i32 to index
        %swap3A_559 = arith.index_cast %add3A_156 : i32 to index
        %swap3A_560 = arith.constant 1456 : index
        %swap3A_561 = tpu.vector_load %arg4[%swap3A_558, %swap3A_559, %swap3A_560] {strides = array<i32>} : memref<2x32x1664xf32, #tpu.memory_space<vmem>>, vector<1x1x16xf32>,
        %swap3A_562 = vector.shape_cast %swap3A_561 : vector<1x1x16xf32> to vector<16xf32>
        %swap3A_563 = vector.shape_cast %get3A_550 : vector<16xf32> to vector<1x1x16xf32>
        tpu.vector_store %arg4[%swap3A_558, %swap3A_559, %swap3A_560], %swap3A_563 {strides = array<i32>} : memref<2x32x1664xf32, #tpu.memory_space<vmem>>, vector<1x1x16xf32>,
        %swap3A_564 = arith.constant 1 : i32
        %swap3A_565 = arith.index_cast %swap3A_564 : i32 to index
        %swap3A_566 = arith.index_cast %add3A_156 : i32 to index
        %swap3A_567 = arith.constant 240 : index
        %swap3A_568 = tpu.vector_load %arg4[%swap3A_565, %swap3A_566, %swap3A_567] {strides = array<i32>} : memref<2x32x1664xf32, #tpu.memory_space<vmem>>, vector<1x1x16xf32>,
        %swap3A_569 = vector.shape_cast %swap3A_568 : vector<1x1x16xf32> to vector<16xf32>
        %swap3A_570 = vector.shape_cast %get3A_556 : vector<16xf32> to vector<1x1x16xf32>
        tpu.vector_store %arg4[%swap3A_565, %swap3A_566, %swap3A_567], %swap3A_570 {strides = array<i32>} : memref<2x32x1664xf32, #tpu.memory_space<vmem>>, vector<1x1x16xf32>,
        %get3A_571 = arith.constant 1 : i32
        %get3A_572 = arith.index_cast %get3A_571 : i32 to index
        %get3A_573 = arith.index_cast %add3A_156 : i32 to index
        %get3A_574 = arith.constant 256 : index
        %get3A_575 = tpu.vector_load %arg4[%get3A_572, %get3A_573, %get3A_574] {strides = array<i32>} : memref<2x32x1664xf32, #tpu.memory_space<vmem>>, vector<1x1x16xf32>,
        %get3A_576 = vector.shape_cast %get3A_575 : vector<1x1x16xf32> to vector<16xf32>
        %get3A_577 = arith.constant 1 : i32
        %get3A_578 = arith.index_cast %get3A_577 : i32 to index
        %get3A_579 = arith.index_cast %add3A_156 : i32 to index
        %get3A_580 = arith.constant 1344 : index
        %get3A_581 = tpu.vector_load %arg4[%get3A_578, %get3A_579, %get3A_580] {strides = array<i32>} : memref<2x32x1664xf32, #tpu.memory_space<vmem>>, vector<1x1x16xf32>,
        %get3A_582 = vector.shape_cast %get3A_581 : vector<1x1x16xf32> to vector<16xf32>
        %swap3A_583 = arith.constant 1 : i32
        %swap3A_584 = arith.index_cast %swap3A_583 : i32 to index
        %swap3A_585 = arith.index_cast %add3A_156 : i32 to index
        %swap3A_586 = arith.constant 1344 : index
        %swap3A_587 = tpu.vector_load %arg4[%swap3A_584, %swap3A_585, %swap3A_586] {strides = array<i32>} : memref<2x32x1664xf32, #tpu.memory_space<vmem>>, vector<1x1x16xf32>,
        %swap3A_588 = vector.shape_cast %swap3A_587 : vector<1x1x16xf32> to vector<16xf32>
        %swap3A_589 = vector.shape_cast %get3A_576 : vector<16xf32> to vector<1x1x16xf32>
        tpu.vector_store %arg4[%swap3A_584, %swap3A_585, %swap3A_586], %swap3A_589 {strides = array<i32>} : memref<2x32x1664xf32, #tpu.memory_space<vmem>>, vector<1x1x16xf32>,
        %swap3A_590 = arith.constant 1 : i32
        %swap3A_591 = arith.index_cast %swap3A_590 : i32 to index
        %swap3A_592 = arith.index_cast %add3A_156 : i32 to index
        %swap3A_593 = arith.constant 256 : index
        %swap3A_594 = tpu.vector_load %arg4[%swap3A_591, %swap3A_592, %swap3A_593] {strides = array<i32>} : memref<2x32x1664xf32, #tpu.memory_space<vmem>>, vector<1x1x16xf32>,
        %swap3A_595 = vector.shape_cast %swap3A_594 : vector<1x1x16xf32> to vector<16xf32>
        %swap3A_596 = vector.shape_cast %get3A_582 : vector<16xf32> to vector<1x1x16xf32>
        tpu.vector_store %arg4[%swap3A_591, %swap3A_592, %swap3A_593], %swap3A_596 {strides = array<i32>} : memref<2x32x1664xf32, #tpu.memory_space<vmem>>, vector<1x1x16xf32>,
        %get3A_597 = arith.constant 1 : i32
        %get3A_598 = arith.index_cast %get3A_597 : i32 to index
        %get3A_599 = arith.index_cast %add3A_156 : i32 to index
        %get3A_600 = arith.constant 272 : index
        %get3A_601 = tpu.vector_load %arg4[%get3A_598, %get3A_599, %get3A_600] {strides = array<i32>} : memref<2x32x1664xf32, #tpu.memory_space<vmem>>, vector<1x1x16xf32>,
        %get3A_602 = vector.shape_cast %get3A_601 : vector<1x1x16xf32> to vector<16xf32>
        %get3A_603 = arith.constant 1 : i32
        %get3A_604 = arith.index_cast %get3A_603 : i32 to index
        %get3A_605 = arith.index_cast %add3A_156 : i32 to index
        %get3A_606 = arith.constant 1360 : index
        %get3A_607 = tpu.vector_load %arg4[%get3A_604, %get3A_605, %get3A_606] {strides = array<i32>} : memref<2x32x1664xf32, #tpu.memory_space<vmem>>, vector<1x1x16xf32>,
        %get3A_608 = vector.shape_cast %get3A_607 : vector<1x1x16xf32> to vector<16xf32>
        %swap3A_609 = arith.constant 1 : i32
        %swap3A_610 = arith.index_cast %swap3A_609 : i32 to index
        %swap3A_611 = arith.index_cast %add3A_156 : i32 to index
        %swap3A_612 = arith.constant 1360 : index
        %swap3A_613 = tpu.vector_load %arg4[%swap3A_610, %swap3A_611, %swap3A_612] {strides = array<i32>} : memref<2x32x1664xf32, #tpu.memory_space<vmem>>, vector<1x1x16xf32>,
        %swap3A_614 = vector.shape_cast %swap3A_613 : vector<1x1x16xf32> to vector<16xf32>
        %swap3A_615 = vector.shape_cast %get3A_602 : vector<16xf32> to vector<1x1x16xf32>
        tpu.vector_store %arg4[%swap3A_610, %swap3A_611, %swap3A_612], %swap3A_615 {strides = array<i32>} : memref<2x32x1664xf32, #tpu.memory_space<vmem>>, vector<1x1x16xf32>,
        %swap3A_616 = arith.constant 1 : i32
        %swap3A_617 = arith.index_cast %swap3A_616 : i32 to index
        %swap3A_618 = arith.index_cast %add3A_156 : i32 to index
        %swap3A_619 = arith.constant 272 : index
        %swap3A_620 = tpu.vector_load %arg4[%swap3A_617, %swap3A_618, %swap3A_619] {strides = array<i32>} : memref<2x32x1664xf32, #tpu.memory_space<vmem>>, vector<1x1x16xf32>,
        %swap3A_621 = vector.shape_cast %swap3A_620 : vector<1x1x16xf32> to vector<16xf32>
        %swap3A_622 = vector.shape_cast %get3A_608 : vector<16xf32> to vector<1x1x16xf32>
        tpu.vector_store %arg4[%swap3A_617, %swap3A_618, %swap3A_619], %swap3A_622 {strides = array<i32>} : memref<2x32x1664xf32, #tpu.memory_space<vmem>>, vector<1x1x16xf32>,
        %get3A_623 = arith.constant 1 : i32
        %get3A_624 = arith.index_cast %get3A_623 : i32 to index
        %get3A_625 = arith.index_cast %add3A_156 : i32 to index
        %get3A_626 = arith.constant 288 : index
        %get3A_627 = tpu.vector_load %arg4[%get3A_624, %get3A_625, %get3A_626] {strides = array<i32>} : memref<2x32x1664xf32, #tpu.memory_space<vmem>>, vector<1x1x16xf32>,
        %get3A_628 = vector.shape_cast %get3A_627 : vector<1x1x16xf32> to vector<16xf32>
        %get3A_629 = arith.constant 1 : i32
        %get3A_630 = arith.index_cast %get3A_629 : i32 to index
        %get3A_631 = arith.index_cast %add3A_156 : i32 to index
        %get3A_632 = arith.constant 1376 : index
        %get3A_633 = tpu.vector_load %arg4[%get3A_630, %get3A_631, %get3A_632] {strides = array<i32>} : memref<2x32x1664xf32, #tpu.memory_space<vmem>>, vector<1x1x16xf32>,
        %get3A_634 = vector.shape_cast %get3A_633 : vector<1x1x16xf32> to vector<16xf32>
        %swap3A_635 = arith.constant 1 : i32
        %swap3A_636 = arith.index_cast %swap3A_635 : i32 to index
        %swap3A_637 = arith.index_cast %add3A_156 : i32 to index
        %swap3A_638 = arith.constant 1376 : index
        %swap3A_639 = tpu.vector_load %arg4[%swap3A_636, %swap3A_637, %swap3A_638] {strides = array<i32>} : memref<2x32x1664xf32, #tpu.memory_space<vmem>>, vector<1x1x16xf32>,
        %swap3A_640 = vector.shape_cast %swap3A_639 : vector<1x1x16xf32> to vector<16xf32>
        %swap3A_641 = vector.shape_cast %get3A_628 : vector<16xf32> to vector<1x1x16xf32>
        tpu.vector_store %arg4[%swap3A_636, %swap3A_637, %swap3A_638], %swap3A_641 {strides = array<i32>} : memref<2x32x1664xf32, #tpu.memory_space<vmem>>, vector<1x1x16xf32>,
        %swap3A_642 = arith.constant 1 : i32
        %swap3A_643 = arith.index_cast %swap3A_642 : i32 to index
        %swap3A_644 = arith.index_cast %add3A_156 : i32 to index
        %swap3A_645 = arith.constant 288 : index
        %swap3A_646 = tpu.vector_load %arg4[%swap3A_643, %swap3A_644, %swap3A_645] {strides = array<i32>} : memref<2x32x1664xf32, #tpu.memory_space<vmem>>, vector<1x1x16xf32>,
        %swap3A_647 = vector.shape_cast %swap3A_646 : vector<1x1x16xf32> to vector<16xf32>
        %swap3A_648 = vector.shape_cast %get3A_634 : vector<16xf32> to vector<1x1x16xf32>
        tpu.vector_store %arg4[%swap3A_643, %swap3A_644, %swap3A_645], %swap3A_648 {strides = array<i32>} : memref<2x32x1664xf32, #tpu.memory_space<vmem>>, vector<1x1x16xf32>,
        %get3A_649 = arith.constant 1 : i32
        %get3A_650 = arith.index_cast %get3A_649 : i32 to index
        %get3A_651 = arith.index_cast %add3A_156 : i32 to index
        %get3A_652 = arith.constant 304 : index
        %get3A_653 = tpu.vector_load %arg4[%get3A_650, %get3A_651, %get3A_652] {strides = array<i32>} : memref<2x32x1664xf32, #tpu.memory_space<vmem>>, vector<1x1x16xf32>,
        %get3A_654 = vector.shape_cast %get3A_653 : vector<1x1x16xf32> to vector<16xf32>
        %get3A_655 = arith.constant 1 : i32
        %get3A_656 = arith.index_cast %get3A_655 : i32 to index
        %get3A_657 = arith.index_cast %add3A_156 : i32 to index
        %get3A_658 = arith.constant 1392 : index
        %get3A_659 = tpu.vector_load %arg4[%get3A_656, %get3A_657, %get3A_658] {strides = array<i32>} : memref<2x32x1664xf32, #tpu.memory_space<vmem>>, vector<1x1x16xf32>,
        %get3A_660 = vector.shape_cast %get3A_659 : vector<1x1x16xf32> to vector<16xf32>
        %swap3A_661 = arith.constant 1 : i32
        %swap3A_662 = arith.index_cast %swap3A_661 : i32 to index
        %swap3A_663 = arith.index_cast %add3A_156 : i32 to index
        %swap3A_664 = arith.constant 1392 : index
        %swap3A_665 = tpu.vector_load %arg4[%swap3A_662, %swap3A_663, %swap3A_664] {strides = array<i32>} : memref<2x32x1664xf32, #tpu.memory_space<vmem>>, vector<1x1x16xf32>,
        %swap3A_666 = vector.shape_cast %swap3A_665 : vector<1x1x16xf32> to vector<16xf32>
        %swap3A_667 = vector.shape_cast %get3A_654 : vector<16xf32> to vector<1x1x16xf32>
        tpu.vector_store %arg4[%swap3A_662, %swap3A_663, %swap3A_664], %swap3A_667 {strides = array<i32>} : memref<2x32x1664xf32, #tpu.memory_space<vmem>>, vector<1x1x16xf32>,
        %swap3A_668 = arith.constant 1 : i32
        %swap3A_669 = arith.index_cast %swap3A_668 : i32 to index
        %swap3A_670 = arith.index_cast %add3A_156 : i32 to index
        %swap3A_671 = arith.constant 304 : index
        %swap3A_672 = tpu.vector_load %arg4[%swap3A_669, %swap3A_670, %swap3A_671] {strides = array<i32>} : memref<2x32x1664xf32, #tpu.memory_space<vmem>>, vector<1x1x16xf32>,
        %swap3A_673 = vector.shape_cast %swap3A_672 : vector<1x1x16xf32> to vector<16xf32>
        %swap3A_674 = vector.shape_cast %get3A_660 : vector<16xf32> to vector<1x1x16xf32>
        tpu.vector_store %arg4[%swap3A_669, %swap3A_670, %swap3A_671], %swap3A_674 {strides = array<i32>} : memref<2x32x1664xf32, #tpu.memory_space<vmem>>, vector<1x1x16xf32>,
        %get3A_675 = arith.constant 1 : i32
        %get3A_676 = arith.index_cast %get3A_675 : i32 to index
        %get3A_677 = arith.index_cast %add3A_156 : i32 to index
        %get3A_678 = arith.constant 320 : index
        %get3A_679 = tpu.vector_load %arg4[%get3A_676, %get3A_677, %get3A_678] {strides = array<i32>} : memref<2x32x1664xf32, #tpu.memory_space<vmem>>, vector<1x1x16xf32>,
        %get3A_680 = vector.shape_cast %get3A_679 : vector<1x1x16xf32> to vector<16xf32>
        %get3A_681 = arith.constant 1 : i32
        %get3A_682 = arith.index_cast %get3A_681 : i32 to index
        %get3A_683 = arith.index_cast %add3A_156 : i32 to index
        %get3A_684 = arith.constant 1280 : index
        %get3A_685 = tpu.vector_load %arg4[%get3A_682, %get3A_683, %get3A_684] {strides = array<i32>} : memref<2x32x1664xf32, #tpu.memory_space<vmem>>, vector<1x1x16xf32>,
        %get3A_686 = vector.shape_cast %get3A_685 : vector<1x1x16xf32> to vector<16xf32>
        %swap3A_687 = arith.constant 1 : i32
        %swap3A_688 = arith.index_cast %swap3A_687 : i32 to index
        %swap3A_689 = arith.index_cast %add3A_156 : i32 to index
        %swap3A_690 = arith.constant 1280 : index
        %swap3A_691 = tpu.vector_load %arg4[%swap3A_688, %swap3A_689, %swap3A_690] {strides = array<i32>} : memref<2x32x1664xf32, #tpu.memory_space<vmem>>, vector<1x1x16xf32>,
        %swap3A_692 = vector.shape_cast %swap3A_691 : vector<1x1x16xf32> to vector<16xf32>
        %swap3A_693 = vector.shape_cast %get3A_680 : vector<16xf32> to vector<1x1x16xf32>
        tpu.vector_store %arg4[%swap3A_688, %swap3A_689, %swap3A_690], %swap3A_693 {strides = array<i32>} : memref<2x32x1664xf32, #tpu.memory_space<vmem>>, vector<1x1x16xf32>,
        %swap3A_694 = arith.constant 1 : i32
        %swap3A_695 = arith.index_cast %swap3A_694 : i32 to index
        %swap3A_696 = arith.index_cast %add3A_156 : i32 to index
        %swap3A_697 = arith.constant 320 : index
        %swap3A_698 = tpu.vector_load %arg4[%swap3A_695, %swap3A_696, %swap3A_697] {strides = array<i32>} : memref<2x32x1664xf32, #tpu.memory_space<vmem>>, vector<1x1x16xf32>,
        %swap3A_699 = vector.shape_cast %swap3A_698 : vector<1x1x16xf32> to vector<16xf32>
        %swap3A_700 = vector.shape_cast %get3A_686 : vector<16xf32> to vector<1x1x16xf32>
        tpu.vector_store %arg4[%swap3A_695, %swap3A_696, %swap3A_697], %swap3A_700 {strides = array<i32>} : memref<2x32x1664xf32, #tpu.memory_space<vmem>>, vector<1x1x16xf32>,
        %get3A_701 = arith.constant 1 : i32
        %get3A_702 = arith.index_cast %get3A_701 : i32 to index
        %get3A_703 = arith.index_cast %add3A_156 : i32 to index
        %get3A_704 = arith.constant 336 : index
        %get3A_705 = tpu.vector_load %arg4[%get3A_702, %get3A_703, %get3A_704] {strides = array<i32>} : memref<2x32x1664xf32, #tpu.memory_space<vmem>>, vector<1x1x16xf32>,
        %get3A_706 = vector.shape_cast %get3A_705 : vector<1x1x16xf32> to vector<16xf32>
        %get3A_707 = arith.constant 1 : i32
        %get3A_708 = arith.index_cast %get3A_707 : i32 to index
        %get3A_709 = arith.index_cast %add3A_156 : i32 to index
        %get3A_710 = arith.constant 1296 : index
        %get3A_711 = tpu.vector_load %arg4[%get3A_708, %get3A_709, %get3A_710] {strides = array<i32>} : memref<2x32x1664xf32, #tpu.memory_space<vmem>>, vector<1x1x16xf32>,
        %get3A_712 = vector.shape_cast %get3A_711 : vector<1x1x16xf32> to vector<16xf32>
        %swap3A_713 = arith.constant 1 : i32
        %swap3A_714 = arith.index_cast %swap3A_713 : i32 to index
        %swap3A_715 = arith.index_cast %add3A_156 : i32 to index
        %swap3A_716 = arith.constant 1296 : index
        %swap3A_717 = tpu.vector_load %arg4[%swap3A_714, %swap3A_715, %swap3A_716] {strides = array<i32>} : memref<2x32x1664xf32, #tpu.memory_space<vmem>>, vector<1x1x16xf32>,
        %swap3A_718 = vector.shape_cast %swap3A_717 : vector<1x1x16xf32> to vector<16xf32>
        %swap3A_719 = vector.shape_cast %get3A_706 : vector<16xf32> to vector<1x1x16xf32>
        tpu.vector_store %arg4[%swap3A_714, %swap3A_715, %swap3A_716], %swap3A_719 {strides = array<i32>} : memref<2x32x1664xf32, #tpu.memory_space<vmem>>, vector<1x1x16xf32>,
        %swap3A_720 = arith.constant 1 : i32
        %swap3A_721 = arith.index_cast %swap3A_720 : i32 to index
        %swap3A_722 = arith.index_cast %add3A_156 : i32 to index
        %swap3A_723 = arith.constant 336 : index
        %swap3A_724 = tpu.vector_load %arg4[%swap3A_721, %swap3A_722, %swap3A_723] {strides = array<i32>} : memref<2x32x1664xf32, #tpu.memory_space<vmem>>, vector<1x1x16xf32>,
        %swap3A_725 = vector.shape_cast %swap3A_724 : vector<1x1x16xf32> to vector<16xf32>
        %swap3A_726 = vector.shape_cast %get3A_712 : vector<16xf32> to vector<1x1x16xf32>
        tpu.vector_store %arg4[%swap3A_721, %swap3A_722, %swap3A_723], %swap3A_726 {strides = array<i32>} : memref<2x32x1664xf32, #tpu.memory_space<vmem>>, vector<1x1x16xf32>,
        %get3A_727 = arith.constant 1 : i32
        %get3A_728 = arith.index_cast %get3A_727 : i32 to index
        %get3A_729 = arith.index_cast %add3A_156 : i32 to index
        %get3A_730 = arith.constant 352 : index
        %get3A_731 = tpu.vector_load %arg4[%get3A_728, %get3A_729, %get3A_730] {strides = array<i32>} : memref<2x32x1664xf32, #tpu.memory_space<vmem>>, vector<1x1x16xf32>,
        %get3A_732 = vector.shape_cast %get3A_731 : vector<1x1x16xf32> to vector<16xf32>
        %get3A_733 = arith.constant 1 : i32
        %get3A_734 = arith.index_cast %get3A_733 : i32 to index
        %get3A_735 = arith.index_cast %add3A_156 : i32 to index
        %get3A_736 = arith.constant 1312 : index
        %get3A_737 = tpu.vector_load %arg4[%get3A_734, %get3A_735, %get3A_736] {strides = array<i32>} : memref<2x32x1664xf32, #tpu.memory_space<vmem>>, vector<1x1x16xf32>,
        %get3A_738 = vector.shape_cast %get3A_737 : vector<1x1x16xf32> to vector<16xf32>
        %swap3A_739 = arith.constant 1 : i32
        %swap3A_740 = arith.index_cast %swap3A_739 : i32 to index
        %swap3A_741 = arith.index_cast %add3A_156 : i32 to index
        %swap3A_742 = arith.constant 1312 : index
        %swap3A_743 = tpu.vector_load %arg4[%swap3A_740, %swap3A_741, %swap3A_742] {strides = array<i32>} : memref<2x32x1664xf32, #tpu.memory_space<vmem>>, vector<1x1x16xf32>,
        %swap3A_744 = vector.shape_cast %swap3A_743 : vector<1x1x16xf32> to vector<16xf32>
        %swap3A_745 = vector.shape_cast %get3A_732 : vector<16xf32> to vector<1x1x16xf32>
        tpu.vector_store %arg4[%swap3A_740, %swap3A_741, %swap3A_742], %swap3A_745 {strides = array<i32>} : memref<2x32x1664xf32, #tpu.memory_space<vmem>>, vector<1x1x16xf32>,
        %swap3A_746 = arith.constant 1 : i32
        %swap3A_747 = arith.index_cast %swap3A_746 : i32 to index
        %swap3A_748 = arith.index_cast %add3A_156 : i32 to index
        %swap3A_749 = arith.constant 352 : index
        %swap3A_750 = tpu.vector_load %arg4[%swap3A_747, %swap3A_748, %swap3A_749] {strides = array<i32>} : memref<2x32x1664xf32, #tpu.memory_space<vmem>>, vector<1x1x16xf32>,
        %swap3A_751 = vector.shape_cast %swap3A_750 : vector<1x1x16xf32> to vector<16xf32>
        %swap3A_752 = vector.shape_cast %get3A_738 : vector<16xf32> to vector<1x1x16xf32>
        tpu.vector_store %arg4[%swap3A_747, %swap3A_748, %swap3A_749], %swap3A_752 {strides = array<i32>} : memref<2x32x1664xf32, #tpu.memory_space<vmem>>, vector<1x1x16xf32>,
        %get3A_753 = arith.constant 1 : i32
        %get3A_754 = arith.index_cast %get3A_753 : i32 to index
        %get3A_755 = arith.index_cast %add3A_156 : i32 to index
        %get3A_756 = arith.constant 368 : index
        %get3A_757 = tpu.vector_load %arg4[%get3A_754, %get3A_755, %get3A_756] {strides = array<i32>} : memref<2x32x1664xf32, #tpu.memory_space<vmem>>, vector<1x1x16xf32>,
        %get3A_758 = vector.shape_cast %get3A_757 : vector<1x1x16xf32> to vector<16xf32>
        %get3A_759 = arith.constant 1 : i32
        %get3A_760 = arith.index_cast %get3A_759 : i32 to index
        %get3A_761 = arith.index_cast %add3A_156 : i32 to index
        %get3A_762 = arith.constant 1328 : index
        %get3A_763 = tpu.vector_load %arg4[%get3A_760, %get3A_761, %get3A_762] {strides = array<i32>} : memref<2x32x1664xf32, #tpu.memory_space<vmem>>, vector<1x1x16xf32>,
        %get3A_764 = vector.shape_cast %get3A_763 : vector<1x1x16xf32> to vector<16xf32>
        %swap3A_765 = arith.constant 1 : i32
        %swap3A_766 = arith.index_cast %swap3A_765 : i32 to index
        %swap3A_767 = arith.index_cast %add3A_156 : i32 to index
        %swap3A_768 = arith.constant 1328 : index
        %swap3A_769 = tpu.vector_load %arg4[%swap3A_766, %swap3A_767, %swap3A_768] {strides = array<i32>} : memref<2x32x1664xf32, #tpu.memory_space<vmem>>, vector<1x1x16xf32>,
        %swap3A_770 = vector.shape_cast %swap3A_769 : vector<1x1x16xf32> to vector<16xf32>
        %swap3A_771 = vector.shape_cast %get3A_758 : vector<16xf32> to vector<1x1x16xf32>
        tpu.vector_store %arg4[%swap3A_766, %swap3A_767, %swap3A_768], %swap3A_771 {strides = array<i32>} : memref<2x32x1664xf32, #tpu.memory_space<vmem>>, vector<1x1x16xf32>,
        %swap3A_772 = arith.constant 1 : i32
        %swap3A_773 = arith.index_cast %swap3A_772 : i32 to index
        %swap3A_774 = arith.index_cast %add3A_156 : i32 to index
        %swap3A_775 = arith.constant 368 : index
        %swap3A_776 = tpu.vector_load %arg4[%swap3A_773, %swap3A_774, %swap3A_775] {strides = array<i32>} : memref<2x32x1664xf32, #tpu.memory_space<vmem>>, vector<1x1x16xf32>,
        %swap3A_777 = vector.shape_cast %swap3A_776 : vector<1x1x16xf32> to vector<16xf32>
        %swap3A_778 = vector.shape_cast %get3A_764 : vector<16xf32> to vector<1x1x16xf32>
        tpu.vector_store %arg4[%swap3A_773, %swap3A_774, %swap3A_775], %swap3A_778 {strides = array<i32>} : memref<2x32x1664xf32, #tpu.memory_space<vmem>>, vector<1x1x16xf32>,
        %get3A_779 = arith.constant 1 : i32
        %get3A_780 = arith.index_cast %get3A_779 : i32 to index
        %get3A_781 = arith.index_cast %add3A_156 : i32 to index
        %get3A_782 = arith.constant 384 : index
        %get3A_783 = tpu.vector_load %arg4[%get3A_780, %get3A_781, %get3A_782] {strides = array<i32>} : memref<2x32x1664xf32, #tpu.memory_space<vmem>>, vector<1x1x16xf32>,
        %get3A_784 = vector.shape_cast %get3A_783 : vector<1x1x16xf32> to vector<16xf32>
        %get3A_785 = arith.constant 1 : i32
        %get3A_786 = arith.index_cast %get3A_785 : i32 to index
        %get3A_787 = arith.index_cast %add3A_156 : i32 to index
        %get3A_788 = arith.constant 1216 : index
        %get3A_789 = tpu.vector_load %arg4[%get3A_786, %get3A_787, %get3A_788] {strides = array<i32>} : memref<2x32x1664xf32, #tpu.memory_space<vmem>>, vector<1x1x16xf32>,
        %get3A_790 = vector.shape_cast %get3A_789 : vector<1x1x16xf32> to vector<16xf32>
        %swap3A_791 = arith.constant 1 : i32
        %swap3A_792 = arith.index_cast %swap3A_791 : i32 to index
        %swap3A_793 = arith.index_cast %add3A_156 : i32 to index
        %swap3A_794 = arith.constant 1216 : index
        %swap3A_795 = tpu.vector_load %arg4[%swap3A_792, %swap3A_793, %swap3A_794] {strides = array<i32>} : memref<2x32x1664xf32, #tpu.memory_space<vmem>>, vector<1x1x16xf32>,
        %swap3A_796 = vector.shape_cast %swap3A_795 : vector<1x1x16xf32> to vector<16xf32>
        %swap3A_797 = vector.shape_cast %get3A_784 : vector<16xf32> to vector<1x1x16xf32>
        tpu.vector_store %arg4[%swap3A_792, %swap3A_793, %swap3A_794], %swap3A_797 {strides = array<i32>} : memref<2x32x1664xf32, #tpu.memory_space<vmem>>, vector<1x1x16xf32>,
        %swap3A_798 = arith.constant 1 : i32
        %swap3A_799 = arith.index_cast %swap3A_798 : i32 to index
        %swap3A_800 = arith.index_cast %add3A_156 : i32 to index
        %swap3A_801 = arith.constant 384 : index
        %swap3A_802 = tpu.vector_load %arg4[%swap3A_799, %swap3A_800, %swap3A_801] {strides = array<i32>} : memref<2x32x1664xf32, #tpu.memory_space<vmem>>, vector<1x1x16xf32>,
        %swap3A_803 = vector.shape_cast %swap3A_802 : vector<1x1x16xf32> to vector<16xf32>
        %swap3A_804 = vector.shape_cast %get3A_790 : vector<16xf32> to vector<1x1x16xf32>
        tpu.vector_store %arg4[%swap3A_799, %swap3A_800, %swap3A_801], %swap3A_804 {strides = array<i32>} : memref<2x32x1664xf32, #tpu.memory_space<vmem>>, vector<1x1x16xf32>,
        %get3A_805 = arith.constant 1 : i32
        %get3A_806 = arith.index_cast %get3A_805 : i32 to index
        %get3A_807 = arith.index_cast %add3A_156 : i32 to index
        %get3A_808 = arith.constant 400 : index
        %get3A_809 = tpu.vector_load %arg4[%get3A_806, %get3A_807, %get3A_808] {strides = array<i32>} : memref<2x32x1664xf32, #tpu.memory_space<vmem>>, vector<1x1x16xf32>,
        %get3A_810 = vector.shape_cast %get3A_809 : vector<1x1x16xf32> to vector<16xf32>
        %get3A_811 = arith.constant 1 : i32
        %get3A_812 = arith.index_cast %get3A_811 : i32 to index
        %get3A_813 = arith.index_cast %add3A_156 : i32 to index
        %get3A_814 = arith.constant 1232 : index
        %get3A_815 = tpu.vector_load %arg4[%get3A_812, %get3A_813, %get3A_814] {strides = array<i32>} : memref<2x32x1664xf32, #tpu.memory_space<vmem>>, vector<1x1x16xf32>,
        %get3A_816 = vector.shape_cast %get3A_815 : vector<1x1x16xf32> to vector<16xf32>
        %swap3A_817 = arith.constant 1 : i32
        %swap3A_818 = arith.index_cast %swap3A_817 : i32 to index
        %swap3A_819 = arith.index_cast %add3A_156 : i32 to index
        %swap3A_820 = arith.constant 1232 : index
        %swap3A_821 = tpu.vector_load %arg4[%swap3A_818, %swap3A_819, %swap3A_820] {strides = array<i32>} : memref<2x32x1664xf32, #tpu.memory_space<vmem>>, vector<1x1x16xf32>,
        %swap3A_822 = vector.shape_cast %swap3A_821 : vector<1x1x16xf32> to vector<16xf32>
        %swap3A_823 = vector.shape_cast %get3A_810 : vector<16xf32> to vector<1x1x16xf32>
        tpu.vector_store %arg4[%swap3A_818, %swap3A_819, %swap3A_820], %swap3A_823 {strides = array<i32>} : memref<2x32x1664xf32, #tpu.memory_space<vmem>>, vector<1x1x16xf32>,
        %swap3A_824 = arith.constant 1 : i32
        %swap3A_825 = arith.index_cast %swap3A_824 : i32 to index
        %swap3A_826 = arith.index_cast %add3A_156 : i32 to index
        %swap3A_827 = arith.constant 400 : index
        %swap3A_828 = tpu.vector_load %arg4[%swap3A_825, %swap3A_826, %swap3A_827] {strides = array<i32>} : memref<2x32x1664xf32, #tpu.memory_space<vmem>>, vector<1x1x16xf32>,
        %swap3A_829 = vector.shape_cast %swap3A_828 : vector<1x1x16xf32> to vector<16xf32>
        %swap3A_830 = vector.shape_cast %get3A_816 : vector<16xf32> to vector<1x1x16xf32>
        tpu.vector_store %arg4[%swap3A_825, %swap3A_826, %swap3A_827], %swap3A_830 {strides = array<i32>} : memref<2x32x1664xf32, #tpu.memory_space<vmem>>, vector<1x1x16xf32>,
        %get3A_831 = arith.constant 1 : i32
        %get3A_832 = arith.index_cast %get3A_831 : i32 to index
        %get3A_833 = arith.index_cast %add3A_156 : i32 to index
        %get3A_834 = arith.constant 416 : index
        %get3A_835 = tpu.vector_load %arg4[%get3A_832, %get3A_833, %get3A_834] {strides = array<i32>} : memref<2x32x1664xf32, #tpu.memory_space<vmem>>, vector<1x1x16xf32>,
        %get3A_836 = vector.shape_cast %get3A_835 : vector<1x1x16xf32> to vector<16xf32>
        %get3A_837 = arith.constant 1 : i32
        %get3A_838 = arith.index_cast %get3A_837 : i32 to index
        %get3A_839 = arith.index_cast %add3A_156 : i32 to index
        %get3A_840 = arith.constant 1248 : index
        %get3A_841 = tpu.vector_load %arg4[%get3A_838, %get3A_839, %get3A_840] {strides = array<i32>} : memref<2x32x1664xf32, #tpu.memory_space<vmem>>, vector<1x1x16xf32>,
        %get3A_842 = vector.shape_cast %get3A_841 : vector<1x1x16xf32> to vector<16xf32>
        %swap3A_843 = arith.constant 1 : i32
        %swap3A_844 = arith.index_cast %swap3A_843 : i32 to index
        %swap3A_845 = arith.index_cast %add3A_156 : i32 to index
        %swap3A_846 = arith.constant 1248 : index
        %swap3A_847 = tpu.vector_load %arg4[%swap3A_844, %swap3A_845, %swap3A_846] {strides = array<i32>} : memref<2x32x1664xf32, #tpu.memory_space<vmem>>, vector<1x1x16xf32>,
        %swap3A_848 = vector.shape_cast %swap3A_847 : vector<1x1x16xf32> to vector<16xf32>
        %swap3A_849 = vector.shape_cast %get3A_836 : vector<16xf32> to vector<1x1x16xf32>
        tpu.vector_store %arg4[%swap3A_844, %swap3A_845, %swap3A_846], %swap3A_849 {strides = array<i32>} : memref<2x32x1664xf32, #tpu.memory_space<vmem>>, vector<1x1x16xf32>,
        %swap3A_850 = arith.constant 1 : i32
        %swap3A_851 = arith.index_cast %swap3A_850 : i32 to index
        %swap3A_852 = arith.index_cast %add3A_156 : i32 to index
        %swap3A_853 = arith.constant 416 : index
        %swap3A_854 = tpu.vector_load %arg4[%swap3A_851, %swap3A_852, %swap3A_853] {strides = array<i32>} : memref<2x32x1664xf32, #tpu.memory_space<vmem>>, vector<1x1x16xf32>,
        %swap3A_855 = vector.shape_cast %swap3A_854 : vector<1x1x16xf32> to vector<16xf32>
        %swap3A_856 = vector.shape_cast %get3A_842 : vector<16xf32> to vector<1x1x16xf32>
        tpu.vector_store %arg4[%swap3A_851, %swap3A_852, %swap3A_853], %swap3A_856 {strides = array<i32>} : memref<2x32x1664xf32, #tpu.memory_space<vmem>>, vector<1x1x16xf32>,
        %get3A_857 = arith.constant 1 : i32
        %get3A_858 = arith.index_cast %get3A_857 : i32 to index
        %get3A_859 = arith.index_cast %add3A_156 : i32 to index
        %get3A_860 = arith.constant 432 : index
        %get3A_861 = tpu.vector_load %arg4[%get3A_858, %get3A_859, %get3A_860] {strides = array<i32>} : memref<2x32x1664xf32, #tpu.memory_space<vmem>>, vector<1x1x16xf32>,
        %get3A_862 = vector.shape_cast %get3A_861 : vector<1x1x16xf32> to vector<16xf32>
        %get3A_863 = arith.constant 1 : i32
        %get3A_864 = arith.index_cast %get3A_863 : i32 to index
        %get3A_865 = arith.index_cast %add3A_156 : i32 to index
        %get3A_866 = arith.constant 1264 : index
        %get3A_867 = tpu.vector_load %arg4[%get3A_864, %get3A_865, %get3A_866] {strides = array<i32>} : memref<2x32x1664xf32, #tpu.memory_space<vmem>>, vector<1x1x16xf32>,
        %get3A_868 = vector.shape_cast %get3A_867 : vector<1x1x16xf32> to vector<16xf32>
        %swap3A_869 = arith.constant 1 : i32
        %swap3A_870 = arith.index_cast %swap3A_869 : i32 to index
        %swap3A_871 = arith.index_cast %add3A_156 : i32 to index
        %swap3A_872 = arith.constant 1264 : index
        %swap3A_873 = tpu.vector_load %arg4[%swap3A_870, %swap3A_871, %swap3A_872] {strides = array<i32>} : memref<2x32x1664xf32, #tpu.memory_space<vmem>>, vector<1x1x16xf32>,
        %swap3A_874 = vector.shape_cast %swap3A_873 : vector<1x1x16xf32> to vector<16xf32>
        %swap3A_875 = vector.shape_cast %get3A_862 : vector<16xf32> to vector<1x1x16xf32>
        tpu.vector_store %arg4[%swap3A_870, %swap3A_871, %swap3A_872], %swap3A_875 {strides = array<i32>} : memref<2x32x1664xf32, #tpu.memory_space<vmem>>, vector<1x1x16xf32>,
        %swap3A_876 = arith.constant 1 : i32
        %swap3A_877 = arith.index_cast %swap3A_876 : i32 to index
        %swap3A_878 = arith.index_cast %add3A_156 : i32 to index
        %swap3A_879 = arith.constant 432 : index
        %swap3A_880 = tpu.vector_load %arg4[%swap3A_877, %swap3A_878, %swap3A_879] {strides = array<i32>} : memref<2x32x1664xf32, #tpu.memory_space<vmem>>, vector<1x1x16xf32>,
        %swap3A_881 = vector.shape_cast %swap3A_880 : vector<1x1x16xf32> to vector<16xf32>
        %swap3A_882 = vector.shape_cast %get3A_868 : vector<16xf32> to vector<1x1x16xf32>
        tpu.vector_store %arg4[%swap3A_877, %swap3A_878, %swap3A_879], %swap3A_882 {strides = array<i32>} : memref<2x32x1664xf32, #tpu.memory_space<vmem>>, vector<1x1x16xf32>,
        %get3A_883 = arith.constant 1 : i32
        %get3A_884 = arith.index_cast %get3A_883 : i32 to index
        %get3A_885 = arith.index_cast %add3A_156 : i32 to index
        %get3A_886 = arith.constant 448 : index
        %get3A_887 = tpu.vector_load %arg4[%get3A_884, %get3A_885, %get3A_886] {strides = array<i32>} : memref<2x32x1664xf32, #tpu.memory_space<vmem>>, vector<1x1x16xf32>,
        %get3A_888 = vector.shape_cast %get3A_887 : vector<1x1x16xf32> to vector<16xf32>
        %get3A_889 = arith.constant 1 : i32
        %get3A_890 = arith.index_cast %get3A_889 : i32 to index
        %get3A_891 = arith.index_cast %add3A_156 : i32 to index
        %get3A_892 = arith.constant 1152 : index
        %get3A_893 = tpu.vector_load %arg4[%get3A_890, %get3A_891, %get3A_892] {strides = array<i32>} : memref<2x32x1664xf32, #tpu.memory_space<vmem>>, vector<1x1x16xf32>,
        %get3A_894 = vector.shape_cast %get3A_893 : vector<1x1x16xf32> to vector<16xf32>
        %swap3A_895 = arith.constant 1 : i32
        %swap3A_896 = arith.index_cast %swap3A_895 : i32 to index
        %swap3A_897 = arith.index_cast %add3A_156 : i32 to index
        %swap3A_898 = arith.constant 1152 : index
        %swap3A_899 = tpu.vector_load %arg4[%swap3A_896, %swap3A_897, %swap3A_898] {strides = array<i32>} : memref<2x32x1664xf32, #tpu.memory_space<vmem>>, vector<1x1x16xf32>,
        %swap3A_900 = vector.shape_cast %swap3A_899 : vector<1x1x16xf32> to vector<16xf32>
        %swap3A_901 = vector.shape_cast %get3A_888 : vector<16xf32> to vector<1x1x16xf32>
        tpu.vector_store %arg4[%swap3A_896, %swap3A_897, %swap3A_898], %swap3A_901 {strides = array<i32>} : memref<2x32x1664xf32, #tpu.memory_space<vmem>>, vector<1x1x16xf32>,
        %swap3A_902 = arith.constant 1 : i32
        %swap3A_903 = arith.index_cast %swap3A_902 : i32 to index
        %swap3A_904 = arith.index_cast %add3A_156 : i32 to index
        %swap3A_905 = arith.constant 448 : index
        %swap3A_906 = tpu.vector_load %arg4[%swap3A_903, %swap3A_904, %swap3A_905] {strides = array<i32>} : memref<2x32x1664xf32, #tpu.memory_space<vmem>>, vector<1x1x16xf32>,
        %swap3A_907 = vector.shape_cast %swap3A_906 : vector<1x1x16xf32> to vector<16xf32>
        %swap3A_908 = vector.shape_cast %get3A_894 : vector<16xf32> to vector<1x1x16xf32>
        tpu.vector_store %arg4[%swap3A_903, %swap3A_904, %swap3A_905], %swap3A_908 {strides = array<i32>} : memref<2x32x1664xf32, #tpu.memory_space<vmem>>, vector<1x1x16xf32>,
        %get3A_909 = arith.constant 1 : i32
        %get3A_910 = arith.index_cast %get3A_909 : i32 to index
        %get3A_911 = arith.index_cast %add3A_156 : i32 to index
        %get3A_912 = arith.constant 464 : index
        %get3A_913 = tpu.vector_load %arg4[%get3A_910, %get3A_911, %get3A_912] {strides = array<i32>} : memref<2x32x1664xf32, #tpu.memory_space<vmem>>, vector<1x1x16xf32>,
        %get3A_914 = vector.shape_cast %get3A_913 : vector<1x1x16xf32> to vector<16xf32>
        %get3A_915 = arith.constant 1 : i32
        %get3A_916 = arith.index_cast %get3A_915 : i32 to index
        %get3A_917 = arith.index_cast %add3A_156 : i32 to index
        %get3A_918 = arith.constant 1168 : index
        %get3A_919 = tpu.vector_load %arg4[%get3A_916, %get3A_917, %get3A_918] {strides = array<i32>} : memref<2x32x1664xf32, #tpu.memory_space<vmem>>, vector<1x1x16xf32>,
        %get3A_920 = vector.shape_cast %get3A_919 : vector<1x1x16xf32> to vector<16xf32>
        %swap3A_921 = arith.constant 1 : i32
        %swap3A_922 = arith.index_cast %swap3A_921 : i32 to index
        %swap3A_923 = arith.index_cast %add3A_156 : i32 to index
        %swap3A_924 = arith.constant 1168 : index
        %swap3A_925 = tpu.vector_load %arg4[%swap3A_922, %swap3A_923, %swap3A_924] {strides = array<i32>} : memref<2x32x1664xf32, #tpu.memory_space<vmem>>, vector<1x1x16xf32>,
        %swap3A_926 = vector.shape_cast %swap3A_925 : vector<1x1x16xf32> to vector<16xf32>
        %swap3A_927 = vector.shape_cast %get3A_914 : vector<16xf32> to vector<1x1x16xf32>
        tpu.vector_store %arg4[%swap3A_922, %swap3A_923, %swap3A_924], %swap3A_927 {strides = array<i32>} : memref<2x32x1664xf32, #tpu.memory_space<vmem>>, vector<1x1x16xf32>,
        %swap3A_928 = arith.constant 1 : i32
        %swap3A_929 = arith.index_cast %swap3A_928 : i32 to index
        %swap3A_930 = arith.index_cast %add3A_156 : i32 to index
        %swap3A_931 = arith.constant 464 : index
        %swap3A_932 = tpu.vector_load %arg4[%swap3A_929, %swap3A_930, %swap3A_931] {strides = array<i32>} : memref<2x32x1664xf32, #tpu.memory_space<vmem>>, vector<1x1x16xf32>,
        %swap3A_933 = vector.shape_cast %swap3A_932 : vector<1x1x16xf32> to vector<16xf32>
        %swap3A_934 = vector.shape_cast %get3A_920 : vector<16xf32> to vector<1x1x16xf32>
        tpu.vector_store %arg4[%swap3A_929, %swap3A_930, %swap3A_931], %swap3A_934 {strides = array<i32>} : memref<2x32x1664xf32, #tpu.memory_space<vmem>>, vector<1x1x16xf32>,
        %get3A_935 = arith.constant 1 : i32
        %get3A_936 = arith.index_cast %get3A_935 : i32 to index
        %get3A_937 = arith.index_cast %add3A_156 : i32 to index
        %get3A_938 = arith.constant 480 : index
        %get3A_939 = tpu.vector_load %arg4[%get3A_936, %get3A_937, %get3A_938] {strides = array<i32>} : memref<2x32x1664xf32, #tpu.memory_space<vmem>>, vector<1x1x16xf32>,
        %get3A_940 = vector.shape_cast %get3A_939 : vector<1x1x16xf32> to vector<16xf32>
        %get3A_941 = arith.constant 1 : i32
        %get3A_942 = arith.index_cast %get3A_941 : i32 to index
        %get3A_943 = arith.index_cast %add3A_156 : i32 to index
        %get3A_944 = arith.constant 1184 : index
        %get3A_945 = tpu.vector_load %arg4[%get3A_942, %get3A_943, %get3A_944] {strides = array<i32>} : memref<2x32x1664xf32, #tpu.memory_space<vmem>>, vector<1x1x16xf32>,
        %get3A_946 = vector.shape_cast %get3A_945 : vector<1x1x16xf32> to vector<16xf32>
        %swap3A_947 = arith.constant 1 : i32
        %swap3A_948 = arith.index_cast %swap3A_947 : i32 to index
        %swap3A_949 = arith.index_cast %add3A_156 : i32 to index
        %swap3A_950 = arith.constant 1184 : index
        %swap3A_951 = tpu.vector_load %arg4[%swap3A_948, %swap3A_949, %swap3A_950] {strides = array<i32>} : memref<2x32x1664xf32, #tpu.memory_space<vmem>>, vector<1x1x16xf32>,
        %swap3A_952 = vector.shape_cast %swap3A_951 : vector<1x1x16xf32> to vector<16xf32>
        %swap3A_953 = vector.shape_cast %get3A_940 : vector<16xf32> to vector<1x1x16xf32>
        tpu.vector_store %arg4[%swap3A_948, %swap3A_949, %swap3A_950], %swap3A_953 {strides = array<i32>} : memref<2x32x1664xf32, #tpu.memory_space<vmem>>, vector<1x1x16xf32>,
        %swap3A_954 = arith.constant 1 : i32
        %swap3A_955 = arith.index_cast %swap3A_954 : i32 to index
        %swap3A_956 = arith.index_cast %add3A_156 : i32 to index
        %swap3A_957 = arith.constant 480 : index
        %swap3A_958 = tpu.vector_load %arg4[%swap3A_955, %swap3A_956, %swap3A_957] {strides = array<i32>} : memref<2x32x1664xf32, #tpu.memory_space<vmem>>, vector<1x1x16xf32>,
        %swap3A_959 = vector.shape_cast %swap3A_958 : vector<1x1x16xf32> to vector<16xf32>
        %swap3A_960 = vector.shape_cast %get3A_946 : vector<16xf32> to vector<1x1x16xf32>
        tpu.vector_store %arg4[%swap3A_955, %swap3A_956, %swap3A_957], %swap3A_960 {strides = array<i32>} : memref<2x32x1664xf32, #tpu.memory_space<vmem>>, vector<1x1x16xf32>,
        %get3A_961 = arith.constant 1 : i32
        %get3A_962 = arith.index_cast %get3A_961 : i32 to index
        %get3A_963 = arith.index_cast %add3A_156 : i32 to index
        %get3A_964 = arith.constant 496 : index
        %get3A_965 = tpu.vector_load %arg4[%get3A_962, %get3A_963, %get3A_964] {strides = array<i32>} : memref<2x32x1664xf32, #tpu.memory_space<vmem>>, vector<1x1x16xf32>,
        %get3A_966 = vector.shape_cast %get3A_965 : vector<1x1x16xf32> to vector<16xf32>
        %get3A_967 = arith.constant 1 : i32
        %get3A_968 = arith.index_cast %get3A_967 : i32 to index
        %get3A_969 = arith.index_cast %add3A_156 : i32 to index
        %get3A_970 = arith.constant 1200 : index
        %get3A_971 = tpu.vector_load %arg4[%get3A_968, %get3A_969, %get3A_970] {strides = array<i32>} : memref<2x32x1664xf32, #tpu.memory_space<vmem>>, vector<1x1x16xf32>,
        %get3A_972 = vector.shape_cast %get3A_971 : vector<1x1x16xf32> to vector<16xf32>
        %swap3A_973 = arith.constant 1 : i32
        %swap3A_974 = arith.index_cast %swap3A_973 : i32 to index
        %swap3A_975 = arith.index_cast %add3A_156 : i32 to index
        %swap3A_976 = arith.constant 1200 : index
        %swap3A_977 = tpu.vector_load %arg4[%swap3A_974, %swap3A_975, %swap3A_976] {strides = array<i32>} : memref<2x32x1664xf32, #tpu.memory_space<vmem>>, vector<1x1x16xf32>,
        %swap3A_978 = vector.shape_cast %swap3A_977 : vector<1x1x16xf32> to vector<16xf32>
        %swap3A_979 = vector.shape_cast %get3A_966 : vector<16xf32> to vector<1x1x16xf32>
        tpu.vector_store %arg4[%swap3A_974, %swap3A_975, %swap3A_976], %swap3A_979 {strides = array<i32>} : memref<2x32x1664xf32, #tpu.memory_space<vmem>>, vector<1x1x16xf32>,
        %swap3A_980 = arith.constant 1 : i32
        %swap3A_981 = arith.index_cast %swap3A_980 : i32 to index
        %swap3A_982 = arith.index_cast %add3A_156 : i32 to index
        %swap3A_983 = arith.constant 496 : index
        %swap3A_984 = tpu.vector_load %arg4[%swap3A_981, %swap3A_982, %swap3A_983] {strides = array<i32>} : memref<2x32x1664xf32, #tpu.memory_space<vmem>>, vector<1x1x16xf32>,
        %swap3A_985 = vector.shape_cast %swap3A_984 : vector<1x1x16xf32> to vector<16xf32>
        %swap3A_986 = vector.shape_cast %get3A_972 : vector<16xf32> to vector<1x1x16xf32>
        tpu.vector_store %arg4[%swap3A_981, %swap3A_982, %swap3A_983], %swap3A_986 {strides = array<i32>} : memref<2x32x1664xf32, #tpu.memory_space<vmem>>, vector<1x1x16xf32>,
        %get3A_987 = arith.constant 1 : i32
        %get3A_988 = arith.index_cast %get3A_987 : i32 to index
        %get3A_989 = arith.index_cast %add3A_156 : i32 to index
        %get3A_990 = arith.constant 512 : index
        %get3A_991 = tpu.vector_load %arg4[%get3A_988, %get3A_989, %get3A_990] {strides = array<i32>} : memref<2x32x1664xf32, #tpu.memory_space<vmem>>, vector<1x1x16xf32>,
        %get3A_992 = vector.shape_cast %get3A_991 : vector<1x1x16xf32> to vector<16xf32>
        %get3A_993 = arith.constant 1 : i32
        %get3A_994 = arith.index_cast %get3A_993 : i32 to index
        %get3A_995 = arith.index_cast %add3A_156 : i32 to index
        %get3A_996 = arith.constant 1088 : index
        %get3A_997 = tpu.vector_load %arg4[%get3A_994, %get3A_995, %get3A_996] {strides = array<i32>} : memref<2x32x1664xf32, #tpu.memory_space<vmem>>, vector<1x1x16xf32>,
        %get3A_998 = vector.shape_cast %get3A_997 : vector<1x1x16xf32> to vector<16xf32>
        %swap3A_999 = arith.constant 1 : i32
        %swap3A_1000 = arith.index_cast %swap3A_999 : i32 to index
        %swap3A_1001 = arith.index_cast %add3A_156 : i32 to index
        %swap3A_1002 = arith.constant 1088 : index
        %swap3A_1003 = tpu.vector_load %arg4[%swap3A_1000, %swap3A_1001, %swap3A_1002] {strides = array<i32>} : memref<2x32x1664xf32, #tpu.memory_space<vmem>>, vector<1x1x16xf32>,
        %swap3A_1004 = vector.shape_cast %swap3A_1003 : vector<1x1x16xf32> to vector<16xf32>
        %swap3A_1005 = vector.shape_cast %get3A_992 : vector<16xf32> to vector<1x1x16xf32>
        tpu.vector_store %arg4[%swap3A_1000, %swap3A_1001, %swap3A_1002], %swap3A_1005 {strides = array<i32>} : memref<2x32x1664xf32, #tpu.memory_space<vmem>>, vector<1x1x16xf32>,
        %swap3A_1006 = arith.constant 1 : i32
        %swap3A_1007 = arith.index_cast %swap3A_1006 : i32 to index
        %swap3A_1008 = arith.index_cast %add3A_156 : i32 to index
        %swap3A_1009 = arith.constant 512 : index
        %swap3A_1010 = tpu.vector_load %arg4[%swap3A_1007, %swap3A_1008, %swap3A_1009] {strides = array<i32>} : memref<2x32x1664xf32, #tpu.memory_space<vmem>>, vector<1x1x16xf32>,
        %swap3A_1011 = vector.shape_cast %swap3A_1010 : vector<1x1x16xf32> to vector<16xf32>
        %swap3A_1012 = vector.shape_cast %get3A_998 : vector<16xf32> to vector<1x1x16xf32>
        tpu.vector_store %arg4[%swap3A_1007, %swap3A_1008, %swap3A_1009], %swap3A_1012 {strides = array<i32>} : memref<2x32x1664xf32, #tpu.memory_space<vmem>>, vector<1x1x16xf32>,
        %get3A_1013 = arith.constant 1 : i32
        %get3A_1014 = arith.index_cast %get3A_1013 : i32 to index
        %get3A_1015 = arith.index_cast %add3A_156 : i32 to index
        %get3A_1016 = arith.constant 528 : index
        %get3A_1017 = tpu.vector_load %arg4[%get3A_1014, %get3A_1015, %get3A_1016] {strides = array<i32>} : memref<2x32x1664xf32, #tpu.memory_space<vmem>>, vector<1x1x16xf32>,
        %get3A_1018 = vector.shape_cast %get3A_1017 : vector<1x1x16xf32> to vector<16xf32>
        %get3A_1019 = arith.constant 1 : i32
        %get3A_1020 = arith.index_cast %get3A_1019 : i32 to index
        %get3A_1021 = arith.index_cast %add3A_156 : i32 to index
        %get3A_1022 = arith.constant 1104 : index
        %get3A_1023 = tpu.vector_load %arg4[%get3A_1020, %get3A_1021, %get3A_1022] {strides = array<i32>} : memref<2x32x1664xf32, #tpu.memory_space<vmem>>, vector<1x1x16xf32>,
        %get3A_1024 = vector.shape_cast %get3A_1023 : vector<1x1x16xf32> to vector<16xf32>
        %swap3A_1025 = arith.constant 1 : i32
        %swap3A_1026 = arith.index_cast %swap3A_1025 : i32 to index
        %swap3A_1027 = arith.index_cast %add3A_156 : i32 to index
        %swap3A_1028 = arith.constant 1104 : index
        %swap3A_1029 = tpu.vector_load %arg4[%swap3A_1026, %swap3A_1027, %swap3A_1028] {strides = array<i32>} : memref<2x32x1664xf32, #tpu.memory_space<vmem>>, vector<1x1x16xf32>,
        %swap3A_1030 = vector.shape_cast %swap3A_1029 : vector<1x1x16xf32> to vector<16xf32>
        %swap3A_1031 = vector.shape_cast %get3A_1018 : vector<16xf32> to vector<1x1x16xf32>
        tpu.vector_store %arg4[%swap3A_1026, %swap3A_1027, %swap3A_1028], %swap3A_1031 {strides = array<i32>} : memref<2x32x1664xf32, #tpu.memory_space<vmem>>, vector<1x1x16xf32>,
        %swap3A_1032 = arith.constant 1 : i32
        %swap3A_1033 = arith.index_cast %swap3A_1032 : i32 to index
        %swap3A_1034 = arith.index_cast %add3A_156 : i32 to index
        %swap3A_1035 = arith.constant 528 : index
        %swap3A_1036 = tpu.vector_load %arg4[%swap3A_1033, %swap3A_1034, %swap3A_1035] {strides = array<i32>} : memref<2x32x1664xf32, #tpu.memory_space<vmem>>, vector<1x1x16xf32>,
        %swap3A_1037 = vector.shape_cast %swap3A_1036 : vector<1x1x16xf32> to vector<16xf32>
        %swap3A_1038 = vector.shape_cast %get3A_1024 : vector<16xf32> to vector<1x1x16xf32>
        tpu.vector_store %arg4[%swap3A_1033, %swap3A_1034, %swap3A_1035], %swap3A_1038 {strides = array<i32>} : memref<2x32x1664xf32, #tpu.memory_space<vmem>>, vector<1x1x16xf32>,
        %get3A_1039 = arith.constant 1 : i32
        %get3A_1040 = arith.index_cast %get3A_1039 : i32 to index
        %get3A_1041 = arith.index_cast %add3A_156 : i32 to index
        %get3A_1042 = arith.constant 544 : index
        %get3A_1043 = tpu.vector_load %arg4[%get3A_1040, %get3A_1041, %get3A_1042] {strides = array<i32>} : memref<2x32x1664xf32, #tpu.memory_space<vmem>>, vector<1x1x16xf32>,
        %get3A_1044 = vector.shape_cast %get3A_1043 : vector<1x1x16xf32> to vector<16xf32>
        %get3A_1045 = arith.constant 1 : i32
        %get3A_1046 = arith.index_cast %get3A_1045 : i32 to index
        %get3A_1047 = arith.index_cast %add3A_156 : i32 to index
        %get3A_1048 = arith.constant 1120 : index
        %get3A_1049 = tpu.vector_load %arg4[%get3A_1046, %get3A_1047, %get3A_1048] {strides = array<i32>} : memref<2x32x1664xf32, #tpu.memory_space<vmem>>, vector<1x1x16xf32>,
        %get3A_1050 = vector.shape_cast %get3A_1049 : vector<1x1x16xf32> to vector<16xf32>
        %swap3A_1051 = arith.constant 1 : i32
        %swap3A_1052 = arith.index_cast %swap3A_1051 : i32 to index
        %swap3A_1053 = arith.index_cast %add3A_156 : i32 to index
        %swap3A_1054 = arith.constant 1120 : index
        %swap3A_1055 = tpu.vector_load %arg4[%swap3A_1052, %swap3A_1053, %swap3A_1054] {strides = array<i32>} : memref<2x32x1664xf32, #tpu.memory_space<vmem>>, vector<1x1x16xf32>,
        %swap3A_1056 = vector.shape_cast %swap3A_1055 : vector<1x1x16xf32> to vector<16xf32>
        %swap3A_1057 = vector.shape_cast %get3A_1044 : vector<16xf32> to vector<1x1x16xf32>
        tpu.vector_store %arg4[%swap3A_1052, %swap3A_1053, %swap3A_1054], %swap3A_1057 {strides = array<i32>} : memref<2x32x1664xf32, #tpu.memory_space<vmem>>, vector<1x1x16xf32>,
        %swap3A_1058 = arith.constant 1 : i32
        %swap3A_1059 = arith.index_cast %swap3A_1058 : i32 to index
        %swap3A_1060 = arith.index_cast %add3A_156 : i32 to index
        %swap3A_1061 = arith.constant 544 : index
        %swap3A_1062 = tpu.vector_load %arg4[%swap3A_1059, %swap3A_1060, %swap3A_1061] {strides = array<i32>} : memref<2x32x1664xf32, #tpu.memory_space<vmem>>, vector<1x1x16xf32>,
        %swap3A_1063 = vector.shape_cast %swap3A_1062 : vector<1x1x16xf32> to vector<16xf32>
        %swap3A_1064 = vector.shape_cast %get3A_1050 : vector<16xf32> to vector<1x1x16xf32>
        tpu.vector_store %arg4[%swap3A_1059, %swap3A_1060, %swap3A_1061], %swap3A_1064 {strides = array<i32>} : memref<2x32x1664xf32, #tpu.memory_space<vmem>>, vector<1x1x16xf32>,
        %get3A_1065 = arith.constant 1 : i32
        %get3A_1066 = arith.index_cast %get3A_1065 : i32 to index
        %get3A_1067 = arith.index_cast %add3A_156 : i32 to index
        %get3A_1068 = arith.constant 560 : index
        %get3A_1069 = tpu.vector_load %arg4[%get3A_1066, %get3A_1067, %get3A_1068] {strides = array<i32>} : memref<2x32x1664xf32, #tpu.memory_space<vmem>>, vector<1x1x16xf32>,
        %get3A_1070 = vector.shape_cast %get3A_1069 : vector<1x1x16xf32> to vector<16xf32>
        %get3A_1071 = arith.constant 1 : i32
        %get3A_1072 = arith.index_cast %get3A_1071 : i32 to index
        %get3A_1073 = arith.index_cast %add3A_156 : i32 to index
        %get3A_1074 = arith.constant 1136 : index
        %get3A_1075 = tpu.vector_load %arg4[%get3A_1072, %get3A_1073, %get3A_1074] {strides = array<i32>} : memref<2x32x1664xf32, #tpu.memory_space<vmem>>, vector<1x1x16xf32>,
        %get3A_1076 = vector.shape_cast %get3A_1075 : vector<1x1x16xf32> to vector<16xf32>
        %swap3A_1077 = arith.constant 1 : i32
        %swap3A_1078 = arith.index_cast %swap3A_1077 : i32 to index
        %swap3A_1079 = arith.index_cast %add3A_156 : i32 to index
        %swap3A_1080 = arith.constant 1136 : index
        %swap3A_1081 = tpu.vector_load %arg4[%swap3A_1078, %swap3A_1079, %swap3A_1080] {strides = array<i32>} : memref<2x32x1664xf32, #tpu.memory_space<vmem>>, vector<1x1x16xf32>,
        %swap3A_1082 = vector.shape_cast %swap3A_1081 : vector<1x1x16xf32> to vector<16xf32>
        %swap3A_1083 = vector.shape_cast %get3A_1070 : vector<16xf32> to vector<1x1x16xf32>
        tpu.vector_store %arg4[%swap3A_1078, %swap3A_1079, %swap3A_1080], %swap3A_1083 {strides = array<i32>} : memref<2x32x1664xf32, #tpu.memory_space<vmem>>, vector<1x1x16xf32>,
        %swap3A_1084 = arith.constant 1 : i32
        %swap3A_1085 = arith.index_cast %swap3A_1084 : i32 to index
        %swap3A_1086 = arith.index_cast %add3A_156 : i32 to index
        %swap3A_1087 = arith.constant 560 : index
        %swap3A_1088 = tpu.vector_load %arg4[%swap3A_1085, %swap3A_1086, %swap3A_1087] {strides = array<i32>} : memref<2x32x1664xf32, #tpu.memory_space<vmem>>, vector<1x1x16xf32>,
        %swap3A_1089 = vector.shape_cast %swap3A_1088 : vector<1x1x16xf32> to vector<16xf32>
        %swap3A_1090 = vector.shape_cast %get3A_1076 : vector<16xf32> to vector<1x1x16xf32>
        tpu.vector_store %arg4[%swap3A_1085, %swap3A_1086, %swap3A_1087], %swap3A_1090 {strides = array<i32>} : memref<2x32x1664xf32, #tpu.memory_space<vmem>>, vector<1x1x16xf32>,
        %get3A_1091 = arith.constant 1 : i32
        %get3A_1092 = arith.index_cast %get3A_1091 : i32 to index
        %get3A_1093 = arith.index_cast %add3A_156 : i32 to index
        %get3A_1094 = arith.constant 576 : index
        %get3A_1095 = tpu.vector_load %arg4[%get3A_1092, %get3A_1093, %get3A_1094] {strides = array<i32>} : memref<2x32x1664xf32, #tpu.memory_space<vmem>>, vector<1x1x16xf32>,
        %get3A_1096 = vector.shape_cast %get3A_1095 : vector<1x1x16xf32> to vector<16xf32>
        %get3A_1097 = arith.constant 1 : i32
        %get3A_1098 = arith.index_cast %get3A_1097 : i32 to index
        %get3A_1099 = arith.index_cast %add3A_156 : i32 to index
        %get3A_1100 = arith.constant 1024 : index
        %get3A_1101 = tpu.vector_load %arg4[%get3A_1098, %get3A_1099, %get3A_1100] {strides = array<i32>} : memref<2x32x1664xf32, #tpu.memory_space<vmem>>, vector<1x1x16xf32>,
        %get3A_1102 = vector.shape_cast %get3A_1101 : vector<1x1x16xf32> to vector<16xf32>
        %swap3A_1103 = arith.constant 1 : i32
        %swap3A_1104 = arith.index_cast %swap3A_1103 : i32 to index
        %swap3A_1105 = arith.index_cast %add3A_156 : i32 to index
        %swap3A_1106 = arith.constant 1024 : index
        %swap3A_1107 = tpu.vector_load %arg4[%swap3A_1104, %swap3A_1105, %swap3A_1106] {strides = array<i32>} : memref<2x32x1664xf32, #tpu.memory_space<vmem>>, vector<1x1x16xf32>,
        %swap3A_1108 = vector.shape_cast %swap3A_1107 : vector<1x1x16xf32> to vector<16xf32>
        %swap3A_1109 = vector.shape_cast %get3A_1096 : vector<16xf32> to vector<1x1x16xf32>
        tpu.vector_store %arg4[%swap3A_1104, %swap3A_1105, %swap3A_1106], %swap3A_1109 {strides = array<i32>} : memref<2x32x1664xf32, #tpu.memory_space<vmem>>, vector<1x1x16xf32>,
        %swap3A_1110 = arith.constant 1 : i32
        %swap3A_1111 = arith.index_cast %swap3A_1110 : i32 to index
        %swap3A_1112 = arith.index_cast %add3A_156 : i32 to index
        %swap3A_1113 = arith.constant 576 : index
        %swap3A_1114 = tpu.vector_load %arg4[%swap3A_1111, %swap3A_1112, %swap3A_1113] {strides = array<i32>} : memref<2x32x1664xf32, #tpu.memory_space<vmem>>, vector<1x1x16xf32>,
        %swap3A_1115 = vector.shape_cast %swap3A_1114 : vector<1x1x16xf32> to vector<16xf32>
        %swap3A_1116 = vector.shape_cast %get3A_1102 : vector<16xf32> to vector<1x1x16xf32>
        tpu.vector_store %arg4[%swap3A_1111, %swap3A_1112, %swap3A_1113], %swap3A_1116 {strides = array<i32>} : memref<2x32x1664xf32, #tpu.memory_space<vmem>>, vector<1x1x16xf32>,
        %get3A_1117 = arith.constant 1 : i32
        %get3A_1118 = arith.index_cast %get3A_1117 : i32 to index
        %get3A_1119 = arith.index_cast %add3A_156 : i32 to index
        %get3A_1120 = arith.constant 592 : index
        %get3A_1121 = tpu.vector_load %arg4[%get3A_1118, %get3A_1119, %get3A_1120] {strides = array<i32>} : memref<2x32x1664xf32, #tpu.memory_space<vmem>>, vector<1x1x16xf32>,
        %get3A_1122 = vector.shape_cast %get3A_1121 : vector<1x1x16xf32> to vector<16xf32>
        %get3A_1123 = arith.constant 1 : i32
        %get3A_1124 = arith.index_cast %get3A_1123 : i32 to index
        %get3A_1125 = arith.index_cast %add3A_156 : i32 to index
        %get3A_1126 = arith.constant 1040 : index
        %get3A_1127 = tpu.vector_load %arg4[%get3A_1124, %get3A_1125, %get3A_1126] {strides = array<i32>} : memref<2x32x1664xf32, #tpu.memory_space<vmem>>, vector<1x1x16xf32>,
        %get3A_1128 = vector.shape_cast %get3A_1127 : vector<1x1x16xf32> to vector<16xf32>
        %swap3A_1129 = arith.constant 1 : i32
        %swap3A_1130 = arith.index_cast %swap3A_1129 : i32 to index
        %swap3A_1131 = arith.index_cast %add3A_156 : i32 to index
        %swap3A_1132 = arith.constant 1040 : index
        %swap3A_1133 = tpu.vector_load %arg4[%swap3A_1130, %swap3A_1131, %swap3A_1132] {strides = array<i32>} : memref<2x32x1664xf32, #tpu.memory_space<vmem>>, vector<1x1x16xf32>,
        %swap3A_1134 = vector.shape_cast %swap3A_1133 : vector<1x1x16xf32> to vector<16xf32>
        %swap3A_1135 = vector.shape_cast %get3A_1122 : vector<16xf32> to vector<1x1x16xf32>
        tpu.vector_store %arg4[%swap3A_1130, %swap3A_1131, %swap3A_1132], %swap3A_1135 {strides = array<i32>} : memref<2x32x1664xf32, #tpu.memory_space<vmem>>, vector<1x1x16xf32>,
        %swap3A_1136 = arith.constant 1 : i32
        %swap3A_1137 = arith.index_cast %swap3A_1136 : i32 to index
        %swap3A_1138 = arith.index_cast %add3A_156 : i32 to index
        %swap3A_1139 = arith.constant 592 : index
        %swap3A_1140 = tpu.vector_load %arg4[%swap3A_1137, %swap3A_1138, %swap3A_1139] {strides = array<i32>} : memref<2x32x1664xf32, #tpu.memory_space<vmem>>, vector<1x1x16xf32>,
        %swap3A_1141 = vector.shape_cast %swap3A_1140 : vector<1x1x16xf32> to vector<16xf32>
        %swap3A_1142 = vector.shape_cast %get3A_1128 : vector<16xf32> to vector<1x1x16xf32>
        tpu.vector_store %arg4[%swap3A_1137, %swap3A_1138, %swap3A_1139], %swap3A_1142 {strides = array<i32>} : memref<2x32x1664xf32, #tpu.memory_space<vmem>>, vector<1x1x16xf32>,
        %get3A_1143 = arith.constant 1 : i32
        %get3A_1144 = arith.index_cast %get3A_1143 : i32 to index
        %get3A_1145 = arith.index_cast %add3A_156 : i32 to index
        %get3A_1146 = arith.constant 608 : index
        %get3A_1147 = tpu.vector_load %arg4[%get3A_1144, %get3A_1145, %get3A_1146] {strides = array<i32>} : memref<2x32x1664xf32, #tpu.memory_space<vmem>>, vector<1x1x16xf32>,
        %get3A_1148 = vector.shape_cast %get3A_1147 : vector<1x1x16xf32> to vector<16xf32>
        %get3A_1149 = arith.constant 1 : i32
        %get3A_1150 = arith.index_cast %get3A_1149 : i32 to index
        %get3A_1151 = arith.index_cast %add3A_156 : i32 to index
        %get3A_1152 = arith.constant 1056 : index
        %get3A_1153 = tpu.vector_load %arg4[%get3A_1150, %get3A_1151, %get3A_1152] {strides = array<i32>} : memref<2x32x1664xf32, #tpu.memory_space<vmem>>, vector<1x1x16xf32>,
        %get3A_1154 = vector.shape_cast %get3A_1153 : vector<1x1x16xf32> to vector<16xf32>
        %swap3A_1155 = arith.constant 1 : i32
        %swap3A_1156 = arith.index_cast %swap3A_1155 : i32 to index
        %swap3A_1157 = arith.index_cast %add3A_156 : i32 to index
        %swap3A_1158 = arith.constant 1056 : index
        %swap3A_1159 = tpu.vector_load %arg4[%swap3A_1156, %swap3A_1157, %swap3A_1158] {strides = array<i32>} : memref<2x32x1664xf32, #tpu.memory_space<vmem>>, vector<1x1x16xf32>,
        %swap3A_1160 = vector.shape_cast %swap3A_1159 : vector<1x1x16xf32> to vector<16xf32>
        %swap3A_1161 = vector.shape_cast %get3A_1148 : vector<16xf32> to vector<1x1x16xf32>
        tpu.vector_store %arg4[%swap3A_1156, %swap3A_1157, %swap3A_1158], %swap3A_1161 {strides = array<i32>} : memref<2x32x1664xf32, #tpu.memory_space<vmem>>, vector<1x1x16xf32>,
        %swap3A_1162 = arith.constant 1 : i32
        %swap3A_1163 = arith.index_cast %swap3A_1162 : i32 to index
        %swap3A_1164 = arith.index_cast %add3A_156 : i32 to index
        %swap3A_1165 = arith.constant 608 : index
        %swap3A_1166 = tpu.vector_load %arg4[%swap3A_1163, %swap3A_1164, %swap3A_1165] {strides = array<i32>} : memref<2x32x1664xf32, #tpu.memory_space<vmem>>, vector<1x1x16xf32>,
        %swap3A_1167 = vector.shape_cast %swap3A_1166 : vector<1x1x16xf32> to vector<16xf32>
        %swap3A_1168 = vector.shape_cast %get3A_1154 : vector<16xf32> to vector<1x1x16xf32>
        tpu.vector_store %arg4[%swap3A_1163, %swap3A_1164, %swap3A_1165], %swap3A_1168 {strides = array<i32>} : memref<2x32x1664xf32, #tpu.memory_space<vmem>>, vector<1x1x16xf32>,
        %get3A_1169 = arith.constant 1 : i32
        %get3A_1170 = arith.index_cast %get3A_1169 : i32 to index
        %get3A_1171 = arith.index_cast %add3A_156 : i32 to index
        %get3A_1172 = arith.constant 624 : index
        %get3A_1173 = tpu.vector_load %arg4[%get3A_1170, %get3A_1171, %get3A_1172] {strides = array<i32>} : memref<2x32x1664xf32, #tpu.memory_space<vmem>>, vector<1x1x16xf32>,
        %get3A_1174 = vector.shape_cast %get3A_1173 : vector<1x1x16xf32> to vector<16xf32>
        %get3A_1175 = arith.constant 1 : i32
        %get3A_1176 = arith.index_cast %get3A_1175 : i32 to index
        %get3A_1177 = arith.index_cast %add3A_156 : i32 to index
        %get3A_1178 = arith.constant 1072 : index
        %get3A_1179 = tpu.vector_load %arg4[%get3A_1176, %get3A_1177, %get3A_1178] {strides = array<i32>} : memref<2x32x1664xf32, #tpu.memory_space<vmem>>, vector<1x1x16xf32>,
        %get3A_1180 = vector.shape_cast %get3A_1179 : vector<1x1x16xf32> to vector<16xf32>
        %swap3A_1181 = arith.constant 1 : i32
        %swap3A_1182 = arith.index_cast %swap3A_1181 : i32 to index
        %swap3A_1183 = arith.index_cast %add3A_156 : i32 to index
        %swap3A_1184 = arith.constant 1072 : index
        %swap3A_1185 = tpu.vector_load %arg4[%swap3A_1182, %swap3A_1183, %swap3A_1184] {strides = array<i32>} : memref<2x32x1664xf32, #tpu.memory_space<vmem>>, vector<1x1x16xf32>,
        %swap3A_1186 = vector.shape_cast %swap3A_1185 : vector<1x1x16xf32> to vector<16xf32>
        %swap3A_1187 = vector.shape_cast %get3A_1174 : vector<16xf32> to vector<1x1x16xf32>
        tpu.vector_store %arg4[%swap3A_1182, %swap3A_1183, %swap3A_1184], %swap3A_1187 {strides = array<i32>} : memref<2x32x1664xf32, #tpu.memory_space<vmem>>, vector<1x1x16xf32>,
        %swap3A_1188 = arith.constant 1 : i32
        %swap3A_1189 = arith.index_cast %swap3A_1188 : i32 to index
        %swap3A_1190 = arith.index_cast %add3A_156 : i32 to index
        %swap3A_1191 = arith.constant 624 : index
        %swap3A_1192 = tpu.vector_load %arg4[%swap3A_1189, %swap3A_1190, %swap3A_1191] {strides = array<i32>} : memref<2x32x1664xf32, #tpu.memory_space<vmem>>, vector<1x1x16xf32>,
        %swap3A_1193 = vector.shape_cast %swap3A_1192 : vector<1x1x16xf32> to vector<16xf32>
        %swap3A_1194 = vector.shape_cast %get3A_1180 : vector<16xf32> to vector<1x1x16xf32>
        tpu.vector_store %arg4[%swap3A_1189, %swap3A_1190, %swap3A_1191], %swap3A_1194 {strides = array<i32>} : memref<2x32x1664xf32, #tpu.memory_space<vmem>>, vector<1x1x16xf32>,
        %get3A_1195 = arith.constant 1 : i32
        %get3A_1196 = arith.index_cast %get3A_1195 : i32 to index
        %get3A_1197 = arith.index_cast %add3A_156 : i32 to index
        %get3A_1198 = arith.constant 640 : index
        %get3A_1199 = tpu.vector_load %arg4[%get3A_1196, %get3A_1197, %get3A_1198] {strides = array<i32>} : memref<2x32x1664xf32, #tpu.memory_space<vmem>>, vector<1x1x16xf32>,
        %get3A_1200 = vector.shape_cast %get3A_1199 : vector<1x1x16xf32> to vector<16xf32>
        %get3A_1201 = arith.constant 1 : i32
        %get3A_1202 = arith.index_cast %get3A_1201 : i32 to index
        %get3A_1203 = arith.index_cast %add3A_156 : i32 to index
        %get3A_1204 = arith.constant 960 : index
        %get3A_1205 = tpu.vector_load %arg4[%get3A_1202, %get3A_1203, %get3A_1204] {strides = array<i32>} : memref<2x32x1664xf32, #tpu.memory_space<vmem>>, vector<1x1x16xf32>,
        %get3A_1206 = vector.shape_cast %get3A_1205 : vector<1x1x16xf32> to vector<16xf32>
        %swap3A_1207 = arith.constant 1 : i32
        %swap3A_1208 = arith.index_cast %swap3A_1207 : i32 to index
        %swap3A_1209 = arith.index_cast %add3A_156 : i32 to index
        %swap3A_1210 = arith.constant 960 : index
        %swap3A_1211 = tpu.vector_load %arg4[%swap3A_1208, %swap3A_1209, %swap3A_1210] {strides = array<i32>} : memref<2x32x1664xf32, #tpu.memory_space<vmem>>, vector<1x1x16xf32>,
        %swap3A_1212 = vector.shape_cast %swap3A_1211 : vector<1x1x16xf32> to vector<16xf32>
        %swap3A_1213 = vector.shape_cast %get3A_1200 : vector<16xf32> to vector<1x1x16xf32>
        tpu.vector_store %arg4[%swap3A_1208, %swap3A_1209, %swap3A_1210], %swap3A_1213 {strides = array<i32>} : memref<2x32x1664xf32, #tpu.memory_space<vmem>>, vector<1x1x16xf32>,
        %swap3A_1214 = arith.constant 1 : i32
        %swap3A_1215 = arith.index_cast %swap3A_1214 : i32 to index
        %swap3A_1216 = arith.index_cast %add3A_156 : i32 to index
        %swap3A_1217 = arith.constant 640 : index
        %swap3A_1218 = tpu.vector_load %arg4[%swap3A_1215, %swap3A_1216, %swap3A_1217] {strides = array<i32>} : memref<2x32x1664xf32, #tpu.memory_space<vmem>>, vector<1x1x16xf32>,
        %swap3A_1219 = vector.shape_cast %swap3A_1218 : vector<1x1x16xf32> to vector<16xf32>
        %swap3A_1220 = vector.shape_cast %get3A_1206 : vector<16xf32> to vector<1x1x16xf32>
        tpu.vector_store %arg4[%swap3A_1215, %swap3A_1216, %swap3A_1217], %swap3A_1220 {strides = array<i32>} : memref<2x32x1664xf32, #tpu.memory_space<vmem>>, vector<1x1x16xf32>,
        %get3A_1221 = arith.constant 1 : i32
        %get3A_1222 = arith.index_cast %get3A_1221 : i32 to index
        %get3A_1223 = arith.index_cast %add3A_156 : i32 to index
        %get3A_1224 = arith.constant 656 : index
        %get3A_1225 = tpu.vector_load %arg4[%get3A_1222, %get3A_1223, %get3A_1224] {strides = array<i32>} : memref<2x32x1664xf32, #tpu.memory_space<vmem>>, vector<1x1x16xf32>,
        %get3A_1226 = vector.shape_cast %get3A_1225 : vector<1x1x16xf32> to vector<16xf32>
        %get3A_1227 = arith.constant 1 : i32
        %get3A_1228 = arith.index_cast %get3A_1227 : i32 to index
        %get3A_1229 = arith.index_cast %add3A_156 : i32 to index
        %get3A_1230 = arith.constant 976 : index
        %get3A_1231 = tpu.vector_load %arg4[%get3A_1228, %get3A_1229, %get3A_1230] {strides = array<i32>} : memref<2x32x1664xf32, #tpu.memory_space<vmem>>, vector<1x1x16xf32>,
        %get3A_1232 = vector.shape_cast %get3A_1231 : vector<1x1x16xf32> to vector<16xf32>
        %swap3A_1233 = arith.constant 1 : i32
        %swap3A_1234 = arith.index_cast %swap3A_1233 : i32 to index
        %swap3A_1235 = arith.index_cast %add3A_156 : i32 to index
        %swap3A_1236 = arith.constant 976 : index
        %swap3A_1237 = tpu.vector_load %arg4[%swap3A_1234, %swap3A_1235, %swap3A_1236] {strides = array<i32>} : memref<2x32x1664xf32, #tpu.memory_space<vmem>>, vector<1x1x16xf32>,
        %swap3A_1238 = vector.shape_cast %swap3A_1237 : vector<1x1x16xf32> to vector<16xf32>
        %swap3A_1239 = vector.shape_cast %get3A_1226 : vector<16xf32> to vector<1x1x16xf32>
        tpu.vector_store %arg4[%swap3A_1234, %swap3A_1235, %swap3A_1236], %swap3A_1239 {strides = array<i32>} : memref<2x32x1664xf32, #tpu.memory_space<vmem>>, vector<1x1x16xf32>,
        %swap3A_1240 = arith.constant 1 : i32
        %swap3A_1241 = arith.index_cast %swap3A_1240 : i32 to index
        %swap3A_1242 = arith.index_cast %add3A_156 : i32 to index
        %swap3A_1243 = arith.constant 656 : index
        %swap3A_1244 = tpu.vector_load %arg4[%swap3A_1241, %swap3A_1242, %swap3A_1243] {strides = array<i32>} : memref<2x32x1664xf32, #tpu.memory_space<vmem>>, vector<1x1x16xf32>,
        %swap3A_1245 = vector.shape_cast %swap3A_1244 : vector<1x1x16xf32> to vector<16xf32>
        %swap3A_1246 = vector.shape_cast %get3A_1232 : vector<16xf32> to vector<1x1x16xf32>
        tpu.vector_store %arg4[%swap3A_1241, %swap3A_1242, %swap3A_1243], %swap3A_1246 {strides = array<i32>} : memref<2x32x1664xf32, #tpu.memory_space<vmem>>, vector<1x1x16xf32>,
        %get3A_1247 = arith.constant 1 : i32
        %get3A_1248 = arith.index_cast %get3A_1247 : i32 to index
        %get3A_1249 = arith.index_cast %add3A_156 : i32 to index
        %get3A_1250 = arith.constant 672 : index
        %get3A_1251 = tpu.vector_load %arg4[%get3A_1248, %get3A_1249, %get3A_1250] {strides = array<i32>} : memref<2x32x1664xf32, #tpu.memory_space<vmem>>, vector<1x1x16xf32>,
        %get3A_1252 = vector.shape_cast %get3A_1251 : vector<1x1x16xf32> to vector<16xf32>
        %get3A_1253 = arith.constant 1 : i32
        %get3A_1254 = arith.index_cast %get3A_1253 : i32 to index
        %get3A_1255 = arith.index_cast %add3A_156 : i32 to index
        %get3A_1256 = arith.constant 992 : index
        %get3A_1257 = tpu.vector_load %arg4[%get3A_1254, %get3A_1255, %get3A_1256] {strides = array<i32>} : memref<2x32x1664xf32, #tpu.memory_space<vmem>>, vector<1x1x16xf32>,
        %get3A_1258 = vector.shape_cast %get3A_1257 : vector<1x1x16xf32> to vector<16xf32>
        %swap3A_1259 = arith.constant 1 : i32
        %swap3A_1260 = arith.index_cast %swap3A_1259 : i32 to index
        %swap3A_1261 = arith.index_cast %add3A_156 : i32 to index
        %swap3A_1262 = arith.constant 992 : index
        %swap3A_1263 = tpu.vector_load %arg4[%swap3A_1260, %swap3A_1261, %swap3A_1262] {strides = array<i32>} : memref<2x32x1664xf32, #tpu.memory_space<vmem>>, vector<1x1x16xf32>,
        %swap3A_1264 = vector.shape_cast %swap3A_1263 : vector<1x1x16xf32> to vector<16xf32>
        %swap3A_1265 = vector.shape_cast %get3A_1252 : vector<16xf32> to vector<1x1x16xf32>
        tpu.vector_store %arg4[%swap3A_1260, %swap3A_1261, %swap3A_1262], %swap3A_1265 {strides = array<i32>} : memref<2x32x1664xf32, #tpu.memory_space<vmem>>, vector<1x1x16xf32>,
        %swap3A_1266 = arith.constant 1 : i32
        %swap3A_1267 = arith.index_cast %swap3A_1266 : i32 to index
        %swap3A_1268 = arith.index_cast %add3A_156 : i32 to index
        %swap3A_1269 = arith.constant 672 : index
        %swap3A_1270 = tpu.vector_load %arg4[%swap3A_1267, %swap3A_1268, %swap3A_1269] {strides = array<i32>} : memref<2x32x1664xf32, #tpu.memory_space<vmem>>, vector<1x1x16xf32>,
        %swap3A_1271 = vector.shape_cast %swap3A_1270 : vector<1x1x16xf32> to vector<16xf32>
        %swap3A_1272 = vector.shape_cast %get3A_1258 : vector<16xf32> to vector<1x1x16xf32>
        tpu.vector_store %arg4[%swap3A_1267, %swap3A_1268, %swap3A_1269], %swap3A_1272 {strides = array<i32>} : memref<2x32x1664xf32, #tpu.memory_space<vmem>>, vector<1x1x16xf32>,
        %get3A_1273 = arith.constant 1 : i32
        %get3A_1274 = arith.index_cast %get3A_1273 : i32 to index
        %get3A_1275 = arith.index_cast %add3A_156 : i32 to index
        %get3A_1276 = arith.constant 688 : index
        %get3A_1277 = tpu.vector_load %arg4[%get3A_1274, %get3A_1275, %get3A_1276] {strides = array<i32>} : memref<2x32x1664xf32, #tpu.memory_space<vmem>>, vector<1x1x16xf32>,
        %get3A_1278 = vector.shape_cast %get3A_1277 : vector<1x1x16xf32> to vector<16xf32>
        %get3A_1279 = arith.constant 1 : i32
        %get3A_1280 = arith.index_cast %get3A_1279 : i32 to index
        %get3A_1281 = arith.index_cast %add3A_156 : i32 to index
        %get3A_1282 = arith.constant 1008 : index
        %get3A_1283 = tpu.vector_load %arg4[%get3A_1280, %get3A_1281, %get3A_1282] {strides = array<i32>} : memref<2x32x1664xf32, #tpu.memory_space<vmem>>, vector<1x1x16xf32>,
        %get3A_1284 = vector.shape_cast %get3A_1283 : vector<1x1x16xf32> to vector<16xf32>
        %swap3A_1285 = arith.constant 1 : i32
        %swap3A_1286 = arith.index_cast %swap3A_1285 : i32 to index
        %swap3A_1287 = arith.index_cast %add3A_156 : i32 to index
        %swap3A_1288 = arith.constant 1008 : index
        %swap3A_1289 = tpu.vector_load %arg4[%swap3A_1286, %swap3A_1287, %swap3A_1288] {strides = array<i32>} : memref<2x32x1664xf32, #tpu.memory_space<vmem>>, vector<1x1x16xf32>,
        %swap3A_1290 = vector.shape_cast %swap3A_1289 : vector<1x1x16xf32> to vector<16xf32>
        %swap3A_1291 = vector.shape_cast %get3A_1278 : vector<16xf32> to vector<1x1x16xf32>
        tpu.vector_store %arg4[%swap3A_1286, %swap3A_1287, %swap3A_1288], %swap3A_1291 {strides = array<i32>} : memref<2x32x1664xf32, #tpu.memory_space<vmem>>, vector<1x1x16xf32>,
        %swap3A_1292 = arith.constant 1 : i32
        %swap3A_1293 = arith.index_cast %swap3A_1292 : i32 to index
        %swap3A_1294 = arith.index_cast %add3A_156 : i32 to index
        %swap3A_1295 = arith.constant 688 : index
        %swap3A_1296 = tpu.vector_load %arg4[%swap3A_1293, %swap3A_1294, %swap3A_1295] {strides = array<i32>} : memref<2x32x1664xf32, #tpu.memory_space<vmem>>, vector<1x1x16xf32>,
        %swap3A_1297 = vector.shape_cast %swap3A_1296 : vector<1x1x16xf32> to vector<16xf32>
        %swap3A_1298 = vector.shape_cast %get3A_1284 : vector<16xf32> to vector<1x1x16xf32>
        tpu.vector_store %arg4[%swap3A_1293, %swap3A_1294, %swap3A_1295], %swap3A_1298 {strides = array<i32>} : memref<2x32x1664xf32, #tpu.memory_space<vmem>>, vector<1x1x16xf32>,
        %get3A_1299 = arith.constant 1 : i32
        %get3A_1300 = arith.index_cast %get3A_1299 : i32 to index
        %get3A_1301 = arith.index_cast %add3A_156 : i32 to index
        %get3A_1302 = arith.constant 704 : index
        %get3A_1303 = tpu.vector_load %arg4[%get3A_1300, %get3A_1301, %get3A_1302] {strides = array<i32>} : memref<2x32x1664xf32, #tpu.memory_space<vmem>>, vector<1x1x16xf32>,
        %get3A_1304 = vector.shape_cast %get3A_1303 : vector<1x1x16xf32> to vector<16xf32>
        %get3A_1305 = arith.constant 1 : i32
        %get3A_1306 = arith.index_cast %get3A_1305 : i32 to index
        %get3A_1307 = arith.index_cast %add3A_156 : i32 to index
        %get3A_1308 = arith.constant 896 : index
        %get3A_1309 = tpu.vector_load %arg4[%get3A_1306, %get3A_1307, %get3A_1308] {strides = array<i32>} : memref<2x32x1664xf32, #tpu.memory_space<vmem>>, vector<1x1x16xf32>,
        %get3A_1310 = vector.shape_cast %get3A_1309 : vector<1x1x16xf32> to vector<16xf32>
        %swap3A_1311 = arith.constant 1 : i32
        %swap3A_1312 = arith.index_cast %swap3A_1311 : i32 to index
        %swap3A_1313 = arith.index_cast %add3A_156 : i32 to index
        %swap3A_1314 = arith.constant 896 : index
        %swap3A_1315 = tpu.vector_load %arg4[%swap3A_1312, %swap3A_1313, %swap3A_1314] {strides = array<i32>} : memref<2x32x1664xf32, #tpu.memory_space<vmem>>, vector<1x1x16xf32>,
        %swap3A_1316 = vector.shape_cast %swap3A_1315 : vector<1x1x16xf32> to vector<16xf32>
        %swap3A_1317 = vector.shape_cast %get3A_1304 : vector<16xf32> to vector<1x1x16xf32>
        tpu.vector_store %arg4[%swap3A_1312, %swap3A_1313, %swap3A_1314], %swap3A_1317 {strides = array<i32>} : memref<2x32x1664xf32, #tpu.memory_space<vmem>>, vector<1x1x16xf32>,
        %swap3A_1318 = arith.constant 1 : i32
        %swap3A_1319 = arith.index_cast %swap3A_1318 : i32 to index
        %swap3A_1320 = arith.index_cast %add3A_156 : i32 to index
        %swap3A_1321 = arith.constant 704 : index
        %swap3A_1322 = tpu.vector_load %arg4[%swap3A_1319, %swap3A_1320, %swap3A_1321] {strides = array<i32>} : memref<2x32x1664xf32, #tpu.memory_space<vmem>>, vector<1x1x16xf32>,
        %swap3A_1323 = vector.shape_cast %swap3A_1322 : vector<1x1x16xf32> to vector<16xf32>
        %swap3A_1324 = vector.shape_cast %get3A_1310 : vector<16xf32> to vector<1x1x16xf32>
        tpu.vector_store %arg4[%swap3A_1319, %swap3A_1320, %swap3A_1321], %swap3A_1324 {strides = array<i32>} : memref<2x32x1664xf32, #tpu.memory_space<vmem>>, vector<1x1x16xf32>,
        %get3A_1325 = arith.constant 1 : i32
        %get3A_1326 = arith.index_cast %get3A_1325 : i32 to index
        %get3A_1327 = arith.index_cast %add3A_156 : i32 to index
        %get3A_1328 = arith.constant 720 : index
        %get3A_1329 = tpu.vector_load %arg4[%get3A_1326, %get3A_1327, %get3A_1328] {strides = array<i32>} : memref<2x32x1664xf32, #tpu.memory_space<vmem>>, vector<1x1x16xf32>,
        %get3A_1330 = vector.shape_cast %get3A_1329 : vector<1x1x16xf32> to vector<16xf32>
        %get3A_1331 = arith.constant 1 : i32
        %get3A_1332 = arith.index_cast %get3A_1331 : i32 to index
        %get3A_1333 = arith.index_cast %add3A_156 : i32 to index
        %get3A_1334 = arith.constant 912 : index
        %get3A_1335 = tpu.vector_load %arg4[%get3A_1332, %get3A_1333, %get3A_1334] {strides = array<i32>} : memref<2x32x1664xf32, #tpu.memory_space<vmem>>, vector<1x1x16xf32>,
        %get3A_1336 = vector.shape_cast %get3A_1335 : vector<1x1x16xf32> to vector<16xf32>
        %swap3A_1337 = arith.constant 1 : i32
        %swap3A_1338 = arith.index_cast %swap3A_1337 : i32 to index
        %swap3A_1339 = arith.index_cast %add3A_156 : i32 to index
        %swap3A_1340 = arith.constant 912 : index
        %swap3A_1341 = tpu.vector_load %arg4[%swap3A_1338, %swap3A_1339, %swap3A_1340] {strides = array<i32>} : memref<2x32x1664xf32, #tpu.memory_space<vmem>>, vector<1x1x16xf32>,
        %swap3A_1342 = vector.shape_cast %swap3A_1341 : vector<1x1x16xf32> to vector<16xf32>
        %swap3A_1343 = vector.shape_cast %get3A_1330 : vector<16xf32> to vector<1x1x16xf32>
        tpu.vector_store %arg4[%swap3A_1338, %swap3A_1339, %swap3A_1340], %swap3A_1343 {strides = array<i32>} : memref<2x32x1664xf32, #tpu.memory_space<vmem>>, vector<1x1x16xf32>,
        %swap3A_1344 = arith.constant 1 : i32
        %swap3A_1345 = arith.index_cast %swap3A_1344 : i32 to index
        %swap3A_1346 = arith.index_cast %add3A_156 : i32 to index
        %swap3A_1347 = arith.constant 720 : index
        %swap3A_1348 = tpu.vector_load %arg4[%swap3A_1345, %swap3A_1346, %swap3A_1347] {strides = array<i32>} : memref<2x32x1664xf32, #tpu.memory_space<vmem>>, vector<1x1x16xf32>,
        %swap3A_1349 = vector.shape_cast %swap3A_1348 : vector<1x1x16xf32> to vector<16xf32>
        %swap3A_1350 = vector.shape_cast %get3A_1336 : vector<16xf32> to vector<1x1x16xf32>
        tpu.vector_store %arg4[%swap3A_1345, %swap3A_1346, %swap3A_1347], %swap3A_1350 {strides = array<i32>} : memref<2x32x1664xf32, #tpu.memory_space<vmem>>, vector<1x1x16xf32>,
        %get3A_1351 = arith.constant 1 : i32
        %get3A_1352 = arith.index_cast %get3A_1351 : i32 to index
        %get3A_1353 = arith.index_cast %add3A_156 : i32 to index
        %get3A_1354 = arith.constant 736 : index
        %get3A_1355 = tpu.vector_load %arg4[%get3A_1352, %get3A_1353, %get3A_1354] {strides = array<i32>} : memref<2x32x1664xf32, #tpu.memory_space<vmem>>, vector<1x1x16xf32>,
        %get3A_1356 = vector.shape_cast %get3A_1355 : vector<1x1x16xf32> to vector<16xf32>
        %get3A_1357 = arith.constant 1 : i32
        %get3A_1358 = arith.index_cast %get3A_1357 : i32 to index
        %get3A_1359 = arith.index_cast %add3A_156 : i32 to index
        %get3A_1360 = arith.constant 928 : index
        %get3A_1361 = tpu.vector_load %arg4[%get3A_1358, %get3A_1359, %get3A_1360] {strides = array<i32>} : memref<2x32x1664xf32, #tpu.memory_space<vmem>>, vector<1x1x16xf32>,
        %get3A_1362 = vector.shape_cast %get3A_1361 : vector<1x1x16xf32> to vector<16xf32>
        %swap3A_1363 = arith.constant 1 : i32
        %swap3A_1364 = arith.index_cast %swap3A_1363 : i32 to index
        %swap3A_1365 = arith.index_cast %add3A_156 : i32 to index
        %swap3A_1366 = arith.constant 928 : index
        %swap3A_1367 = tpu.vector_load %arg4[%swap3A_1364, %swap3A_1365, %swap3A_1366] {strides = array<i32>} : memref<2x32x1664xf32, #tpu.memory_space<vmem>>, vector<1x1x16xf32>,
        %swap3A_1368 = vector.shape_cast %swap3A_1367 : vector<1x1x16xf32> to vector<16xf32>
        %swap3A_1369 = vector.shape_cast %get3A_1356 : vector<16xf32> to vector<1x1x16xf32>
        tpu.vector_store %arg4[%swap3A_1364, %swap3A_1365, %swap3A_1366], %swap3A_1369 {strides = array<i32>} : memref<2x32x1664xf32, #tpu.memory_space<vmem>>, vector<1x1x16xf32>,
        %swap3A_1370 = arith.constant 1 : i32
        %swap3A_1371 = arith.index_cast %swap3A_1370 : i32 to index
        %swap3A_1372 = arith.index_cast %add3A_156 : i32 to index
        %swap3A_1373 = arith.constant 736 : index
        %swap3A_1374 = tpu.vector_load %arg4[%swap3A_1371, %swap3A_1372, %swap3A_1373] {strides = array<i32>} : memref<2x32x1664xf32, #tpu.memory_space<vmem>>, vector<1x1x16xf32>,
        %swap3A_1375 = vector.shape_cast %swap3A_1374 : vector<1x1x16xf32> to vector<16xf32>
        %swap3A_1376 = vector.shape_cast %get3A_1362 : vector<16xf32> to vector<1x1x16xf32>
        tpu.vector_store %arg4[%swap3A_1371, %swap3A_1372, %swap3A_1373], %swap3A_1376 {strides = array<i32>} : memref<2x32x1664xf32, #tpu.memory_space<vmem>>, vector<1x1x16xf32>,
        %get3A_1377 = arith.constant 1 : i32
        %get3A_1378 = arith.index_cast %get3A_1377 : i32 to index
        %get3A_1379 = arith.index_cast %add3A_156 : i32 to index
        %get3A_1380 = arith.constant 752 : index
        %get3A_1381 = tpu.vector_load %arg4[%get3A_1378, %get3A_1379, %get3A_1380] {strides = array<i32>} : memref<2x32x1664xf32, #tpu.memory_space<vmem>>, vector<1x1x16xf32>,
        %get3A_1382 = vector.shape_cast %get3A_1381 : vector<1x1x16xf32> to vector<16xf32>
        %get3A_1383 = arith.constant 1 : i32
        %get3A_1384 = arith.index_cast %get3A_1383 : i32 to index
        %get3A_1385 = arith.index_cast %add3A_156 : i32 to index
        %get3A_1386 = arith.constant 944 : index
        %get3A_1387 = tpu.vector_load %arg4[%get3A_1384, %get3A_1385, %get3A_1386] {strides = array<i32>} : memref<2x32x1664xf32, #tpu.memory_space<vmem>>, vector<1x1x16xf32>,
        %get3A_1388 = vector.shape_cast %get3A_1387 : vector<1x1x16xf32> to vector<16xf32>
        %swap3A_1389 = arith.constant 1 : i32
        %swap3A_1390 = arith.index_cast %swap3A_1389 : i32 to index
        %swap3A_1391 = arith.index_cast %add3A_156 : i32 to index
        %swap3A_1392 = arith.constant 944 : index
        %swap3A_1393 = tpu.vector_load %arg4[%swap3A_1390, %swap3A_1391, %swap3A_1392] {strides = array<i32>} : memref<2x32x1664xf32, #tpu.memory_space<vmem>>, vector<1x1x16xf32>,
        %swap3A_1394 = vector.shape_cast %swap3A_1393 : vector<1x1x16xf32> to vector<16xf32>
        %swap3A_1395 = vector.shape_cast %get3A_1382 : vector<16xf32> to vector<1x1x16xf32>
        tpu.vector_store %arg4[%swap3A_1390, %swap3A_1391, %swap3A_1392], %swap3A_1395 {strides = array<i32>} : memref<2x32x1664xf32, #tpu.memory_space<vmem>>, vector<1x1x16xf32>,
        %swap3A_1396 = arith.constant 1 : i32
        %swap3A_1397 = arith.index_cast %swap3A_1396 : i32 to index
        %swap3A_1398 = arith.index_cast %add3A_156 : i32 to index
        %swap3A_1399 = arith.constant 752 : index
        %swap3A_1400 = tpu.vector_load %arg4[%swap3A_1397, %swap3A_1398, %swap3A_1399] {strides = array<i32>} : memref<2x32x1664xf32, #tpu.memory_space<vmem>>, vector<1x1x16xf32>,
        %swap3A_1401 = vector.shape_cast %swap3A_1400 : vector<1x1x16xf32> to vector<16xf32>
        %swap3A_1402 = vector.shape_cast %get3A_1388 : vector<16xf32> to vector<1x1x16xf32>
        tpu.vector_store %arg4[%swap3A_1397, %swap3A_1398, %swap3A_1399], %swap3A_1402 {strides = array<i32>} : memref<2x32x1664xf32, #tpu.memory_space<vmem>>, vector<1x1x16xf32>,
        %get3A_1403 = arith.constant 1 : i32
        %get3A_1404 = arith.index_cast %get3A_1403 : i32 to index
        %get3A_1405 = arith.index_cast %add3A_156 : i32 to index
        %get3A_1406 = arith.constant 768 : index
        %get3A_1407 = tpu.vector_load %arg4[%get3A_1404, %get3A_1405, %get3A_1406] {strides = array<i32>} : memref<2x32x1664xf32, #tpu.memory_space<vmem>>, vector<1x1x16xf32>,
        %get3A_1408 = vector.shape_cast %get3A_1407 : vector<1x1x16xf32> to vector<16xf32>
        %get3A_1409 = arith.constant 1 : i32
        %get3A_1410 = arith.index_cast %get3A_1409 : i32 to index
        %get3A_1411 = arith.index_cast %add3A_156 : i32 to index
        %get3A_1412 = arith.constant 832 : index
        %get3A_1413 = tpu.vector_load %arg4[%get3A_1410, %get3A_1411, %get3A_1412] {strides = array<i32>} : memref<2x32x1664xf32, #tpu.memory_space<vmem>>, vector<1x1x16xf32>,
        %get3A_1414 = vector.shape_cast %get3A_1413 : vector<1x1x16xf32> to vector<16xf32>
        %swap3A_1415 = arith.constant 1 : i32
        %swap3A_1416 = arith.index_cast %swap3A_1415 : i32 to index
        %swap3A_1417 = arith.index_cast %add3A_156 : i32 to index
        %swap3A_1418 = arith.constant 832 : index
        %swap3A_1419 = tpu.vector_load %arg4[%swap3A_1416, %swap3A_1417, %swap3A_1418] {strides = array<i32>} : memref<2x32x1664xf32, #tpu.memory_space<vmem>>, vector<1x1x16xf32>,
        %swap3A_1420 = vector.shape_cast %swap3A_1419 : vector<1x1x16xf32> to vector<16xf32>
        %swap3A_1421 = vector.shape_cast %get3A_1408 : vector<16xf32> to vector<1x1x16xf32>
        tpu.vector_store %arg4[%swap3A_1416, %swap3A_1417, %swap3A_1418], %swap3A_1421 {strides = array<i32>} : memref<2x32x1664xf32, #tpu.memory_space<vmem>>, vector<1x1x16xf32>,
        %swap3A_1422 = arith.constant 1 : i32
        %swap3A_1423 = arith.index_cast %swap3A_1422 : i32 to index
        %swap3A_1424 = arith.index_cast %add3A_156 : i32 to index
        %swap3A_1425 = arith.constant 768 : index
        %swap3A_1426 = tpu.vector_load %arg4[%swap3A_1423, %swap3A_1424, %swap3A_1425] {strides = array<i32>} : memref<2x32x1664xf32, #tpu.memory_space<vmem>>, vector<1x1x16xf32>,
        %swap3A_1427 = vector.shape_cast %swap3A_1426 : vector<1x1x16xf32> to vector<16xf32>
        %swap3A_1428 = vector.shape_cast %get3A_1414 : vector<16xf32> to vector<1x1x16xf32>
        tpu.vector_store %arg4[%swap3A_1423, %swap3A_1424, %swap3A_1425], %swap3A_1428 {strides = array<i32>} : memref<2x32x1664xf32, #tpu.memory_space<vmem>>, vector<1x1x16xf32>,
        %get3A_1429 = arith.constant 1 : i32
        %get3A_1430 = arith.index_cast %get3A_1429 : i32 to index
        %get3A_1431 = arith.index_cast %add3A_156 : i32 to index
        %get3A_1432 = arith.constant 784 : index
        %get3A_1433 = tpu.vector_load %arg4[%get3A_1430, %get3A_1431, %get3A_1432] {strides = array<i32>} : memref<2x32x1664xf32, #tpu.memory_space<vmem>>, vector<1x1x16xf32>,
        %get3A_1434 = vector.shape_cast %get3A_1433 : vector<1x1x16xf32> to vector<16xf32>
        %get3A_1435 = arith.constant 1 : i32
        %get3A_1436 = arith.index_cast %get3A_1435 : i32 to index
        %get3A_1437 = arith.index_cast %add3A_156 : i32 to index
        %get3A_1438 = arith.constant 848 : index
        %get3A_1439 = tpu.vector_load %arg4[%get3A_1436, %get3A_1437, %get3A_1438] {strides = array<i32>} : memref<2x32x1664xf32, #tpu.memory_space<vmem>>, vector<1x1x16xf32>,
        %get3A_1440 = vector.shape_cast %get3A_1439 : vector<1x1x16xf32> to vector<16xf32>
        %swap3A_1441 = arith.constant 1 : i32
        %swap3A_1442 = arith.index_cast %swap3A_1441 : i32 to index
        %swap3A_1443 = arith.index_cast %add3A_156 : i32 to index
        %swap3A_1444 = arith.constant 848 : index
        %swap3A_1445 = tpu.vector_load %arg4[%swap3A_1442, %swap3A_1443, %swap3A_1444] {strides = array<i32>} : memref<2x32x1664xf32, #tpu.memory_space<vmem>>, vector<1x1x16xf32>,
        %swap3A_1446 = vector.shape_cast %swap3A_1445 : vector<1x1x16xf32> to vector<16xf32>
        %swap3A_1447 = vector.shape_cast %get3A_1434 : vector<16xf32> to vector<1x1x16xf32>
        tpu.vector_store %arg4[%swap3A_1442, %swap3A_1443, %swap3A_1444], %swap3A_1447 {strides = array<i32>} : memref<2x32x1664xf32, #tpu.memory_space<vmem>>, vector<1x1x16xf32>,
        %swap3A_1448 = arith.constant 1 : i32
        %swap3A_1449 = arith.index_cast %swap3A_1448 : i32 to index
        %swap3A_1450 = arith.index_cast %add3A_156 : i32 to index
        %swap3A_1451 = arith.constant 784 : index
        %swap3A_1452 = tpu.vector_load %arg4[%swap3A_1449, %swap3A_1450, %swap3A_1451] {strides = array<i32>} : memref<2x32x1664xf32, #tpu.memory_space<vmem>>, vector<1x1x16xf32>,
        %swap3A_1453 = vector.shape_cast %swap3A_1452 : vector<1x1x16xf32> to vector<16xf32>
        %swap3A_1454 = vector.shape_cast %get3A_1440 : vector<16xf32> to vector<1x1x16xf32>
        tpu.vector_store %arg4[%swap3A_1449, %swap3A_1450, %swap3A_1451], %swap3A_1454 {strides = array<i32>} : memref<2x32x1664xf32, #tpu.memory_space<vmem>>, vector<1x1x16xf32>,
        %get3A_1455 = arith.constant 1 : i32
        %get3A_1456 = arith.index_cast %get3A_1455 : i32 to index
        %get3A_1457 = arith.index_cast %add3A_156 : i32 to index
        %get3A_1458 = arith.constant 800 : index
        %get3A_1459 = tpu.vector_load %arg4[%get3A_1456, %get3A_1457, %get3A_1458] {strides = array<i32>} : memref<2x32x1664xf32, #tpu.memory_space<vmem>>, vector<1x1x16xf32>,
        %get3A_1460 = vector.shape_cast %get3A_1459 : vector<1x1x16xf32> to vector<16xf32>
        %get3A_1461 = arith.constant 1 : i32
        %get3A_1462 = arith.index_cast %get3A_1461 : i32 to index
        %get3A_1463 = arith.index_cast %add3A_156 : i32 to index
        %get3A_1464 = arith.constant 864 : index
        %get3A_1465 = tpu.vector_load %arg4[%get3A_1462, %get3A_1463, %get3A_1464] {strides = array<i32>} : memref<2x32x1664xf32, #tpu.memory_space<vmem>>, vector<1x1x16xf32>,
        %get3A_1466 = vector.shape_cast %get3A_1465 : vector<1x1x16xf32> to vector<16xf32>
        %swap3A_1467 = arith.constant 1 : i32
        %swap3A_1468 = arith.index_cast %swap3A_1467 : i32 to index
        %swap3A_1469 = arith.index_cast %add3A_156 : i32 to index
        %swap3A_1470 = arith.constant 864 : index
        %swap3A_1471 = tpu.vector_load %arg4[%swap3A_1468, %swap3A_1469, %swap3A_1470] {strides = array<i32>} : memref<2x32x1664xf32, #tpu.memory_space<vmem>>, vector<1x1x16xf32>,
        %swap3A_1472 = vector.shape_cast %swap3A_1471 : vector<1x1x16xf32> to vector<16xf32>
        %swap3A_1473 = vector.shape_cast %get3A_1460 : vector<16xf32> to vector<1x1x16xf32>
        tpu.vector_store %arg4[%swap3A_1468, %swap3A_1469, %swap3A_1470], %swap3A_1473 {strides = array<i32>} : memref<2x32x1664xf32, #tpu.memory_space<vmem>>, vector<1x1x16xf32>,
        %swap3A_1474 = arith.constant 1 : i32
        %swap3A_1475 = arith.index_cast %swap3A_1474 : i32 to index
        %swap3A_1476 = arith.index_cast %add3A_156 : i32 to index
        %swap3A_1477 = arith.constant 800 : index
        %swap3A_1478 = tpu.vector_load %arg4[%swap3A_1475, %swap3A_1476, %swap3A_1477] {strides = array<i32>} : memref<2x32x1664xf32, #tpu.memory_space<vmem>>, vector<1x1x16xf32>,
        %swap3A_1479 = vector.shape_cast %swap3A_1478 : vector<1x1x16xf32> to vector<16xf32>
        %swap3A_1480 = vector.shape_cast %get3A_1466 : vector<16xf32> to vector<1x1x16xf32>
        tpu.vector_store %arg4[%swap3A_1475, %swap3A_1476, %swap3A_1477], %swap3A_1480 {strides = array<i32>} : memref<2x32x1664xf32, #tpu.memory_space<vmem>>, vector<1x1x16xf32>,
        %get3A_1481 = arith.constant 1 : i32
        %get3A_1482 = arith.index_cast %get3A_1481 : i32 to index
        %get3A_1483 = arith.index_cast %add3A_156 : i32 to index
        %get3A_1484 = arith.constant 816 : index
        %get3A_1485 = tpu.vector_load %arg4[%get3A_1482, %get3A_1483, %get3A_1484] {strides = array<i32>} : memref<2x32x1664xf32, #tpu.memory_space<vmem>>, vector<1x1x16xf32>,
        %get3A_1486 = vector.shape_cast %get3A_1485 : vector<1x1x16xf32> to vector<16xf32>
        %get3A_1487 = arith.constant 1 : i32
        %get3A_1488 = arith.index_cast %get3A_1487 : i32 to index
        %get3A_1489 = arith.index_cast %add3A_156 : i32 to index
        %get3A_1490 = arith.constant 880 : index
        %get3A_1491 = tpu.vector_load %arg4[%get3A_1488, %get3A_1489, %get3A_1490] {strides = array<i32>} : memref<2x32x1664xf32, #tpu.memory_space<vmem>>, vector<1x1x16xf32>,
        %get3A_1492 = vector.shape_cast %get3A_1491 : vector<1x1x16xf32> to vector<16xf32>
        %swap3A_1493 = arith.constant 1 : i32
        %swap3A_1494 = arith.index_cast %swap3A_1493 : i32 to index
        %swap3A_1495 = arith.index_cast %add3A_156 : i32 to index
        %swap3A_1496 = arith.constant 880 : index
        %swap3A_1497 = tpu.vector_load %arg4[%swap3A_1494, %swap3A_1495, %swap3A_1496] {strides = array<i32>} : memref<2x32x1664xf32, #tpu.memory_space<vmem>>, vector<1x1x16xf32>,
        %swap3A_1498 = vector.shape_cast %swap3A_1497 : vector<1x1x16xf32> to vector<16xf32>
        %swap3A_1499 = vector.shape_cast %get3A_1486 : vector<16xf32> to vector<1x1x16xf32>
        tpu.vector_store %arg4[%swap3A_1494, %swap3A_1495, %swap3A_1496], %swap3A_1499 {strides = array<i32>} : memref<2x32x1664xf32, #tpu.memory_space<vmem>>, vector<1x1x16xf32>,
        %swap3A_1500 = arith.constant 1 : i32
        %swap3A_1501 = arith.index_cast %swap3A_1500 : i32 to index
        %swap3A_1502 = arith.index_cast %add3A_156 : i32 to index
        %swap3A_1503 = arith.constant 816 : index
        %swap3A_1504 = tpu.vector_load %arg4[%swap3A_1501, %swap3A_1502, %swap3A_1503] {strides = array<i32>} : memref<2x32x1664xf32, #tpu.memory_space<vmem>>, vector<1x1x16xf32>,
        %swap3A_1505 = vector.shape_cast %swap3A_1504 : vector<1x1x16xf32> to vector<16xf32>
        %swap3A_1506 = vector.shape_cast %get3A_1492 : vector<16xf32> to vector<1x1x16xf32>
        tpu.vector_store %arg4[%swap3A_1501, %swap3A_1502, %swap3A_1503], %swap3A_1506 {strides = array<i32>} : memref<2x32x1664xf32, #tpu.memory_space<vmem>>, vector<1x1x16xf32>,
      }
      %scan3A_131 = arith.constant 32 : i32
      %mul3A_132 = arith.constant 32 : i32
      %mul3A_133 = arith.muli %add3A_110, %mul3A_132 : i32
      %add3A_134 = arith.addi %mul3A_2, %mul3A_133 : i32
      %dma_start3A_135 = arith.constant 1 : i32
      %dma_start3A_136 = arith.constant 0 : i32
      %dma_start3A_137 = arith.constant 0 : i32
      %dma_start3A_138 = tpu.memref_slice %arg4[%dma_start3A_135, %dma_start3A_136, %dma_start3A_137] : memref<2x32x1664xf32, #tpu.memory_space<vmem>> -> memref<1x32x1664xf32, #tpu.memory_space<vmem>>
      %dma_start3A_139 = tpu.memref_squeeze %dma_start3A_138 : memref<1x32x1664xf32, #tpu.memory_space<vmem>> -> memref<32x1664xf32, #tpu.memory_space<vmem>>
      %dma_start3A_140 = arith.constant 0 : i32
      %dma_start3A_141 = tpu.memref_slice %arg3[%add3A_134, %dma_start3A_140] : memref<16384x1664xf32, #tpu.memory_space<hbm>> -> memref<32x1664xf32, #tpu.memory_space<hbm>>
      %dma_start3A_142 = arith.constant 0 : i32
      %dma_start3A_143 = tpu.memref_slice %arg3[%add3A_134, %dma_start3A_142] : memref<16384x1664xf32, #tpu.memory_space<hbm>> -> memref<32x1664xf32, #tpu.memory_space<hbm>>
      %dma_start3A_144 = arith.constant 0 : i32
      %dma_start3A_145 = arith.constant 0 : i32
      %dma_start3A_146 = tpu.memref_slice %arg4[%dma_start3A_135, %dma_start3A_144, %dma_start3A_145] : memref<2x32x1664xf32, #tpu.memory_space<vmem>> -> memref<1x32x1664xf32, #tpu.memory_space<vmem>>
      %dma_start3A_147 = tpu.memref_squeeze %dma_start3A_146 : memref<1x32x1664xf32, #tpu.memory_space<vmem>> -> memref<32x1664xf32, #tpu.memory_space<vmem>>
      tpu.enqueue_dma source(%dma_start3A_147 : memref<32x1664xf32, #tpu.memory_space<vmem>>) target(%dma_start3A_143 : memref<32x1664xf32, #tpu.memory_space<hbm>>) target_semaphore(%arg8 : memref<!tpu.dma_semaphore, #tpu.memory_space<semaphore_mem>>)
      %add3A_148 = arith.constant 2 : i32
      %add3A_149 = arith.addi %add3A_69, %add3A_148 : i32
      %lt3A = arith.constant 16 : i32
      %lt3A_150 = arith.cmpi slt, %add3A_149, %lt3A : i32
      %convert_element_type3A = arith.extui %lt3A_150 : i1 to i32
      %cond3A = arith.constant 0 : i32
      %cond3A_151 = arith.cmpi ne, %convert_element_type3A, %cond3A : i32
      scf.if %cond3A_151 {
        %add3A_152 = arith.constant 0 : i32
        %add3A_153 = arith.addi %add3A_69, %add3A_152 : i32
        %mul3A_154 = arith.constant 32 : i32
        %mul3A_155 = arith.muli %add3A_153, %mul3A_154 : i32
        %add3A_156 = arith.addi %mul3A_2, %mul3A_155 : i32
        %dma_wait3A_157 = arith.constant 0 : i32
        %dma_wait3A_158 = arith.constant 0 : i32
        %dma_wait3A_159 = arith.constant 0 : i32
        %dma_wait3A_160 = tpu.memref_slice %arg4[%dma_wait3A_157, %dma_wait3A_158, %dma_wait3A_159] : memref<2x32x1664xf32, #tpu.memory_space<vmem>> -> memref<1x32x1664xf32, #tpu.memory_space<vmem>>
        %dma_wait3A_161 = tpu.memref_squeeze %dma_wait3A_160 : memref<1x32x1664xf32, #tpu.memory_space<vmem>> -> memref<32x1664xf32, #tpu.memory_space<vmem>>
        %dma_wait3A_162 = arith.constant 0 : i32
        %dma_wait3A_163 = tpu.memref_slice %arg3[%add3A_156, %dma_wait3A_162] : memref<16384x1664xf32, #tpu.memory_space<hbm>> -> memref<32x1664xf32, #tpu.memory_space<hbm>>
        %dma_wait3A_164 = arith.constant 0 : i32
        %dma_wait3A_165 = tpu.memref_slice %arg3[%add3A_156, %dma_wait3A_164] : memref<16384x1664xf32, #tpu.memory_space<hbm>> -> memref<32x1664xf32, #tpu.memory_space<hbm>>
        %dma_wait3A_166 = arith.constant 0 : i32
        %dma_wait3A_167 = arith.constant 0 : i32
        %dma_wait3A_168 = tpu.memref_slice %arg4[%dma_wait3A_157, %dma_wait3A_166, %dma_wait3A_167] : memref<2x32x1664xf32, #tpu.memory_space<vmem>> -> memref<1x32x1664xf32, #tpu.memory_space<vmem>>
        %dma_wait3A_169 = tpu.memref_squeeze %dma_wait3A_168 : memref<1x32x1664xf32, #tpu.memory_space<vmem>> -> memref<32x1664xf32, #tpu.memory_space<vmem>>
        tpu.wait_dma2 semaphore(%arg7 : memref<!tpu.dma_semaphore, #tpu.memory_space<semaphore_mem>>) src(%dma_wait3A_169 : memref<32x1664xf32, #tpu.memory_space<vmem>>) dst(%dma_wait3A_165 : memref<32x1664xf32, #tpu.memory_space<hbm>>)
        %add3A_170 = arith.constant 2 : i32
        %add3A_171 = arith.addi %add3A_69, %add3A_170 : i32
        %add3A_172 = arith.constant 0 : i32
        %add3A_173 = arith.addi %add3A_171, %add3A_172 : i32
        %mul3A_174 = arith.constant 32 : i32
        %mul3A_175 = arith.muli %add3A_173, %mul3A_174 : i32
        %add3A_176 = arith.addi %mul3A_2, %mul3A_175 : i32
        %dma_start3A_177 = arith.constant 0 : i32
        %dma_start3A_178 = arith.constant 0 : i32
        %dma_start3A_179 = arith.constant 0 : i32
        %dma_start3A_180 = tpu.memref_slice %arg4[%dma_start3A_177, %dma_start3A_178, %dma_start3A_179] : memref<2x32x1664xf32, #tpu.memory_space<vmem>> -> memref<1x32x1664xf32, #tpu.memory_space<vmem>>
        %dma_start3A_181 = tpu.memref_squeeze %dma_start3A_180 : memref<1x32x1664xf32, #tpu.memory_space<vmem>> -> memref<32x1664xf32, #tpu.memory_space<vmem>>
        %dma_start3A_182 = arith.constant 0 : i32
        %dma_start3A_183 = tpu.memref_slice %arg2[%add3A_176, %dma_start3A_182] : memref<16384x1664xf32, #tpu.memory_space<hbm>> -> memref<32x1664xf32, #tpu.memory_space<hbm>>
        %dma_start3A_184 = arith.constant 0 : i32
        %dma_start3A_185 = arith.constant 0 : i32
        %dma_start3A_186 = tpu.memref_slice %arg4[%dma_start3A_177, %dma_start3A_184, %dma_start3A_185] : memref<2x32x1664xf32, #tpu.memory_space<vmem>> -> memref<1x32x1664xf32, #tpu.memory_space<vmem>>
        %dma_start3A_187 = tpu.memref_squeeze %dma_start3A_186 : memref<1x32x1664xf32, #tpu.memory_space<vmem>> -> memref<32x1664xf32, #tpu.memory_space<vmem>>
        %dma_start3A_188 = arith.constant 0 : i32
        %dma_start3A_189 = tpu.memref_slice %arg2[%add3A_176, %dma_start3A_188] : memref<16384x1664xf32, #tpu.memory_space<hbm>> -> memref<32x1664xf32, #tpu.memory_space<hbm>>
        tpu.enqueue_dma source(%dma_start3A_189 : memref<32x1664xf32, #tpu.memory_space<hbm>>) target(%dma_start3A_187 : memref<32x1664xf32, #tpu.memory_space<vmem>>) target_semaphore(%arg5 : memref<!tpu.dma_semaphore, #tpu.memory_space<semaphore_mem>>)
        %add3A_190 = arith.constant 1 : i32
        %add3A_191 = arith.addi %add3A_69, %add3A_190 : i32
        %mul3A_192 = arith.constant 32 : i32
        %mul3A_193 = arith.muli %add3A_191, %mul3A_192 : i32
        %add3A_194 = arith.addi %mul3A_2, %mul3A_193 : i32
        %dma_wait3A_195 = arith.constant 1 : i32
        %dma_wait3A_196 = arith.constant 0 : i32
        %dma_wait3A_197 = arith.constant 0 : i32
        %dma_wait3A_198 = tpu.memref_slice %arg4[%dma_wait3A_195, %dma_wait3A_196, %dma_wait3A_197] : memref<2x32x1664xf32, #tpu.memory_space<vmem>> -> memref<1x32x1664xf32, #tpu.memory_space<vmem>>
        %dma_wait3A_199 = tpu.memref_squeeze %dma_wait3A_198 : memref<1x32x1664xf32, #tpu.memory_space<vmem>> -> memref<32x1664xf32, #tpu.memory_space<vmem>>
        %dma_wait3A_200 = arith.constant 0 : i32
        %dma_wait3A_201 = tpu.memref_slice %arg3[%add3A_194, %dma_wait3A_200] : memref<16384x1664xf32, #tpu.memory_space<hbm>> -> memref<32x1664xf32, #tpu.memory_space<hbm>>
        %dma_wait3A_202 = arith.constant 0 : i32
        %dma_wait3A_203 = tpu.memref_slice %arg3[%add3A_194, %dma_wait3A_202] : memref<16384x1664xf32, #tpu.memory_space<hbm>> -> memref<32x1664xf32, #tpu.memory_space<hbm>>
        %dma_wait3A_204 = arith.constant 0 : i32
        %dma_wait3A_205 = arith.constant 0 : i32
        %dma_wait3A_206 = tpu.memref_slice %arg4[%dma_wait3A_195, %dma_wait3A_204, %dma_wait3A_205] : memref<2x32x1664xf32, #tpu.memory_space<vmem>> -> memref<1x32x1664xf32, #tpu.memory_space<vmem>>
        %dma_wait3A_207 = tpu.memref_squeeze %dma_wait3A_206 : memref<1x32x1664xf32, #tpu.memory_space<vmem>> -> memref<32x1664xf32, #tpu.memory_space<vmem>>
        tpu.wait_dma2 semaphore(%arg8 : memref<!tpu.dma_semaphore, #tpu.memory_space<semaphore_mem>>) src(%dma_wait3A_207 : memref<32x1664xf32, #tpu.memory_space<vmem>>) dst(%dma_wait3A_203 : memref<32x1664xf32, #tpu.memory_space<hbm>>)
        %add3A_208 = arith.constant 2 : i32
        %add3A_209 = arith.addi %add3A_69, %add3A_208 : i32
        %add3A_210 = arith.constant 1 : i32
        %add3A_211 = arith.addi %add3A_209, %add3A_210 : i32
        %mul3A_212 = arith.constant 32 : i32
        %mul3A_213 = arith.muli %add3A_211, %mul3A_212 : i32
        %add3A_214 = arith.addi %mul3A_2, %mul3A_213 : i32
        %dma_start3A_215 = arith.constant 1 : i32
        %dma_start3A_216 = arith.constant 0 : i32
        %dma_start3A_217 = arith.constant 0 : i32
        %dma_start3A_218 = tpu.memref_slice %arg4[%dma_start3A_215, %dma_start3A_216, %dma_start3A_217] : memref<2x32x1664xf32, #tpu.memory_space<vmem>> -> memref<1x32x1664xf32, #tpu.memory_space<vmem>>
        %dma_start3A_219 = tpu.memref_squeeze %dma_start3A_218 : memref<1x32x1664xf32, #tpu.memory_space<vmem>> -> memref<32x1664xf32, #tpu.memory_space<vmem>>
        %dma_start3A_220 = arith.constant 0 : i32
        %dma_start3A_221 = tpu.memref_slice %arg2[%add3A_214, %dma_start3A_220] : memref<16384x1664xf32, #tpu.memory_space<hbm>> -> memref<32x1664xf32, #tpu.memory_space<hbm>>
        %dma_start3A_222 = arith.constant 0 : i32
        %dma_start3A_223 = arith.constant 0 : i32
        %dma_start3A_224 = tpu.memref_slice %arg4[%dma_start3A_215, %dma_start3A_222, %dma_start3A_223] : memref<2x32x1664xf32, #tpu.memory_space<vmem>> -> memref<1x32x1664xf32, #tpu.memory_space<vmem>>
        %dma_start3A_225 = tpu.memref_squeeze %dma_start3A_224 : memref<1x32x1664xf32, #tpu.memory_space<vmem>> -> memref<32x1664xf32, #tpu.memory_space<vmem>>
        %dma_start3A_226 = arith.constant 0 : i32
        %dma_start3A_227 = tpu.memref_slice %arg2[%add3A_214, %dma_start3A_226] : memref<16384x1664xf32, #tpu.memory_space<hbm>> -> memref<32x1664xf32, #tpu.memory_space<hbm>>
        tpu.enqueue_dma source(%dma_start3A_227 : memref<32x1664xf32, #tpu.memory_space<hbm>>) target(%dma_start3A_225 : memref<32x1664xf32, #tpu.memory_space<vmem>>) target_semaphore(%arg6 : memref<!tpu.dma_semaphore, #tpu.memory_space<semaphore_mem>>)
      } else {
      }
    }
    %scan3A_35 = arith.constant 8 : i32
    %add3A_36 = arith.constant 448 : i32
    %add3A_37 = arith.addi %mul3A_2, %add3A_36 : i32
    %dma_wait3A = arith.constant 0 : i32
    %dma_wait3A_38 = arith.constant 0 : i32
    %dma_wait3A_39 = arith.constant 0 : i32
    %dma_wait3A_40 = tpu.memref_slice %arg4[%dma_wait3A, %dma_wait3A_38, %dma_wait3A_39] : memref<2x32x1664xf32, #tpu.memory_space<vmem>> -> memref<1x32x1664xf32, #tpu.memory_space<vmem>>
    %dma_wait3A_41 = tpu.memref_squeeze %dma_wait3A_40 : memref<1x32x1664xf32, #tpu.memory_space<vmem>> -> memref<32x1664xf32, #tpu.memory_space<vmem>>
    %dma_wait3A_42 = arith.constant 0 : i32
    %dma_wait3A_43 = tpu.memref_slice %arg3[%add3A_37, %dma_wait3A_42] : memref<16384x1664xf32, #tpu.memory_space<hbm>> -> memref<32x1664xf32, #tpu.memory_space<hbm>>
    %dma_wait3A_44 = arith.constant 0 : i32
    %dma_wait3A_45 = tpu.memref_slice %arg3[%add3A_37, %dma_wait3A_44] : memref<16384x1664xf32, #tpu.memory_space<hbm>> -> memref<32x1664xf32, #tpu.memory_space<hbm>>
    %dma_wait3A_46 = arith.constant 0 : i32
    %dma_wait3A_47 = arith.constant 0 : i32
    %dma_wait3A_48 = tpu.memref_slice %arg4[%dma_wait3A, %dma_wait3A_46, %dma_wait3A_47] : memref<2x32x1664xf32, #tpu.memory_space<vmem>> -> memref<1x32x1664xf32, #tpu.memory_space<vmem>>
    %dma_wait3A_49 = tpu.memref_squeeze %dma_wait3A_48 : memref<1x32x1664xf32, #tpu.memory_space<vmem>> -> memref<32x1664xf32, #tpu.memory_space<vmem>>
    tpu.wait_dma2 semaphore(%arg7 : memref<!tpu.dma_semaphore, #tpu.memory_space<semaphore_mem>>) src(%dma_wait3A_49 : memref<32x1664xf32, #tpu.memory_space<vmem>>) dst(%dma_wait3A_45 : memref<32x1664xf32, #tpu.memory_space<hbm>>)
    %add3A_50 = arith.constant 480 : i32
    %add3A_51 = arith.addi %mul3A_2, %add3A_50 : i32
    %dma_wait3A_52 = arith.constant 1 : i32
    %dma_wait3A_53 = arith.constant 0 : i32
    %dma_wait3A_54 = arith.constant 0 : i32
    %dma_wait3A_55 = tpu.memref_slice %arg4[%dma_wait3A_52, %dma_wait3A_53, %dma_wait3A_54] : memref<2x32x1664xf32, #tpu.memory_space<vmem>> -> memref<1x32x1664xf32, #tpu.memory_space<vmem>>
    %dma_wait3A_56 = tpu.memref_squeeze %dma_wait3A_55 : memref<1x32x1664xf32, #tpu.memory_space<vmem>> -> memref<32x1664xf32, #tpu.memory_space<vmem>>
    %dma_wait3A_57 = arith.constant 0 : i32
    %dma_wait3A_58 = tpu.memref_slice %arg3[%add3A_51, %dma_wait3A_57] : memref<16384x1664xf32, #tpu.memory_space<hbm>> -> memref<32x1664xf32, #tpu.memory_space<hbm>>
    %dma_wait3A_59 = arith.constant 0 : i32
    %dma_wait3A_60 = tpu.memref_slice %arg3[%add3A_51, %dma_wait3A_59] : memref<16384x1664xf32, #tpu.memory_space<hbm>> -> memref<32x1664xf32, #tpu.memory_space<hbm>>
    %dma_wait3A_61 = arith.constant 0 : i32
    %dma_wait3A_62 = arith.constant 0 : i32
    %dma_wait3A_63 = tpu.memref_slice %arg4[%dma_wait3A_52, %dma_wait3A_61, %dma_wait3A_62] : memref<2x32x1664xf32, #tpu.memory_space<vmem>> -> memref<1x32x1664xf32, #tpu.memory_space<vmem>>
    %dma_wait3A_64 = tpu.memref_squeeze %dma_wait3A_63 : memref<1x32x1664xf32, #tpu.memory_space<vmem>> -> memref<32x1664xf32, #tpu.memory_space<vmem>>
    tpu.wait_dma2 semaphore(%arg8 : memref<!tpu.dma_semaphore, #tpu.memory_space<semaphore_mem>>) src(%dma_wait3A_64 : memref<32x1664xf32, #tpu.memory_space<vmem>>) dst(%dma_wait3A_60 : memref<32x1664xf32, #tpu.memory_space<hbm>>)
    return
  }
}

</mosaic_0001>

<sc_bundles>
// kernel: kernel.3.cloned.1.call-start
scs
__scs_entry_jumppad:
0x0: {  	(pc) =	sbr.rel $0x88, $3  }
0x1: {  	(tag) =	ssettag $0x0;
	lr =	simm.s32 $0x1  }
0x2: {  	[smem:$0x3FA0] =	sst lr;
	_ =	strace $0xD0000000  }
0x3: {  	_ = 	snop  }
0x4: {  	_ = 	snop  }
0x5: {  	_ = 	snop  }
0x6: {  	_ = 	snop  }
0x7: {  	_ = 	snop  }
__scs_overlays_trampoline_lowered:
0x8: {  	[smem:$0x3FAF] =	sst s0  }
0x9: {  	[smem:$0x3FB0] =	sst s1  }
0xa: {  	[smem:$0x3FB1] =	sst s2  }
0xb: {  	[smem:$0x3FB2] =	sst s3  }
0xc: {  	[smem:$0x3FB3] =	sst s4  }
0xd: {  	[smem:$0x3FB4] =	sst s5  }
0xe: {  	[smem:$0x3FB5] =	sst s6  }
0xf: {  	[smem:$0x3FB6] =	sst s7  }
0x10: {  	[smem:$0x3FB7] =	sst s8  }
0x11: {  	[smem:$0x3FB8] =	sst s9;
	s0 =	simm.s32 @!p0 $0x0  }
0x12: {  	s1 =	sld [smem:$0x3F9E];
	s0 =	simm.s32 @p0 $0x1  }
0x13: {  	[smem:$0x3FB9] =	sst s0;
	s0 =	simm.s32 @!p1 $0x0  }
0x14: {  	s2 =	sld [smem:$0x3F9D];
	s0 =	simm.s32 @p1 $0x1  }
0x15: {  	[smem:$0x3FBA] =	sst s0;
	s0 =	simm.s32 @!p2 $0x0  }
0x16: {  	s3 =	sld [smem:$0x3FDB];
	s0 =	simm.s32 @p2 $0x1  }
0x17: {  	s4 =	simm.s32 $0x1BF5;
	[smem:$0x3FBC] =	sst s0  }
0x18: {  	s0 =	sld [smem:$0x3F9F];
	_ =	swait.ge [sflag:s4], $0x0  }
0x19: {  	s7 =	sld [smem:$0x3FA0]  }
0x1a: {  	s8 =	sadd.s32 $0xFFFFE003, lr  }
0x1b: {  	s9 =	sadd.s32 $0xFFFFFEF7, lr;
	s5 =	simm.s32 $0xFFFFFFFF;
	p2 =	slt.u32 s8, $0xFFFFF086  }
0x1c: {  	p1 =	slt.u32 s9, $0xF7A;
	s5 =	simm.s32 @!p2 $0x0  }
0x1d: {  	s5 =	simm.s32 @p1 $0x1;
	p0 =	seq.s32 s7, s2  }
0x1e: {  	s7 =	smul.u32 @!p0 $0xF7A, s2;
	p2 =	seq.s32 @!p0 s5, $0x0  }
0x1f: {  	s9 =	smul.u32 $0xF7A, s1;
	s8 =	simm.s32 @!p0 $0x1BF5;
	p2 =	por !p2, p0  }
0x20: {  	[sflag:s8] =	ssyncset.s32 @!p0 $0xFFFFF086;
	s6 =	sadd.s32 @!p0 s3, s7;
	s7 =	simm.s32 @!p0 $0x108  }
0x21: {  	s3 =	sadd.s32 s3, s9;
	s6 =	sadd.s32 @!p0 $0x88, s6;
	s7 =	simm.s32 @p2 $0x1082  }
0x22: {  	[simem:s7], [sflag:s8] =	dma.local @!p0 [hbm:s6], $0xF7A  }
0x23: {  	s9 =	sor.u32 $0xD0000000, s2;
	s6 =	simm.s32 $0x108;
	_ =	swait.ge @!p0 [sflag:s8], $0x0  }
0x24: {  	s3 =	sadd.s32 $0x88, s3;
	s6 =	simm.s32 @!p1 $0x1082;
	[sflag:s4] =	ssyncset.s32 $0xFFFFF086  }
0x25: {  	[simem:s6], [sflag:s4] =	dma.local [hbm:s3], $0xF7A  }
0x26: {  	[smem:$0x3FA0] =	sst s1;
	(tag) =	ssettag s2;
	_ =	strace s9  }
0x27: {  	s1 =	sld [smem:$0x3FB0]  }
0x28: {  	s2 =	sld [smem:$0x3FB1]  }
0x29: {  	s4 =	sld [smem:$0x3FB3]  }
0x2a: {  	p0 =	seq.s32 s5, $0x0;
	s5 =	sld [smem:$0x3FB4]  }
0x2b: {  	s6 =	sld [smem:$0x3FB5]  }
0x2c: {  	s7 =	sld [smem:$0x3FB6]  }
0x2d: {  	s3 =	simm.s32 $0x108;
	s8 =	sld [smem:$0x3FB7]  }
0x2e: {  	s3 =	simm.s32 @!p0 $0x1082;
	s9 =	sld [smem:$0x3FB8]  }
0x2f: {  	lr =	sadd.s32 s0, s3;
	s0 =	sld [smem:$0x3FAF]  }
0x30: {  	s3 =	sld [smem:$0x3FB2]  }
0x31: {  	[smem:$0x3FBB] =	sst s10  }
0x32: {  	s10 =	sld [smem:$0x3FB9];
	_ =	sdelay $0x3  }
0x33: {  	p0 =	seq.s32 s10, $0x1;
	s10 =	sld [smem:$0x3FBB];
	_ =	sdelay $0x3  }
0x34: {  	[smem:$0x3FBB] =	sst s10  }
0x35: {  	s10 =	sld [smem:$0x3FBA];
	_ =	sdelay $0x3  }
0x36: {  	p1 =	seq.s32 s10, $0x1;
	s10 =	sld [smem:$0x3FBB];
	_ =	sdelay $0x3  }
0x37: {  	[smem:$0x3FBB] =	sst s10  }
0x38: {  	s10 =	sld [smem:$0x3FBC]  }
0x39: {  	_ = 	snop;
	(pc) =	sbr.ind lr, $3  }
0x3a: {  	_ = 	snop  }
0x3b: {  	_ = 	snop  }
0x3c: {  	p2 =	seq.s32 s10, $0x1;
	s10 =	sld [smem:$0x3FBB]  }
0x3d: {  	_ =	shalt  }
0x3e: {  	_ =	shalt  }
0x3f: {  	_ =	shalt  }
0x40: {  	_ =	shalt  }
0x41: {  	_ =	shalt  }
0x42: {  	_ =	shalt  }
0x43: {  	_ =	shalt  }
0x44: {  	_ =	shalt  }
0x45: {  	_ =	shalt  }
0x46: {  	_ =	shalt  }
0x47: {  	_ =	shalt  }
0x48: {  	_ =	shalt  }
0x49: {  	_ =	shalt  }
0x4a: {  	_ =	shalt  }
0x4b: {  	_ =	shalt  }
0x4c: {  	_ =	shalt  }
0x4d: {  	_ =	shalt  }
0x4e: {  	_ =	shalt  }
0x4f: {  	_ =	shalt  }
0x50: {  	_ =	shalt  }
0x51: {  	_ =	shalt  }
0x52: {  	_ =	shalt  }
0x53: {  	_ =	shalt  }
0x54: {  	_ =	shalt  }
0x55: {  	_ =	shalt  }
0x56: {  	_ =	shalt  }
0x57: {  	_ =	shalt  }
0x58: {  	_ =	shalt  }
0x59: {  	_ =	shalt  }
0x5a: {  	_ =	shalt  }
0x5b: {  	_ =	shalt  }
0x5c: {  	_ =	shalt  }
0x5d: {  	_ =	shalt  }
0x5e: {  	_ =	shalt  }
0x5f: {  	_ =	shalt  }
0x60: {  	_ =	shalt  }
0x61: {  	_ =	shalt  }
0x62: {  	_ =	shalt  }
0x63: {  	_ =	shalt  }
0x64: {  	_ =	shalt  }
0x65: {  	_ =	shalt  }
0x66: {  	_ =	shalt  }
0x67: {  	_ =	shalt  }
0x68: {  	_ =	shalt  }
0x69: {  	_ =	shalt  }
0x6a: {  	_ =	shalt  }
0x6b: {  	_ =	shalt  }
0x6c: {  	_ =	shalt  }
0x6d: {  	_ =	shalt  }
0x6e: {  	_ =	shalt  }
0x6f: {  	_ =	shalt  }
0x70: {  	_ =	shalt  }
0x71: {  	_ =	shalt  }
0x72: {  	_ =	shalt  }
0x73: {  	_ =	shalt  }
0x74: {  	_ =	shalt  }
0x75: {  	_ =	shalt  }
0x76: {  	_ =	shalt  }
0x77: {  	_ =	shalt  }
0x78: {  	_ =	shalt  }
0x79: {  	_ =	shalt  }
0x7a: {  	_ =	shalt  }
0x7b: {  	_ =	shalt  }
0x7c: {  	_ =	shalt  }
0x7d: {  	_ =	shalt  }
0x7e: {  	_ =	shalt  }
0x7f: {  	_ =	shalt  }
0x80: {  	_ =	shalt  }
0x81: {  	_ =	shalt  }
0x82: {  	_ =	shalt  }
0x83: {  	_ =	shalt  }
0x84: {  	_ =	shalt  }
0x85: {  	_ =	shalt  }
0x86: {  	_ =	shalt  }
0x87: {  	_ =	shalt  }
.Lfunc_end0:
.L_simem_size_0:
called_computation_lowered:
.L_overlay_start_0:
0x88: {  	s2 =	sld [smem:$0x3FD9]  }
0x89: {  	s3 =	sld [smem:$0x3FFE];
	_ =	sdelay $0x1  }
0x8a: {  	s1 =	srdreg.scid  }
0x8b: {  	s0 =	sand.u32 $0x1, s1  }
0x8c: {  	s18 =	sshll.u32 s0, $0xA;
	s2 =	sadd.s32 s3, s2  }
0x8d: {  	s2 =	sadd.s32 s2, s18  }
0x8e: {  	[smem:$0x3FC7] =	sst s2  }
0x8f: {  	_ = 	snop  }
0x90: {  	s2 =	sld [smem:$0x3FC9]  }
0x91: {  	s19 =	sld [smem:$0x3FD0];
	(tm) =	ssettm $0x1  }
0x92: {  	s4 =	sld [smem:$0x3FFB];
	_ =	sdelay $0x3  }
0x93: {  	_ =	strace s4  }
0x94: {  	s4 =	sld [smem:$0x3FFC];
	_ =	sdelay $0x3  }
0x95: {  	_ =	strace s4  }
0x96: {  	s4 =	sld [smem:$0x3FFD];
	_ =	sdelay $0x3  }
0x97: {  	_ =	strace s4  }
0x98: {  	_ =	strace $0x8FFFFFFF  }
0x99: {  	s20 =	sld [smem:$0x3FDB];
	_ =	sdelay $0x1  }
0x9a: {  	s5 =	simm.s32 $_scs_section_size  }
0x9b: {  	s6 =	simm.s32 $_size__tile_overlayer_lowered;
	s7 =	simm.s32 $_tile_overlayer_lowered  }
0x9c: {  	s23 =	simm.s32 $0x1BFF;
	s22 =	sshll.u32 s7, $0x1;
	s4 =	sadd.s32 s5, s20  }
0x9d: {  	s8 =	simm.s32 $0x0;
	s21 =	sshll.u32 s6, $0x1;
	s6 =	sadd.s32 s22, s4  }
0x9e: {  	[timem:s8], [sflag:s23] =	dma.local [hbm:s6], s21  }
0x9f: {  	_ =	swait.ge [sflag:s23], s21  }
0xa0: {  	s5 =	ssub.s32 $0x0, s21;
	[sflag:s23] =	ssyncset.done $0x0  }
0xa1: {  	[sflag:s23] =	ssyncadd.s32 s5;
	_ =	sdelay $0x1  }
0xa2: {  	s24 =	simm.s32 $0x1B8B  }
0xa3: {  	_ =	swait.ge [sflag:s24], $0x1  }
0xa4: {  	[sflag:s24] =	ssyncset.done $0x0  }
0xa5: {  	s25 =	simm.s32 $0x1B8E;
	[sflag:s24] =	ssyncadd.s32 $0xFFFFFFFF  }
0xa6: {  	s26 =	simm.s32 $execute0_lowered;
	[smem:$0x3FD2] =	sst s25  }
0xa7: {  	s5 =	sshll.u32 s26, $0x1;
	_ =	strace $0x80000046;
	[dreg:$0x1] =	wrdreg $0xFFFFFFFF  }
0xa8: {  	s28 =	simm.s32 $_size_execute0_lowered;
	s4 =	sadd.s32 s4, s5;
	[dreg:$0x0] =	wrdreg $0x0  }
0xa9: {  	s5 =	sshll.u32 s28, $0x1;
	[dreg:$0x2] =	wrdreg s4  }
0xaa: {  	[dreg:$0x3] =	wrdreg s5  }
0xab: {  	[dreg:$0x4] =	wrdreg $0xC0  }
0xac: {  	_ =	task [dreg:s8], $0x5FFFF  }
0xad: {  	[dreg:$0x1] =	wrdreg $0xFFFFFFFF  }
0xae: {  	[dreg:$0x0] =	wrdreg $0x60  }
0xaf: {  	[dreg:$0x2] =	wrdreg s2  }
0xb0: {  	[dreg:$0x3] =	wrdreg s19  }
0xb1: {  	[dreg:$0x4] =	wrdreg $0x9  }
0xb2: {  	_ =	task.clear_ibuf [dreg:s8], $0x5FFFF;
	_ =	strace $0x90000046  }
0xb3: {  	s29 =	simm.s32 $0x9;
	_ =	strace $0x80000048  }
0xb4: {  	_ =	swait.ge [sflag:s29], $0x1  }
0xb5: {  	[sflag:s29] =	ssyncadd.s32 $0xFFFFFFFF  }
0xb6: {  	_ =	strace $0x90000048  }
0xb7: {  	_ =	sfence  }
0xb8: {  	s30 =	sld [smem:$0x0];
	_ =	sdelay $0x2  }
0xb9: {  	s31 =	sshll.u32 s1, $0xD;
	s1 =	sshrl.u32 s1, $0x2  }
0xba: {  	s3 =	sand.u32 $0x4000, s31;
	s1 =	sadd.s32 s1, s30  }
0xbb: {  	s0 =	sor.u32 s3, s0;
	s1 =	sshll.u32 s1, $0x11  }
0xbc: {  	s0 =	sor.u32 s1, s0  }
0xbd: {  	s0 =	sadd.s32 $0x8F2B, s0  }
0xbe: {  	[sflag:s0] =	ssyncadd.remote.s32 $0x1  }
0xbf: {  	_ =	sfence.sel $0xFFFF  }
0xc0: {  	[dreg:$0x0] =	wrdreg $0xFFFFFFFF;
	(pc) =	sbr.abs _section_cstart, $3  }
0xc1: {  	[dreg:$0x1] =	wrdreg $0xFFFFFFFF  }
0xc2: {  	_ =	task.clear_ibuf [dreg:s8], $0x2FFFF;
	_ =	strace $0x9FFFFFFF  }
0xc3: {  	(tm) =	ssettm $0x7FFFFFFF  }
tec
execute0_lowered:
.L_overlay_start_1:
0x0: {  	(tag) =	ssettag $0x1  }
0x1: {  	s1 =	srdreg.scid  }
0x2: {  	s0 =	stileid.u32;
	s2 =	rddreg [dreg:$0x0]  }
0x3: {  	s4 =	rddreg [dreg:$0x1];
	s5 =	simm.s32 $0x0;
	s12 =	simm.s32 $0xD000  }
0x4: {  	s13 =	simm.s32 $0x1;
	s14 =	simm.s32 $0x2;
	s6 =	sand.u32 $0x1, s1  }
0x5: {  	s15 =	simm.s32 $0x3;
	s31 =	sshll.u32 s0, $0xA;
	s3 =	sshll.u32 s6, $0x9  }
0x6: {  	s16 =	simm.s32 $0x4;
	s17 =	simm.s32 $0x0;
	s3 =	sor.u32 s3, s31  }
.Ltmp0:
0x7: {  	s1 =	rddreg [dreg:$0x2];
	s7 =	sshrl.u32 s3, $0x3;
	(pc) =	sbr.rel .LBB2_1-.Ltmp0, $4  }
0x8: {  	[smem:$0x7FF] =	sst s5;
	s8 =	ssub.s32 $0x2, s6;
	s7 =	smul.u32 $0x680, s7  }
0x9: {  	s11 =	sadd.s32 $0x1A00, s4;
	_ =	strace $0x80000047;
	s9 =	sshrl.u32 s8, $0x1  }
0xa: {  	s10 =	ssub.s32 s8, s9;
	s8 =	sor.u32 $0x40, s3;
	s6 =	sadd.s32 s2, s7  }
0xb: {  	s9 =	sor.u32 $0x60, s3;
	s10 =	smax.u32 s10, $0x1;
	s7 =	sadd.s32 $0x1A00, s6  }
.LBB2_8:
0xc: {  	s17 =	sadd.s32 $0x1, s17  }
0xd: {  	p0 =	sne.s32 s17, s10  }
.Ltmp1:
0xe: {  	_ = 	snop;
	(pc) =	sbr.rel @!p0 .LBB2_9-.Ltmp1, $4  }
0xf: {  	_ = 	snop  }
0x10: {  	_ =	swait.ge [sflag:s16], $0xD000  }
0x11: {  	[sflag:s16] =	ssyncset.done $0x0  }
0x12: {  	[sflag:s16] =	ssyncadd.s32 $0xFFFF3000  }
.LBB2_1:
0x13: {  	[tilespmem:s5], [sflag:$0x1] =	stream.linear.gather [hbm4b:s6+s5], $0xD000, $0x38;
	[tilespmem:$0x1A000] =	vst v63  }
0x14: {  	s18 =	simm.s32 $0x0  }
0x15: {  	[tilespmem:s12], [sflag:$0x2] =	stream.linear.gather [hbm4b:s7+s5], $0xD000, $0x38;
	[tilespmem:$0x1A000] =	vst v63  }
.LBB2_2:
0x16: {  	s19 =	simm.s32 $0x0  }
0x17: {  	s20 =	smul.u32 $0xD000, s19  }
0x18: {  	_ =	swait.ge [sflag:s13], $0xD000;
	s19 =	simm.s32 $0x0  }
0x19: {  	[sflag:s13] =	ssyncset.done $0x0;
	s21 =	sand.u32 $0x380, s19;
	s20 =	sshra.s32 s20, $0x2  }
0x1a: {  	[sflag:s13] =	ssyncadd.s32 $0xFFFF3000;
	s21 =	sor.u32 s21, s20  }
0x1b: {  	v0 =	vld [tilespmem:s21+$0x0]  }
0x1c: {  	v1 =	vld [tilespmem:s21+$0x3040]  }
0x1d: {  	v2 =	vld [tilespmem:s21+$0x10]  }
0x1e: {  	v3 =	vld [tilespmem:s21+$0x3050]  }
0x1f: {  	v4 =	vld [tilespmem:s21+$0x20]  }
0x20: {  	v6 =	vld [tilespmem:s21+$0x1430];
	[tilespmem:s21+$0x3040] =	vst v0  }
0x21: {  	v7 =	vld [tilespmem:s21+$0x1C70];
	[tilespmem:s21+$0x0] =	vst v1  }
0x22: {  	v0 =	vld [tilespmem:s21+$0x3060];
	[tilespmem:s21+$0x3050] =	vst v2  }
0x23: {  	v1 =	vld [tilespmem:s21+$0x30];
	[tilespmem:s21+$0x10] =	vst v3  }
0x24: {  	v2 =	vld [tilespmem:s21+$0x3070];
	[tilespmem:s21+$0x3060] =	vst v4  }
0x25: {  	v3 =	vld [tilespmem:s21+$0x40];
	[tilespmem:s21+$0x1C70] =	vst v6  }
0x26: {  	v4 =	vld [tilespmem:s21+$0x3000];
	[tilespmem:s21+$0x1430] =	vst v7  }
0x27: {  	[tilespmem:s21+$0x20] =	vst v0;
	v0 =	vld [tilespmem:s21+$0x50]  }
0x28: {  	[tilespmem:s21+$0x3070] =	vst v1;
	v1 =	vld [tilespmem:s21+$0x3010]  }
0x29: {  	[tilespmem:s21+$0x30] =	vst v2;
	v2 =	vld [tilespmem:s21+$0x60]  }
0x2a: {  	[tilespmem:s21+$0x3000] =	vst v3;
	v3 =	vld [tilespmem:s21+$0x3020]  }
0x2b: {  	[tilespmem:s21+$0x40] =	vst v4;
	v4 =	vld [tilespmem:s21+$0x70]  }
0x2c: {  	[tilespmem:s21+$0x3010] =	vst v0;
	v0 =	vld [tilespmem:s21+$0x3030]  }
0x2d: {  	[tilespmem:s21+$0x50] =	vst v1;
	v1 =	vld [tilespmem:s21+$0x400]  }
0x2e: {  	[tilespmem:s21+$0x3020] =	vst v2;
	v2 =	vld [tilespmem:s21+$0x2C40]  }
0x2f: {  	[tilespmem:s21+$0x60] =	vst v3;
	v3 =	vld [tilespmem:s21+$0x410]  }
0x30: {  	[tilespmem:s21+$0x3030] =	vst v4;
	v4 =	vld [tilespmem:s21+$0x2C50]  }
0x31: {  	[tilespmem:s21+$0x70] =	vst v0;
	v0 =	vld [tilespmem:s21+$0x420]  }
0x32: {  	[tilespmem:s21+$0x2C40] =	vst v1;
	v1 =	vld [tilespmem:s21+$0x2C60]  }
0x33: {  	[tilespmem:s21+$0x400] =	vst v2;
	v2 =	vld [tilespmem:s21+$0x430]  }
0x34: {  	[tilespmem:s21+$0x2C50] =	vst v3;
	v3 =	vld [tilespmem:s21+$0x2C70]  }
0x35: {  	[tilespmem:s21+$0x410] =	vst v4;
	v4 =	vld [tilespmem:s21+$0x440]  }
0x36: {  	[tilespmem:s21+$0x2C60] =	vst v0;
	v0 =	vld [tilespmem:s21+$0x2C00]  }
0x37: {  	[tilespmem:s21+$0x420] =	vst v1;
	v1 =	vld [tilespmem:s21+$0x450]  }
0x38: {  	[tilespmem:s21+$0x2C70] =	vst v2;
	v2 =	vld [tilespmem:s21+$0x2C10]  }
0x39: {  	[tilespmem:s21+$0x430] =	vst v3;
	v3 =	vld [tilespmem:s21+$0x460]  }
0x3a: {  	[tilespmem:s21+$0x2C00] =	vst v4;
	v4 =	vld [tilespmem:s21+$0x2C20]  }
0x3b: {  	[tilespmem:s21+$0x440] =	vst v0;
	v0 =	vld [tilespmem:s21+$0x470]  }
0x3c: {  	[tilespmem:s21+$0x2C10] =	vst v1;
	v1 =	vld [tilespmem:s21+$0x2C30]  }
0x3d: {  	[tilespmem:s21+$0x450] =	vst v2;
	v2 =	vld [tilespmem:s21+$0x800]  }
0x3e: {  	[tilespmem:s21+$0x2C20] =	vst v3;
	v3 =	vld [tilespmem:s21+$0x2840]  }
0x3f: {  	[tilespmem:s21+$0x460] =	vst v4;
	v4 =	vld [tilespmem:s21+$0x810]  }
0x40: {  	[tilespmem:s21+$0x2C30] =	vst v0;
	v0 =	vld [tilespmem:s21+$0x2850]  }
0x41: {  	[tilespmem:s21+$0x470] =	vst v1;
	v1 =	vld [tilespmem:s21+$0x820]  }
0x42: {  	[tilespmem:s21+$0x2840] =	vst v2;
	v2 =	vld [tilespmem:s21+$0x2860]  }
0x43: {  	[tilespmem:s21+$0x800] =	vst v3;
	v3 =	vld [tilespmem:s21+$0x830]  }
0x44: {  	[tilespmem:s21+$0x2850] =	vst v4;
	v4 =	vld [tilespmem:s21+$0x2870]  }
0x45: {  	[tilespmem:s21+$0x810] =	vst v0;
	v0 =	vld [tilespmem:s21+$0x840]  }
0x46: {  	[tilespmem:s21+$0x2860] =	vst v1;
	v1 =	vld [tilespmem:s21+$0x2800]  }
0x47: {  	[tilespmem:s21+$0x820] =	vst v2;
	v2 =	vld [tilespmem:s21+$0x850]  }
0x48: {  	[tilespmem:s21+$0x2870] =	vst v3;
	v3 =	vld [tilespmem:s21+$0x2810]  }
0x49: {  	[tilespmem:s21+$0x830] =	vst v4;
	v4 =	vld [tilespmem:s21+$0x860]  }
0x4a: {  	[tilespmem:s21+$0x2800] =	vst v0;
	v0 =	vld [tilespmem:s21+$0x2820]  }
0x4b: {  	[tilespmem:s21+$0x840] =	vst v1;
	v1 =	vld [tilespmem:s21+$0x870]  }
0x4c: {  	[tilespmem:s21+$0x2810] =	vst v2;
	v2 =	vld [tilespmem:s21+$0x2830]  }
0x4d: {  	[tilespmem:s21+$0x850] =	vst v3;
	v3 =	vld [tilespmem:s21+$0xC00]  }
0x4e: {  	[tilespmem:s21+$0x2820] =	vst v4;
	v4 =	vld [tilespmem:s21+$0x2440]  }
0x4f: {  	[tilespmem:s21+$0x860] =	vst v0;
	v0 =	vld [tilespmem:s21+$0xC10]  }
0x50: {  	[tilespmem:s21+$0x2830] =	vst v1;
	v1 =	vld [tilespmem:s21+$0x2450]  }
0x51: {  	[tilespmem:s21+$0x870] =	vst v2;
	v2 =	vld [tilespmem:s21+$0xC20]  }
0x52: {  	[tilespmem:s21+$0x2440] =	vst v3;
	v3 =	vld [tilespmem:s21+$0x2460]  }
0x53: {  	[tilespmem:s21+$0xC00] =	vst v4;
	v4 =	vld [tilespmem:s21+$0xC30]  }
0x54: {  	[tilespmem:s21+$0x2450] =	vst v0;
	v0 =	vld [tilespmem:s21+$0x2470]  }
0x55: {  	[tilespmem:s21+$0xC10] =	vst v1;
	v1 =	vld [tilespmem:s21+$0xC40]  }
0x56: {  	[tilespmem:s21+$0x2460] =	vst v2;
	v2 =	vld [tilespmem:s21+$0x2400]  }
0x57: {  	[tilespmem:s21+$0xC20] =	vst v3;
	v3 =	vld [tilespmem:s21+$0xC50]  }
0x58: {  	[tilespmem:s21+$0x2470] =	vst v4;
	v4 =	vld [tilespmem:s21+$0x2410]  }
0x59: {  	[tilespmem:s21+$0xC30] =	vst v0;
	v0 =	vld [tilespmem:s21+$0xC60]  }
0x5a: {  	[tilespmem:s21+$0x2400] =	vst v1;
	v1 =	vld [tilespmem:s21+$0x2420]  }
0x5b: {  	[tilespmem:s21+$0xC40] =	vst v2;
	v2 =	vld [tilespmem:s21+$0xC70]  }
0x5c: {  	[tilespmem:s21+$0x2410] =	vst v3;
	v3 =	vld [tilespmem:s21+$0x2430]  }
0x5d: {  	[tilespmem:s21+$0xC50] =	vst v4;
	v4 =	vld [tilespmem:s21+$0x1000]  }
0x5e: {  	[tilespmem:s21+$0x2420] =	vst v0;
	v0 =	vld [tilespmem:s21+$0x2040]  }
0x5f: {  	[tilespmem:s21+$0xC60] =	vst v1;
	v1 =	vld [tilespmem:s21+$0x1010]  }
0x60: {  	[tilespmem:s21+$0x2430] =	vst v2;
	v2 =	vld [tilespmem:s21+$0x2050]  }
0x61: {  	[tilespmem:s21+$0xC70] =	vst v3;
	v3 =	vld [tilespmem:s21+$0x1020]  }
0x62: {  	[tilespmem:s21+$0x2040] =	vst v4;
	v4 =	vld [tilespmem:s21+$0x2060]  }
0x63: {  	[tilespmem:s21+$0x1000] =	vst v0;
	v0 =	vld [tilespmem:s21+$0x1030]  }
0x64: {  	[tilespmem:s21+$0x2050] =	vst v1;
	v1 =	vld [tilespmem:s21+$0x2070]  }
0x65: {  	[tilespmem:s21+$0x1010] =	vst v2;
	v2 =	vld [tilespmem:s21+$0x1040]  }
0x66: {  	[tilespmem:s21+$0x2060] =	vst v3;
	v3 =	vld [tilespmem:s21+$0x2000]  }
0x67: {  	[tilespmem:s21+$0x1020] =	vst v4;
	v4 =	vld [tilespmem:s21+$0x1050]  }
0x68: {  	[tilespmem:s21+$0x2070] =	vst v0;
	v0 =	vld [tilespmem:s21+$0x2010]  }
0x69: {  	[tilespmem:s21+$0x1030] =	vst v1;
	v1 =	vld [tilespmem:s21+$0x1060]  }
0x6a: {  	[tilespmem:s21+$0x2000] =	vst v2;
	v2 =	vld [tilespmem:s21+$0x2020]  }
0x6b: {  	[tilespmem:s21+$0x1040] =	vst v3;
	v3 =	vld [tilespmem:s21+$0x1070]  }
0x6c: {  	[tilespmem:s21+$0x2010] =	vst v4;
	v4 =	vld [tilespmem:s21+$0x2030]  }
0x6d: {  	v5 =	vld [tilespmem:s21+$0x1C60];
	[tilespmem:s21+$0x1050] =	vst v0  }
0x6e: {  	v0 =	vld [tilespmem:s21+$0x1400];
	[tilespmem:s21+$0x2020] =	vst v1  }
0x6f: {  	v1 =	vld [tilespmem:s21+$0x1C40];
	[tilespmem:s21+$0x1060] =	vst v2  }
0x70: {  	v2 =	vld [tilespmem:s21+$0x1410];
	[tilespmem:s21+$0x2030] =	vst v3  }
0x71: {  	v3 =	vld [tilespmem:s21+$0x1C50];
	[tilespmem:s21+$0x1070] =	vst v4  }
0x72: {  	v4 =	vld [tilespmem:s21+$0x1420];
	[tilespmem:s21+$0x1420] =	vst v5  }
0x73: {  	v8 =	vld [tilespmem:s21+$0x1440];
	[tilespmem:s21+$0x1C40] =	vst v0  }
0x74: {  	[tilespmem:s21+$0x1400] =	vst v1;
	v0 =	vld [tilespmem:s21+$0x1C00]  }
0x75: {  	[tilespmem:s21+$0x1C50] =	vst v2;
	v1 =	vld [tilespmem:s21+$0x1450]  }
0x76: {  	[tilespmem:s21+$0x1410] =	vst v3;
	v2 =	vld [tilespmem:s21+$0x1C10]  }
0x77: {  	[tilespmem:s21+$0x1C60] =	vst v4;
	v3 =	vld [tilespmem:s21+$0x1460]  }
0x78: {  	s20 =	simm.s32 $0x1;
	[tilespmem:s21+$0x1C00] =	vst v8;
	v4 =	vld [tilespmem:s21+$0x1C20]  }
.LBB2_3:
0x79: {  	p0 =	sne.s32 s20, $0x1F;
	[tilespmem:s21+$0x1440] =	vst v0;
	v0 =	vld [tilespmem:s21+$0x1C30]  }
0x7a: {  	[tilespmem:s21+$0x1C10] =	vst v1;
	v1 =	vld [tilespmem:s21+$0x1840]  }
0x7b: {  	[tilespmem:s21+$0x1450] =	vst v2;
	v2 =	vld [tilespmem:s21+$0x1850]  }
0x7c: {  	[tilespmem:s21+$0x1C20] =	vst v3;
	v3 =	vld [tilespmem:s21+$0x1860]  }
0x7d: {  	[tilespmem:s21+$0x1460] =	vst v4;
	v4 =	vld [tilespmem:s21+$0x1870]  }
0x7e: {  	s22 =	sshrl.u32 s20, $0x3;
	v5 =	vld [tilespmem:s21+$0x1470];
	[tilespmem:s21+$0x1470] =	vst v0  }
0x7f: {  	s22 =	smul.u32 $0xD000, s22;
	v0 =	vld [tilespmem:s21+$0x1800];
	[tilespmem:s21+$0x1800] =	vst v1  }
0x80: {  	s19 =	sadd.s32 $0x80, s19;
	v1 =	vld [tilespmem:s21+$0x1810];
	[tilespmem:s21+$0x1810] =	vst v2  }
0x81: {  	s23 =	sand.u32 $0x380, s19;
	s22 =	sshra.s32 s22, $0x2;
	v2 =	vld [tilespmem:s21+$0x1820];
	[tilespmem:s21+$0x1820] =	vst v3  }
0x82: {  	s22 =	sor.u32 s23, s22;
	v3 =	vld [tilespmem:s21+$0x1830];
	[tilespmem:s21+$0x1830] =	vst v4  }
0x83: {  	v4 =	vld [tilespmem:s22+$0x0];
	[tilespmem:s21+$0x1C30] =	vst v5  }
0x84: {  	v5 =	vld [tilespmem:s22+$0x3040];
	[tilespmem:s21+$0x1840] =	vst v0  }
0x85: {  	v0 =	vld [tilespmem:s22+$0x10];
	[tilespmem:s21+$0x1850] =	vst v1  }
0x86: {  	v1 =	vld [tilespmem:s22+$0x3050];
	[tilespmem:s21+$0x1860] =	vst v2  }
0x87: {  	v2 =	vld [tilespmem:s22+$0x20];
	[tilespmem:s21+$0x1870] =	vst v3;
	s21 =	smov.u32 s22  }
0x88: {  	[tilespmem:s21+$0x3040] =	vst v4;
	v3 =	vld [tilespmem:s21+$0x3060]  }
0x89: {  	[tilespmem:s21+$0x0] =	vst v5;
	v4 =	vld [tilespmem:s21+$0x30]  }
0x8a: {  	[tilespmem:s21+$0x3050] =	vst v0;
	v0 =	vld [tilespmem:s21+$0x3070]  }
0x8b: {  	[tilespmem:s21+$0x10] =	vst v1;
	v1 =	vld [tilespmem:s21+$0x40]  }
0x8c: {  	[tilespmem:s21+$0x3060] =	vst v2;
	v2 =	vld [tilespmem:s21+$0x3000]  }
0x8d: {  	[tilespmem:s21+$0x20] =	vst v3;
	v3 =	vld [tilespmem:s21+$0x50]  }
0x8e: {  	[tilespmem:s21+$0x3070] =	vst v4;
	v4 =	vld [tilespmem:s21+$0x3010]  }
0x8f: {  	[tilespmem:s21+$0x30] =	vst v0;
	v0 =	vld [tilespmem:s21+$0x60]  }
0x90: {  	[tilespmem:s21+$0x3000] =	vst v1;
	v1 =	vld [tilespmem:s21+$0x3020]  }
0x91: {  	[tilespmem:s21+$0x40] =	vst v2;
	v2 =	vld [tilespmem:s21+$0x70]  }
0x92: {  	[tilespmem:s21+$0x3010] =	vst v3;
	v3 =	vld [tilespmem:s21+$0x3030]  }
0x93: {  	[tilespmem:s21+$0x50] =	vst v4;
	v4 =	vld [tilespmem:s21+$0x400]  }
0x94: {  	[tilespmem:s21+$0x3020] =	vst v0;
	v0 =	vld [tilespmem:s21+$0x2C40]  }
0x95: {  	[tilespmem:s21+$0x60] =	vst v1;
	v1 =	vld [tilespmem:s21+$0x410]  }
0x96: {  	[tilespmem:s21+$0x3030] =	vst v2;
	v2 =	vld [tilespmem:s21+$0x2C50]  }
0x97: {  	[tilespmem:s21+$0x70] =	vst v3;
	v3 =	vld [tilespmem:s21+$0x420]  }
0x98: {  	[tilespmem:s21+$0x2C40] =	vst v4;
	v4 =	vld [tilespmem:s21+$0x2C60]  }
0x99: {  	[tilespmem:s21+$0x400] =	vst v0;
	v0 =	vld [tilespmem:s21+$0x430]  }
0x9a: {  	[tilespmem:s21+$0x2C50] =	vst v1;
	v1 =	vld [tilespmem:s21+$0x2C70]  }
0x9b: {  	[tilespmem:s21+$0x410] =	vst v2;
	v2 =	vld [tilespmem:s21+$0x440]  }
0x9c: {  	[tilespmem:s21+$0x2C60] =	vst v3;
	v3 =	vld [tilespmem:s21+$0x2C00]  }
0x9d: {  	[tilespmem:s21+$0x420] =	vst v4;
	v4 =	vld [tilespmem:s21+$0x450]  }
0x9e: {  	[tilespmem:s21+$0x2C70] =	vst v0;
	v0 =	vld [tilespmem:s21+$0x2C10]  }
0x9f: {  	[tilespmem:s21+$0x430] =	vst v1;
	v1 =	vld [tilespmem:s21+$0x460]  }
0xa0: {  	[tilespmem:s21+$0x2C00] =	vst v2;
	v2 =	vld [tilespmem:s21+$0x2C20]  }
0xa1: {  	[tilespmem:s21+$0x440] =	vst v3;
	v3 =	vld [tilespmem:s21+$0x470]  }
0xa2: {  	[tilespmem:s21+$0x2C10] =	vst v4;
	v4 =	vld [tilespmem:s21+$0x2C30]  }
0xa3: {  	[tilespmem:s21+$0x450] =	vst v0;
	v0 =	vld [tilespmem:s21+$0x800]  }
0xa4: {  	[tilespmem:s21+$0x2C20] =	vst v1;
	v1 =	vld [tilespmem:s21+$0x2840]  }
0xa5: {  	[tilespmem:s21+$0x460] =	vst v2;
	v2 =	vld [tilespmem:s21+$0x810]  }
0xa6: {  	[tilespmem:s21+$0x2C30] =	vst v3;
	v3 =	vld [tilespmem:s21+$0x2850]  }
0xa7: {  	[tilespmem:s21+$0x470] =	vst v4;
	v4 =	vld [tilespmem:s21+$0x820]  }
0xa8: {  	[tilespmem:s21+$0x2840] =	vst v0;
	v0 =	vld [tilespmem:s21+$0x2860]  }
0xa9: {  	[tilespmem:s21+$0x800] =	vst v1;
	v1 =	vld [tilespmem:s21+$0x830]  }
0xaa: {  	[tilespmem:s21+$0x2850] =	vst v2;
	v2 =	vld [tilespmem:s21+$0x2870]  }
0xab: {  	[tilespmem:s21+$0x810] =	vst v3;
	v3 =	vld [tilespmem:s21+$0x840]  }
0xac: {  	[tilespmem:s21+$0x2860] =	vst v4;
	v4 =	vld [tilespmem:s21+$0x2800]  }
0xad: {  	[tilespmem:s21+$0x820] =	vst v0;
	v0 =	vld [tilespmem:s21+$0x850]  }
0xae: {  	[tilespmem:s21+$0x2870] =	vst v1;
	v1 =	vld [tilespmem:s21+$0x2810]  }
0xaf: {  	[tilespmem:s21+$0x830] =	vst v2;
	v2 =	vld [tilespmem:s21+$0x860]  }
0xb0: {  	[tilespmem:s21+$0x2800] =	vst v3;
	v3 =	vld [tilespmem:s21+$0x2820]  }
0xb1: {  	[tilespmem:s21+$0x840] =	vst v4;
	v4 =	vld [tilespmem:s21+$0x870]  }
0xb2: {  	[tilespmem:s21+$0x2810] =	vst v0;
	v0 =	vld [tilespmem:s21+$0x2830]  }
0xb3: {  	[tilespmem:s21+$0x850] =	vst v1;
	v1 =	vld [tilespmem:s21+$0xC00]  }
0xb4: {  	[tilespmem:s21+$0x2820] =	vst v2;
	v2 =	vld [tilespmem:s21+$0x2440]  }
0xb5: {  	[tilespmem:s21+$0x860] =	vst v3;
	v3 =	vld [tilespmem:s21+$0xC10]  }
0xb6: {  	[tilespmem:s21+$0x2830] =	vst v4;
	v4 =	vld [tilespmem:s21+$0x2450]  }
0xb7: {  	[tilespmem:s21+$0x870] =	vst v0;
	v0 =	vld [tilespmem:s21+$0xC20]  }
0xb8: {  	[tilespmem:s21+$0x2440] =	vst v1;
	v1 =	vld [tilespmem:s21+$0x2460]  }
0xb9: {  	[tilespmem:s21+$0xC00] =	vst v2;
	v2 =	vld [tilespmem:s21+$0xC30]  }
0xba: {  	[tilespmem:s21+$0x2450] =	vst v3;
	v3 =	vld [tilespmem:s21+$0x2470]  }
0xbb: {  	[tilespmem:s21+$0xC10] =	vst v4;
	v4 =	vld [tilespmem:s21+$0xC40]  }
0xbc: {  	[tilespmem:s21+$0x2460] =	vst v0;
	v0 =	vld [tilespmem:s21+$0x2400]  }
0xbd: {  	[tilespmem:s21+$0xC20] =	vst v1;
	v1 =	vld [tilespmem:s21+$0xC50]  }
0xbe: {  	[tilespmem:s21+$0x2470] =	vst v2;
	v2 =	vld [tilespmem:s21+$0x2410]  }
0xbf: {  	[tilespmem:s21+$0xC30] =	vst v3;
	v3 =	vld [tilespmem:s21+$0xC60]  }
0xc0: {  	[tilespmem:s21+$0x2400] =	vst v4;
	v4 =	vld [tilespmem:s21+$0x2420]  }
0xc1: {  	[tilespmem:s21+$0xC40] =	vst v0;
	v0 =	vld [tilespmem:s21+$0xC70]  }
0xc2: {  	[tilespmem:s21+$0x2410] =	vst v1;
	v1 =	vld [tilespmem:s21+$0x2430]  }
0xc3: {  	[tilespmem:s21+$0xC50] =	vst v2;
	v2 =	vld [tilespmem:s21+$0x1000]  }
0xc4: {  	[tilespmem:s21+$0x2420] =	vst v3;
	v3 =	vld [tilespmem:s21+$0x2040]  }
0xc5: {  	[tilespmem:s21+$0xC60] =	vst v4;
	v4 =	vld [tilespmem:s21+$0x1010]  }
0xc6: {  	[tilespmem:s21+$0x2430] =	vst v0;
	v0 =	vld [tilespmem:s21+$0x2050]  }
0xc7: {  	[tilespmem:s21+$0xC70] =	vst v1;
	v1 =	vld [tilespmem:s21+$0x1020]  }
0xc8: {  	[tilespmem:s21+$0x2040] =	vst v2;
	v2 =	vld [tilespmem:s21+$0x2060]  }
0xc9: {  	[tilespmem:s21+$0x1000] =	vst v3;
	v3 =	vld [tilespmem:s21+$0x1030]  }
0xca: {  	[tilespmem:s21+$0x2050] =	vst v4;
	v4 =	vld [tilespmem:s21+$0x2070]  }
0xcb: {  	[tilespmem:s21+$0x1010] =	vst v0;
	v0 =	vld [tilespmem:s21+$0x1040]  }
0xcc: {  	[tilespmem:s21+$0x2060] =	vst v1;
	v1 =	vld [tilespmem:s21+$0x2000]  }
0xcd: {  	[tilespmem:s21+$0x1020] =	vst v2;
	v2 =	vld [tilespmem:s21+$0x1050]  }
0xce: {  	[tilespmem:s21+$0x2070] =	vst v3;
	v3 =	vld [tilespmem:s21+$0x2010]  }
0xcf: {  	[tilespmem:s21+$0x1030] =	vst v4;
	v4 =	vld [tilespmem:s21+$0x1060]  }
0xd0: {  	[tilespmem:s21+$0x2000] =	vst v0;
	v0 =	vld [tilespmem:s21+$0x2020]  }
0xd1: {  	[tilespmem:s21+$0x1040] =	vst v1;
	v1 =	vld [tilespmem:s21+$0x1070]  }
0xd2: {  	[tilespmem:s21+$0x2010] =	vst v2;
	v2 =	vld [tilespmem:s21+$0x2030]  }
0xd3: {  	[tilespmem:s21+$0x1050] =	vst v3;
	v3 =	vld [tilespmem:s21+$0x1400]  }
0xd4: {  	[tilespmem:s21+$0x2020] =	vst v4;
	v4 =	vld [tilespmem:s21+$0x1C40]  }
0xd5: {  	[tilespmem:s21+$0x1060] =	vst v0;
	v0 =	vld [tilespmem:s21+$0x1410]  }
0xd6: {  	[tilespmem:s21+$0x2030] =	vst v1;
	v1 =	vld [tilespmem:s21+$0x1C50]  }
0xd7: {  	[tilespmem:s21+$0x1070] =	vst v2;
	v2 =	vld [tilespmem:s21+$0x1420]  }
0xd8: {  	[tilespmem:s21+$0x1C40] =	vst v3;
	v3 =	vld [tilespmem:s21+$0x1C60]  }
0xd9: {  	[tilespmem:s21+$0x1400] =	vst v4;
	v4 =	vld [tilespmem:s21+$0x1430]  }
0xda: {  	[tilespmem:s21+$0x1C50] =	vst v0;
	v5 =	vld [tilespmem:s21+$0x1C70]  }
0xdb: {  	[tilespmem:s21+$0x1410] =	vst v1;
	v6 =	vld [tilespmem:s21+$0x1440]  }
.Ltmp2:
0xdc: {  	[tilespmem:s21+$0x1C60] =	vst v2;
	v0 =	vld [tilespmem:s21+$0x1C00];
	(pc) =	sbr.rel @p0 .LBB2_3-.Ltmp2, $4  }
0xdd: {  	[tilespmem:s21+$0x1420] =	vst v3;
	v1 =	vld [tilespmem:s21+$0x1450]  }
0xde: {  	[tilespmem:s21+$0x1C70] =	vst v4;
	v2 =	vld [tilespmem:s21+$0x1C10]  }
0xdf: {  	[tilespmem:s21+$0x1430] =	vst v5;
	v3 =	vld [tilespmem:s21+$0x1460]  }
0xe0: {  	s20 =	sadd.s32 $0x1, s20;
	[tilespmem:s21+$0x1C00] =	vst v6;
	v4 =	vld [tilespmem:s21+$0x1C20]  }
0xe1: {  	[tilespmem:s21+$0x1440] =	vst v0;
	v0 =	vld [tilespmem:s21+$0x1C30]  }
0xe2: {  	v5 =	vld [tilespmem:s21+$0x1470];
	[tilespmem:s21+$0x1C10] =	vst v1  }
0xe3: {  	v1 =	vld [tilespmem:s21+$0x1840];
	[tilespmem:s21+$0x1450] =	vst v2  }
0xe4: {  	v2 =	vld [tilespmem:s21+$0x1850];
	[tilespmem:s21+$0x1C20] =	vst v3  }
0xe5: {  	v3 =	vld [tilespmem:s21+$0x1860];
	[tilespmem:s21+$0x1460] =	vst v4  }
0xe6: {  	v4 =	vld [tilespmem:s21+$0x1870];
	[tilespmem:s21+$0x1470] =	vst v0  }
0xe7: {  	v0 =	vld [tilespmem:s21+$0x1800];
	[tilespmem:s21+$0x1C30] =	vst v5  }
0xe8: {  	[tilespmem:s21+$0x1800] =	vst v1;
	v1 =	vld [tilespmem:s21+$0x1810]  }
0xe9: {  	[tilespmem:s21+$0x1810] =	vst v2;
	v2 =	vld [tilespmem:s21+$0x1820]  }
0xea: {  	s19 =	sshll.u32 s18, $0x6;
	[tilespmem:s21+$0x1820] =	vst v3;
	v3 =	vld [tilespmem:s21+$0x1830]  }
0xeb: {  	s20 =	sor.u32 s3, s19;
	[tilespmem:s21+$0x1830] =	vst v4  }
0xec: {  	s20 =	sshrl.u32 s20, $0x3;
	[tilespmem:s21+$0x1840] =	vst v0  }
0xed: {  	s20 =	smul.u32 $0x680, s20;
	[tilespmem:s21+$0x1850] =	vst v1  }
0xee: {  	s31 =	simm.s32 $0x0;
	[tilespmem:s21+$0x1860] =	vst v2  }
0xef: {  	s22 =	simm.s32 $0x0;
	s30 =	sadd.s32 s4, s20;
	[tilespmem:s21+$0x1870] =	vst v3;
	s21 =	smul.u32 $0xD000, s31  }
0xf0: {  	[hbm4b:s30+s22] =	stream.linear.scatter [tilespmem:s22], [sflag:$0x3], $0xD000, $0x38;
	[tilespmem:$0x1A000] =	vst v63  }
0xf1: {  	_ =	swait.ge [sflag:s14], $0xD000  }
0xf2: {  	s23 =	sand.u32 $0x380, s22;
	s21 =	sshra.s32 s21, $0x2;
	[sflag:s14] =	ssyncset.done $0x0  }
0xf3: {  	s21 =	sor.u32 s23, s21;
	[sflag:s14] =	ssyncadd.s32 $0xFFFF3000  }
0xf4: {  	v0 =	vld [tilespmem:s21+$0xD000]  }
0xf5: {  	v1 =	vld [tilespmem:s21+$0x10040]  }
0xf6: {  	v2 =	vld [tilespmem:s21+$0xD010]  }
0xf7: {  	v3 =	vld [tilespmem:s21+$0x10050]  }
0xf8: {  	v4 =	vld [tilespmem:s21+$0xD020]  }
0xf9: {  	v6 =	vld [tilespmem:s21+$0xE430];
	[tilespmem:s21+$0x10040] =	vst v0  }
0xfa: {  	v7 =	vld [tilespmem:s21+$0xEC70];
	[tilespmem:s21+$0xD000] =	vst v1  }
0xfb: {  	v0 =	vld [tilespmem:s21+$0x10060];
	[tilespmem:s21+$0x10050] =	vst v2  }
0xfc: {  	v1 =	vld [tilespmem:s21+$0xD030];
	[tilespmem:s21+$0xD010] =	vst v3  }
0xfd: {  	v2 =	vld [tilespmem:s21+$0x10070];
	[tilespmem:s21+$0x10060] =	vst v4  }
0xfe: {  	v3 =	vld [tilespmem:s21+$0xD040];
	[tilespmem:s21+$0xEC70] =	vst v6  }
0xff: {  	v4 =	vld [tilespmem:s21+$0x10000];
	[tilespmem:s21+$0xE430] =	vst v7  }
0x100: {  	[tilespmem:s21+$0xD020] =	vst v0;
	v0 =	vld [tilespmem:s21+$0xD050]  }
0x101: {  	[tilespmem:s21+$0x10070] =	vst v1;
	v1 =	vld [tilespmem:s21+$0x10010]  }
0x102: {  	[tilespmem:s21+$0xD030] =	vst v2;
	v2 =	vld [tilespmem:s21+$0xD060]  }
0x103: {  	[tilespmem:s21+$0x10000] =	vst v3;
	v3 =	vld [tilespmem:s21+$0x10020]  }
0x104: {  	[tilespmem:s21+$0xD040] =	vst v4;
	v4 =	vld [tilespmem:s21+$0xD070]  }
0x105: {  	[tilespmem:s21+$0x10010] =	vst v0;
	v0 =	vld [tilespmem:s21+$0x10030]  }
0x106: {  	[tilespmem:s21+$0xD050] =	vst v1;
	v1 =	vld [tilespmem:s21+$0xD400]  }
0x107: {  	[tilespmem:s21+$0x10020] =	vst v2;
	v2 =	vld [tilespmem:s21+$0xFC40]  }
0x108: {  	[tilespmem:s21+$0xD060] =	vst v3;
	v3 =	vld [tilespmem:s21+$0xD410]  }
0x109: {  	[tilespmem:s21+$0x10030] =	vst v4;
	v4 =	vld [tilespmem:s21+$0xFC50]  }
0x10a: {  	[tilespmem:s21+$0xD070] =	vst v0;
	v0 =	vld [tilespmem:s21+$0xD420]  }
0x10b: {  	[tilespmem:s21+$0xFC40] =	vst v1;
	v1 =	vld [tilespmem:s21+$0xFC60]  }
0x10c: {  	[tilespmem:s21+$0xD400] =	vst v2;
	v2 =	vld [tilespmem:s21+$0xD430]  }
0x10d: {  	[tilespmem:s21+$0xFC50] =	vst v3;
	v3 =	vld [tilespmem:s21+$0xFC70]  }
0x10e: {  	[tilespmem:s21+$0xD410] =	vst v4;
	v4 =	vld [tilespmem:s21+$0xD440]  }
0x10f: {  	[tilespmem:s21+$0xFC60] =	vst v0;
	v0 =	vld [tilespmem:s21+$0xFC00]  }
0x110: {  	[tilespmem:s21+$0xD420] =	vst v1;
	v1 =	vld [tilespmem:s21+$0xD450]  }
0x111: {  	[tilespmem:s21+$0xFC70] =	vst v2;
	v2 =	vld [tilespmem:s21+$0xFC10]  }
0x112: {  	[tilespmem:s21+$0xD430] =	vst v3;
	v3 =	vld [tilespmem:s21+$0xD460]  }
0x113: {  	[tilespmem:s21+$0xFC00] =	vst v4;
	v4 =	vld [tilespmem:s21+$0xFC20]  }
0x114: {  	[tilespmem:s21+$0xD440] =	vst v0;
	v0 =	vld [tilespmem:s21+$0xD470]  }
0x115: {  	[tilespmem:s21+$0xFC10] =	vst v1;
	v1 =	vld [tilespmem:s21+$0xFC30]  }
0x116: {  	[tilespmem:s21+$0xD450] =	vst v2;
	v2 =	vld [tilespmem:s21+$0xD800]  }
0x117: {  	[tilespmem:s21+$0xFC20] =	vst v3;
	v3 =	vld [tilespmem:s21+$0xF840]  }
0x118: {  	[tilespmem:s21+$0xD460] =	vst v4;
	v4 =	vld [tilespmem:s21+$0xD810]  }
0x119: {  	[tilespmem:s21+$0xFC30] =	vst v0;
	v0 =	vld [tilespmem:s21+$0xF850]  }
0x11a: {  	[tilespmem:s21+$0xD470] =	vst v1;
	v1 =	vld [tilespmem:s21+$0xD820]  }
0x11b: {  	[tilespmem:s21+$0xF840] =	vst v2;
	v2 =	vld [tilespmem:s21+$0xF860]  }
0x11c: {  	[tilespmem:s21+$0xD800] =	vst v3;
	v3 =	vld [tilespmem:s21+$0xD830]  }
0x11d: {  	[tilespmem:s21+$0xF850] =	vst v4;
	v4 =	vld [tilespmem:s21+$0xF870]  }
0x11e: {  	[tilespmem:s21+$0xD810] =	vst v0;
	v0 =	vld [tilespmem:s21+$0xD840]  }
0x11f: {  	[tilespmem:s21+$0xF860] =	vst v1;
	v1 =	vld [tilespmem:s21+$0xF800]  }
0x120: {  	[tilespmem:s21+$0xD820] =	vst v2;
	v2 =	vld [tilespmem:s21+$0xD850]  }
0x121: {  	[tilespmem:s21+$0xF870] =	vst v3;
	v3 =	vld [tilespmem:s21+$0xF810]  }
0x122: {  	[tilespmem:s21+$0xD830] =	vst v4;
	v4 =	vld [tilespmem:s21+$0xD860]  }
0x123: {  	[tilespmem:s21+$0xF800] =	vst v0;
	v0 =	vld [tilespmem:s21+$0xF820]  }
0x124: {  	[tilespmem:s21+$0xD840] =	vst v1;
	v1 =	vld [tilespmem:s21+$0xD870]  }
0x125: {  	[tilespmem:s21+$0xF810] =	vst v2;
	v2 =	vld [tilespmem:s21+$0xF830]  }
0x126: {  	[tilespmem:s21+$0xD850] =	vst v3;
	v3 =	vld [tilespmem:s21+$0xDC00]  }
0x127: {  	[tilespmem:s21+$0xF820] =	vst v4;
	v4 =	vld [tilespmem:s21+$0xF440]  }
0x128: {  	[tilespmem:s21+$0xD860] =	vst v0;
	v0 =	vld [tilespmem:s21+$0xDC10]  }
0x129: {  	[tilespmem:s21+$0xF830] =	vst v1;
	v1 =	vld [tilespmem:s21+$0xF450]  }
0x12a: {  	[tilespmem:s21+$0xD870] =	vst v2;
	v2 =	vld [tilespmem:s21+$0xDC20]  }
0x12b: {  	[tilespmem:s21+$0xF440] =	vst v3;
	v3 =	vld [tilespmem:s21+$0xF460]  }
0x12c: {  	[tilespmem:s21+$0xDC00] =	vst v4;
	v4 =	vld [tilespmem:s21+$0xDC30]  }
0x12d: {  	[tilespmem:s21+$0xF450] =	vst v0;
	v0 =	vld [tilespmem:s21+$0xF470]  }
0x12e: {  	[tilespmem:s21+$0xDC10] =	vst v1;
	v1 =	vld [tilespmem:s21+$0xDC40]  }
0x12f: {  	[tilespmem:s21+$0xF460] =	vst v2;
	v2 =	vld [tilespmem:s21+$0xF400]  }
0x130: {  	[tilespmem:s21+$0xDC20] =	vst v3;
	v3 =	vld [tilespmem:s21+$0xDC50]  }
0x131: {  	[tilespmem:s21+$0xF470] =	vst v4;
	v4 =	vld [tilespmem:s21+$0xF410]  }
0x132: {  	[tilespmem:s21+$0xDC30] =	vst v0;
	v0 =	vld [tilespmem:s21+$0xDC60]  }
0x133: {  	[tilespmem:s21+$0xF400] =	vst v1;
	v1 =	vld [tilespmem:s21+$0xF420]  }
0x134: {  	[tilespmem:s21+$0xDC40] =	vst v2;
	v2 =	vld [tilespmem:s21+$0xDC70]  }
0x135: {  	[tilespmem:s21+$0xF410] =	vst v3;
	v3 =	vld [tilespmem:s21+$0xF430]  }
0x136: {  	[tilespmem:s21+$0xDC50] =	vst v4;
	v4 =	vld [tilespmem:s21+$0xE000]  }
0x137: {  	[tilespmem:s21+$0xF420] =	vst v0;
	v0 =	vld [tilespmem:s21+$0xF040]  }
0x138: {  	[tilespmem:s21+$0xDC60] =	vst v1;
	v1 =	vld [tilespmem:s21+$0xE010]  }
0x139: {  	[tilespmem:s21+$0xF430] =	vst v2;
	v2 =	vld [tilespmem:s21+$0xF050]  }
0x13a: {  	[tilespmem:s21+$0xDC70] =	vst v3;
	v3 =	vld [tilespmem:s21+$0xE020]  }
0x13b: {  	[tilespmem:s21+$0xF040] =	vst v4;
	v4 =	vld [tilespmem:s21+$0xF060]  }
0x13c: {  	[tilespmem:s21+$0xE000] =	vst v0;
	v0 =	vld [tilespmem:s21+$0xE030]  }
0x13d: {  	[tilespmem:s21+$0xF050] =	vst v1;
	v1 =	vld [tilespmem:s21+$0xF070]  }
0x13e: {  	[tilespmem:s21+$0xE010] =	vst v2;
	v2 =	vld [tilespmem:s21+$0xE040]  }
0x13f: {  	[tilespmem:s21+$0xF060] =	vst v3;
	v3 =	vld [tilespmem:s21+$0xF000]  }
0x140: {  	[tilespmem:s21+$0xE020] =	vst v4;
	v4 =	vld [tilespmem:s21+$0xE050]  }
0x141: {  	[tilespmem:s21+$0xF070] =	vst v0;
	v0 =	vld [tilespmem:s21+$0xF010]  }
0x142: {  	[tilespmem:s21+$0xE030] =	vst v1;
	v1 =	vld [tilespmem:s21+$0xE060]  }
0x143: {  	[tilespmem:s21+$0xF000] =	vst v2;
	v2 =	vld [tilespmem:s21+$0xF020]  }
0x144: {  	[tilespmem:s21+$0xE040] =	vst v3;
	v3 =	vld [tilespmem:s21+$0xE070]  }
0x145: {  	[tilespmem:s21+$0xF010] =	vst v4;
	v4 =	vld [tilespmem:s21+$0xF030]  }
0x146: {  	v5 =	vld [tilespmem:s21+$0xEC60];
	[tilespmem:s21+$0xE050] =	vst v0  }
0x147: {  	v0 =	vld [tilespmem:s21+$0xE400];
	[tilespmem:s21+$0xF020] =	vst v1  }
0x148: {  	v1 =	vld [tilespmem:s21+$0xEC40];
	[tilespmem:s21+$0xE060] =	vst v2  }
0x149: {  	v2 =	vld [tilespmem:s21+$0xE410];
	[tilespmem:s21+$0xF030] =	vst v3  }
0x14a: {  	v3 =	vld [tilespmem:s21+$0xEC50];
	[tilespmem:s21+$0xE070] =	vst v4  }
0x14b: {  	v4 =	vld [tilespmem:s21+$0xE420];
	[tilespmem:s21+$0xE420] =	vst v5  }
0x14c: {  	v8 =	vld [tilespmem:s21+$0xE440];
	[tilespmem:s21+$0xEC40] =	vst v0  }
0x14d: {  	[tilespmem:s21+$0xE400] =	vst v1;
	v0 =	vld [tilespmem:s21+$0xEC00]  }
0x14e: {  	[tilespmem:s21+$0xEC50] =	vst v2;
	v1 =	vld [tilespmem:s21+$0xE450]  }
0x14f: {  	[tilespmem:s21+$0xE410] =	vst v3;
	v2 =	vld [tilespmem:s21+$0xEC10]  }
0x150: {  	[tilespmem:s21+$0xEC60] =	vst v4;
	v3 =	vld [tilespmem:s21+$0xE460]  }
0x151: {  	s23 =	simm.s32 $0x1;
	[tilespmem:s21+$0xEC00] =	vst v8;
	v4 =	vld [tilespmem:s21+$0xEC20]  }
.LBB2_5:
0x152: {  	p0 =	sne.s32 s23, $0x1F;
	[tilespmem:s21+$0xE440] =	vst v0;
	v0 =	vld [tilespmem:s21+$0xEC30]  }
0x153: {  	[tilespmem:s21+$0xEC10] =	vst v1;
	v1 =	vld [tilespmem:s21+$0xE840]  }
0x154: {  	[tilespmem:s21+$0xE450] =	vst v2;
	v2 =	vld [tilespmem:s21+$0xE850]  }
0x155: {  	[tilespmem:s21+$0xEC20] =	vst v3;
	v3 =	vld [tilespmem:s21+$0xE860]  }
0x156: {  	[tilespmem:s21+$0xE460] =	vst v4;
	v4 =	vld [tilespmem:s21+$0xE870]  }
0x157: {  	s24 =	sshrl.u32 s23, $0x3;
	v5 =	vld [tilespmem:s21+$0xE470];
	[tilespmem:s21+$0xE470] =	vst v0  }
0x158: {  	s24 =	smul.u32 $0xD000, s24;
	v0 =	vld [tilespmem:s21+$0xE800];
	[tilespmem:s21+$0xE800] =	vst v1  }
0x159: {  	s22 =	sadd.s32 $0x80, s22;
	v1 =	vld [tilespmem:s21+$0xE810];
	[tilespmem:s21+$0xE810] =	vst v2  }
0x15a: {  	s25 =	sand.u32 $0x380, s22;
	s24 =	sshra.s32 s24, $0x2;
	v2 =	vld [tilespmem:s21+$0xE820];
	[tilespmem:s21+$0xE820] =	vst v3  }
0x15b: {  	s24 =	sor.u32 s25, s24;
	v3 =	vld [tilespmem:s21+$0xE830];
	[tilespmem:s21+$0xE830] =	vst v4  }
0x15c: {  	v4 =	vld [tilespmem:s24+$0xD000];
	[tilespmem:s21+$0xEC30] =	vst v5  }
0x15d: {  	v5 =	vld [tilespmem:s24+$0x10040];
	[tilespmem:s21+$0xE840] =	vst v0  }
0x15e: {  	v0 =	vld [tilespmem:s24+$0xD010];
	[tilespmem:s21+$0xE850] =	vst v1  }
0x15f: {  	v1 =	vld [tilespmem:s24+$0x10050];
	[tilespmem:s21+$0xE860] =	vst v2  }
0x160: {  	v2 =	vld [tilespmem:s24+$0xD020];
	[tilespmem:s21+$0xE870] =	vst v3;
	s21 =	smov.u32 s24  }
0x161: {  	[tilespmem:s21+$0x10040] =	vst v4;
	v3 =	vld [tilespmem:s21+$0x10060]  }
0x162: {  	[tilespmem:s21+$0xD000] =	vst v5;
	v4 =	vld [tilespmem:s21+$0xD030]  }
0x163: {  	[tilespmem:s21+$0x10050] =	vst v0;
	v0 =	vld [tilespmem:s21+$0x10070]  }
0x164: {  	[tilespmem:s21+$0xD010] =	vst v1;
	v1 =	vld [tilespmem:s21+$0xD040]  }
0x165: {  	[tilespmem:s21+$0x10060] =	vst v2;
	v2 =	vld [tilespmem:s21+$0x10000]  }
0x166: {  	[tilespmem:s21+$0xD020] =	vst v3;
	v3 =	vld [tilespmem:s21+$0xD050]  }
0x167: {  	[tilespmem:s21+$0x10070] =	vst v4;
	v4 =	vld [tilespmem:s21+$0x10010]  }
0x168: {  	[tilespmem:s21+$0xD030] =	vst v0;
	v0 =	vld [tilespmem:s21+$0xD060]  }
0x169: {  	[tilespmem:s21+$0x10000] =	vst v1;
	v1 =	vld [tilespmem:s21+$0x10020]  }
0x16a: {  	[tilespmem:s21+$0xD040] =	vst v2;
	v2 =	vld [tilespmem:s21+$0xD070]  }
0x16b: {  	[tilespmem:s21+$0x10010] =	vst v3;
	v3 =	vld [tilespmem:s21+$0x10030]  }
0x16c: {  	[tilespmem:s21+$0xD050] =	vst v4;
	v4 =	vld [tilespmem:s21+$0xD400]  }
0x16d: {  	[tilespmem:s21+$0x10020] =	vst v0;
	v0 =	vld [tilespmem:s21+$0xFC40]  }
0x16e: {  	[tilespmem:s21+$0xD060] =	vst v1;
	v1 =	vld [tilespmem:s21+$0xD410]  }
0x16f: {  	[tilespmem:s21+$0x10030] =	vst v2;
	v2 =	vld [tilespmem:s21+$0xFC50]  }
0x170: {  	[tilespmem:s21+$0xD070] =	vst v3;
	v3 =	vld [tilespmem:s21+$0xD420]  }
0x171: {  	[tilespmem:s21+$0xFC40] =	vst v4;
	v4 =	vld [tilespmem:s21+$0xFC60]  }
0x172: {  	[tilespmem:s21+$0xD400] =	vst v0;
	v0 =	vld [tilespmem:s21+$0xD430]  }
0x173: {  	[tilespmem:s21+$0xFC50] =	vst v1;
	v1 =	vld [tilespmem:s21+$0xFC70]  }
0x174: {  	[tilespmem:s21+$0xD410] =	vst v2;
	v2 =	vld [tilespmem:s21+$0xD440]  }
0x175: {  	[tilespmem:s21+$0xFC60] =	vst v3;
	v3 =	vld [tilespmem:s21+$0xFC00]  }
0x176: {  	[tilespmem:s21+$0xD420] =	vst v4;
	v4 =	vld [tilespmem:s21+$0xD450]  }
0x177: {  	[tilespmem:s21+$0xFC70] =	vst v0;
	v0 =	vld [tilespmem:s21+$0xFC10]  }
0x178: {  	[tilespmem:s21+$0xD430] =	vst v1;
	v1 =	vld [tilespmem:s21+$0xD460]  }
0x179: {  	[tilespmem:s21+$0xFC00] =	vst v2;
	v2 =	vld [tilespmem:s21+$0xFC20]  }
0x17a: {  	[tilespmem:s21+$0xD440] =	vst v3;
	v3 =	vld [tilespmem:s21+$0xD470]  }
0x17b: {  	[tilespmem:s21+$0xFC10] =	vst v4;
	v4 =	vld [tilespmem:s21+$0xFC30]  }
0x17c: {  	[tilespmem:s21+$0xD450] =	vst v0;
	v0 =	vld [tilespmem:s21+$0xD800]  }
0x17d: {  	[tilespmem:s21+$0xFC20] =	vst v1;
	v1 =	vld [tilespmem:s21+$0xF840]  }
0x17e: {  	[tilespmem:s21+$0xD460] =	vst v2;
	v2 =	vld [tilespmem:s21+$0xD810]  }
0x17f: {  	[tilespmem:s21+$0xFC30] =	vst v3;
	v3 =	vld [tilespmem:s21+$0xF850]  }
0x180: {  	[tilespmem:s21+$0xD470] =	vst v4;
	v4 =	vld [tilespmem:s21+$0xD820]  }
0x181: {  	[tilespmem:s21+$0xF840] =	vst v0;
	v0 =	vld [tilespmem:s21+$0xF860]  }
0x182: {  	[tilespmem:s21+$0xD800] =	vst v1;
	v1 =	vld [tilespmem:s21+$0xD830]  }
0x183: {  	[tilespmem:s21+$0xF850] =	vst v2;
	v2 =	vld [tilespmem:s21+$0xF870]  }
0x184: {  	[tilespmem:s21+$0xD810] =	vst v3;
	v3 =	vld [tilespmem:s21+$0xD840]  }
0x185: {  	[tilespmem:s21+$0xF860] =	vst v4;
	v4 =	vld [tilespmem:s21+$0xF800]  }
0x186: {  	[tilespmem:s21+$0xD820] =	vst v0;
	v0 =	vld [tilespmem:s21+$0xD850]  }
0x187: {  	[tilespmem:s21+$0xF870] =	vst v1;
	v1 =	vld [tilespmem:s21+$0xF810]  }
0x188: {  	[tilespmem:s21+$0xD830] =	vst v2;
	v2 =	vld [tilespmem:s21+$0xD860]  }
0x189: {  	[tilespmem:s21+$0xF800] =	vst v3;
	v3 =	vld [tilespmem:s21+$0xF820]  }
0x18a: {  	[tilespmem:s21+$0xD840] =	vst v4;
	v4 =	vld [tilespmem:s21+$0xD870]  }
0x18b: {  	[tilespmem:s21+$0xF810] =	vst v0;
	v0 =	vld [tilespmem:s21+$0xF830]  }
0x18c: {  	[tilespmem:s21+$0xD850] =	vst v1;
	v1 =	vld [tilespmem:s21+$0xDC00]  }
0x18d: {  	[tilespmem:s21+$0xF820] =	vst v2;
	v2 =	vld [tilespmem:s21+$0xF440]  }
0x18e: {  	[tilespmem:s21+$0xD860] =	vst v3;
	v3 =	vld [tilespmem:s21+$0xDC10]  }
0x18f: {  	[tilespmem:s21+$0xF830] =	vst v4;
	v4 =	vld [tilespmem:s21+$0xF450]  }
0x190: {  	[tilespmem:s21+$0xD870] =	vst v0;
	v0 =	vld [tilespmem:s21+$0xDC20]  }
0x191: {  	[tilespmem:s21+$0xF440] =	vst v1;
	v1 =	vld [tilespmem:s21+$0xF460]  }
0x192: {  	[tilespmem:s21+$0xDC00] =	vst v2;
	v2 =	vld [tilespmem:s21+$0xDC30]  }
0x193: {  	[tilespmem:s21+$0xF450] =	vst v3;
	v3 =	vld [tilespmem:s21+$0xF470]  }
0x194: {  	[tilespmem:s21+$0xDC10] =	vst v4;
	v4 =	vld [tilespmem:s21+$0xDC40]  }
0x195: {  	[tilespmem:s21+$0xF460] =	vst v0;
	v0 =	vld [tilespmem:s21+$0xF400]  }
0x196: {  	[tilespmem:s21+$0xDC20] =	vst v1;
	v1 =	vld [tilespmem:s21+$0xDC50]  }
0x197: {  	[tilespmem:s21+$0xF470] =	vst v2;
	v2 =	vld [tilespmem:s21+$0xF410]  }
0x198: {  	[tilespmem:s21+$0xDC30] =	vst v3;
	v3 =	vld [tilespmem:s21+$0xDC60]  }
0x199: {  	[tilespmem:s21+$0xF400] =	vst v4;
	v4 =	vld [tilespmem:s21+$0xF420]  }
0x19a: {  	[tilespmem:s21+$0xDC40] =	vst v0;
	v0 =	vld [tilespmem:s21+$0xDC70]  }
0x19b: {  	[tilespmem:s21+$0xF410] =	vst v1;
	v1 =	vld [tilespmem:s21+$0xF430]  }
0x19c: {  	[tilespmem:s21+$0xDC50] =	vst v2;
	v2 =	vld [tilespmem:s21+$0xE000]  }
0x19d: {  	[tilespmem:s21+$0xF420] =	vst v3;
	v3 =	vld [tilespmem:s21+$0xF040]  }
0x19e: {  	[tilespmem:s21+$0xDC60] =	vst v4;
	v4 =	vld [tilespmem:s21+$0xE010]  }
0x19f: {  	[tilespmem:s21+$0xF430] =	vst v0;
	v0 =	vld [tilespmem:s21+$0xF050]  }
0x1a0: {  	[tilespmem:s21+$0xDC70] =	vst v1;
	v1 =	vld [tilespmem:s21+$0xE020]  }
0x1a1: {  	[tilespmem:s21+$0xF040] =	vst v2;
	v2 =	vld [tilespmem:s21+$0xF060]  }
0x1a2: {  	[tilespmem:s21+$0xE000] =	vst v3;
	v3 =	vld [tilespmem:s21+$0xE030]  }
0x1a3: {  	[tilespmem:s21+$0xF050] =	vst v4;
	v4 =	vld [tilespmem:s21+$0xF070]  }
0x1a4: {  	[tilespmem:s21+$0xE010] =	vst v0;
	v0 =	vld [tilespmem:s21+$0xE040]  }
0x1a5: {  	[tilespmem:s21+$0xF060] =	vst v1;
	v1 =	vld [tilespmem:s21+$0xF000]  }
0x1a6: {  	[tilespmem:s21+$0xE020] =	vst v2;
	v2 =	vld [tilespmem:s21+$0xE050]  }
0x1a7: {  	[tilespmem:s21+$0xF070] =	vst v3;
	v3 =	vld [tilespmem:s21+$0xF010]  }
0x1a8: {  	[tilespmem:s21+$0xE030] =	vst v4;
	v4 =	vld [tilespmem:s21+$0xE060]  }
0x1a9: {  	[tilespmem:s21+$0xF000] =	vst v0;
	v0 =	vld [tilespmem:s21+$0xF020]  }
0x1aa: {  	[tilespmem:s21+$0xE040] =	vst v1;
	v1 =	vld [tilespmem:s21+$0xE070]  }
0x1ab: {  	[tilespmem:s21+$0xF010] =	vst v2;
	v2 =	vld [tilespmem:s21+$0xF030]  }
0x1ac: {  	[tilespmem:s21+$0xE050] =	vst v3;
	v3 =	vld [tilespmem:s21+$0xE400]  }
0x1ad: {  	[tilespmem:s21+$0xF020] =	vst v4;
	v4 =	vld [tilespmem:s21+$0xEC40]  }
0x1ae: {  	[tilespmem:s21+$0xE060] =	vst v0;
	v0 =	vld [tilespmem:s21+$0xE410]  }
0x1af: {  	[tilespmem:s21+$0xF030] =	vst v1;
	v1 =	vld [tilespmem:s21+$0xEC50]  }
0x1b0: {  	[tilespmem:s21+$0xE070] =	vst v2;
	v2 =	vld [tilespmem:s21+$0xE420]  }
0x1b1: {  	[tilespmem:s21+$0xEC40] =	vst v3;
	v3 =	vld [tilespmem:s21+$0xEC60]  }
0x1b2: {  	[tilespmem:s21+$0xE400] =	vst v4;
	v4 =	vld [tilespmem:s21+$0xE430]  }
0x1b3: {  	[tilespmem:s21+$0xEC50] =	vst v0;
	v5 =	vld [tilespmem:s21+$0xEC70]  }
0x1b4: {  	[tilespmem:s21+$0xE410] =	vst v1;
	v6 =	vld [tilespmem:s21+$0xE440]  }
.Ltmp3:
0x1b5: {  	[tilespmem:s21+$0xEC60] =	vst v2;
	v0 =	vld [tilespmem:s21+$0xEC00];
	(pc) =	sbr.rel @p0 .LBB2_5-.Ltmp3, $4  }
0x1b6: {  	[tilespmem:s21+$0xE420] =	vst v3;
	v1 =	vld [tilespmem:s21+$0xE450]  }
0x1b7: {  	[tilespmem:s21+$0xEC70] =	vst v4;
	v2 =	vld [tilespmem:s21+$0xEC10]  }
0x1b8: {  	[tilespmem:s21+$0xE430] =	vst v5;
	v3 =	vld [tilespmem:s21+$0xE460]  }
0x1b9: {  	s23 =	sadd.s32 $0x1, s23;
	[tilespmem:s21+$0xEC00] =	vst v6;
	v4 =	vld [tilespmem:s21+$0xEC20]  }
0x1ba: {  	[tilespmem:s21+$0xE440] =	vst v0;
	v55 =	vld [tilespmem:s21+$0xEC30]  }
0x1bb: {  	v56 =	vld [tilespmem:s21+$0xE840];
	[tilespmem:s21+$0xEC10] =	vst v1  }
0x1bc: {  	v57 =	vld [tilespmem:s21+$0xE850];
	[tilespmem:s21+$0xE450] =	vst v2  }
0x1bd: {  	v58 =	vld [tilespmem:s21+$0xE860];
	[tilespmem:s21+$0xEC20] =	vst v3  }
0x1be: {  	v59 =	vld [tilespmem:s21+$0xE870];
	[tilespmem:s21+$0xE460] =	vst v4  }
0x1bf: {  	v5 =	vld [tilespmem:s21+$0xE470];
	[tilespmem:s21+$0xE470] =	vst v55  }
0x1c0: {  	v60 =	vld [tilespmem:s21+$0xE800];
	[tilespmem:s21+$0xE800] =	vst v56  }
0x1c1: {  	v61 =	vld [tilespmem:s21+$0xE810];
	[tilespmem:s21+$0xE810] =	vst v57  }
0x1c2: {  	v62 =	vld [tilespmem:s21+$0xE820];
	[tilespmem:s21+$0xE820] =	vst v58  }
0x1c3: {  	v63 =	vld [tilespmem:s21+$0xE830];
	[tilespmem:s21+$0xE830] =	vst v59  }
0x1c4: {  	[tilespmem:s21+$0xEC30] =	vst v5  }
0x1c5: {  	[tilespmem:s21+$0xE840] =	vst v60  }
0x1c6: {  	[tilespmem:s21+$0xE850] =	vst v61  }
0x1c7: {  	p0 =	seq.s32 s18, $0x7;
	[tilespmem:s21+$0xE860] =	vst v62  }
.Ltmp4:
0x1c8: {  	s20 =	sadd.s32 s11, s20;
	[tilespmem:s21+$0xE870] =	vst v63;
	(pc) =	sbr.rel @p0 .LBB2_8-.Ltmp4, $4  }
0x1c9: {  	[hbm4b:s20+s5] =	stream.linear.scatter [tilespmem:s12], [sflag:$0x4], $0xD000, $0x38;
	[tilespmem:$0x1A000] =	vst v63  }
0x1ca: {  	_ =	swait.ge [sflag:s15], $0xD000  }
0x1cb: {  	[sflag:s15] =	ssyncset.done $0x0  }
0x1cc: {  	[sflag:s15] =	ssyncadd.s32 $0xFFFF3000  }
0x1cd: {  	s20 =	sadd.s32 s19, s8  }
0x1ce: {  	s20 =	sshrl.u32 s20, $0x3  }
0x1cf: {  	s20 =	smul.u32 $0x680, s20;
	_ =	sdelay $0x1  }
0x1d0: {  	s31 =	sadd.s32 s19, s9;
	s20 =	sadd.s32 s2, s20  }
0x1d1: {  	[tilespmem:s5], [sflag:$0x1] =	stream.linear.gather [hbm4b:s20+s5], $0xD000, $0x38;
	[tilespmem:$0x1A000] =	vst v63  }
.Ltmp5:
0x1d2: {  	s19 =	sshrl.u32 s31, $0x3;
	(pc) =	sbr.rel .LBB2_2-.Ltmp5, $4  }
0x1d3: {  	s19 =	smul.u32 $0x680, s19;
	_ =	swait.ge [sflag:s16], $0xD000  }
0x1d4: {  	[sflag:s16] =	ssyncset.done $0x0  }
0x1d5: {  	s18 =	sadd.s32 $0x1, s18;
	s19 =	sadd.s32 s2, s19;
	[sflag:s16] =	ssyncadd.s32 $0xFFFF3000  }
0x1d6: {  	[tilespmem:s12], [sflag:$0x2] =	stream.linear.gather [hbm4b:s19+s5], $0xD000, $0x38;
	[tilespmem:$0x1A000] =	vst v63  }
.LBB2_9:
0x1d7: {  	_ =	sfence.sel $0x180000  }
0x1d8: {  	[bflag:$0x0] =	sbarrier.arrive $0xFFFF  }
0x1d9: {  	p0 =	sne.s32 s0, $0x0;
	_ =	strace $0x90000047  }
0x1da: {  	s0 =	sadd.s32 @!p0 $0x100000, s1;
	[bflag:$0x2] =	sbarrier.arrive $0xFFFF  }
0x1db: {  	[sflag:s0] =	ssyncadd.tile.s32 @!p0 $0x1;
	_ =	shalt  }
.Lfunc_end2:
_tile_overlayer_lowered:
.L_overlay_start_2:
0x1dc: {  	(tag) =	ssettag $0x2  }
0x1dd: {  	s0 =	rddreg [dreg:$0x0];
	s2 =	stileid.u32  }
0x1de: {  	s1 =	rddreg [dreg:$0x1];
	p0 =	sne.s32 s2, $0x0  }
0x1df: {  	s3 =	rddreg [dreg:$0x2];
	[bflag:$0x3] =	sbarrier.arrive $0xFFFF;
	s2 =	simm.s32 @!p0 $0x1C05  }
0x1e0: {  	[timem:s3], [sflag:s2] =	dma.local @!p0 [hbm:s0], s1  }
0x1e1: {  	s0 =	simm.s32 @!p0 $0x5  }
0x1e2: {  	_ =	swait.ge @!p0 [sflag:s0], s1  }
0x1e3: {  	s1 =	ssub.s32 @!p0 $0x0, s1;
	[sflag:s0] =	ssyncset.done @!p0 $0x0  }
0x1e4: {  	[sflag:s0] =	ssyncadd.s32 @!p0 s1  }
0x1e5: {  	[bflag:$0x3] =	sbarrier.arrive $0xFFFF  }
0x1e6: {  	_ =	shalt  }

</sc_bundles>
